<compile_context>
chip_gen: v7x
topology: tpu7x:2x2x1
jax: 0.10.2.dev20260603
libtpu: 0.0.44.dev20260713+nightly
codegen_flags: <defaults>
</compile_context>

<pallas_src>
import functools

import jax
import jax.numpy as jnp
from jax import lax
from jax.experimental import pallas as pl
from jax.experimental.pallas import tpu as pltpu
from jax.experimental.pallas import tpu_sc as plsc

_N = 10000
_E = 320000
_H = 128
_G = 64
_LAYERS = 3

_CHUNK = 3200
_NCH = _E // _CHUNK
_FPW = 4


def _sc_message_pass(h_t, e_t, src_dst):
    mesh = plsc.VectorSubcoreMesh(core_axis_name="c", subcore_axis_name="s")

    @functools.partial(
        pl.kernel,
        mesh=mesh,
        out_type=jax.ShapeDtypeStruct((_H, _N), jnp.float32),
        scratch_types=(
            [pltpu.VMEM((_N,), jnp.float32) for _ in range(_FPW)]
            + [pltpu.VMEM((_N,), jnp.float32) for _ in range(_FPW)]
            + [
                pltpu.VMEM((2, _CHUNK), jnp.int32),
                pltpu.VMEM((2, _FPW, _CHUNK), jnp.float32),
            ]
            + [pltpu.SemaphoreType.DMA for _ in range(4)]
        ),
        compiler_params=pltpu.CompilerParams(needs_layout_passes=False),
    )
    def mp_kernel(h_hbm, e_hbm, sd_hbm, agg_hbm,
                  h0, h1, h2, h3, a0, a1, a2, a3,
                  sd_v, e_v,
                  ss0, ss1, se0, se1):
        h_f = [h0, h1, h2, h3]
        a_f = [a0, a1, a2, a3]
        sem_s = [ss0, ss1]
        sem_e = [se0, se1]

        wid = lax.axis_index("s") * 2 + lax.axis_index("c")
        f0 = wid * _FPW

        for f in range(_FPW):
            pltpu.sync_copy(h_hbm.at[f0 + f], h_f[f])

        def zero_body(i, _):
            ii = pl.multiple_of(i * 16, 16)
            z = jnp.zeros((16,), jnp.float32)
            for f in range(_FPW):
                a_f[f][pl.ds(ii, 16)] = z
            return _

        lax.fori_loop(0, _N // 16, zero_body, None)

        def start_chunk(c, b):
            off = pl.multiple_of(c * _CHUNK, _CHUNK)
            pltpu.async_copy(sd_hbm.at[pl.ds(off, _CHUNK)], sd_v.at[b],
                             sem_s[b])
            pltpu.async_copy(
                e_hbm.at[pl.ds(f0, _FPW), pl.ds(off, _CHUNK)],
                e_v.at[b], sem_e[b])

        def wait_chunk(b):
            pltpu.make_async_copy(sd_hbm.at[pl.ds(0, _CHUNK)], sd_v.at[b],
                                  sem_s[b]).wait()
            pltpu.make_async_copy(
                e_hbm.at[pl.ds(0, _FPW), pl.ds(0, _CHUNK)],
                e_v.at[b], sem_e[b]).wait()

        start_chunk(0, 0)
        start_chunk(1, 1)

        def edge_body(j, b):
            jj = pl.multiple_of(j * 16, 16)
            sd = sd_v[b, pl.ds(jj, 16)]
            sv = lax.bitwise_and(sd, jnp.int32(0xFFFF))
            dv = lax.shift_right_logical(sd, 16)
            for f in range(_FPW):
                ev = e_v[b, f, pl.ds(jj, 16)]
                hv = plsc.load_gather(h_f[f], [sv])
                m = jnp.maximum(hv + ev, 0.0)
                plsc.addupdate_scatter(a_f[f], [dv], m)

        def outer_body(g, _):
            for b in range(2):
                c = g * 2 + b
                wait_chunk(b)

                @plsc.parallel_loop(0, _CHUNK // 16, unroll=8)
                def _(j, _b=b):
                    edge_body(j, _b)

                @pl.when(c + 2 < _NCH)
                def _():
                    start_chunk(c + 2, b)
            return _

        lax.fori_loop(0, _NCH // 2, outer_body, None)

        for f in range(_FPW):
            pltpu.sync_copy(a_f[f], agg_hbm.at[f0 + f])

    return mp_kernel(h_t, e_t, src_dst)


def _node_enc_body(x_ref, w_ref, b_ref, out_ref):
    out_ref[...] = lax.dot_general(
        w_ref[...], x_ref[...], (((0,), (1,)), ((), ())),
        preferred_element_type=jnp.float32) + b_ref[...]


def _node_enc(x, w, b):
    return pl.pallas_call(
        _node_enc_body,
        out_shape=jax.ShapeDtypeStruct((_H, _N), jnp.float32),
    )(x, w, b.reshape(_H, 1))


def _edge_enc_body(attr_ref, w_ref, b_ref, out_hbm, s0, s1, sem0, sem1,
                   *, block, nstep):
    i = pl.program_id(0)
    word = lax.dot_general(
        w_ref[...], attr_ref[...], (((0,), (0,)), ((), ())),
        preferred_element_type=jnp.float32) + b_ref[...]
    for par, (s, sem) in enumerate(((s0, sem0), (s1, sem1))):
        @pl.when(lax.rem(i, 2) == par)
        def _():
            @pl.when(i >= 2)
            def _():
                pltpu.make_async_copy(
                    s, out_hbm.at[:, pl.ds(0, block)], sem).wait()
            s[...] = word
            cp = pltpu.async_copy(s, out_hbm.at[:, pl.ds(i * block, block)],
                                  sem)

            @pl.when(i == nstep - 1)
            def _():
                cp.wait()

    @pl.when(i == nstep - 1)
    def _():
        for par, (s, sem) in enumerate(((s0, sem0), (s1, sem1))):
            @pl.when(lax.rem(i, 2) != par)
            def _():
                pltpu.make_async_copy(
                    s, out_hbm.at[:, pl.ds(0, block)], sem).wait()


def _edge_enc(attr, w, b, block=16000):
    nstep = _E // block
    return pl.pallas_call(
        functools.partial(_edge_enc_body, block=block, nstep=nstep),
        grid=(nstep,),
        in_specs=[
            pl.BlockSpec((16, block), lambda i: (0, i)),
            pl.BlockSpec((16, _H), lambda i: (0, 0)),
            pl.BlockSpec((_H, 1), lambda i: (0, 0)),
        ],
        out_specs=pl.BlockSpec(memory_space=pl.ANY),
        scratch_shapes=[pltpu.VMEM((_H, block), jnp.float32),
                        pltpu.VMEM((_H, block), jnp.float32),
                        pltpu.SemaphoreType.DMA, pltpu.SemaphoreType.DMA],
        out_shape=jax.ShapeDtypeStruct((_H, _E), jnp.float32),
    )(attr, w, b.reshape(_H, 1))


def _mlp_body(h_ref, agg_ref, w1_ref, b1_ref, g_ref, bb_ref, w2_ref, b2_ref,
              out_ref):
    t = h_ref[...] + agg_ref[...]
    t = lax.dot_general(w1_ref[...], t, (((0,), (0,)), ((), ())),
                        preferred_element_type=jnp.float32) + b1_ref[...]
    mu = jnp.mean(t, axis=1, keepdims=True)
    var = jnp.mean((t - mu) ** 2, axis=1, keepdims=True)
    t = (t - mu) * lax.rsqrt(var + 1e-5) * g_ref[...] + bb_ref[...]
    t = jnp.maximum(t, 0.0)
    h2 = lax.dot_general(w2_ref[...], t, (((0,), (0,)), ((), ())),
                         preferred_element_type=jnp.float32) + b2_ref[...]
    out_ref[...] = jnp.maximum(h2, 0.0)


def _mlp(h_t, agg_t, w1, b1, g, bb, w2, b2):
    return pl.pallas_call(
        _mlp_body,
        out_shape=jax.ShapeDtypeStruct((_H, _N), jnp.float32),
    )(h_t, agg_t, w1, b1.reshape(_H, 1), g.reshape(_H, 1), bb.reshape(_H, 1),
      w2, b2.reshape(_H, 1))


def _pool_body(h_ref, batch_ref, fcw_ref, out_ref):
    gids = lax.broadcasted_iota(jnp.int32, (_G, _N), 0)
    onehot = jnp.where(gids == batch_ref[...], 1.0, 0.0)
    pooled = lax.dot_general(onehot, h_ref[...], (((1,), (1,)), ((), ())),
                             preferred_element_type=jnp.float32)
    out_ref[...] = lax.dot_general(pooled, fcw_ref[...],
                                   (((1,), (0,)), ((), ())),
                                   preferred_element_type=jnp.float32)


def _pool(h_t, batch, fc_w, fc_b):
    out = pl.pallas_call(
        _pool_body,
        out_shape=jax.ShapeDtypeStruct((_G, 1), jnp.float32),
    )(h_t, batch.reshape(1, _N), fc_w)
    return out + fc_b


def kernel(x, edge_index, batch, edge_attr, node_W, node_b, edge_W, edge_b,
           lin1_W, lin1_b, bn_g, bn_b, lin2_W, lin2_b, fc_W, fc_b):
    src = edge_index[0].astype(jnp.int32)
    dst = edge_index[1].astype(jnp.int32)
    src_dst = src | lax.shift_left(dst, 16)
    h_t = _node_enc(x, node_W, node_b)
    e_t = _edge_enc(edge_attr.T, edge_W, edge_b)
    for i in range(_LAYERS):
        agg_t = _sc_message_pass(h_t, e_t, src_dst)
        h_t = _mlp(h_t, agg_t, lin1_W[i], lin1_b[i], bn_g[i], bn_b[i],
                   lin2_W[i], lin2_b[i])
    return _pool(h_t, batch.astype(jnp.int32), fc_W, fc_b)

# --- scband reference (transcript-rebuilt; emitter-appended) ---
"""Pipeline reference for scband-gin-4776003633208 (READ-ONLY COPY).

The authoritative reference and input builder live on the scoring server;
editing this copy changes nothing except your own understanding.
"""

import jax, jax.numpy as jnp
import numpy as np

N = 10000
E = 320000
D = 128
DE = 16
H = 128
L = 3
G = 64


def setup_inputs(seed: int = 0) -> dict:
    key = jax.random.key(seed)
    ks = jax.random.split(key, 20)
    x = jax.random.normal(ks[0], (N, D), dtype=jnp.float32)
    edge_index = jax.random.randint(ks[1], (2, E), 0, N)
    batch = jnp.sort(jax.random.randint(ks[2], (N,), 0, G))
    edge_attr = jax.random.normal(ks[3], (E, DE), dtype=jnp.float32)
    s = 0.05
    node_W = jax.random.normal(ks[4], (D, H), dtype=jnp.float32) * s
    node_b = jnp.zeros((H,), dtype=jnp.float32)
    edge_W = jax.random.normal(ks[5], (DE, H), dtype=jnp.float32) * s
    edge_b = jnp.zeros((H,), dtype=jnp.float32)
    lin1_W = jax.random.normal(ks[6], (L, H, H), dtype=jnp.float32) * s
    lin1_b = jnp.zeros((L, H), dtype=jnp.float32)
    bn_g = jnp.ones((L, H), dtype=jnp.float32)
    bn_b = jnp.zeros((L, H), dtype=jnp.float32)
    lin2_W = jax.random.normal(ks[7], (L, H, H), dtype=jnp.float32) * s
    lin2_b = jnp.zeros((L, H), dtype=jnp.float32)
    fc_W = jax.random.normal(ks[8], (H, 1), dtype=jnp.float32) * s
    fc_b = jnp.zeros((1,), dtype=jnp.float32)
    return {"x": x, "edge_index": edge_index, "batch": batch, "edge_attr": edge_attr,
            "node_W": node_W, "node_b": node_b, "edge_W": edge_W, "edge_b": edge_b,
            "lin1_W": lin1_W, "lin1_b": lin1_b, "bn_g": bn_g, "bn_b": bn_b,
            "lin2_W": lin2_W, "lin2_b": lin2_b, "fc_W": fc_W, "fc_b": fc_b}


def reference(x, edge_index, batch, edge_attr, node_W, node_b, edge_W, edge_b,
              lin1_W, lin1_b, bn_g, bn_b, lin2_W, lin2_b, fc_W, fc_b):
    # node_encoder / edge_encoder (Linear)
    h = x @ node_W + node_b
    e = edge_attr @ edge_W + edge_b
    src = edge_index[0]
    dst = edge_index[1]
    for i in range(L):
        # GINEConv: out = MLP((1+eps)*x_i + sum_j relu(x_j + e_ij)), eps=0
        msg = jax.nn.relu(h[src] + e)
        agg = jax.ops.segment_sum(msg, dst, num_segments=N)
        t = h + agg
        # MLP: Linear -> BatchNorm1d (training stats) -> ReLU -> Linear
        t = t @ lin1_W[i] + lin1_b[i]
        mu = jnp.mean(t, axis=0)
        var = jnp.var(t, axis=0)
        t = (t - mu) / jnp.sqrt(var + 1e-5) * bn_g[i] + bn_b[i]
        t = jax.nn.relu(t)
        h = t @ lin2_W[i] + lin2_b[i]
        # outer relu (dropout p=0 is identity)
        h = jax.nn.relu(h)
    pooled = jax.ops.segment_sum(h, batch, num_segments=G)  # global_add_pool
    return pooled @ fc_W + fc_b

if __name__ == "__main__":
    import jax
    _d = setup_inputs()
    print(jax.jit(kernel)(*tuple(_d.values())))

</pallas_src>

<mosaic_0001>
#map = affine_map<(d0, d1) -> (0, 0)>
#map1 = affine_map<(d0, d1) -> (0)>
module attributes {stable_mosaic.version = 14 : i64} {
  func.func @mp_kernel(%arg0: i32, %arg1: i32, %arg2: memref<128x10000xf32, #tpu.memory_space<hbm>>, %arg3: memref<128x320000xf32, #tpu.memory_space<hbm>>, %arg4: memref<320000xi32, #tpu.memory_space<hbm>>, %arg5: memref<128x10000xf32, #tpu.memory_space<hbm>>, %arg6: memref<10000xf32, #tpu.memory_space<vmem>>, %arg7: memref<10000xf32, #tpu.memory_space<vmem>>, %arg8: memref<10000xf32, #tpu.memory_space<vmem>>, %arg9: memref<10000xf32, #tpu.memory_space<vmem>>, %arg10: memref<10000xf32, #tpu.memory_space<vmem>>, %arg11: memref<10000xf32, #tpu.memory_space<vmem>>, %arg12: memref<10000xf32, #tpu.memory_space<vmem>>, %arg13: memref<10000xf32, #tpu.memory_space<vmem>>, %arg14: memref<2x3200xi32, #tpu.memory_space<vmem>>, %arg15: memref<2x4x3200xf32, #tpu.memory_space<vmem>>, %arg16: memref<!tpu.dma_semaphore, #tpu.memory_space<semaphore_mem>>, %arg17: memref<!tpu.dma_semaphore, #tpu.memory_space<semaphore_mem>>, %arg18: memref<!tpu.dma_semaphore, #tpu.memory_space<semaphore_mem>>, %arg19: memref<!tpu.dma_semaphore, #tpu.memory_space<semaphore_mem>>) attributes {dimension_semantics = [#tpu.dimension_semantics<core_parallel>, #tpu.dimension_semantics<subcore_parallel>], iteration_bounds = array<i64: 2, 16>, scalar_prefetch = 0 : i64, scratch_operands = 14 : i64, tpu.core_type = #tpu.core_type<sc_vector_subcore>, window_params = [{transform_indices = #map}, {transform_indices = #map}, {transform_indices = #map1}, {transform_indices = #map}]} {
    %mul3A = arith.constant 2 : i32
    %mul3A_0 = arith.muli %arg1, %mul3A : i32
    %add3A = arith.addi %mul3A_0, %arg0 : i32
    %mul3A_1 = arith.constant 4 : i32
    %mul3A_2 = arith.muli %add3A, %mul3A_1 : i32
    %add3A_3 = arith.constant 0 : i32
    %add3A_4 = arith.addi %mul3A_2, %add3A_3 : i32
    "tpu.region"() ({
      %run_scoped3A = tpu.sem_alloc : memref<!tpu.dma_semaphore, #tpu.memory_space<semaphore_mem>>
      %dma_start3A_70 = arith.constant 0 : i32
      %dma_start3A_71 = tpu.memref_slice %arg2[%add3A_4, %dma_start3A_70] : memref<128x10000xf32, #tpu.memory_space<hbm>> -> memref<1x10000xf32, #tpu.memory_space<hbm>>
      %dma_start3A_72 = tpu.memref_squeeze %dma_start3A_71 : memref<1x10000xf32, #tpu.memory_space<hbm>> -> memref<10000xf32, #tpu.memory_space<hbm>>
      %dma_start3A_73 = arith.constant 0 : i32
      %dma_start3A_74 = tpu.memref_slice %arg2[%add3A_4, %dma_start3A_73] : memref<128x10000xf32, #tpu.memory_space<hbm>> -> memref<1x10000xf32, #tpu.memory_space<hbm>>
      %dma_start3A_75 = tpu.memref_squeeze %dma_start3A_74 : memref<1x10000xf32, #tpu.memory_space<hbm>> -> memref<10000xf32, #tpu.memory_space<hbm>>
      tpu.enqueue_dma source(%dma_start3A_75 : memref<10000xf32, #tpu.memory_space<hbm>>) target(%arg6 : memref<10000xf32, #tpu.memory_space<vmem>>) target_semaphore(%run_scoped3A : memref<!tpu.dma_semaphore, #tpu.memory_space<semaphore_mem>>)
      %dma_wait3A = arith.constant 0 : i32
      %dma_wait3A_76 = tpu.memref_slice %arg2[%add3A_4, %dma_wait3A] : memref<128x10000xf32, #tpu.memory_space<hbm>> -> memref<1x10000xf32, #tpu.memory_space<hbm>>
      %dma_wait3A_77 = tpu.memref_squeeze %dma_wait3A_76 : memref<1x10000xf32, #tpu.memory_space<hbm>> -> memref<10000xf32, #tpu.memory_space<hbm>>
      %dma_wait3A_78 = arith.constant 0 : i32
      %dma_wait3A_79 = tpu.memref_slice %arg2[%add3A_4, %dma_wait3A_78] : memref<128x10000xf32, #tpu.memory_space<hbm>> -> memref<1x10000xf32, #tpu.memory_space<hbm>>
      %dma_wait3A_80 = tpu.memref_squeeze %dma_wait3A_79 : memref<1x10000xf32, #tpu.memory_space<hbm>> -> memref<10000xf32, #tpu.memory_space<hbm>>
      tpu.wait_dma2 semaphore(%run_scoped3A : memref<!tpu.dma_semaphore, #tpu.memory_space<semaphore_mem>>) src(%dma_wait3A_80 : memref<10000xf32, #tpu.memory_space<hbm>>) dst(%arg6 : memref<10000xf32, #tpu.memory_space<vmem>>)
      tpu.yield
    }) : () -> ()
    %add3A_5 = arith.constant 1 : i32
    %add3A_6 = arith.addi %mul3A_2, %add3A_5 : i32
    "tpu.region"() ({
      %run_scoped3A = tpu.sem_alloc : memref<!tpu.dma_semaphore, #tpu.memory_space<semaphore_mem>>
      %dma_start3A_70 = arith.constant 0 : i32
      %dma_start3A_71 = tpu.memref_slice %arg2[%add3A_6, %dma_start3A_70] : memref<128x10000xf32, #tpu.memory_space<hbm>> -> memref<1x10000xf32, #tpu.memory_space<hbm>>
      %dma_start3A_72 = tpu.memref_squeeze %dma_start3A_71 : memref<1x10000xf32, #tpu.memory_space<hbm>> -> memref<10000xf32, #tpu.memory_space<hbm>>
      %dma_start3A_73 = arith.constant 0 : i32
      %dma_start3A_74 = tpu.memref_slice %arg2[%add3A_6, %dma_start3A_73] : memref<128x10000xf32, #tpu.memory_space<hbm>> -> memref<1x10000xf32, #tpu.memory_space<hbm>>
      %dma_start3A_75 = tpu.memref_squeeze %dma_start3A_74 : memref<1x10000xf32, #tpu.memory_space<hbm>> -> memref<10000xf32, #tpu.memory_space<hbm>>
      tpu.enqueue_dma source(%dma_start3A_75 : memref<10000xf32, #tpu.memory_space<hbm>>) target(%arg7 : memref<10000xf32, #tpu.memory_space<vmem>>) target_semaphore(%run_scoped3A : memref<!tpu.dma_semaphore, #tpu.memory_space<semaphore_mem>>)
      %dma_wait3A = arith.constant 0 : i32
      %dma_wait3A_76 = tpu.memref_slice %arg2[%add3A_6, %dma_wait3A] : memref<128x10000xf32, #tpu.memory_space<hbm>> -> memref<1x10000xf32, #tpu.memory_space<hbm>>
      %dma_wait3A_77 = tpu.memref_squeeze %dma_wait3A_76 : memref<1x10000xf32, #tpu.memory_space<hbm>> -> memref<10000xf32, #tpu.memory_space<hbm>>
      %dma_wait3A_78 = arith.constant 0 : i32
      %dma_wait3A_79 = tpu.memref_slice %arg2[%add3A_6, %dma_wait3A_78] : memref<128x10000xf32, #tpu.memory_space<hbm>> -> memref<1x10000xf32, #tpu.memory_space<hbm>>
      %dma_wait3A_80 = tpu.memref_squeeze %dma_wait3A_79 : memref<1x10000xf32, #tpu.memory_space<hbm>> -> memref<10000xf32, #tpu.memory_space<hbm>>
      tpu.wait_dma2 semaphore(%run_scoped3A : memref<!tpu.dma_semaphore, #tpu.memory_space<semaphore_mem>>) src(%dma_wait3A_80 : memref<10000xf32, #tpu.memory_space<hbm>>) dst(%arg7 : memref<10000xf32, #tpu.memory_space<vmem>>)
      tpu.yield
    }) : () -> ()
    %add3A_7 = arith.constant 2 : i32
    %add3A_8 = arith.addi %mul3A_2, %add3A_7 : i32
    "tpu.region"() ({
      %run_scoped3A = tpu.sem_alloc : memref<!tpu.dma_semaphore, #tpu.memory_space<semaphore_mem>>
      %dma_start3A_70 = arith.constant 0 : i32
      %dma_start3A_71 = tpu.memref_slice %arg2[%add3A_8, %dma_start3A_70] : memref<128x10000xf32, #tpu.memory_space<hbm>> -> memref<1x10000xf32, #tpu.memory_space<hbm>>
      %dma_start3A_72 = tpu.memref_squeeze %dma_start3A_71 : memref<1x10000xf32, #tpu.memory_space<hbm>> -> memref<10000xf32, #tpu.memory_space<hbm>>
      %dma_start3A_73 = arith.constant 0 : i32
      %dma_start3A_74 = tpu.memref_slice %arg2[%add3A_8, %dma_start3A_73] : memref<128x10000xf32, #tpu.memory_space<hbm>> -> memref<1x10000xf32, #tpu.memory_space<hbm>>
      %dma_start3A_75 = tpu.memref_squeeze %dma_start3A_74 : memref<1x10000xf32, #tpu.memory_space<hbm>> -> memref<10000xf32, #tpu.memory_space<hbm>>
      tpu.enqueue_dma source(%dma_start3A_75 : memref<10000xf32, #tpu.memory_space<hbm>>) target(%arg8 : memref<10000xf32, #tpu.memory_space<vmem>>) target_semaphore(%run_scoped3A : memref<!tpu.dma_semaphore, #tpu.memory_space<semaphore_mem>>)
      %dma_wait3A = arith.constant 0 : i32
      %dma_wait3A_76 = tpu.memref_slice %arg2[%add3A_8, %dma_wait3A] : memref<128x10000xf32, #tpu.memory_space<hbm>> -> memref<1x10000xf32, #tpu.memory_space<hbm>>
      %dma_wait3A_77 = tpu.memref_squeeze %dma_wait3A_76 : memref<1x10000xf32, #tpu.memory_space<hbm>> -> memref<10000xf32, #tpu.memory_space<hbm>>
      %dma_wait3A_78 = arith.constant 0 : i32
      %dma_wait3A_79 = tpu.memref_slice %arg2[%add3A_8, %dma_wait3A_78] : memref<128x10000xf32, #tpu.memory_space<hbm>> -> memref<1x10000xf32, #tpu.memory_space<hbm>>
      %dma_wait3A_80 = tpu.memref_squeeze %dma_wait3A_79 : memref<1x10000xf32, #tpu.memory_space<hbm>> -> memref<10000xf32, #tpu.memory_space<hbm>>
      tpu.wait_dma2 semaphore(%run_scoped3A : memref<!tpu.dma_semaphore, #tpu.memory_space<semaphore_mem>>) src(%dma_wait3A_80 : memref<10000xf32, #tpu.memory_space<hbm>>) dst(%arg8 : memref<10000xf32, #tpu.memory_space<vmem>>)
      tpu.yield
    }) : () -> ()
    %add3A_9 = arith.constant 3 : i32
    %add3A_10 = arith.addi %mul3A_2, %add3A_9 : i32
    "tpu.region"() ({
      %run_scoped3A = tpu.sem_alloc : memref<!tpu.dma_semaphore, #tpu.memory_space<semaphore_mem>>
      %dma_start3A_70 = arith.constant 0 : i32
      %dma_start3A_71 = tpu.memref_slice %arg2[%add3A_10, %dma_start3A_70] : memref<128x10000xf32, #tpu.memory_space<hbm>> -> memref<1x10000xf32, #tpu.memory_space<hbm>>
      %dma_start3A_72 = tpu.memref_squeeze %dma_start3A_71 : memref<1x10000xf32, #tpu.memory_space<hbm>> -> memref<10000xf32, #tpu.memory_space<hbm>>
      %dma_start3A_73 = arith.constant 0 : i32
      %dma_start3A_74 = tpu.memref_slice %arg2[%add3A_10, %dma_start3A_73] : memref<128x10000xf32, #tpu.memory_space<hbm>> -> memref<1x10000xf32, #tpu.memory_space<hbm>>
      %dma_start3A_75 = tpu.memref_squeeze %dma_start3A_74 : memref<1x10000xf32, #tpu.memory_space<hbm>> -> memref<10000xf32, #tpu.memory_space<hbm>>
      tpu.enqueue_dma source(%dma_start3A_75 : memref<10000xf32, #tpu.memory_space<hbm>>) target(%arg9 : memref<10000xf32, #tpu.memory_space<vmem>>) target_semaphore(%run_scoped3A : memref<!tpu.dma_semaphore, #tpu.memory_space<semaphore_mem>>)
      %dma_wait3A = arith.constant 0 : i32
      %dma_wait3A_76 = tpu.memref_slice %arg2[%add3A_10, %dma_wait3A] : memref<128x10000xf32, #tpu.memory_space<hbm>> -> memref<1x10000xf32, #tpu.memory_space<hbm>>
      %dma_wait3A_77 = tpu.memref_squeeze %dma_wait3A_76 : memref<1x10000xf32, #tpu.memory_space<hbm>> -> memref<10000xf32, #tpu.memory_space<hbm>>
      %dma_wait3A_78 = arith.constant 0 : i32
      %dma_wait3A_79 = tpu.memref_slice %arg2[%add3A_10, %dma_wait3A_78] : memref<128x10000xf32, #tpu.memory_space<hbm>> -> memref<1x10000xf32, #tpu.memory_space<hbm>>
      %dma_wait3A_80 = tpu.memref_squeeze %dma_wait3A_79 : memref<1x10000xf32, #tpu.memory_space<hbm>> -> memref<10000xf32, #tpu.memory_space<hbm>>
      tpu.wait_dma2 semaphore(%run_scoped3A : memref<!tpu.dma_semaphore, #tpu.memory_space<semaphore_mem>>) src(%dma_wait3A_80 : memref<10000xf32, #tpu.memory_space<hbm>>) dst(%arg9 : memref<10000xf32, #tpu.memory_space<vmem>>)
      tpu.yield
    }) : () -> ()
    %scan3A = arith.constant 0 : i32
    %scan3A_11 = arith.constant 625 : i32
    %scan3A_12 = arith.addi %scan3A, %scan3A_11 : i32
    %scan3A_13 = arith.constant 1 : i32
    scf.for %scan3A_70 = %scan3A to %scan3A_12 step %scan3A_13  : i32 {
      %mul3A_71 = arith.constant 16 : i32
      %mul3A_72 = arith.muli %scan3A_70, %mul3A_71 : i32
      %multiple_of3A_73 = tpu.assume_multiple %mul3A_72, 16 : i32
      %broadcast_in_dim3A = arith.constant 0.000000e+00 : f32
      %broadcast_in_dim3A_74 = vector.broadcast %broadcast_in_dim3A : f32 to vector<16xf32>
      %swap3A = arith.index_cast %multiple_of3A_73 : i32 to index
      %swap3A_75 = tpu.vector_load %arg10[%swap3A] {strides = array<i32>} : memref<10000xf32, #tpu.memory_space<vmem>>, vector<16xf32>,
      tpu.vector_store %arg10[%swap3A], %broadcast_in_dim3A_74 {strides = array<i32>} : memref<10000xf32, #tpu.memory_space<vmem>>, vector<16xf32>,
      %swap3A_76 = arith.index_cast %multiple_of3A_73 : i32 to index
      %swap3A_77 = tpu.vector_load %arg11[%swap3A_76] {strides = array<i32>} : memref<10000xf32, #tpu.memory_space<vmem>>, vector<16xf32>,
      tpu.vector_store %arg11[%swap3A_76], %broadcast_in_dim3A_74 {strides = array<i32>} : memref<10000xf32, #tpu.memory_space<vmem>>, vector<16xf32>,
      %swap3A_78 = arith.index_cast %multiple_of3A_73 : i32 to index
      %swap3A_79 = tpu.vector_load %arg12[%swap3A_78] {strides = array<i32>} : memref<10000xf32, #tpu.memory_space<vmem>>, vector<16xf32>,
      tpu.vector_store %arg12[%swap3A_78], %broadcast_in_dim3A_74 {strides = array<i32>} : memref<10000xf32, #tpu.memory_space<vmem>>, vector<16xf32>,
      %swap3A_80 = arith.index_cast %multiple_of3A_73 : i32 to index
      %swap3A_81 = tpu.vector_load %arg13[%swap3A_80] {strides = array<i32>} : memref<10000xf32, #tpu.memory_space<vmem>>, vector<16xf32>,
      tpu.vector_store %arg13[%swap3A_80], %broadcast_in_dim3A_74 {strides = array<i32>} : memref<10000xf32, #tpu.memory_space<vmem>>, vector<16xf32>,
    }
    %scan3A_14 = arith.constant 625 : i32
    %multiple_of3A = arith.constant 0 : i32
    %multiple_of3A_15 = tpu.assume_multiple %multiple_of3A, 3200 : i32
    %dma_start3A = arith.constant 0 : i32
    %dma_start3A_16 = arith.constant 0 : i32
    %dma_start3A_17 = tpu.memref_slice %arg14[%dma_start3A, %dma_start3A_16] : memref<2x3200xi32, #tpu.memory_space<vmem>> -> memref<1x3200xi32, #tpu.memory_space<vmem>>
    %dma_start3A_18 = tpu.memref_squeeze %dma_start3A_17 : memref<1x3200xi32, #tpu.memory_space<vmem>> -> memref<3200xi32, #tpu.memory_space<vmem>>
    %dma_start3A_19 = tpu.memref_slice %arg4[%multiple_of3A_15] : memref<320000xi32, #tpu.memory_space<hbm>> -> memref<3200xi32, #tpu.memory_space<hbm>>
    %dma_start3A_20 = arith.constant 0 : i32
    %dma_start3A_21 = tpu.memref_slice %arg14[%dma_start3A, %dma_start3A_20] : memref<2x3200xi32, #tpu.memory_space<vmem>> -> memref<1x3200xi32, #tpu.memory_space<vmem>>
    %dma_start3A_22 = tpu.memref_squeeze %dma_start3A_21 : memref<1x3200xi32, #tpu.memory_space<vmem>> -> memref<3200xi32, #tpu.memory_space<vmem>>
    %dma_start3A_23 = tpu.memref_slice %arg4[%multiple_of3A_15] : memref<320000xi32, #tpu.memory_space<hbm>> -> memref<3200xi32, #tpu.memory_space<hbm>>
    tpu.enqueue_dma source(%dma_start3A_23 : memref<3200xi32, #tpu.memory_space<hbm>>) target(%dma_start3A_22 : memref<3200xi32, #tpu.memory_space<vmem>>) target_semaphore(%arg16 : memref<!tpu.dma_semaphore, #tpu.memory_space<semaphore_mem>>)
    %dma_start3A_24 = arith.constant 0 : i32
    %dma_start3A_25 = arith.constant 0 : i32
    %dma_start3A_26 = arith.constant 0 : i32
    %dma_start3A_27 = tpu.memref_slice %arg15[%dma_start3A_24, %dma_start3A_25, %dma_start3A_26] : memref<2x4x3200xf32, #tpu.memory_space<vmem>> -> memref<1x4x3200xf32, #tpu.memory_space<vmem>>
    %dma_start3A_28 = tpu.memref_squeeze %dma_start3A_27 : memref<1x4x3200xf32, #tpu.memory_space<vmem>> -> memref<4x3200xf32, #tpu.memory_space<vmem>>
    %dma_start3A_29 = tpu.memref_slice %arg3[%mul3A_2, %multiple_of3A_15] : memref<128x320000xf32, #tpu.memory_space<hbm>> -> memref<4x3200xf32, #tpu.memory_space<hbm>>
    %dma_start3A_30 = arith.constant 0 : i32
    %dma_start3A_31 = arith.constant 0 : i32
    %dma_start3A_32 = tpu.memref_slice %arg15[%dma_start3A_24, %dma_start3A_30, %dma_start3A_31] : memref<2x4x3200xf32, #tpu.memory_space<vmem>> -> memref<1x4x3200xf32, #tpu.memory_space<vmem>>
    %dma_start3A_33 = tpu.memref_squeeze %dma_start3A_32 : memref<1x4x3200xf32, #tpu.memory_space<vmem>> -> memref<4x3200xf32, #tpu.memory_space<vmem>>
    %dma_start3A_34 = tpu.memref_slice %arg3[%mul3A_2, %multiple_of3A_15] : memref<128x320000xf32, #tpu.memory_space<hbm>> -> memref<4x3200xf32, #tpu.memory_space<hbm>>
    tpu.enqueue_dma source(%dma_start3A_34 : memref<4x3200xf32, #tpu.memory_space<hbm>>) target(%dma_start3A_33 : memref<4x3200xf32, #tpu.memory_space<vmem>>) target_semaphore(%arg18 : memref<!tpu.dma_semaphore, #tpu.memory_space<semaphore_mem>>)
    %multiple_of3A_35 = arith.constant 3200 : i32
    %multiple_of3A_36 = tpu.assume_multiple %multiple_of3A_35, 3200 : i32
    %dma_start3A_37 = arith.constant 1 : i32
    %dma_start3A_38 = arith.constant 0 : i32
    %dma_start3A_39 = tpu.memref_slice %arg14[%dma_start3A_37, %dma_start3A_38] : memref<2x3200xi32, #tpu.memory_space<vmem>> -> memref<1x3200xi32, #tpu.memory_space<vmem>>
    %dma_start3A_40 = tpu.memref_squeeze %dma_start3A_39 : memref<1x3200xi32, #tpu.memory_space<vmem>> -> memref<3200xi32, #tpu.memory_space<vmem>>
    %dma_start3A_41 = tpu.memref_slice %arg4[%multiple_of3A_36] : memref<320000xi32, #tpu.memory_space<hbm>> -> memref<3200xi32, #tpu.memory_space<hbm>>
    %dma_start3A_42 = arith.constant 0 : i32
    %dma_start3A_43 = tpu.memref_slice %arg14[%dma_start3A_37, %dma_start3A_42] : memref<2x3200xi32, #tpu.memory_space<vmem>> -> memref<1x3200xi32, #tpu.memory_space<vmem>>
    %dma_start3A_44 = tpu.memref_squeeze %dma_start3A_43 : memref<1x3200xi32, #tpu.memory_space<vmem>> -> memref<3200xi32, #tpu.memory_space<vmem>>
    %dma_start3A_45 = tpu.memref_slice %arg4[%multiple_of3A_36] : memref<320000xi32, #tpu.memory_space<hbm>> -> memref<3200xi32, #tpu.memory_space<hbm>>
    tpu.enqueue_dma source(%dma_start3A_45 : memref<3200xi32, #tpu.memory_space<hbm>>) target(%dma_start3A_44 : memref<3200xi32, #tpu.memory_space<vmem>>) target_semaphore(%arg17 : memref<!tpu.dma_semaphore, #tpu.memory_space<semaphore_mem>>)
    %dma_start3A_46 = arith.constant 1 : i32
    %dma_start3A_47 = arith.constant 0 : i32
    %dma_start3A_48 = arith.constant 0 : i32
    %dma_start3A_49 = tpu.memref_slice %arg15[%dma_start3A_46, %dma_start3A_47, %dma_start3A_48] : memref<2x4x3200xf32, #tpu.memory_space<vmem>> -> memref<1x4x3200xf32, #tpu.memory_space<vmem>>
    %dma_start3A_50 = tpu.memref_squeeze %dma_start3A_49 : memref<1x4x3200xf32, #tpu.memory_space<vmem>> -> memref<4x3200xf32, #tpu.memory_space<vmem>>
    %dma_start3A_51 = tpu.memref_slice %arg3[%mul3A_2, %multiple_of3A_36] : memref<128x320000xf32, #tpu.memory_space<hbm>> -> memref<4x3200xf32, #tpu.memory_space<hbm>>
    %dma_start3A_52 = arith.constant 0 : i32
    %dma_start3A_53 = arith.constant 0 : i32
    %dma_start3A_54 = tpu.memref_slice %arg15[%dma_start3A_46, %dma_start3A_52, %dma_start3A_53] : memref<2x4x3200xf32, #tpu.memory_space<vmem>> -> memref<1x4x3200xf32, #tpu.memory_space<vmem>>
    %dma_start3A_55 = tpu.memref_squeeze %dma_start3A_54 : memref<1x4x3200xf32, #tpu.memory_space<vmem>> -> memref<4x3200xf32, #tpu.memory_space<vmem>>
    %dma_start3A_56 = tpu.memref_slice %arg3[%mul3A_2, %multiple_of3A_36] : memref<128x320000xf32, #tpu.memory_space<hbm>> -> memref<4x3200xf32, #tpu.memory_space<hbm>>
    tpu.enqueue_dma source(%dma_start3A_56 : memref<4x3200xf32, #tpu.memory_space<hbm>>) target(%dma_start3A_55 : memref<4x3200xf32, #tpu.memory_space<vmem>>) target_semaphore(%arg19 : memref<!tpu.dma_semaphore, #tpu.memory_space<semaphore_mem>>)
    %scan3A_57 = arith.constant 0 : i32
    %scan3A_58 = arith.constant 50 : i32
    %scan3A_59 = arith.addi %scan3A_57, %scan3A_58 : i32
    %scan3A_60 = arith.constant 1 : i32
    scf.for %scan3A_70 = %scan3A_57 to %scan3A_59 step %scan3A_60  : i32 {
      %mul3A_71 = arith.constant 2 : i32
      %mul3A_72 = arith.muli %scan3A_70, %mul3A_71 : i32
      %add3A_73 = arith.constant 0 : i32
      %add3A_74 = arith.addi %mul3A_72, %add3A_73 : i32
      %dma_wait3A = arith.constant 0 : i32
      %dma_wait3A_75 = arith.constant 0 : i32
      %dma_wait3A_76 = tpu.memref_slice %arg14[%dma_wait3A, %dma_wait3A_75] : memref<2x3200xi32, #tpu.memory_space<vmem>> -> memref<1x3200xi32, #tpu.memory_space<vmem>>
      %dma_wait3A_77 = tpu.memref_squeeze %dma_wait3A_76 : memref<1x3200xi32, #tpu.memory_space<vmem>> -> memref<3200xi32, #tpu.memory_space<vmem>>
      %dma_wait3A_78 = arith.constant 0 : i32
      %dma_wait3A_79 = tpu.memref_slice %arg4[%dma_wait3A_78] : memref<320000xi32, #tpu.memory_space<hbm>> -> memref<3200xi32, #tpu.memory_space<hbm>>
      %dma_wait3A_80 = arith.constant 0 : i32
      %dma_wait3A_81 = tpu.memref_slice %arg14[%dma_wait3A, %dma_wait3A_80] : memref<2x3200xi32, #tpu.memory_space<vmem>> -> memref<1x3200xi32, #tpu.memory_space<vmem>>
      %dma_wait3A_82 = tpu.memref_squeeze %dma_wait3A_81 : memref<1x3200xi32, #tpu.memory_space<vmem>> -> memref<3200xi32, #tpu.memory_space<vmem>>
      %dma_wait3A_83 = arith.constant 0 : i32
      %dma_wait3A_84 = tpu.memref_slice %arg4[%dma_wait3A_83] : memref<320000xi32, #tpu.memory_space<hbm>> -> memref<3200xi32, #tpu.memory_space<hbm>>
      tpu.wait_dma2 semaphore(%arg16 : memref<!tpu.dma_semaphore, #tpu.memory_space<semaphore_mem>>) src(%dma_wait3A_84 : memref<3200xi32, #tpu.memory_space<hbm>>) dst(%dma_wait3A_82 : memref<3200xi32, #tpu.memory_space<vmem>>)
      %dma_wait3A_85 = arith.constant 0 : i32
      %dma_wait3A_86 = arith.constant 0 : i32
      %dma_wait3A_87 = arith.constant 0 : i32
      %dma_wait3A_88 = tpu.memref_slice %arg15[%dma_wait3A_85, %dma_wait3A_86, %dma_wait3A_87] : memref<2x4x3200xf32, #tpu.memory_space<vmem>> -> memref<1x4x3200xf32, #tpu.memory_space<vmem>>
      %dma_wait3A_89 = tpu.memref_squeeze %dma_wait3A_88 : memref<1x4x3200xf32, #tpu.memory_space<vmem>> -> memref<4x3200xf32, #tpu.memory_space<vmem>>
      %dma_wait3A_90 = arith.constant 0 : i32
      %dma_wait3A_91 = arith.constant 0 : i32
      %dma_wait3A_92 = tpu.memref_slice %arg3[%dma_wait3A_90, %dma_wait3A_91] : memref<128x320000xf32, #tpu.memory_space<hbm>> -> memref<4x3200xf32, #tpu.memory_space<hbm>>
      %dma_wait3A_93 = arith.constant 0 : i32
      %dma_wait3A_94 = arith.constant 0 : i32
      %dma_wait3A_95 = tpu.memref_slice %arg15[%dma_wait3A_85, %dma_wait3A_93, %dma_wait3A_94] : memref<2x4x3200xf32, #tpu.memory_space<vmem>> -> memref<1x4x3200xf32, #tpu.memory_space<vmem>>
      %dma_wait3A_96 = tpu.memref_squeeze %dma_wait3A_95 : memref<1x4x3200xf32, #tpu.memory_space<vmem>> -> memref<4x3200xf32, #tpu.memory_space<vmem>>
      %dma_wait3A_97 = arith.constant 0 : i32
      %dma_wait3A_98 = arith.constant 0 : i32
      %dma_wait3A_99 = tpu.memref_slice %arg3[%dma_wait3A_97, %dma_wait3A_98] : memref<128x320000xf32, #tpu.memory_space<hbm>> -> memref<4x3200xf32, #tpu.memory_space<hbm>>
      tpu.wait_dma2 semaphore(%arg18 : memref<!tpu.dma_semaphore, #tpu.memory_space<semaphore_mem>>) src(%dma_wait3A_99 : memref<4x3200xf32, #tpu.memory_space<hbm>>) dst(%dma_wait3A_96 : memref<4x3200xf32, #tpu.memory_space<vmem>>)
      %parallel_loop3A = arith.constant 0 : i32
      %parallel_loop3A_100 = arith.constant 200 : i32
      %parallel_loop3A_101 = arith.constant 1 : i32
      scf.for %parallel_loop3A_146 = %parallel_loop3A to %parallel_loop3A_100 step %parallel_loop3A_101  : i32 {
        %parallel_loop3A_147 = arith.constant 16 : i32
        %parallel_loop3A_148 = arith.muli %parallel_loop3A_146, %parallel_loop3A_147 : i32
        %parallel_loop3A_149 = tpu.assume_multiple %parallel_loop3A_148, 16 : i32
        %parallel_loop3A_150 = arith.constant 0 : i32
        %parallel_loop3A_151 = arith.index_cast %parallel_loop3A_150 : i32 to index
        %parallel_loop3A_152 = arith.index_cast %parallel_loop3A_149 : i32 to index
        %parallel_loop3A_153 = tpu.vector_load %arg14[%parallel_loop3A_151, %parallel_loop3A_152] {strides = array<i32>} : memref<2x3200xi32, #tpu.memory_space<vmem>>, vector<16xi32>,
        %parallel_loop3A_154 = arith.constant 65535 : i32
        %parallel_loop3A_155 = vector.broadcast %parallel_loop3A_154 : i32 to vector<16xi32>
        %parallel_loop3A_156 = arith.andi %parallel_loop3A_153, %parallel_loop3A_155 : vector<16xi32>
        %parallel_loop3A_157 = arith.constant 16 : i32
        %parallel_loop3A_158 = vector.broadcast %parallel_loop3A_157 : i32 to vector<16xi32>
        %parallel_loop3A_159 = arith.shrui %parallel_loop3A_153, %parallel_loop3A_158 : vector<16xi32>
        %parallel_loop3A_160 = arith.constant 0 : i32
        %parallel_loop3A_161 = arith.constant 0 : i32
        %parallel_loop3A_162 = arith.index_cast %parallel_loop3A_160 : i32 to index
        %parallel_loop3A_163 = arith.index_cast %parallel_loop3A_161 : i32 to index
        %parallel_loop3A_164 = arith.index_cast %parallel_loop3A_149 : i32 to index
        %parallel_loop3A_165 = tpu.vector_load %arg15[%parallel_loop3A_162, %parallel_loop3A_163, %parallel_loop3A_164] {strides = array<i32>} : memref<2x4x3200xf32, #tpu.memory_space<vmem>>, vector<16xf32>,
        %parallel_loop3A_166 = tpu.vector_load_idx %arg6[%parallel_loop3A_156] : memref<10000xf32, #tpu.memory_space<vmem>>[vector<16xi32>], vector<16xf32>,
        %parallel_loop3A_167 = arith.addf %parallel_loop3A_166, %parallel_loop3A_165 : vector<16xf32>
        %parallel_loop3A_168 = arith.constant 0.000000e+00 : f32
        %parallel_loop3A_169 = vector.broadcast %parallel_loop3A_168 : f32 to vector<16xf32>
        %parallel_loop3A_170 = arith.maximumf %parallel_loop3A_167, %parallel_loop3A_169 : vector<16xf32>
        tpu.vector_store_idx %arg10[%parallel_loop3A_159], %parallel_loop3A_170 {add = true} : memref<10000xf32, #tpu.memory_space<vmem>>[vector<16xi32>], vector<16xf32>,
        %parallel_loop3A_171 = arith.constant 0 : i32
        %parallel_loop3A_172 = arith.constant 1 : i32
        %parallel_loop3A_173 = arith.index_cast %parallel_loop3A_171 : i32 to index
        %parallel_loop3A_174 = arith.index_cast %parallel_loop3A_172 : i32 to index
        %parallel_loop3A_175 = arith.index_cast %parallel_loop3A_149 : i32 to index
        %parallel_loop3A_176 = tpu.vector_load %arg15[%parallel_loop3A_173, %parallel_loop3A_174, %parallel_loop3A_175] {strides = array<i32>} : memref<2x4x3200xf32, #tpu.memory_space<vmem>>, vector<16xf32>,
        %parallel_loop3A_177 = tpu.vector_load_idx %arg7[%parallel_loop3A_156] : memref<10000xf32, #tpu.memory_space<vmem>>[vector<16xi32>], vector<16xf32>,
        %parallel_loop3A_178 = arith.addf %parallel_loop3A_177, %parallel_loop3A_176 : vector<16xf32>
        %parallel_loop3A_179 = arith.constant 0.000000e+00 : f32
        %parallel_loop3A_180 = vector.broadcast %parallel_loop3A_179 : f32 to vector<16xf32>
        %parallel_loop3A_181 = arith.maximumf %parallel_loop3A_178, %parallel_loop3A_180 : vector<16xf32>
        tpu.vector_store_idx %arg11[%parallel_loop3A_159], %parallel_loop3A_181 {add = true} : memref<10000xf32, #tpu.memory_space<vmem>>[vector<16xi32>], vector<16xf32>,
        %parallel_loop3A_182 = arith.constant 0 : i32
        %parallel_loop3A_183 = arith.constant 2 : i32
        %parallel_loop3A_184 = arith.index_cast %parallel_loop3A_182 : i32 to index
        %parallel_loop3A_185 = arith.index_cast %parallel_loop3A_183 : i32 to index
        %parallel_loop3A_186 = arith.index_cast %parallel_loop3A_149 : i32 to index
        %parallel_loop3A_187 = tpu.vector_load %arg15[%parallel_loop3A_184, %parallel_loop3A_185, %parallel_loop3A_186] {strides = array<i32>} : memref<2x4x3200xf32, #tpu.memory_space<vmem>>, vector<16xf32>,
        %parallel_loop3A_188 = tpu.vector_load_idx %arg8[%parallel_loop3A_156] : memref<10000xf32, #tpu.memory_space<vmem>>[vector<16xi32>], vector<16xf32>,
        %parallel_loop3A_189 = arith.addf %parallel_loop3A_188, %parallel_loop3A_187 : vector<16xf32>
        %parallel_loop3A_190 = arith.constant 0.000000e+00 : f32
        %parallel_loop3A_191 = vector.broadcast %parallel_loop3A_190 : f32 to vector<16xf32>
        %parallel_loop3A_192 = arith.maximumf %parallel_loop3A_189, %parallel_loop3A_191 : vector<16xf32>
        tpu.vector_store_idx %arg12[%parallel_loop3A_159], %parallel_loop3A_192 {add = true} : memref<10000xf32, #tpu.memory_space<vmem>>[vector<16xi32>], vector<16xf32>,
        %parallel_loop3A_193 = arith.constant 0 : i32
        %parallel_loop3A_194 = arith.constant 3 : i32
        %parallel_loop3A_195 = arith.index_cast %parallel_loop3A_193 : i32 to index
        %parallel_loop3A_196 = arith.index_cast %parallel_loop3A_194 : i32 to index
        %parallel_loop3A_197 = arith.index_cast %parallel_loop3A_149 : i32 to index
        %parallel_loop3A_198 = tpu.vector_load %arg15[%parallel_loop3A_195, %parallel_loop3A_196, %parallel_loop3A_197] {strides = array<i32>} : memref<2x4x3200xf32, #tpu.memory_space<vmem>>, vector<16xf32>,
        %parallel_loop3A_199 = tpu.vector_load_idx %arg9[%parallel_loop3A_156] : memref<10000xf32, #tpu.memory_space<vmem>>[vector<16xi32>], vector<16xf32>,
        %parallel_loop3A_200 = arith.addf %parallel_loop3A_199, %parallel_loop3A_198 : vector<16xf32>
        %parallel_loop3A_201 = arith.constant 0.000000e+00 : f32
        %parallel_loop3A_202 = vector.broadcast %parallel_loop3A_201 : f32 to vector<16xf32>
        %parallel_loop3A_203 = arith.maximumf %parallel_loop3A_200, %parallel_loop3A_202 : vector<16xf32>
        tpu.vector_store_idx %arg13[%parallel_loop3A_159], %parallel_loop3A_203 {add = true} : memref<10000xf32, #tpu.memory_space<vmem>>[vector<16xi32>], vector<16xf32>,
      } {sc.loop_unroll_factor = 8 : i64, sc.parallel_access}
      %add3A_102 = arith.constant 2 : i32
      %add3A_103 = arith.addi %add3A_74, %add3A_102 : i32
      %lt3A = arith.constant 100 : i32
      %lt3A_104 = arith.cmpi slt, %add3A_103, %lt3A : i32
      %convert_element_type3A = arith.extui %lt3A_104 : i1 to i32
      %cond3A = arith.constant 0 : i32
      %cond3A_105 = arith.cmpi ne, %convert_element_type3A, %cond3A : i32
      scf.if %cond3A_105 {
        %add3A_146 = arith.constant 2 : i32
        %add3A_147 = arith.addi %add3A_74, %add3A_146 : i32
        %mul3A_148 = arith.constant 3200 : i32
        %mul3A_149 = arith.muli %add3A_147, %mul3A_148 : i32
        %multiple_of3A_150 = tpu.assume_multiple %mul3A_149, 3200 : i32
        %dma_start3A_151 = arith.constant 0 : i32
        %dma_start3A_152 = arith.constant 0 : i32
        %dma_start3A_153 = tpu.memref_slice %arg14[%dma_start3A_151, %dma_start3A_152] : memref<2x3200xi32, #tpu.memory_space<vmem>> -> memref<1x3200xi32, #tpu.memory_space<vmem>>
        %dma_start3A_154 = tpu.memref_squeeze %dma_start3A_153 : memref<1x3200xi32, #tpu.memory_space<vmem>> -> memref<3200xi32, #tpu.memory_space<vmem>>
        %dma_start3A_155 = tpu.memref_slice %arg4[%multiple_of3A_150] : memref<320000xi32, #tpu.memory_space<hbm>> -> memref<3200xi32, #tpu.memory_space<hbm>>
        %dma_start3A_156 = arith.constant 0 : i32
        %dma_start3A_157 = tpu.memref_slice %arg14[%dma_start3A_151, %dma_start3A_156] : memref<2x3200xi32, #tpu.memory_space<vmem>> -> memref<1x3200xi32, #tpu.memory_space<vmem>>
        %dma_start3A_158 = tpu.memref_squeeze %dma_start3A_157 : memref<1x3200xi32, #tpu.memory_space<vmem>> -> memref<3200xi32, #tpu.memory_space<vmem>>
        %dma_start3A_159 = tpu.memref_slice %arg4[%multiple_of3A_150] : memref<320000xi32, #tpu.memory_space<hbm>> -> memref<3200xi32, #tpu.memory_space<hbm>>
        tpu.enqueue_dma source(%dma_start3A_159 : memref<3200xi32, #tpu.memory_space<hbm>>) target(%dma_start3A_158 : memref<3200xi32, #tpu.memory_space<vmem>>) target_semaphore(%arg16 : memref<!tpu.dma_semaphore, #tpu.memory_space<semaphore_mem>>)
        %dma_start3A_160 = arith.constant 0 : i32
        %dma_start3A_161 = arith.constant 0 : i32
        %dma_start3A_162 = arith.constant 0 : i32
        %dma_start3A_163 = tpu.memref_slice %arg15[%dma_start3A_160, %dma_start3A_161, %dma_start3A_162] : memref<2x4x3200xf32, #tpu.memory_space<vmem>> -> memref<1x4x3200xf32, #tpu.memory_space<vmem>>
        %dma_start3A_164 = tpu.memref_squeeze %dma_start3A_163 : memref<1x4x3200xf32, #tpu.memory_space<vmem>> -> memref<4x3200xf32, #tpu.memory_space<vmem>>
        %dma_start3A_165 = tpu.memref_slice %arg3[%mul3A_2, %multiple_of3A_150] : memref<128x320000xf32, #tpu.memory_space<hbm>> -> memref<4x3200xf32, #tpu.memory_space<hbm>>
        %dma_start3A_166 = arith.constant 0 : i32
        %dma_start3A_167 = arith.constant 0 : i32
        %dma_start3A_168 = tpu.memref_slice %arg15[%dma_start3A_160, %dma_start3A_166, %dma_start3A_167] : memref<2x4x3200xf32, #tpu.memory_space<vmem>> -> memref<1x4x3200xf32, #tpu.memory_space<vmem>>
        %dma_start3A_169 = tpu.memref_squeeze %dma_start3A_168 : memref<1x4x3200xf32, #tpu.memory_space<vmem>> -> memref<4x3200xf32, #tpu.memory_space<vmem>>
        %dma_start3A_170 = tpu.memref_slice %arg3[%mul3A_2, %multiple_of3A_150] : memref<128x320000xf32, #tpu.memory_space<hbm>> -> memref<4x3200xf32, #tpu.memory_space<hbm>>
        tpu.enqueue_dma source(%dma_start3A_170 : memref<4x3200xf32, #tpu.memory_space<hbm>>) target(%dma_start3A_169 : memref<4x3200xf32, #tpu.memory_space<vmem>>) target_semaphore(%arg18 : memref<!tpu.dma_semaphore, #tpu.memory_space<semaphore_mem>>)
      } else {
      }
      %mul3A_106 = arith.constant 2 : i32
      %mul3A_107 = arith.muli %scan3A_70, %mul3A_106 : i32
      %add3A_108 = arith.constant 1 : i32
      %add3A_109 = arith.addi %mul3A_107, %add3A_108 : i32
      %dma_wait3A_110 = arith.constant 1 : i32
      %dma_wait3A_111 = arith.constant 0 : i32
      %dma_wait3A_112 = tpu.memref_slice %arg14[%dma_wait3A_110, %dma_wait3A_111] : memref<2x3200xi32, #tpu.memory_space<vmem>> -> memref<1x3200xi32, #tpu.memory_space<vmem>>
      %dma_wait3A_113 = tpu.memref_squeeze %dma_wait3A_112 : memref<1x3200xi32, #tpu.memory_space<vmem>> -> memref<3200xi32, #tpu.memory_space<vmem>>
      %dma_wait3A_114 = arith.constant 0 : i32
      %dma_wait3A_115 = tpu.memref_slice %arg4[%dma_wait3A_114] : memref<320000xi32, #tpu.memory_space<hbm>> -> memref<3200xi32, #tpu.memory_space<hbm>>
      %dma_wait3A_116 = arith.constant 0 : i32
      %dma_wait3A_117 = tpu.memref_slice %arg14[%dma_wait3A_110, %dma_wait3A_116] : memref<2x3200xi32, #tpu.memory_space<vmem>> -> memref<1x3200xi32, #tpu.memory_space<vmem>>
      %dma_wait3A_118 = tpu.memref_squeeze %dma_wait3A_117 : memref<1x3200xi32, #tpu.memory_space<vmem>> -> memref<3200xi32, #tpu.memory_space<vmem>>
      %dma_wait3A_119 = arith.constant 0 : i32
      %dma_wait3A_120 = tpu.memref_slice %arg4[%dma_wait3A_119] : memref<320000xi32, #tpu.memory_space<hbm>> -> memref<3200xi32, #tpu.memory_space<hbm>>
      tpu.wait_dma2 semaphore(%arg17 : memref<!tpu.dma_semaphore, #tpu.memory_space<semaphore_mem>>) src(%dma_wait3A_120 : memref<3200xi32, #tpu.memory_space<hbm>>) dst(%dma_wait3A_118 : memref<3200xi32, #tpu.memory_space<vmem>>)
      %dma_wait3A_121 = arith.constant 1 : i32
      %dma_wait3A_122 = arith.constant 0 : i32
      %dma_wait3A_123 = arith.constant 0 : i32
      %dma_wait3A_124 = tpu.memref_slice %arg15[%dma_wait3A_121, %dma_wait3A_122, %dma_wait3A_123] : memref<2x4x3200xf32, #tpu.memory_space<vmem>> -> memref<1x4x3200xf32, #tpu.memory_space<vmem>>
      %dma_wait3A_125 = tpu.memref_squeeze %dma_wait3A_124 : memref<1x4x3200xf32, #tpu.memory_space<vmem>> -> memref<4x3200xf32, #tpu.memory_space<vmem>>
      %dma_wait3A_126 = arith.constant 0 : i32
      %dma_wait3A_127 = arith.constant 0 : i32
      %dma_wait3A_128 = tpu.memref_slice %arg3[%dma_wait3A_126, %dma_wait3A_127] : memref<128x320000xf32, #tpu.memory_space<hbm>> -> memref<4x3200xf32, #tpu.memory_space<hbm>>
      %dma_wait3A_129 = arith.constant 0 : i32
      %dma_wait3A_130 = arith.constant 0 : i32
      %dma_wait3A_131 = tpu.memref_slice %arg15[%dma_wait3A_121, %dma_wait3A_129, %dma_wait3A_130] : memref<2x4x3200xf32, #tpu.memory_space<vmem>> -> memref<1x4x3200xf32, #tpu.memory_space<vmem>>
      %dma_wait3A_132 = tpu.memref_squeeze %dma_wait3A_131 : memref<1x4x3200xf32, #tpu.memory_space<vmem>> -> memref<4x3200xf32, #tpu.memory_space<vmem>>
      %dma_wait3A_133 = arith.constant 0 : i32
      %dma_wait3A_134 = arith.constant 0 : i32
      %dma_wait3A_135 = tpu.memref_slice %arg3[%dma_wait3A_133, %dma_wait3A_134] : memref<128x320000xf32, #tpu.memory_space<hbm>> -> memref<4x3200xf32, #tpu.memory_space<hbm>>
      tpu.wait_dma2 semaphore(%arg19 : memref<!tpu.dma_semaphore, #tpu.memory_space<semaphore_mem>>) src(%dma_wait3A_135 : memref<4x3200xf32, #tpu.memory_space<hbm>>) dst(%dma_wait3A_132 : memref<4x3200xf32, #tpu.memory_space<vmem>>)
      %parallel_loop3A_136 = arith.constant 0 : i32
      %parallel_loop3A_137 = arith.constant 200 : i32
      %parallel_loop3A_138 = arith.constant 1 : i32
      scf.for %parallel_loop3A_146 = %parallel_loop3A_136 to %parallel_loop3A_137 step %parallel_loop3A_138  : i32 {
        %parallel_loop3A_147 = arith.constant 16 : i32
        %parallel_loop3A_148 = arith.muli %parallel_loop3A_146, %parallel_loop3A_147 : i32
        %parallel_loop3A_149 = tpu.assume_multiple %parallel_loop3A_148, 16 : i32
        %parallel_loop3A_150 = arith.constant 1 : i32
        %parallel_loop3A_151 = arith.index_cast %parallel_loop3A_150 : i32 to index
        %parallel_loop3A_152 = arith.index_cast %parallel_loop3A_149 : i32 to index
        %parallel_loop3A_153 = tpu.vector_load %arg14[%parallel_loop3A_151, %parallel_loop3A_152] {strides = array<i32>} : memref<2x3200xi32, #tpu.memory_space<vmem>>, vector<16xi32>,
        %parallel_loop3A_154 = arith.constant 65535 : i32
        %parallel_loop3A_155 = vector.broadcast %parallel_loop3A_154 : i32 to vector<16xi32>
        %parallel_loop3A_156 = arith.andi %parallel_loop3A_153, %parallel_loop3A_155 : vector<16xi32>
        %parallel_loop3A_157 = arith.constant 16 : i32
        %parallel_loop3A_158 = vector.broadcast %parallel_loop3A_157 : i32 to vector<16xi32>
        %parallel_loop3A_159 = arith.shrui %parallel_loop3A_153, %parallel_loop3A_158 : vector<16xi32>
        %parallel_loop3A_160 = arith.constant 1 : i32
        %parallel_loop3A_161 = arith.constant 0 : i32
        %parallel_loop3A_162 = arith.index_cast %parallel_loop3A_160 : i32 to index
        %parallel_loop3A_163 = arith.index_cast %parallel_loop3A_161 : i32 to index
        %parallel_loop3A_164 = arith.index_cast %parallel_loop3A_149 : i32 to index
        %parallel_loop3A_165 = tpu.vector_load %arg15[%parallel_loop3A_162, %parallel_loop3A_163, %parallel_loop3A_164] {strides = array<i32>} : memref<2x4x3200xf32, #tpu.memory_space<vmem>>, vector<16xf32>,
        %parallel_loop3A_166 = tpu.vector_load_idx %arg6[%parallel_loop3A_156] : memref<10000xf32, #tpu.memory_space<vmem>>[vector<16xi32>], vector<16xf32>,
        %parallel_loop3A_167 = arith.addf %parallel_loop3A_166, %parallel_loop3A_165 : vector<16xf32>
        %parallel_loop3A_168 = arith.constant 0.000000e+00 : f32
        %parallel_loop3A_169 = vector.broadcast %parallel_loop3A_168 : f32 to vector<16xf32>
        %parallel_loop3A_170 = arith.maximumf %parallel_loop3A_167, %parallel_loop3A_169 : vector<16xf32>
        tpu.vector_store_idx %arg10[%parallel_loop3A_159], %parallel_loop3A_170 {add = true} : memref<10000xf32, #tpu.memory_space<vmem>>[vector<16xi32>], vector<16xf32>,
        %parallel_loop3A_171 = arith.constant 1 : i32
        %parallel_loop3A_172 = arith.constant 1 : i32
        %parallel_loop3A_173 = arith.index_cast %parallel_loop3A_171 : i32 to index
        %parallel_loop3A_174 = arith.index_cast %parallel_loop3A_172 : i32 to index
        %parallel_loop3A_175 = arith.index_cast %parallel_loop3A_149 : i32 to index
        %parallel_loop3A_176 = tpu.vector_load %arg15[%parallel_loop3A_173, %parallel_loop3A_174, %parallel_loop3A_175] {strides = array<i32>} : memref<2x4x3200xf32, #tpu.memory_space<vmem>>, vector<16xf32>,
        %parallel_loop3A_177 = tpu.vector_load_idx %arg7[%parallel_loop3A_156] : memref<10000xf32, #tpu.memory_space<vmem>>[vector<16xi32>], vector<16xf32>,
        %parallel_loop3A_178 = arith.addf %parallel_loop3A_177, %parallel_loop3A_176 : vector<16xf32>
        %parallel_loop3A_179 = arith.constant 0.000000e+00 : f32
        %parallel_loop3A_180 = vector.broadcast %parallel_loop3A_179 : f32 to vector<16xf32>
        %parallel_loop3A_181 = arith.maximumf %parallel_loop3A_178, %parallel_loop3A_180 : vector<16xf32>
        tpu.vector_store_idx %arg11[%parallel_loop3A_159], %parallel_loop3A_181 {add = true} : memref<10000xf32, #tpu.memory_space<vmem>>[vector<16xi32>], vector<16xf32>,
        %parallel_loop3A_182 = arith.constant 1 : i32
        %parallel_loop3A_183 = arith.constant 2 : i32
        %parallel_loop3A_184 = arith.index_cast %parallel_loop3A_182 : i32 to index
        %parallel_loop3A_185 = arith.index_cast %parallel_loop3A_183 : i32 to index
        %parallel_loop3A_186 = arith.index_cast %parallel_loop3A_149 : i32 to index
        %parallel_loop3A_187 = tpu.vector_load %arg15[%parallel_loop3A_184, %parallel_loop3A_185, %parallel_loop3A_186] {strides = array<i32>} : memref<2x4x3200xf32, #tpu.memory_space<vmem>>, vector<16xf32>,
        %parallel_loop3A_188 = tpu.vector_load_idx %arg8[%parallel_loop3A_156] : memref<10000xf32, #tpu.memory_space<vmem>>[vector<16xi32>], vector<16xf32>,
        %parallel_loop3A_189 = arith.addf %parallel_loop3A_188, %parallel_loop3A_187 : vector<16xf32>
        %parallel_loop3A_190 = arith.constant 0.000000e+00 : f32
        %parallel_loop3A_191 = vector.broadcast %parallel_loop3A_190 : f32 to vector<16xf32>
        %parallel_loop3A_192 = arith.maximumf %parallel_loop3A_189, %parallel_loop3A_191 : vector<16xf32>
        tpu.vector_store_idx %arg12[%parallel_loop3A_159], %parallel_loop3A_192 {add = true} : memref<10000xf32, #tpu.memory_space<vmem>>[vector<16xi32>], vector<16xf32>,
        %parallel_loop3A_193 = arith.constant 1 : i32
        %parallel_loop3A_194 = arith.constant 3 : i32
        %parallel_loop3A_195 = arith.index_cast %parallel_loop3A_193 : i32 to index
        %parallel_loop3A_196 = arith.index_cast %parallel_loop3A_194 : i32 to index
        %parallel_loop3A_197 = arith.index_cast %parallel_loop3A_149 : i32 to index
        %parallel_loop3A_198 = tpu.vector_load %arg15[%parallel_loop3A_195, %parallel_loop3A_196, %parallel_loop3A_197] {strides = array<i32>} : memref<2x4x3200xf32, #tpu.memory_space<vmem>>, vector<16xf32>,
        %parallel_loop3A_199 = tpu.vector_load_idx %arg9[%parallel_loop3A_156] : memref<10000xf32, #tpu.memory_space<vmem>>[vector<16xi32>], vector<16xf32>,
        %parallel_loop3A_200 = arith.addf %parallel_loop3A_199, %parallel_loop3A_198 : vector<16xf32>
        %parallel_loop3A_201 = arith.constant 0.000000e+00 : f32
        %parallel_loop3A_202 = vector.broadcast %parallel_loop3A_201 : f32 to vector<16xf32>
        %parallel_loop3A_203 = arith.maximumf %parallel_loop3A_200, %parallel_loop3A_202 : vector<16xf32>
        tpu.vector_store_idx %arg13[%parallel_loop3A_159], %parallel_loop3A_203 {add = true} : memref<10000xf32, #tpu.memory_space<vmem>>[vector<16xi32>], vector<16xf32>,
      } {sc.loop_unroll_factor = 8 : i64, sc.parallel_access}
      %add3A_139 = arith.constant 2 : i32
      %add3A_140 = arith.addi %add3A_109, %add3A_139 : i32
      %lt3A_141 = arith.constant 100 : i32
      %lt3A_142 = arith.cmpi slt, %add3A_140, %lt3A_141 : i32
      %convert_element_type3A_143 = arith.extui %lt3A_142 : i1 to i32
      %cond3A_144 = arith.constant 0 : i32
      %cond3A_145 = arith.cmpi ne, %convert_element_type3A_143, %cond3A_144 : i32
      scf.if %cond3A_145 {
        %add3A_146 = arith.constant 2 : i32
        %add3A_147 = arith.addi %add3A_109, %add3A_146 : i32
        %mul3A_148 = arith.constant 3200 : i32
        %mul3A_149 = arith.muli %add3A_147, %mul3A_148 : i32
        %multiple_of3A_150 = tpu.assume_multiple %mul3A_149, 3200 : i32
        %dma_start3A_151 = arith.constant 1 : i32
        %dma_start3A_152 = arith.constant 0 : i32
        %dma_start3A_153 = tpu.memref_slice %arg14[%dma_start3A_151, %dma_start3A_152] : memref<2x3200xi32, #tpu.memory_space<vmem>> -> memref<1x3200xi32, #tpu.memory_space<vmem>>
        %dma_start3A_154 = tpu.memref_squeeze %dma_start3A_153 : memref<1x3200xi32, #tpu.memory_space<vmem>> -> memref<3200xi32, #tpu.memory_space<vmem>>
        %dma_start3A_155 = tpu.memref_slice %arg4[%multiple_of3A_150] : memref<320000xi32, #tpu.memory_space<hbm>> -> memref<3200xi32, #tpu.memory_space<hbm>>
        %dma_start3A_156 = arith.constant 0 : i32
        %dma_start3A_157 = tpu.memref_slice %arg14[%dma_start3A_151, %dma_start3A_156] : memref<2x3200xi32, #tpu.memory_space<vmem>> -> memref<1x3200xi32, #tpu.memory_space<vmem>>
        %dma_start3A_158 = tpu.memref_squeeze %dma_start3A_157 : memref<1x3200xi32, #tpu.memory_space<vmem>> -> memref<3200xi32, #tpu.memory_space<vmem>>
        %dma_start3A_159 = tpu.memref_slice %arg4[%multiple_of3A_150] : memref<320000xi32, #tpu.memory_space<hbm>> -> memref<3200xi32, #tpu.memory_space<hbm>>
        tpu.enqueue_dma source(%dma_start3A_159 : memref<3200xi32, #tpu.memory_space<hbm>>) target(%dma_start3A_158 : memref<3200xi32, #tpu.memory_space<vmem>>) target_semaphore(%arg17 : memref<!tpu.dma_semaphore, #tpu.memory_space<semaphore_mem>>)
        %dma_start3A_160 = arith.constant 1 : i32
        %dma_start3A_161 = arith.constant 0 : i32
        %dma_start3A_162 = arith.constant 0 : i32
        %dma_start3A_163 = tpu.memref_slice %arg15[%dma_start3A_160, %dma_start3A_161, %dma_start3A_162] : memref<2x4x3200xf32, #tpu.memory_space<vmem>> -> memref<1x4x3200xf32, #tpu.memory_space<vmem>>
        %dma_start3A_164 = tpu.memref_squeeze %dma_start3A_163 : memref<1x4x3200xf32, #tpu.memory_space<vmem>> -> memref<4x3200xf32, #tpu.memory_space<vmem>>
        %dma_start3A_165 = tpu.memref_slice %arg3[%mul3A_2, %multiple_of3A_150] : memref<128x320000xf32, #tpu.memory_space<hbm>> -> memref<4x3200xf32, #tpu.memory_space<hbm>>
        %dma_start3A_166 = arith.constant 0 : i32
        %dma_start3A_167 = arith.constant 0 : i32
        %dma_start3A_168 = tpu.memref_slice %arg15[%dma_start3A_160, %dma_start3A_166, %dma_start3A_167] : memref<2x4x3200xf32, #tpu.memory_space<vmem>> -> memref<1x4x3200xf32, #tpu.memory_space<vmem>>
        %dma_start3A_169 = tpu.memref_squeeze %dma_start3A_168 : memref<1x4x3200xf32, #tpu.memory_space<vmem>> -> memref<4x3200xf32, #tpu.memory_space<vmem>>
        %dma_start3A_170 = tpu.memref_slice %arg3[%mul3A_2, %multiple_of3A_150] : memref<128x320000xf32, #tpu.memory_space<hbm>> -> memref<4x3200xf32, #tpu.memory_space<hbm>>
        tpu.enqueue_dma source(%dma_start3A_170 : memref<4x3200xf32, #tpu.memory_space<hbm>>) target(%dma_start3A_169 : memref<4x3200xf32, #tpu.memory_space<vmem>>) target_semaphore(%arg19 : memref<!tpu.dma_semaphore, #tpu.memory_space<semaphore_mem>>)
      } else {
      }
    }
    %scan3A_61 = arith.constant 50 : i32
    %add3A_62 = arith.constant 0 : i32
    %add3A_63 = arith.addi %mul3A_2, %add3A_62 : i32
    "tpu.region"() ({
      %run_scoped3A = tpu.sem_alloc : memref<!tpu.dma_semaphore, #tpu.memory_space<semaphore_mem>>
      %dma_start3A_70 = arith.constant 0 : i32
      %dma_start3A_71 = tpu.memref_slice %arg5[%add3A_63, %dma_start3A_70] : memref<128x10000xf32, #tpu.memory_space<hbm>> -> memref<1x10000xf32, #tpu.memory_space<hbm>>
      %dma_start3A_72 = tpu.memref_squeeze %dma_start3A_71 : memref<1x10000xf32, #tpu.memory_space<hbm>> -> memref<10000xf32, #tpu.memory_space<hbm>>
      %dma_start3A_73 = arith.constant 0 : i32
      %dma_start3A_74 = tpu.memref_slice %arg5[%add3A_63, %dma_start3A_73] : memref<128x10000xf32, #tpu.memory_space<hbm>> -> memref<1x10000xf32, #tpu.memory_space<hbm>>
      %dma_start3A_75 = tpu.memref_squeeze %dma_start3A_74 : memref<1x10000xf32, #tpu.memory_space<hbm>> -> memref<10000xf32, #tpu.memory_space<hbm>>
      tpu.enqueue_dma source(%arg10 : memref<10000xf32, #tpu.memory_space<vmem>>) target(%dma_start3A_75 : memref<10000xf32, #tpu.memory_space<hbm>>) target_semaphore(%run_scoped3A : memref<!tpu.dma_semaphore, #tpu.memory_space<semaphore_mem>>)
      %dma_wait3A = arith.constant 0 : i32
      %dma_wait3A_76 = tpu.memref_slice %arg5[%add3A_63, %dma_wait3A] : memref<128x10000xf32, #tpu.memory_space<hbm>> -> memref<1x10000xf32, #tpu.memory_space<hbm>>
      %dma_wait3A_77 = tpu.memref_squeeze %dma_wait3A_76 : memref<1x10000xf32, #tpu.memory_space<hbm>> -> memref<10000xf32, #tpu.memory_space<hbm>>
      %dma_wait3A_78 = arith.constant 0 : i32
      %dma_wait3A_79 = tpu.memref_slice %arg5[%add3A_63, %dma_wait3A_78] : memref<128x10000xf32, #tpu.memory_space<hbm>> -> memref<1x10000xf32, #tpu.memory_space<hbm>>
      %dma_wait3A_80 = tpu.memref_squeeze %dma_wait3A_79 : memref<1x10000xf32, #tpu.memory_space<hbm>> -> memref<10000xf32, #tpu.memory_space<hbm>>
      tpu.wait_dma2 semaphore(%run_scoped3A : memref<!tpu.dma_semaphore, #tpu.memory_space<semaphore_mem>>) src(%arg10 : memref<10000xf32, #tpu.memory_space<vmem>>) dst(%dma_wait3A_80 : memref<10000xf32, #tpu.memory_space<hbm>>)
      tpu.yield
    }) : () -> ()
    %add3A_64 = arith.constant 1 : i32
    %add3A_65 = arith.addi %mul3A_2, %add3A_64 : i32
    "tpu.region"() ({
      %run_scoped3A = tpu.sem_alloc : memref<!tpu.dma_semaphore, #tpu.memory_space<semaphore_mem>>
      %dma_start3A_70 = arith.constant 0 : i32
      %dma_start3A_71 = tpu.memref_slice %arg5[%add3A_65, %dma_start3A_70] : memref<128x10000xf32, #tpu.memory_space<hbm>> -> memref<1x10000xf32, #tpu.memory_space<hbm>>
      %dma_start3A_72 = tpu.memref_squeeze %dma_start3A_71 : memref<1x10000xf32, #tpu.memory_space<hbm>> -> memref<10000xf32, #tpu.memory_space<hbm>>
      %dma_start3A_73 = arith.constant 0 : i32
      %dma_start3A_74 = tpu.memref_slice %arg5[%add3A_65, %dma_start3A_73] : memref<128x10000xf32, #tpu.memory_space<hbm>> -> memref<1x10000xf32, #tpu.memory_space<hbm>>
      %dma_start3A_75 = tpu.memref_squeeze %dma_start3A_74 : memref<1x10000xf32, #tpu.memory_space<hbm>> -> memref<10000xf32, #tpu.memory_space<hbm>>
      tpu.enqueue_dma source(%arg11 : memref<10000xf32, #tpu.memory_space<vmem>>) target(%dma_start3A_75 : memref<10000xf32, #tpu.memory_space<hbm>>) target_semaphore(%run_scoped3A : memref<!tpu.dma_semaphore, #tpu.memory_space<semaphore_mem>>)
      %dma_wait3A = arith.constant 0 : i32
      %dma_wait3A_76 = tpu.memref_slice %arg5[%add3A_65, %dma_wait3A] : memref<128x10000xf32, #tpu.memory_space<hbm>> -> memref<1x10000xf32, #tpu.memory_space<hbm>>
      %dma_wait3A_77 = tpu.memref_squeeze %dma_wait3A_76 : memref<1x10000xf32, #tpu.memory_space<hbm>> -> memref<10000xf32, #tpu.memory_space<hbm>>
      %dma_wait3A_78 = arith.constant 0 : i32
      %dma_wait3A_79 = tpu.memref_slice %arg5[%add3A_65, %dma_wait3A_78] : memref<128x10000xf32, #tpu.memory_space<hbm>> -> memref<1x10000xf32, #tpu.memory_space<hbm>>
      %dma_wait3A_80 = tpu.memref_squeeze %dma_wait3A_79 : memref<1x10000xf32, #tpu.memory_space<hbm>> -> memref<10000xf32, #tpu.memory_space<hbm>>
      tpu.wait_dma2 semaphore(%run_scoped3A : memref<!tpu.dma_semaphore, #tpu.memory_space<semaphore_mem>>) src(%arg11 : memref<10000xf32, #tpu.memory_space<vmem>>) dst(%dma_wait3A_80 : memref<10000xf32, #tpu.memory_space<hbm>>)
      tpu.yield
    }) : () -> ()
    %add3A_66 = arith.constant 2 : i32
    %add3A_67 = arith.addi %mul3A_2, %add3A_66 : i32
    "tpu.region"() ({
      %run_scoped3A = tpu.sem_alloc : memref<!tpu.dma_semaphore, #tpu.memory_space<semaphore_mem>>
      %dma_start3A_70 = arith.constant 0 : i32
      %dma_start3A_71 = tpu.memref_slice %arg5[%add3A_67, %dma_start3A_70] : memref<128x10000xf32, #tpu.memory_space<hbm>> -> memref<1x10000xf32, #tpu.memory_space<hbm>>
      %dma_start3A_72 = tpu.memref_squeeze %dma_start3A_71 : memref<1x10000xf32, #tpu.memory_space<hbm>> -> memref<10000xf32, #tpu.memory_space<hbm>>
      %dma_start3A_73 = arith.constant 0 : i32
      %dma_start3A_74 = tpu.memref_slice %arg5[%add3A_67, %dma_start3A_73] : memref<128x10000xf32, #tpu.memory_space<hbm>> -> memref<1x10000xf32, #tpu.memory_space<hbm>>
      %dma_start3A_75 = tpu.memref_squeeze %dma_start3A_74 : memref<1x10000xf32, #tpu.memory_space<hbm>> -> memref<10000xf32, #tpu.memory_space<hbm>>
      tpu.enqueue_dma source(%arg12 : memref<10000xf32, #tpu.memory_space<vmem>>) target(%dma_start3A_75 : memref<10000xf32, #tpu.memory_space<hbm>>) target_semaphore(%run_scoped3A : memref<!tpu.dma_semaphore, #tpu.memory_space<semaphore_mem>>)
      %dma_wait3A = arith.constant 0 : i32
      %dma_wait3A_76 = tpu.memref_slice %arg5[%add3A_67, %dma_wait3A] : memref<128x10000xf32, #tpu.memory_space<hbm>> -> memref<1x10000xf32, #tpu.memory_space<hbm>>
      %dma_wait3A_77 = tpu.memref_squeeze %dma_wait3A_76 : memref<1x10000xf32, #tpu.memory_space<hbm>> -> memref<10000xf32, #tpu.memory_space<hbm>>
      %dma_wait3A_78 = arith.constant 0 : i32
      %dma_wait3A_79 = tpu.memref_slice %arg5[%add3A_67, %dma_wait3A_78] : memref<128x10000xf32, #tpu.memory_space<hbm>> -> memref<1x10000xf32, #tpu.memory_space<hbm>>
      %dma_wait3A_80 = tpu.memref_squeeze %dma_wait3A_79 : memref<1x10000xf32, #tpu.memory_space<hbm>> -> memref<10000xf32, #tpu.memory_space<hbm>>
      tpu.wait_dma2 semaphore(%run_scoped3A : memref<!tpu.dma_semaphore, #tpu.memory_space<semaphore_mem>>) src(%arg12 : memref<10000xf32, #tpu.memory_space<vmem>>) dst(%dma_wait3A_80 : memref<10000xf32, #tpu.memory_space<hbm>>)
      tpu.yield
    }) : () -> ()
    %add3A_68 = arith.constant 3 : i32
    %add3A_69 = arith.addi %mul3A_2, %add3A_68 : i32
    "tpu.region"() ({
      %run_scoped3A = tpu.sem_alloc : memref<!tpu.dma_semaphore, #tpu.memory_space<semaphore_mem>>
      %dma_start3A_70 = arith.constant 0 : i32
      %dma_start3A_71 = tpu.memref_slice %arg5[%add3A_69, %dma_start3A_70] : memref<128x10000xf32, #tpu.memory_space<hbm>> -> memref<1x10000xf32, #tpu.memory_space<hbm>>
      %dma_start3A_72 = tpu.memref_squeeze %dma_start3A_71 : memref<1x10000xf32, #tpu.memory_space<hbm>> -> memref<10000xf32, #tpu.memory_space<hbm>>
      %dma_start3A_73 = arith.constant 0 : i32
      %dma_start3A_74 = tpu.memref_slice %arg5[%add3A_69, %dma_start3A_73] : memref<128x10000xf32, #tpu.memory_space<hbm>> -> memref<1x10000xf32, #tpu.memory_space<hbm>>
      %dma_start3A_75 = tpu.memref_squeeze %dma_start3A_74 : memref<1x10000xf32, #tpu.memory_space<hbm>> -> memref<10000xf32, #tpu.memory_space<hbm>>
      tpu.enqueue_dma source(%arg13 : memref<10000xf32, #tpu.memory_space<vmem>>) target(%dma_start3A_75 : memref<10000xf32, #tpu.memory_space<hbm>>) target_semaphore(%run_scoped3A : memref<!tpu.dma_semaphore, #tpu.memory_space<semaphore_mem>>)
      %dma_wait3A = arith.constant 0 : i32
      %dma_wait3A_76 = tpu.memref_slice %arg5[%add3A_69, %dma_wait3A] : memref<128x10000xf32, #tpu.memory_space<hbm>> -> memref<1x10000xf32, #tpu.memory_space<hbm>>
      %dma_wait3A_77 = tpu.memref_squeeze %dma_wait3A_76 : memref<1x10000xf32, #tpu.memory_space<hbm>> -> memref<10000xf32, #tpu.memory_space<hbm>>
      %dma_wait3A_78 = arith.constant 0 : i32
      %dma_wait3A_79 = tpu.memref_slice %arg5[%add3A_69, %dma_wait3A_78] : memref<128x10000xf32, #tpu.memory_space<hbm>> -> memref<1x10000xf32, #tpu.memory_space<hbm>>
      %dma_wait3A_80 = tpu.memref_squeeze %dma_wait3A_79 : memref<1x10000xf32, #tpu.memory_space<hbm>> -> memref<10000xf32, #tpu.memory_space<hbm>>
      tpu.wait_dma2 semaphore(%run_scoped3A : memref<!tpu.dma_semaphore, #tpu.memory_space<semaphore_mem>>) src(%arg13 : memref<10000xf32, #tpu.memory_space<vmem>>) dst(%dma_wait3A_80 : memref<10000xf32, #tpu.memory_space<hbm>>)
      tpu.yield
    }) : () -> ()
    return
  }
}

#map = affine_map<(d0, d1) -> (0, 0)>
#map1 = affine_map<(d0, d1) -> (0)>
module attributes {stable_mosaic.version = 14 : i64} {
  func.func @mp_kernel(%arg0: i32, %arg1: i32, %arg2: memref<128x10000xf32, #tpu.memory_space<hbm>>, %arg3: memref<128x320000xf32, #tpu.memory_space<hbm>>, %arg4: memref<320000xi32, #tpu.memory_space<hbm>>, %arg5: memref<128x10000xf32, #tpu.memory_space<hbm>>, %arg6: memref<10000xf32, #tpu.memory_space<vmem>>, %arg7: memref<10000xf32, #tpu.memory_space<vmem>>, %arg8: memref<10000xf32, #tpu.memory_space<vmem>>, %arg9: memref<10000xf32, #tpu.memory_space<vmem>>, %arg10: memref<10000xf32, #tpu.memory_space<vmem>>, %arg11: memref<10000xf32, #tpu.memory_space<vmem>>, %arg12: memref<10000xf32, #tpu.memory_space<vmem>>, %arg13: memref<10000xf32, #tpu.memory_space<vmem>>, %arg14: memref<2x3200xi32, #tpu.memory_space<vmem>>, %arg15: memref<2x4x3200xf32, #tpu.memory_space<vmem>>, %arg16: memref<!tpu.dma_semaphore, #tpu.memory_space<semaphore_mem>>, %arg17: memref<!tpu.dma_semaphore, #tpu.memory_space<semaphore_mem>>, %arg18: memref<!tpu.dma_semaphore, #tpu.memory_space<semaphore_mem>>, %arg19: memref<!tpu.dma_semaphore, #tpu.memory_space<semaphore_mem>>) attributes {dimension_semantics = [#tpu.dimension_semantics<core_parallel>, #tpu.dimension_semantics<subcore_parallel>], iteration_bounds = array<i64: 2, 16>, scalar_prefetch = 0 : i64, scratch_operands = 14 : i64, tpu.core_type = #tpu.core_type<sc_vector_subcore>, window_params = [{transform_indices = #map}, {transform_indices = #map}, {transform_indices = #map1}, {transform_indices = #map}]} {
    %mul3A = arith.constant 2 : i32
    %mul3A_0 = arith.muli %arg1, %mul3A : i32
    %add3A = arith.addi %mul3A_0, %arg0 : i32
    %mul3A_1 = arith.constant 4 : i32
    %mul3A_2 = arith.muli %add3A, %mul3A_1 : i32
    %add3A_3 = arith.constant 0 : i32
    %add3A_4 = arith.addi %mul3A_2, %add3A_3 : i32
    "tpu.region"() ({
      %run_scoped3A = tpu.sem_alloc : memref<!tpu.dma_semaphore, #tpu.memory_space<semaphore_mem>>
      %dma_start3A_70 = arith.constant 0 : i32
      %dma_start3A_71 = tpu.memref_slice %arg2[%add3A_4, %dma_start3A_70] : memref<128x10000xf32, #tpu.memory_space<hbm>> -> memref<1x10000xf32, #tpu.memory_space<hbm>>
      %dma_start3A_72 = tpu.memref_squeeze %dma_start3A_71 : memref<1x10000xf32, #tpu.memory_space<hbm>> -> memref<10000xf32, #tpu.memory_space<hbm>>
      %dma_start3A_73 = arith.constant 0 : i32
      %dma_start3A_74 = tpu.memref_slice %arg2[%add3A_4, %dma_start3A_73] : memref<128x10000xf32, #tpu.memory_space<hbm>> -> memref<1x10000xf32, #tpu.memory_space<hbm>>
      %dma_start3A_75 = tpu.memref_squeeze %dma_start3A_74 : memref<1x10000xf32, #tpu.memory_space<hbm>> -> memref<10000xf32, #tpu.memory_space<hbm>>
      tpu.enqueue_dma source(%dma_start3A_75 : memref<10000xf32, #tpu.memory_space<hbm>>) target(%arg6 : memref<10000xf32, #tpu.memory_space<vmem>>) target_semaphore(%run_scoped3A : memref<!tpu.dma_semaphore, #tpu.memory_space<semaphore_mem>>)
      %dma_wait3A = arith.constant 0 : i32
      %dma_wait3A_76 = tpu.memref_slice %arg2[%add3A_4, %dma_wait3A] : memref<128x10000xf32, #tpu.memory_space<hbm>> -> memref<1x10000xf32, #tpu.memory_space<hbm>>
      %dma_wait3A_77 = tpu.memref_squeeze %dma_wait3A_76 : memref<1x10000xf32, #tpu.memory_space<hbm>> -> memref<10000xf32, #tpu.memory_space<hbm>>
      %dma_wait3A_78 = arith.constant 0 : i32
      %dma_wait3A_79 = tpu.memref_slice %arg2[%add3A_4, %dma_wait3A_78] : memref<128x10000xf32, #tpu.memory_space<hbm>> -> memref<1x10000xf32, #tpu.memory_space<hbm>>
      %dma_wait3A_80 = tpu.memref_squeeze %dma_wait3A_79 : memref<1x10000xf32, #tpu.memory_space<hbm>> -> memref<10000xf32, #tpu.memory_space<hbm>>
      tpu.wait_dma2 semaphore(%run_scoped3A : memref<!tpu.dma_semaphore, #tpu.memory_space<semaphore_mem>>) src(%dma_wait3A_80 : memref<10000xf32, #tpu.memory_space<hbm>>) dst(%arg6 : memref<10000xf32, #tpu.memory_space<vmem>>)
      tpu.yield
    }) : () -> ()
    %add3A_5 = arith.constant 1 : i32
    %add3A_6 = arith.addi %mul3A_2, %add3A_5 : i32
    "tpu.region"() ({
      %run_scoped3A = tpu.sem_alloc : memref<!tpu.dma_semaphore, #tpu.memory_space<semaphore_mem>>
      %dma_start3A_70 = arith.constant 0 : i32
      %dma_start3A_71 = tpu.memref_slice %arg2[%add3A_6, %dma_start3A_70] : memref<128x10000xf32, #tpu.memory_space<hbm>> -> memref<1x10000xf32, #tpu.memory_space<hbm>>
      %dma_start3A_72 = tpu.memref_squeeze %dma_start3A_71 : memref<1x10000xf32, #tpu.memory_space<hbm>> -> memref<10000xf32, #tpu.memory_space<hbm>>
      %dma_start3A_73 = arith.constant 0 : i32
      %dma_start3A_74 = tpu.memref_slice %arg2[%add3A_6, %dma_start3A_73] : memref<128x10000xf32, #tpu.memory_space<hbm>> -> memref<1x10000xf32, #tpu.memory_space<hbm>>
      %dma_start3A_75 = tpu.memref_squeeze %dma_start3A_74 : memref<1x10000xf32, #tpu.memory_space<hbm>> -> memref<10000xf32, #tpu.memory_space<hbm>>
      tpu.enqueue_dma source(%dma_start3A_75 : memref<10000xf32, #tpu.memory_space<hbm>>) target(%arg7 : memref<10000xf32, #tpu.memory_space<vmem>>) target_semaphore(%run_scoped3A : memref<!tpu.dma_semaphore, #tpu.memory_space<semaphore_mem>>)
      %dma_wait3A = arith.constant 0 : i32
      %dma_wait3A_76 = tpu.memref_slice %arg2[%add3A_6, %dma_wait3A] : memref<128x10000xf32, #tpu.memory_space<hbm>> -> memref<1x10000xf32, #tpu.memory_space<hbm>>
      %dma_wait3A_77 = tpu.memref_squeeze %dma_wait3A_76 : memref<1x10000xf32, #tpu.memory_space<hbm>> -> memref<10000xf32, #tpu.memory_space<hbm>>
      %dma_wait3A_78 = arith.constant 0 : i32
      %dma_wait3A_79 = tpu.memref_slice %arg2[%add3A_6, %dma_wait3A_78] : memref<128x10000xf32, #tpu.memory_space<hbm>> -> memref<1x10000xf32, #tpu.memory_space<hbm>>
      %dma_wait3A_80 = tpu.memref_squeeze %dma_wait3A_79 : memref<1x10000xf32, #tpu.memory_space<hbm>> -> memref<10000xf32, #tpu.memory_space<hbm>>
      tpu.wait_dma2 semaphore(%run_scoped3A : memref<!tpu.dma_semaphore, #tpu.memory_space<semaphore_mem>>) src(%dma_wait3A_80 : memref<10000xf32, #tpu.memory_space<hbm>>) dst(%arg7 : memref<10000xf32, #tpu.memory_space<vmem>>)
      tpu.yield
    }) : () -> ()
    %add3A_7 = arith.constant 2 : i32
    %add3A_8 = arith.addi %mul3A_2, %add3A_7 : i32
    "tpu.region"() ({
      %run_scoped3A = tpu.sem_alloc : memref<!tpu.dma_semaphore, #tpu.memory_space<semaphore_mem>>
      %dma_start3A_70 = arith.constant 0 : i32
      %dma_start3A_71 = tpu.memref_slice %arg2[%add3A_8, %dma_start3A_70] : memref<128x10000xf32, #tpu.memory_space<hbm>> -> memref<1x10000xf32, #tpu.memory_space<hbm>>
      %dma_start3A_72 = tpu.memref_squeeze %dma_start3A_71 : memref<1x10000xf32, #tpu.memory_space<hbm>> -> memref<10000xf32, #tpu.memory_space<hbm>>
      %dma_start3A_73 = arith.constant 0 : i32
      %dma_start3A_74 = tpu.memref_slice %arg2[%add3A_8, %dma_start3A_73] : memref<128x10000xf32, #tpu.memory_space<hbm>> -> memref<1x10000xf32, #tpu.memory_space<hbm>>
      %dma_start3A_75 = tpu.memref_squeeze %dma_start3A_74 : memref<1x10000xf32, #tpu.memory_space<hbm>> -> memref<10000xf32, #tpu.memory_space<hbm>>
      tpu.enqueue_dma source(%dma_start3A_75 : memref<10000xf32, #tpu.memory_space<hbm>>) target(%arg8 : memref<10000xf32, #tpu.memory_space<vmem>>) target_semaphore(%run_scoped3A : memref<!tpu.dma_semaphore, #tpu.memory_space<semaphore_mem>>)
      %dma_wait3A = arith.constant 0 : i32
      %dma_wait3A_76 = tpu.memref_slice %arg2[%add3A_8, %dma_wait3A] : memref<128x10000xf32, #tpu.memory_space<hbm>> -> memref<1x10000xf32, #tpu.memory_space<hbm>>
      %dma_wait3A_77 = tpu.memref_squeeze %dma_wait3A_76 : memref<1x10000xf32, #tpu.memory_space<hbm>> -> memref<10000xf32, #tpu.memory_space<hbm>>
      %dma_wait3A_78 = arith.constant 0 : i32
      %dma_wait3A_79 = tpu.memref_slice %arg2[%add3A_8, %dma_wait3A_78] : memref<128x10000xf32, #tpu.memory_space<hbm>> -> memref<1x10000xf32, #tpu.memory_space<hbm>>
      %dma_wait3A_80 = tpu.memref_squeeze %dma_wait3A_79 : memref<1x10000xf32, #tpu.memory_space<hbm>> -> memref<10000xf32, #tpu.memory_space<hbm>>
      tpu.wait_dma2 semaphore(%run_scoped3A : memref<!tpu.dma_semaphore, #tpu.memory_space<semaphore_mem>>) src(%dma_wait3A_80 : memref<10000xf32, #tpu.memory_space<hbm>>) dst(%arg8 : memref<10000xf32, #tpu.memory_space<vmem>>)
      tpu.yield
    }) : () -> ()
    %add3A_9 = arith.constant 3 : i32
    %add3A_10 = arith.addi %mul3A_2, %add3A_9 : i32
    "tpu.region"() ({
      %run_scoped3A = tpu.sem_alloc : memref<!tpu.dma_semaphore, #tpu.memory_space<semaphore_mem>>
      %dma_start3A_70 = arith.constant 0 : i32
      %dma_start3A_71 = tpu.memref_slice %arg2[%add3A_10, %dma_start3A_70] : memref<128x10000xf32, #tpu.memory_space<hbm>> -> memref<1x10000xf32, #tpu.memory_space<hbm>>
      %dma_start3A_72 = tpu.memref_squeeze %dma_start3A_71 : memref<1x10000xf32, #tpu.memory_space<hbm>> -> memref<10000xf32, #tpu.memory_space<hbm>>
      %dma_start3A_73 = arith.constant 0 : i32
      %dma_start3A_74 = tpu.memref_slice %arg2[%add3A_10, %dma_start3A_73] : memref<128x10000xf32, #tpu.memory_space<hbm>> -> memref<1x10000xf32, #tpu.memory_space<hbm>>
      %dma_start3A_75 = tpu.memref_squeeze %dma_start3A_74 : memref<1x10000xf32, #tpu.memory_space<hbm>> -> memref<10000xf32, #tpu.memory_space<hbm>>
      tpu.enqueue_dma source(%dma_start3A_75 : memref<10000xf32, #tpu.memory_space<hbm>>) target(%arg9 : memref<10000xf32, #tpu.memory_space<vmem>>) target_semaphore(%run_scoped3A : memref<!tpu.dma_semaphore, #tpu.memory_space<semaphore_mem>>)
      %dma_wait3A = arith.constant 0 : i32
      %dma_wait3A_76 = tpu.memref_slice %arg2[%add3A_10, %dma_wait3A] : memref<128x10000xf32, #tpu.memory_space<hbm>> -> memref<1x10000xf32, #tpu.memory_space<hbm>>
      %dma_wait3A_77 = tpu.memref_squeeze %dma_wait3A_76 : memref<1x10000xf32, #tpu.memory_space<hbm>> -> memref<10000xf32, #tpu.memory_space<hbm>>
      %dma_wait3A_78 = arith.constant 0 : i32
      %dma_wait3A_79 = tpu.memref_slice %arg2[%add3A_10, %dma_wait3A_78] : memref<128x10000xf32, #tpu.memory_space<hbm>> -> memref<1x10000xf32, #tpu.memory_space<hbm>>
      %dma_wait3A_80 = tpu.memref_squeeze %dma_wait3A_79 : memref<1x10000xf32, #tpu.memory_space<hbm>> -> memref<10000xf32, #tpu.memory_space<hbm>>
      tpu.wait_dma2 semaphore(%run_scoped3A : memref<!tpu.dma_semaphore, #tpu.memory_space<semaphore_mem>>) src(%dma_wait3A_80 : memref<10000xf32, #tpu.memory_space<hbm>>) dst(%arg9 : memref<10000xf32, #tpu.memory_space<vmem>>)
      tpu.yield
    }) : () -> ()
    %scan3A = arith.constant 0 : i32
    %scan3A_11 = arith.constant 625 : i32
    %scan3A_12 = arith.addi %scan3A, %scan3A_11 : i32
    %scan3A_13 = arith.constant 1 : i32
    scf.for %scan3A_70 = %scan3A to %scan3A_12 step %scan3A_13  : i32 {
      %mul3A_71 = arith.constant 16 : i32
      %mul3A_72 = arith.muli %scan3A_70, %mul3A_71 : i32
      %multiple_of3A_73 = tpu.assume_multiple %mul3A_72, 16 : i32
      %broadcast_in_dim3A = arith.constant 0.000000e+00 : f32
      %broadcast_in_dim3A_74 = vector.broadcast %broadcast_in_dim3A : f32 to vector<16xf32>
      %swap3A = arith.index_cast %multiple_of3A_73 : i32 to index
      %swap3A_75 = tpu.vector_load %arg10[%swap3A] {strides = array<i32>} : memref<10000xf32, #tpu.memory_space<vmem>>, vector<16xf32>,
      tpu.vector_store %arg10[%swap3A], %broadcast_in_dim3A_74 {strides = array<i32>} : memref<10000xf32, #tpu.memory_space<vmem>>, vector<16xf32>,
      %swap3A_76 = arith.index_cast %multiple_of3A_73 : i32 to index
      %swap3A_77 = tpu.vector_load %arg11[%swap3A_76] {strides = array<i32>} : memref<10000xf32, #tpu.memory_space<vmem>>, vector<16xf32>,
      tpu.vector_store %arg11[%swap3A_76], %broadcast_in_dim3A_74 {strides = array<i32>} : memref<10000xf32, #tpu.memory_space<vmem>>, vector<16xf32>,
      %swap3A_78 = arith.index_cast %multiple_of3A_73 : i32 to index
      %swap3A_79 = tpu.vector_load %arg12[%swap3A_78] {strides = array<i32>} : memref<10000xf32, #tpu.memory_space<vmem>>, vector<16xf32>,
      tpu.vector_store %arg12[%swap3A_78], %broadcast_in_dim3A_74 {strides = array<i32>} : memref<10000xf32, #tpu.memory_space<vmem>>, vector<16xf32>,
      %swap3A_80 = arith.index_cast %multiple_of3A_73 : i32 to index
      %swap3A_81 = tpu.vector_load %arg13[%swap3A_80] {strides = array<i32>} : memref<10000xf32, #tpu.memory_space<vmem>>, vector<16xf32>,
      tpu.vector_store %arg13[%swap3A_80], %broadcast_in_dim3A_74 {strides = array<i32>} : memref<10000xf32, #tpu.memory_space<vmem>>, vector<16xf32>,
    }
    %scan3A_14 = arith.constant 625 : i32
    %multiple_of3A = arith.constant 0 : i32
    %multiple_of3A_15 = tpu.assume_multiple %multiple_of3A, 3200 : i32
    %dma_start3A = arith.constant 0 : i32
    %dma_start3A_16 = arith.constant 0 : i32
    %dma_start3A_17 = tpu.memref_slice %arg14[%dma_start3A, %dma_start3A_16] : memref<2x3200xi32, #tpu.memory_space<vmem>> -> memref<1x3200xi32, #tpu.memory_space<vmem>>
    %dma_start3A_18 = tpu.memref_squeeze %dma_start3A_17 : memref<1x3200xi32, #tpu.memory_space<vmem>> -> memref<3200xi32, #tpu.memory_space<vmem>>
    %dma_start3A_19 = tpu.memref_slice %arg4[%multiple_of3A_15] : memref<320000xi32, #tpu.memory_space<hbm>> -> memref<3200xi32, #tpu.memory_space<hbm>>
    %dma_start3A_20 = arith.constant 0 : i32
    %dma_start3A_21 = tpu.memref_slice %arg14[%dma_start3A, %dma_start3A_20] : memref<2x3200xi32, #tpu.memory_space<vmem>> -> memref<1x3200xi32, #tpu.memory_space<vmem>>
    %dma_start3A_22 = tpu.memref_squeeze %dma_start3A_21 : memref<1x3200xi32, #tpu.memory_space<vmem>> -> memref<3200xi32, #tpu.memory_space<vmem>>
    %dma_start3A_23 = tpu.memref_slice %arg4[%multiple_of3A_15] : memref<320000xi32, #tpu.memory_space<hbm>> -> memref<3200xi32, #tpu.memory_space<hbm>>
    tpu.enqueue_dma source(%dma_start3A_23 : memref<3200xi32, #tpu.memory_space<hbm>>) target(%dma_start3A_22 : memref<3200xi32, #tpu.memory_space<vmem>>) target_semaphore(%arg16 : memref<!tpu.dma_semaphore, #tpu.memory_space<semaphore_mem>>)
    %dma_start3A_24 = arith.constant 0 : i32
    %dma_start3A_25 = arith.constant 0 : i32
    %dma_start3A_26 = arith.constant 0 : i32
    %dma_start3A_27 = tpu.memref_slice %arg15[%dma_start3A_24, %dma_start3A_25, %dma_start3A_26] : memref<2x4x3200xf32, #tpu.memory_space<vmem>> -> memref<1x4x3200xf32, #tpu.memory_space<vmem>>
    %dma_start3A_28 = tpu.memref_squeeze %dma_start3A_27 : memref<1x4x3200xf32, #tpu.memory_space<vmem>> -> memref<4x3200xf32, #tpu.memory_space<vmem>>
    %dma_start3A_29 = tpu.memref_slice %arg3[%mul3A_2, %multiple_of3A_15] : memref<128x320000xf32, #tpu.memory_space<hbm>> -> memref<4x3200xf32, #tpu.memory_space<hbm>>
    %dma_start3A_30 = arith.constant 0 : i32
    %dma_start3A_31 = arith.constant 0 : i32
    %dma_start3A_32 = tpu.memref_slice %arg15[%dma_start3A_24, %dma_start3A_30, %dma_start3A_31] : memref<2x4x3200xf32, #tpu.memory_space<vmem>> -> memref<1x4x3200xf32, #tpu.memory_space<vmem>>
    %dma_start3A_33 = tpu.memref_squeeze %dma_start3A_32 : memref<1x4x3200xf32, #tpu.memory_space<vmem>> -> memref<4x3200xf32, #tpu.memory_space<vmem>>
    %dma_start3A_34 = tpu.memref_slice %arg3[%mul3A_2, %multiple_of3A_15] : memref<128x320000xf32, #tpu.memory_space<hbm>> -> memref<4x3200xf32, #tpu.memory_space<hbm>>
    tpu.enqueue_dma source(%dma_start3A_34 : memref<4x3200xf32, #tpu.memory_space<hbm>>) target(%dma_start3A_33 : memref<4x3200xf32, #tpu.memory_space<vmem>>) target_semaphore(%arg18 : memref<!tpu.dma_semaphore, #tpu.memory_space<semaphore_mem>>)
    %multiple_of3A_35 = arith.constant 3200 : i32
    %multiple_of3A_36 = tpu.assume_multiple %multiple_of3A_35, 3200 : i32
    %dma_start3A_37 = arith.constant 1 : i32
    %dma_start3A_38 = arith.constant 0 : i32
    %dma_start3A_39 = tpu.memref_slice %arg14[%dma_start3A_37, %dma_start3A_38] : memref<2x3200xi32, #tpu.memory_space<vmem>> -> memref<1x3200xi32, #tpu.memory_space<vmem>>
    %dma_start3A_40 = tpu.memref_squeeze %dma_start3A_39 : memref<1x3200xi32, #tpu.memory_space<vmem>> -> memref<3200xi32, #tpu.memory_space<vmem>>
    %dma_start3A_41 = tpu.memref_slice %arg4[%multiple_of3A_36] : memref<320000xi32, #tpu.memory_space<hbm>> -> memref<3200xi32, #tpu.memory_space<hbm>>
    %dma_start3A_42 = arith.constant 0 : i32
    %dma_start3A_43 = tpu.memref_slice %arg14[%dma_start3A_37, %dma_start3A_42] : memref<2x3200xi32, #tpu.memory_space<vmem>> -> memref<1x3200xi32, #tpu.memory_space<vmem>>
    %dma_start3A_44 = tpu.memref_squeeze %dma_start3A_43 : memref<1x3200xi32, #tpu.memory_space<vmem>> -> memref<3200xi32, #tpu.memory_space<vmem>>
    %dma_start3A_45 = tpu.memref_slice %arg4[%multiple_of3A_36] : memref<320000xi32, #tpu.memory_space<hbm>> -> memref<3200xi32, #tpu.memory_space<hbm>>
    tpu.enqueue_dma source(%dma_start3A_45 : memref<3200xi32, #tpu.memory_space<hbm>>) target(%dma_start3A_44 : memref<3200xi32, #tpu.memory_space<vmem>>) target_semaphore(%arg17 : memref<!tpu.dma_semaphore, #tpu.memory_space<semaphore_mem>>)
    %dma_start3A_46 = arith.constant 1 : i32
    %dma_start3A_47 = arith.constant 0 : i32
    %dma_start3A_48 = arith.constant 0 : i32
    %dma_start3A_49 = tpu.memref_slice %arg15[%dma_start3A_46, %dma_start3A_47, %dma_start3A_48] : memref<2x4x3200xf32, #tpu.memory_space<vmem>> -> memref<1x4x3200xf32, #tpu.memory_space<vmem>>
    %dma_start3A_50 = tpu.memref_squeeze %dma_start3A_49 : memref<1x4x3200xf32, #tpu.memory_space<vmem>> -> memref<4x3200xf32, #tpu.memory_space<vmem>>
    %dma_start3A_51 = tpu.memref_slice %arg3[%mul3A_2, %multiple_of3A_36] : memref<128x320000xf32, #tpu.memory_space<hbm>> -> memref<4x3200xf32, #tpu.memory_space<hbm>>
    %dma_start3A_52 = arith.constant 0 : i32
    %dma_start3A_53 = arith.constant 0 : i32
    %dma_start3A_54 = tpu.memref_slice %arg15[%dma_start3A_46, %dma_start3A_52, %dma_start3A_53] : memref<2x4x3200xf32, #tpu.memory_space<vmem>> -> memref<1x4x3200xf32, #tpu.memory_space<vmem>>
    %dma_start3A_55 = tpu.memref_squeeze %dma_start3A_54 : memref<1x4x3200xf32, #tpu.memory_space<vmem>> -> memref<4x3200xf32, #tpu.memory_space<vmem>>
    %dma_start3A_56 = tpu.memref_slice %arg3[%mul3A_2, %multiple_of3A_36] : memref<128x320000xf32, #tpu.memory_space<hbm>> -> memref<4x3200xf32, #tpu.memory_space<hbm>>
    tpu.enqueue_dma source(%dma_start3A_56 : memref<4x3200xf32, #tpu.memory_space<hbm>>) target(%dma_start3A_55 : memref<4x3200xf32, #tpu.memory_space<vmem>>) target_semaphore(%arg19 : memref<!tpu.dma_semaphore, #tpu.memory_space<semaphore_mem>>)
    %scan3A_57 = arith.constant 0 : i32
    %scan3A_58 = arith.constant 50 : i32
    %scan3A_59 = arith.addi %scan3A_57, %scan3A_58 : i32
    %scan3A_60 = arith.constant 1 : i32
    scf.for %scan3A_70 = %scan3A_57 to %scan3A_59 step %scan3A_60  : i32 {
      %mul3A_71 = arith.constant 2 : i32
      %mul3A_72 = arith.muli %scan3A_70, %mul3A_71 : i32
      %add3A_73 = arith.constant 0 : i32
      %add3A_74 = arith.addi %mul3A_72, %add3A_73 : i32
      %dma_wait3A = arith.constant 0 : i32
      %dma_wait3A_75 = arith.constant 0 : i32
      %dma_wait3A_76 = tpu.memref_slice %arg14[%dma_wait3A, %dma_wait3A_75] : memref<2x3200xi32, #tpu.memory_space<vmem>> -> memref<1x3200xi32, #tpu.memory_space<vmem>>
      %dma_wait3A_77 = tpu.memref_squeeze %dma_wait3A_76 : memref<1x3200xi32, #tpu.memory_space<vmem>> -> memref<3200xi32, #tpu.memory_space<vmem>>
      %dma_wait3A_78 = arith.constant 0 : i32
      %dma_wait3A_79 = tpu.memref_slice %arg4[%dma_wait3A_78] : memref<320000xi32, #tpu.memory_space<hbm>> -> memref<3200xi32, #tpu.memory_space<hbm>>
      %dma_wait3A_80 = arith.constant 0 : i32
      %dma_wait3A_81 = tpu.memref_slice %arg14[%dma_wait3A, %dma_wait3A_80] : memref<2x3200xi32, #tpu.memory_space<vmem>> -> memref<1x3200xi32, #tpu.memory_space<vmem>>
      %dma_wait3A_82 = tpu.memref_squeeze %dma_wait3A_81 : memref<1x3200xi32, #tpu.memory_space<vmem>> -> memref<3200xi32, #tpu.memory_space<vmem>>
      %dma_wait3A_83 = arith.constant 0 : i32
      %dma_wait3A_84 = tpu.memref_slice %arg4[%dma_wait3A_83] : memref<320000xi32, #tpu.memory_space<hbm>> -> memref<3200xi32, #tpu.memory_space<hbm>>
      tpu.wait_dma2 semaphore(%arg16 : memref<!tpu.dma_semaphore, #tpu.memory_space<semaphore_mem>>) src(%dma_wait3A_84 : memref<3200xi32, #tpu.memory_space<hbm>>) dst(%dma_wait3A_82 : memref<3200xi32, #tpu.memory_space<vmem>>)
      %dma_wait3A_85 = arith.constant 0 : i32
      %dma_wait3A_86 = arith.constant 0 : i32
      %dma_wait3A_87 = arith.constant 0 : i32
      %dma_wait3A_88 = tpu.memref_slice %arg15[%dma_wait3A_85, %dma_wait3A_86, %dma_wait3A_87] : memref<2x4x3200xf32, #tpu.memory_space<vmem>> -> memref<1x4x3200xf32, #tpu.memory_space<vmem>>
      %dma_wait3A_89 = tpu.memref_squeeze %dma_wait3A_88 : memref<1x4x3200xf32, #tpu.memory_space<vmem>> -> memref<4x3200xf32, #tpu.memory_space<vmem>>
      %dma_wait3A_90 = arith.constant 0 : i32
      %dma_wait3A_91 = arith.constant 0 : i32
      %dma_wait3A_92 = tpu.memref_slice %arg3[%dma_wait3A_90, %dma_wait3A_91] : memref<128x320000xf32, #tpu.memory_space<hbm>> -> memref<4x3200xf32, #tpu.memory_space<hbm>>
      %dma_wait3A_93 = arith.constant 0 : i32
      %dma_wait3A_94 = arith.constant 0 : i32
      %dma_wait3A_95 = tpu.memref_slice %arg15[%dma_wait3A_85, %dma_wait3A_93, %dma_wait3A_94] : memref<2x4x3200xf32, #tpu.memory_space<vmem>> -> memref<1x4x3200xf32, #tpu.memory_space<vmem>>
      %dma_wait3A_96 = tpu.memref_squeeze %dma_wait3A_95 : memref<1x4x3200xf32, #tpu.memory_space<vmem>> -> memref<4x3200xf32, #tpu.memory_space<vmem>>
      %dma_wait3A_97 = arith.constant 0 : i32
      %dma_wait3A_98 = arith.constant 0 : i32
      %dma_wait3A_99 = tpu.memref_slice %arg3[%dma_wait3A_97, %dma_wait3A_98] : memref<128x320000xf32, #tpu.memory_space<hbm>> -> memref<4x3200xf32, #tpu.memory_space<hbm>>
      tpu.wait_dma2 semaphore(%arg18 : memref<!tpu.dma_semaphore, #tpu.memory_space<semaphore_mem>>) src(%dma_wait3A_99 : memref<4x3200xf32, #tpu.memory_space<hbm>>) dst(%dma_wait3A_96 : memref<4x3200xf32, #tpu.memory_space<vmem>>)
      %parallel_loop3A = arith.constant 0 : i32
      %parallel_loop3A_100 = arith.constant 200 : i32
      %parallel_loop3A_101 = arith.constant 1 : i32
      scf.for %parallel_loop3A_146 = %parallel_loop3A to %parallel_loop3A_100 step %parallel_loop3A_101  : i32 {
        %parallel_loop3A_147 = arith.constant 16 : i32
        %parallel_loop3A_148 = arith.muli %parallel_loop3A_146, %parallel_loop3A_147 : i32
        %parallel_loop3A_149 = tpu.assume_multiple %parallel_loop3A_148, 16 : i32
        %parallel_loop3A_150 = arith.constant 0 : i32
        %parallel_loop3A_151 = arith.index_cast %parallel_loop3A_150 : i32 to index
        %parallel_loop3A_152 = arith.index_cast %parallel_loop3A_149 : i32 to index
        %parallel_loop3A_153 = tpu.vector_load %arg14[%parallel_loop3A_151, %parallel_loop3A_152] {strides = array<i32>} : memref<2x3200xi32, #tpu.memory_space<vmem>>, vector<16xi32>,
        %parallel_loop3A_154 = arith.constant 65535 : i32
        %parallel_loop3A_155 = vector.broadcast %parallel_loop3A_154 : i32 to vector<16xi32>
        %parallel_loop3A_156 = arith.andi %parallel_loop3A_153, %parallel_loop3A_155 : vector<16xi32>
        %parallel_loop3A_157 = arith.constant 16 : i32
        %parallel_loop3A_158 = vector.broadcast %parallel_loop3A_157 : i32 to vector<16xi32>
        %parallel_loop3A_159 = arith.shrui %parallel_loop3A_153, %parallel_loop3A_158 : vector<16xi32>
        %parallel_loop3A_160 = arith.constant 0 : i32
        %parallel_loop3A_161 = arith.constant 0 : i32
        %parallel_loop3A_162 = arith.index_cast %parallel_loop3A_160 : i32 to index
        %parallel_loop3A_163 = arith.index_cast %parallel_loop3A_161 : i32 to index
        %parallel_loop3A_164 = arith.index_cast %parallel_loop3A_149 : i32 to index
        %parallel_loop3A_165 = tpu.vector_load %arg15[%parallel_loop3A_162, %parallel_loop3A_163, %parallel_loop3A_164] {strides = array<i32>} : memref<2x4x3200xf32, #tpu.memory_space<vmem>>, vector<16xf32>,
        %parallel_loop3A_166 = tpu.vector_load_idx %arg6[%parallel_loop3A_156] : memref<10000xf32, #tpu.memory_space<vmem>>[vector<16xi32>], vector<16xf32>,
        %parallel_loop3A_167 = arith.addf %parallel_loop3A_166, %parallel_loop3A_165 : vector<16xf32>
        %parallel_loop3A_168 = arith.constant 0.000000e+00 : f32
        %parallel_loop3A_169 = vector.broadcast %parallel_loop3A_168 : f32 to vector<16xf32>
        %parallel_loop3A_170 = arith.maximumf %parallel_loop3A_167, %parallel_loop3A_169 : vector<16xf32>
        tpu.vector_store_idx %arg10[%parallel_loop3A_159], %parallel_loop3A_170 {add = true} : memref<10000xf32, #tpu.memory_space<vmem>>[vector<16xi32>], vector<16xf32>,
        %parallel_loop3A_171 = arith.constant 0 : i32
        %parallel_loop3A_172 = arith.constant 1 : i32
        %parallel_loop3A_173 = arith.index_cast %parallel_loop3A_171 : i32 to index
        %parallel_loop3A_174 = arith.index_cast %parallel_loop3A_172 : i32 to index
        %parallel_loop3A_175 = arith.index_cast %parallel_loop3A_149 : i32 to index
        %parallel_loop3A_176 = tpu.vector_load %arg15[%parallel_loop3A_173, %parallel_loop3A_174, %parallel_loop3A_175] {strides = array<i32>} : memref<2x4x3200xf32, #tpu.memory_space<vmem>>, vector<16xf32>,
        %parallel_loop3A_177 = tpu.vector_load_idx %arg7[%parallel_loop3A_156] : memref<10000xf32, #tpu.memory_space<vmem>>[vector<16xi32>], vector<16xf32>,
        %parallel_loop3A_178 = arith.addf %parallel_loop3A_177, %parallel_loop3A_176 : vector<16xf32>
        %parallel_loop3A_179 = arith.constant 0.000000e+00 : f32
        %parallel_loop3A_180 = vector.broadcast %parallel_loop3A_179 : f32 to vector<16xf32>
        %parallel_loop3A_181 = arith.maximumf %parallel_loop3A_178, %parallel_loop3A_180 : vector<16xf32>
        tpu.vector_store_idx %arg11[%parallel_loop3A_159], %parallel_loop3A_181 {add = true} : memref<10000xf32, #tpu.memory_space<vmem>>[vector<16xi32>], vector<16xf32>,
        %parallel_loop3A_182 = arith.constant 0 : i32
        %parallel_loop3A_183 = arith.constant 2 : i32
        %parallel_loop3A_184 = arith.index_cast %parallel_loop3A_182 : i32 to index
        %parallel_loop3A_185 = arith.index_cast %parallel_loop3A_183 : i32 to index
        %parallel_loop3A_186 = arith.index_cast %parallel_loop3A_149 : i32 to index
        %parallel_loop3A_187 = tpu.vector_load %arg15[%parallel_loop3A_184, %parallel_loop3A_185, %parallel_loop3A_186] {strides = array<i32>} : memref<2x4x3200xf32, #tpu.memory_space<vmem>>, vector<16xf32>,
        %parallel_loop3A_188 = tpu.vector_load_idx %arg8[%parallel_loop3A_156] : memref<10000xf32, #tpu.memory_space<vmem>>[vector<16xi32>], vector<16xf32>,
        %parallel_loop3A_189 = arith.addf %parallel_loop3A_188, %parallel_loop3A_187 : vector<16xf32>
        %parallel_loop3A_190 = arith.constant 0.000000e+00 : f32
        %parallel_loop3A_191 = vector.broadcast %parallel_loop3A_190 : f32 to vector<16xf32>
        %parallel_loop3A_192 = arith.maximumf %parallel_loop3A_189, %parallel_loop3A_191 : vector<16xf32>
        tpu.vector_store_idx %arg12[%parallel_loop3A_159], %parallel_loop3A_192 {add = true} : memref<10000xf32, #tpu.memory_space<vmem>>[vector<16xi32>], vector<16xf32>,
        %parallel_loop3A_193 = arith.constant 0 : i32
        %parallel_loop3A_194 = arith.constant 3 : i32
        %parallel_loop3A_195 = arith.index_cast %parallel_loop3A_193 : i32 to index
        %parallel_loop3A_196 = arith.index_cast %parallel_loop3A_194 : i32 to index
        %parallel_loop3A_197 = arith.index_cast %parallel_loop3A_149 : i32 to index
        %parallel_loop3A_198 = tpu.vector_load %arg15[%parallel_loop3A_195, %parallel_loop3A_196, %parallel_loop3A_197] {strides = array<i32>} : memref<2x4x3200xf32, #tpu.memory_space<vmem>>, vector<16xf32>,
        %parallel_loop3A_199 = tpu.vector_load_idx %arg9[%parallel_loop3A_156] : memref<10000xf32, #tpu.memory_space<vmem>>[vector<16xi32>], vector<16xf32>,
        %parallel_loop3A_200 = arith.addf %parallel_loop3A_199, %parallel_loop3A_198 : vector<16xf32>
        %parallel_loop3A_201 = arith.constant 0.000000e+00 : f32
        %parallel_loop3A_202 = vector.broadcast %parallel_loop3A_201 : f32 to vector<16xf32>
        %parallel_loop3A_203 = arith.maximumf %parallel_loop3A_200, %parallel_loop3A_202 : vector<16xf32>
        tpu.vector_store_idx %arg13[%parallel_loop3A_159], %parallel_loop3A_203 {add = true} : memref<10000xf32, #tpu.memory_space<vmem>>[vector<16xi32>], vector<16xf32>,
      } {sc.loop_unroll_factor = 8 : i64, sc.parallel_access}
      %add3A_102 = arith.constant 2 : i32
      %add3A_103 = arith.addi %add3A_74, %add3A_102 : i32
      %lt3A = arith.constant 100 : i32
      %lt3A_104 = arith.cmpi slt, %add3A_103, %lt3A : i32
      %convert_element_type3A = arith.extui %lt3A_104 : i1 to i32
      %cond3A = arith.constant 0 : i32
      %cond3A_105 = arith.cmpi ne, %convert_element_type3A, %cond3A : i32
      scf.if %cond3A_105 {
        %add3A_146 = arith.constant 2 : i32
        %add3A_147 = arith.addi %add3A_74, %add3A_146 : i32
        %mul3A_148 = arith.constant 3200 : i32
        %mul3A_149 = arith.muli %add3A_147, %mul3A_148 : i32
        %multiple_of3A_150 = tpu.assume_multiple %mul3A_149, 3200 : i32
        %dma_start3A_151 = arith.constant 0 : i32
        %dma_start3A_152 = arith.constant 0 : i32
        %dma_start3A_153 = tpu.memref_slice %arg14[%dma_start3A_151, %dma_start3A_152] : memref<2x3200xi32, #tpu.memory_space<vmem>> -> memref<1x3200xi32, #tpu.memory_space<vmem>>
        %dma_start3A_154 = tpu.memref_squeeze %dma_start3A_153 : memref<1x3200xi32, #tpu.memory_space<vmem>> -> memref<3200xi32, #tpu.memory_space<vmem>>
        %dma_start3A_155 = tpu.memref_slice %arg4[%multiple_of3A_150] : memref<320000xi32, #tpu.memory_space<hbm>> -> memref<3200xi32, #tpu.memory_space<hbm>>
        %dma_start3A_156 = arith.constant 0 : i32
        %dma_start3A_157 = tpu.memref_slice %arg14[%dma_start3A_151, %dma_start3A_156] : memref<2x3200xi32, #tpu.memory_space<vmem>> -> memref<1x3200xi32, #tpu.memory_space<vmem>>
        %dma_start3A_158 = tpu.memref_squeeze %dma_start3A_157 : memref<1x3200xi32, #tpu.memory_space<vmem>> -> memref<3200xi32, #tpu.memory_space<vmem>>
        %dma_start3A_159 = tpu.memref_slice %arg4[%multiple_of3A_150] : memref<320000xi32, #tpu.memory_space<hbm>> -> memref<3200xi32, #tpu.memory_space<hbm>>
        tpu.enqueue_dma source(%dma_start3A_159 : memref<3200xi32, #tpu.memory_space<hbm>>) target(%dma_start3A_158 : memref<3200xi32, #tpu.memory_space<vmem>>) target_semaphore(%arg16 : memref<!tpu.dma_semaphore, #tpu.memory_space<semaphore_mem>>)
        %dma_start3A_160 = arith.constant 0 : i32
        %dma_start3A_161 = arith.constant 0 : i32
        %dma_start3A_162 = arith.constant 0 : i32
        %dma_start3A_163 = tpu.memref_slice %arg15[%dma_start3A_160, %dma_start3A_161, %dma_start3A_162] : memref<2x4x3200xf32, #tpu.memory_space<vmem>> -> memref<1x4x3200xf32, #tpu.memory_space<vmem>>
        %dma_start3A_164 = tpu.memref_squeeze %dma_start3A_163 : memref<1x4x3200xf32, #tpu.memory_space<vmem>> -> memref<4x3200xf32, #tpu.memory_space<vmem>>
        %dma_start3A_165 = tpu.memref_slice %arg3[%mul3A_2, %multiple_of3A_150] : memref<128x320000xf32, #tpu.memory_space<hbm>> -> memref<4x3200xf32, #tpu.memory_space<hbm>>
        %dma_start3A_166 = arith.constant 0 : i32
        %dma_start3A_167 = arith.constant 0 : i32
        %dma_start3A_168 = tpu.memref_slice %arg15[%dma_start3A_160, %dma_start3A_166, %dma_start3A_167] : memref<2x4x3200xf32, #tpu.memory_space<vmem>> -> memref<1x4x3200xf32, #tpu.memory_space<vmem>>
        %dma_start3A_169 = tpu.memref_squeeze %dma_start3A_168 : memref<1x4x3200xf32, #tpu.memory_space<vmem>> -> memref<4x3200xf32, #tpu.memory_space<vmem>>
        %dma_start3A_170 = tpu.memref_slice %arg3[%mul3A_2, %multiple_of3A_150] : memref<128x320000xf32, #tpu.memory_space<hbm>> -> memref<4x3200xf32, #tpu.memory_space<hbm>>
        tpu.enqueue_dma source(%dma_start3A_170 : memref<4x3200xf32, #tpu.memory_space<hbm>>) target(%dma_start3A_169 : memref<4x3200xf32, #tpu.memory_space<vmem>>) target_semaphore(%arg18 : memref<!tpu.dma_semaphore, #tpu.memory_space<semaphore_mem>>)
      } else {
      }
      %mul3A_106 = arith.constant 2 : i32
      %mul3A_107 = arith.muli %scan3A_70, %mul3A_106 : i32
      %add3A_108 = arith.constant 1 : i32
      %add3A_109 = arith.addi %mul3A_107, %add3A_108 : i32
      %dma_wait3A_110 = arith.constant 1 : i32
      %dma_wait3A_111 = arith.constant 0 : i32
      %dma_wait3A_112 = tpu.memref_slice %arg14[%dma_wait3A_110, %dma_wait3A_111] : memref<2x3200xi32, #tpu.memory_space<vmem>> -> memref<1x3200xi32, #tpu.memory_space<vmem>>
      %dma_wait3A_113 = tpu.memref_squeeze %dma_wait3A_112 : memref<1x3200xi32, #tpu.memory_space<vmem>> -> memref<3200xi32, #tpu.memory_space<vmem>>
      %dma_wait3A_114 = arith.constant 0 : i32
      %dma_wait3A_115 = tpu.memref_slice %arg4[%dma_wait3A_114] : memref<320000xi32, #tpu.memory_space<hbm>> -> memref<3200xi32, #tpu.memory_space<hbm>>
      %dma_wait3A_116 = arith.constant 0 : i32
      %dma_wait3A_117 = tpu.memref_slice %arg14[%dma_wait3A_110, %dma_wait3A_116] : memref<2x3200xi32, #tpu.memory_space<vmem>> -> memref<1x3200xi32, #tpu.memory_space<vmem>>
      %dma_wait3A_118 = tpu.memref_squeeze %dma_wait3A_117 : memref<1x3200xi32, #tpu.memory_space<vmem>> -> memref<3200xi32, #tpu.memory_space<vmem>>
      %dma_wait3A_119 = arith.constant 0 : i32
      %dma_wait3A_120 = tpu.memref_slice %arg4[%dma_wait3A_119] : memref<320000xi32, #tpu.memory_space<hbm>> -> memref<3200xi32, #tpu.memory_space<hbm>>
      tpu.wait_dma2 semaphore(%arg17 : memref<!tpu.dma_semaphore, #tpu.memory_space<semaphore_mem>>) src(%dma_wait3A_120 : memref<3200xi32, #tpu.memory_space<hbm>>) dst(%dma_wait3A_118 : memref<3200xi32, #tpu.memory_space<vmem>>)
      %dma_wait3A_121 = arith.constant 1 : i32
      %dma_wait3A_122 = arith.constant 0 : i32
      %dma_wait3A_123 = arith.constant 0 : i32
      %dma_wait3A_124 = tpu.memref_slice %arg15[%dma_wait3A_121, %dma_wait3A_122, %dma_wait3A_123] : memref<2x4x3200xf32, #tpu.memory_space<vmem>> -> memref<1x4x3200xf32, #tpu.memory_space<vmem>>
      %dma_wait3A_125 = tpu.memref_squeeze %dma_wait3A_124 : memref<1x4x3200xf32, #tpu.memory_space<vmem>> -> memref<4x3200xf32, #tpu.memory_space<vmem>>
      %dma_wait3A_126 = arith.constant 0 : i32
      %dma_wait3A_127 = arith.constant 0 : i32
      %dma_wait3A_128 = tpu.memref_slice %arg3[%dma_wait3A_126, %dma_wait3A_127] : memref<128x320000xf32, #tpu.memory_space<hbm>> -> memref<4x3200xf32, #tpu.memory_space<hbm>>
      %dma_wait3A_129 = arith.constant 0 : i32
      %dma_wait3A_130 = arith.constant 0 : i32
      %dma_wait3A_131 = tpu.memref_slice %arg15[%dma_wait3A_121, %dma_wait3A_129, %dma_wait3A_130] : memref<2x4x3200xf32, #tpu.memory_space<vmem>> -> memref<1x4x3200xf32, #tpu.memory_space<vmem>>
      %dma_wait3A_132 = tpu.memref_squeeze %dma_wait3A_131 : memref<1x4x3200xf32, #tpu.memory_space<vmem>> -> memref<4x3200xf32, #tpu.memory_space<vmem>>
      %dma_wait3A_133 = arith.constant 0 : i32
      %dma_wait3A_134 = arith.constant 0 : i32
      %dma_wait3A_135 = tpu.memref_slice %arg3[%dma_wait3A_133, %dma_wait3A_134] : memref<128x320000xf32, #tpu.memory_space<hbm>> -> memref<4x3200xf32, #tpu.memory_space<hbm>>
      tpu.wait_dma2 semaphore(%arg19 : memref<!tpu.dma_semaphore, #tpu.memory_space<semaphore_mem>>) src(%dma_wait3A_135 : memref<4x3200xf32, #tpu.memory_space<hbm>>) dst(%dma_wait3A_132 : memref<4x3200xf32, #tpu.memory_space<vmem>>)
      %parallel_loop3A_136 = arith.constant 0 : i32
      %parallel_loop3A_137 = arith.constant 200 : i32
      %parallel_loop3A_138 = arith.constant 1 : i32
      scf.for %parallel_loop3A_146 = %parallel_loop3A_136 to %parallel_loop3A_137 step %parallel_loop3A_138  : i32 {
        %parallel_loop3A_147 = arith.constant 16 : i32
        %parallel_loop3A_148 = arith.muli %parallel_loop3A_146, %parallel_loop3A_147 : i32
        %parallel_loop3A_149 = tpu.assume_multiple %parallel_loop3A_148, 16 : i32
        %parallel_loop3A_150 = arith.constant 1 : i32
        %parallel_loop3A_151 = arith.index_cast %parallel_loop3A_150 : i32 to index
        %parallel_loop3A_152 = arith.index_cast %parallel_loop3A_149 : i32 to index
        %parallel_loop3A_153 = tpu.vector_load %arg14[%parallel_loop3A_151, %parallel_loop3A_152] {strides = array<i32>} : memref<2x3200xi32, #tpu.memory_space<vmem>>, vector<16xi32>,
        %parallel_loop3A_154 = arith.constant 65535 : i32
        %parallel_loop3A_155 = vector.broadcast %parallel_loop3A_154 : i32 to vector<16xi32>
        %parallel_loop3A_156 = arith.andi %parallel_loop3A_153, %parallel_loop3A_155 : vector<16xi32>
        %parallel_loop3A_157 = arith.constant 16 : i32
        %parallel_loop3A_158 = vector.broadcast %parallel_loop3A_157 : i32 to vector<16xi32>
        %parallel_loop3A_159 = arith.shrui %parallel_loop3A_153, %parallel_loop3A_158 : vector<16xi32>
        %parallel_loop3A_160 = arith.constant 1 : i32
        %parallel_loop3A_161 = arith.constant 0 : i32
        %parallel_loop3A_162 = arith.index_cast %parallel_loop3A_160 : i32 to index
        %parallel_loop3A_163 = arith.index_cast %parallel_loop3A_161 : i32 to index
        %parallel_loop3A_164 = arith.index_cast %parallel_loop3A_149 : i32 to index
        %parallel_loop3A_165 = tpu.vector_load %arg15[%parallel_loop3A_162, %parallel_loop3A_163, %parallel_loop3A_164] {strides = array<i32>} : memref<2x4x3200xf32, #tpu.memory_space<vmem>>, vector<16xf32>,
        %parallel_loop3A_166 = tpu.vector_load_idx %arg6[%parallel_loop3A_156] : memref<10000xf32, #tpu.memory_space<vmem>>[vector<16xi32>], vector<16xf32>,
        %parallel_loop3A_167 = arith.addf %parallel_loop3A_166, %parallel_loop3A_165 : vector<16xf32>
        %parallel_loop3A_168 = arith.constant 0.000000e+00 : f32
        %parallel_loop3A_169 = vector.broadcast %parallel_loop3A_168 : f32 to vector<16xf32>
        %parallel_loop3A_170 = arith.maximumf %parallel_loop3A_167, %parallel_loop3A_169 : vector<16xf32>
        tpu.vector_store_idx %arg10[%parallel_loop3A_159], %parallel_loop3A_170 {add = true} : memref<10000xf32, #tpu.memory_space<vmem>>[vector<16xi32>], vector<16xf32>,
        %parallel_loop3A_171 = arith.constant 1 : i32
        %parallel_loop3A_172 = arith.constant 1 : i32
        %parallel_loop3A_173 = arith.index_cast %parallel_loop3A_171 : i32 to index
        %parallel_loop3A_174 = arith.index_cast %parallel_loop3A_172 : i32 to index
        %parallel_loop3A_175 = arith.index_cast %parallel_loop3A_149 : i32 to index
        %parallel_loop3A_176 = tpu.vector_load %arg15[%parallel_loop3A_173, %parallel_loop3A_174, %parallel_loop3A_175] {strides = array<i32>} : memref<2x4x3200xf32, #tpu.memory_space<vmem>>, vector<16xf32>,
        %parallel_loop3A_177 = tpu.vector_load_idx %arg7[%parallel_loop3A_156] : memref<10000xf32, #tpu.memory_space<vmem>>[vector<16xi32>], vector<16xf32>,
        %parallel_loop3A_178 = arith.addf %parallel_loop3A_177, %parallel_loop3A_176 : vector<16xf32>
        %parallel_loop3A_179 = arith.constant 0.000000e+00 : f32
        %parallel_loop3A_180 = vector.broadcast %parallel_loop3A_179 : f32 to vector<16xf32>
        %parallel_loop3A_181 = arith.maximumf %parallel_loop3A_178, %parallel_loop3A_180 : vector<16xf32>
        tpu.vector_store_idx %arg11[%parallel_loop3A_159], %parallel_loop3A_181 {add = true} : memref<10000xf32, #tpu.memory_space<vmem>>[vector<16xi32>], vector<16xf32>,
        %parallel_loop3A_182 = arith.constant 1 : i32
        %parallel_loop3A_183 = arith.constant 2 : i32
        %parallel_loop3A_184 = arith.index_cast %parallel_loop3A_182 : i32 to index
        %parallel_loop3A_185 = arith.index_cast %parallel_loop3A_183 : i32 to index
        %parallel_loop3A_186 = arith.index_cast %parallel_loop3A_149 : i32 to index
        %parallel_loop3A_187 = tpu.vector_load %arg15[%parallel_loop3A_184, %parallel_loop3A_185, %parallel_loop3A_186] {strides = array<i32>} : memref<2x4x3200xf32, #tpu.memory_space<vmem>>, vector<16xf32>,
        %parallel_loop3A_188 = tpu.vector_load_idx %arg8[%parallel_loop3A_156] : memref<10000xf32, #tpu.memory_space<vmem>>[vector<16xi32>], vector<16xf32>,
        %parallel_loop3A_189 = arith.addf %parallel_loop3A_188, %parallel_loop3A_187 : vector<16xf32>
        %parallel_loop3A_190 = arith.constant 0.000000e+00 : f32
        %parallel_loop3A_191 = vector.broadcast %parallel_loop3A_190 : f32 to vector<16xf32>
        %parallel_loop3A_192 = arith.maximumf %parallel_loop3A_189, %parallel_loop3A_191 : vector<16xf32>
        tpu.vector_store_idx %arg12[%parallel_loop3A_159], %parallel_loop3A_192 {add = true} : memref<10000xf32, #tpu.memory_space<vmem>>[vector<16xi32>], vector<16xf32>,
        %parallel_loop3A_193 = arith.constant 1 : i32
        %parallel_loop3A_194 = arith.constant 3 : i32
        %parallel_loop3A_195 = arith.index_cast %parallel_loop3A_193 : i32 to index
        %parallel_loop3A_196 = arith.index_cast %parallel_loop3A_194 : i32 to index
        %parallel_loop3A_197 = arith.index_cast %parallel_loop3A_149 : i32 to index
        %parallel_loop3A_198 = tpu.vector_load %arg15[%parallel_loop3A_195, %parallel_loop3A_196, %parallel_loop3A_197] {strides = array<i32>} : memref<2x4x3200xf32, #tpu.memory_space<vmem>>, vector<16xf32>,
        %parallel_loop3A_199 = tpu.vector_load_idx %arg9[%parallel_loop3A_156] : memref<10000xf32, #tpu.memory_space<vmem>>[vector<16xi32>], vector<16xf32>,
        %parallel_loop3A_200 = arith.addf %parallel_loop3A_199, %parallel_loop3A_198 : vector<16xf32>
        %parallel_loop3A_201 = arith.constant 0.000000e+00 : f32
        %parallel_loop3A_202 = vector.broadcast %parallel_loop3A_201 : f32 to vector<16xf32>
        %parallel_loop3A_203 = arith.maximumf %parallel_loop3A_200, %parallel_loop3A_202 : vector<16xf32>
        tpu.vector_store_idx %arg13[%parallel_loop3A_159], %parallel_loop3A_203 {add = true} : memref<10000xf32, #tpu.memory_space<vmem>>[vector<16xi32>], vector<16xf32>,
      } {sc.loop_unroll_factor = 8 : i64, sc.parallel_access}
      %add3A_139 = arith.constant 2 : i32
      %add3A_140 = arith.addi %add3A_109, %add3A_139 : i32
      %lt3A_141 = arith.constant 100 : i32
      %lt3A_142 = arith.cmpi slt, %add3A_140, %lt3A_141 : i32
      %convert_element_type3A_143 = arith.extui %lt3A_142 : i1 to i32
      %cond3A_144 = arith.constant 0 : i32
      %cond3A_145 = arith.cmpi ne, %convert_element_type3A_143, %cond3A_144 : i32
      scf.if %cond3A_145 {
        %add3A_146 = arith.constant 2 : i32
        %add3A_147 = arith.addi %add3A_109, %add3A_146 : i32
        %mul3A_148 = arith.constant 3200 : i32
        %mul3A_149 = arith.muli %add3A_147, %mul3A_148 : i32
        %multiple_of3A_150 = tpu.assume_multiple %mul3A_149, 3200 : i32
        %dma_start3A_151 = arith.constant 1 : i32
        %dma_start3A_152 = arith.constant 0 : i32
        %dma_start3A_153 = tpu.memref_slice %arg14[%dma_start3A_151, %dma_start3A_152] : memref<2x3200xi32, #tpu.memory_space<vmem>> -> memref<1x3200xi32, #tpu.memory_space<vmem>>
        %dma_start3A_154 = tpu.memref_squeeze %dma_start3A_153 : memref<1x3200xi32, #tpu.memory_space<vmem>> -> memref<3200xi32, #tpu.memory_space<vmem>>
        %dma_start3A_155 = tpu.memref_slice %arg4[%multiple_of3A_150] : memref<320000xi32, #tpu.memory_space<hbm>> -> memref<3200xi32, #tpu.memory_space<hbm>>
        %dma_start3A_156 = arith.constant 0 : i32
        %dma_start3A_157 = tpu.memref_slice %arg14[%dma_start3A_151, %dma_start3A_156] : memref<2x3200xi32, #tpu.memory_space<vmem>> -> memref<1x3200xi32, #tpu.memory_space<vmem>>
        %dma_start3A_158 = tpu.memref_squeeze %dma_start3A_157 : memref<1x3200xi32, #tpu.memory_space<vmem>> -> memref<3200xi32, #tpu.memory_space<vmem>>
        %dma_start3A_159 = tpu.memref_slice %arg4[%multiple_of3A_150] : memref<320000xi32, #tpu.memory_space<hbm>> -> memref<3200xi32, #tpu.memory_space<hbm>>
        tpu.enqueue_dma source(%dma_start3A_159 : memref<3200xi32, #tpu.memory_space<hbm>>) target(%dma_start3A_158 : memref<3200xi32, #tpu.memory_space<vmem>>) target_semaphore(%arg17 : memref<!tpu.dma_semaphore, #tpu.memory_space<semaphore_mem>>)
        %dma_start3A_160 = arith.constant 1 : i32
        %dma_start3A_161 = arith.constant 0 : i32
        %dma_start3A_162 = arith.constant 0 : i32
        %dma_start3A_163 = tpu.memref_slice %arg15[%dma_start3A_160, %dma_start3A_161, %dma_start3A_162] : memref<2x4x3200xf32, #tpu.memory_space<vmem>> -> memref<1x4x3200xf32, #tpu.memory_space<vmem>>
        %dma_start3A_164 = tpu.memref_squeeze %dma_start3A_163 : memref<1x4x3200xf32, #tpu.memory_space<vmem>> -> memref<4x3200xf32, #tpu.memory_space<vmem>>
        %dma_start3A_165 = tpu.memref_slice %arg3[%mul3A_2, %multiple_of3A_150] : memref<128x320000xf32, #tpu.memory_space<hbm>> -> memref<4x3200xf32, #tpu.memory_space<hbm>>
        %dma_start3A_166 = arith.constant 0 : i32
        %dma_start3A_167 = arith.constant 0 : i32
        %dma_start3A_168 = tpu.memref_slice %arg15[%dma_start3A_160, %dma_start3A_166, %dma_start3A_167] : memref<2x4x3200xf32, #tpu.memory_space<vmem>> -> memref<1x4x3200xf32, #tpu.memory_space<vmem>>
        %dma_start3A_169 = tpu.memref_squeeze %dma_start3A_168 : memref<1x4x3200xf32, #tpu.memory_space<vmem>> -> memref<4x3200xf32, #tpu.memory_space<vmem>>
        %dma_start3A_170 = tpu.memref_slice %arg3[%mul3A_2, %multiple_of3A_150] : memref<128x320000xf32, #tpu.memory_space<hbm>> -> memref<4x3200xf32, #tpu.memory_space<hbm>>
        tpu.enqueue_dma source(%dma_start3A_170 : memref<4x3200xf32, #tpu.memory_space<hbm>>) target(%dma_start3A_169 : memref<4x3200xf32, #tpu.memory_space<vmem>>) target_semaphore(%arg19 : memref<!tpu.dma_semaphore, #tpu.memory_space<semaphore_mem>>)
      } else {
      }
    }
    %scan3A_61 = arith.constant 50 : i32
    %add3A_62 = arith.constant 0 : i32
    %add3A_63 = arith.addi %mul3A_2, %add3A_62 : i32
    "tpu.region"() ({
      %run_scoped3A = tpu.sem_alloc : memref<!tpu.dma_semaphore, #tpu.memory_space<semaphore_mem>>
      %dma_start3A_70 = arith.constant 0 : i32
      %dma_start3A_71 = tpu.memref_slice %arg5[%add3A_63, %dma_start3A_70] : memref<128x10000xf32, #tpu.memory_space<hbm>> -> memref<1x10000xf32, #tpu.memory_space<hbm>>
      %dma_start3A_72 = tpu.memref_squeeze %dma_start3A_71 : memref<1x10000xf32, #tpu.memory_space<hbm>> -> memref<10000xf32, #tpu.memory_space<hbm>>
      %dma_start3A_73 = arith.constant 0 : i32
      %dma_start3A_74 = tpu.memref_slice %arg5[%add3A_63, %dma_start3A_73] : memref<128x10000xf32, #tpu.memory_space<hbm>> -> memref<1x10000xf32, #tpu.memory_space<hbm>>
      %dma_start3A_75 = tpu.memref_squeeze %dma_start3A_74 : memref<1x10000xf32, #tpu.memory_space<hbm>> -> memref<10000xf32, #tpu.memory_space<hbm>>
      tpu.enqueue_dma source(%arg10 : memref<10000xf32, #tpu.memory_space<vmem>>) target(%dma_start3A_75 : memref<10000xf32, #tpu.memory_space<hbm>>) target_semaphore(%run_scoped3A : memref<!tpu.dma_semaphore, #tpu.memory_space<semaphore_mem>>)
      %dma_wait3A = arith.constant 0 : i32
      %dma_wait3A_76 = tpu.memref_slice %arg5[%add3A_63, %dma_wait3A] : memref<128x10000xf32, #tpu.memory_space<hbm>> -> memref<1x10000xf32, #tpu.memory_space<hbm>>
      %dma_wait3A_77 = tpu.memref_squeeze %dma_wait3A_76 : memref<1x10000xf32, #tpu.memory_space<hbm>> -> memref<10000xf32, #tpu.memory_space<hbm>>
      %dma_wait3A_78 = arith.constant 0 : i32
      %dma_wait3A_79 = tpu.memref_slice %arg5[%add3A_63, %dma_wait3A_78] : memref<128x10000xf32, #tpu.memory_space<hbm>> -> memref<1x10000xf32, #tpu.memory_space<hbm>>
      %dma_wait3A_80 = tpu.memref_squeeze %dma_wait3A_79 : memref<1x10000xf32, #tpu.memory_space<hbm>> -> memref<10000xf32, #tpu.memory_space<hbm>>
      tpu.wait_dma2 semaphore(%run_scoped3A : memref<!tpu.dma_semaphore, #tpu.memory_space<semaphore_mem>>) src(%arg10 : memref<10000xf32, #tpu.memory_space<vmem>>) dst(%dma_wait3A_80 : memref<10000xf32, #tpu.memory_space<hbm>>)
      tpu.yield
    }) : () -> ()
    %add3A_64 = arith.constant 1 : i32
    %add3A_65 = arith.addi %mul3A_2, %add3A_64 : i32
    "tpu.region"() ({
      %run_scoped3A = tpu.sem_alloc : memref<!tpu.dma_semaphore, #tpu.memory_space<semaphore_mem>>
      %dma_start3A_70 = arith.constant 0 : i32
      %dma_start3A_71 = tpu.memref_slice %arg5[%add3A_65, %dma_start3A_70] : memref<128x10000xf32, #tpu.memory_space<hbm>> -> memref<1x10000xf32, #tpu.memory_space<hbm>>
      %dma_start3A_72 = tpu.memref_squeeze %dma_start3A_71 : memref<1x10000xf32, #tpu.memory_space<hbm>> -> memref<10000xf32, #tpu.memory_space<hbm>>
      %dma_start3A_73 = arith.constant 0 : i32
      %dma_start3A_74 = tpu.memref_slice %arg5[%add3A_65, %dma_start3A_73] : memref<128x10000xf32, #tpu.memory_space<hbm>> -> memref<1x10000xf32, #tpu.memory_space<hbm>>
      %dma_start3A_75 = tpu.memref_squeeze %dma_start3A_74 : memref<1x10000xf32, #tpu.memory_space<hbm>> -> memref<10000xf32, #tpu.memory_space<hbm>>
      tpu.enqueue_dma source(%arg11 : memref<10000xf32, #tpu.memory_space<vmem>>) target(%dma_start3A_75 : memref<10000xf32, #tpu.memory_space<hbm>>) target_semaphore(%run_scoped3A : memref<!tpu.dma_semaphore, #tpu.memory_space<semaphore_mem>>)
      %dma_wait3A = arith.constant 0 : i32
      %dma_wait3A_76 = tpu.memref_slice %arg5[%add3A_65, %dma_wait3A] : memref<128x10000xf32, #tpu.memory_space<hbm>> -> memref<1x10000xf32, #tpu.memory_space<hbm>>
      %dma_wait3A_77 = tpu.memref_squeeze %dma_wait3A_76 : memref<1x10000xf32, #tpu.memory_space<hbm>> -> memref<10000xf32, #tpu.memory_space<hbm>>
      %dma_wait3A_78 = arith.constant 0 : i32
      %dma_wait3A_79 = tpu.memref_slice %arg5[%add3A_65, %dma_wait3A_78] : memref<128x10000xf32, #tpu.memory_space<hbm>> -> memref<1x10000xf32, #tpu.memory_space<hbm>>
      %dma_wait3A_80 = tpu.memref_squeeze %dma_wait3A_79 : memref<1x10000xf32, #tpu.memory_space<hbm>> -> memref<10000xf32, #tpu.memory_space<hbm>>
      tpu.wait_dma2 semaphore(%run_scoped3A : memref<!tpu.dma_semaphore, #tpu.memory_space<semaphore_mem>>) src(%arg11 : memref<10000xf32, #tpu.memory_space<vmem>>) dst(%dma_wait3A_80 : memref<10000xf32, #tpu.memory_space<hbm>>)
      tpu.yield
    }) : () -> ()
    %add3A_66 = arith.constant 2 : i32
    %add3A_67 = arith.addi %mul3A_2, %add3A_66 : i32
    "tpu.region"() ({
      %run_scoped3A = tpu.sem_alloc : memref<!tpu.dma_semaphore, #tpu.memory_space<semaphore_mem>>
      %dma_start3A_70 = arith.constant 0 : i32
      %dma_start3A_71 = tpu.memref_slice %arg5[%add3A_67, %dma_start3A_70] : memref<128x10000xf32, #tpu.memory_space<hbm>> -> memref<1x10000xf32, #tpu.memory_space<hbm>>
      %dma_start3A_72 = tpu.memref_squeeze %dma_start3A_71 : memref<1x10000xf32, #tpu.memory_space<hbm>> -> memref<10000xf32, #tpu.memory_space<hbm>>
      %dma_start3A_73 = arith.constant 0 : i32
      %dma_start3A_74 = tpu.memref_slice %arg5[%add3A_67, %dma_start3A_73] : memref<128x10000xf32, #tpu.memory_space<hbm>> -> memref<1x10000xf32, #tpu.memory_space<hbm>>
      %dma_start3A_75 = tpu.memref_squeeze %dma_start3A_74 : memref<1x10000xf32, #tpu.memory_space<hbm>> -> memref<10000xf32, #tpu.memory_space<hbm>>
      tpu.enqueue_dma source(%arg12 : memref<10000xf32, #tpu.memory_space<vmem>>) target(%dma_start3A_75 : memref<10000xf32, #tpu.memory_space<hbm>>) target_semaphore(%run_scoped3A : memref<!tpu.dma_semaphore, #tpu.memory_space<semaphore_mem>>)
      %dma_wait3A = arith.constant 0 : i32
      %dma_wait3A_76 = tpu.memref_slice %arg5[%add3A_67, %dma_wait3A] : memref<128x10000xf32, #tpu.memory_space<hbm>> -> memref<1x10000xf32, #tpu.memory_space<hbm>>
      %dma_wait3A_77 = tpu.memref_squeeze %dma_wait3A_76 : memref<1x10000xf32, #tpu.memory_space<hbm>> -> memref<10000xf32, #tpu.memory_space<hbm>>
      %dma_wait3A_78 = arith.constant 0 : i32
      %dma_wait3A_79 = tpu.memref_slice %arg5[%add3A_67, %dma_wait3A_78] : memref<128x10000xf32, #tpu.memory_space<hbm>> -> memref<1x10000xf32, #tpu.memory_space<hbm>>
      %dma_wait3A_80 = tpu.memref_squeeze %dma_wait3A_79 : memref<1x10000xf32, #tpu.memory_space<hbm>> -> memref<10000xf32, #tpu.memory_space<hbm>>
      tpu.wait_dma2 semaphore(%run_scoped3A : memref<!tpu.dma_semaphore, #tpu.memory_space<semaphore_mem>>) src(%arg12 : memref<10000xf32, #tpu.memory_space<vmem>>) dst(%dma_wait3A_80 : memref<10000xf32, #tpu.memory_space<hbm>>)
      tpu.yield
    }) : () -> ()
    %add3A_68 = arith.constant 3 : i32
    %add3A_69 = arith.addi %mul3A_2, %add3A_68 : i32
    "tpu.region"() ({
      %run_scoped3A = tpu.sem_alloc : memref<!tpu.dma_semaphore, #tpu.memory_space<semaphore_mem>>
      %dma_start3A_70 = arith.constant 0 : i32
      %dma_start3A_71 = tpu.memref_slice %arg5[%add3A_69, %dma_start3A_70] : memref<128x10000xf32, #tpu.memory_space<hbm>> -> memref<1x10000xf32, #tpu.memory_space<hbm>>
      %dma_start3A_72 = tpu.memref_squeeze %dma_start3A_71 : memref<1x10000xf32, #tpu.memory_space<hbm>> -> memref<10000xf32, #tpu.memory_space<hbm>>
      %dma_start3A_73 = arith.constant 0 : i32
      %dma_start3A_74 = tpu.memref_slice %arg5[%add3A_69, %dma_start3A_73] : memref<128x10000xf32, #tpu.memory_space<hbm>> -> memref<1x10000xf32, #tpu.memory_space<hbm>>
      %dma_start3A_75 = tpu.memref_squeeze %dma_start3A_74 : memref<1x10000xf32, #tpu.memory_space<hbm>> -> memref<10000xf32, #tpu.memory_space<hbm>>
      tpu.enqueue_dma source(%arg13 : memref<10000xf32, #tpu.memory_space<vmem>>) target(%dma_start3A_75 : memref<10000xf32, #tpu.memory_space<hbm>>) target_semaphore(%run_scoped3A : memref<!tpu.dma_semaphore, #tpu.memory_space<semaphore_mem>>)
      %dma_wait3A = arith.constant 0 : i32
      %dma_wait3A_76 = tpu.memref_slice %arg5[%add3A_69, %dma_wait3A] : memref<128x10000xf32, #tpu.memory_space<hbm>> -> memref<1x10000xf32, #tpu.memory_space<hbm>>
      %dma_wait3A_77 = tpu.memref_squeeze %dma_wait3A_76 : memref<1x10000xf32, #tpu.memory_space<hbm>> -> memref<10000xf32, #tpu.memory_space<hbm>>
      %dma_wait3A_78 = arith.constant 0 : i32
      %dma_wait3A_79 = tpu.memref_slice %arg5[%add3A_69, %dma_wait3A_78] : memref<128x10000xf32, #tpu.memory_space<hbm>> -> memref<1x10000xf32, #tpu.memory_space<hbm>>
      %dma_wait3A_80 = tpu.memref_squeeze %dma_wait3A_79 : memref<1x10000xf32, #tpu.memory_space<hbm>> -> memref<10000xf32, #tpu.memory_space<hbm>>
      tpu.wait_dma2 semaphore(%run_scoped3A : memref<!tpu.dma_semaphore, #tpu.memory_space<semaphore_mem>>) src(%arg13 : memref<10000xf32, #tpu.memory_space<vmem>>) dst(%dma_wait3A_80 : memref<10000xf32, #tpu.memory_space<hbm>>)
      tpu.yield
    }) : () -> ()
    return
  }
}

#map = affine_map<(d0, d1) -> (0, 0)>
#map1 = affine_map<(d0, d1) -> (0)>
module attributes {stable_mosaic.version = 14 : i64} {
  func.func @mp_kernel(%arg0: i32, %arg1: i32, %arg2: memref<128x10000xf32, #tpu.memory_space<hbm>>, %arg3: memref<128x320000xf32, #tpu.memory_space<hbm>>, %arg4: memref<320000xi32, #tpu.memory_space<hbm>>, %arg5: memref<128x10000xf32, #tpu.memory_space<hbm>>, %arg6: memref<10000xf32, #tpu.memory_space<vmem>>, %arg7: memref<10000xf32, #tpu.memory_space<vmem>>, %arg8: memref<10000xf32, #tpu.memory_space<vmem>>, %arg9: memref<10000xf32, #tpu.memory_space<vmem>>, %arg10: memref<10000xf32, #tpu.memory_space<vmem>>, %arg11: memref<10000xf32, #tpu.memory_space<vmem>>, %arg12: memref<10000xf32, #tpu.memory_space<vmem>>, %arg13: memref<10000xf32, #tpu.memory_space<vmem>>, %arg14: memref<2x3200xi32, #tpu.memory_space<vmem>>, %arg15: memref<2x4x3200xf32, #tpu.memory_space<vmem>>, %arg16: memref<!tpu.dma_semaphore, #tpu.memory_space<semaphore_mem>>, %arg17: memref<!tpu.dma_semaphore, #tpu.memory_space<semaphore_mem>>, %arg18: memref<!tpu.dma_semaphore, #tpu.memory_space<semaphore_mem>>, %arg19: memref<!tpu.dma_semaphore, #tpu.memory_space<semaphore_mem>>) attributes {dimension_semantics = [#tpu.dimension_semantics<core_parallel>, #tpu.dimension_semantics<subcore_parallel>], iteration_bounds = array<i64: 2, 16>, scalar_prefetch = 0 : i64, scratch_operands = 14 : i64, tpu.core_type = #tpu.core_type<sc_vector_subcore>, window_params = [{transform_indices = #map}, {transform_indices = #map}, {transform_indices = #map1}, {transform_indices = #map}]} {
    %mul3A = arith.constant 2 : i32
    %mul3A_0 = arith.muli %arg1, %mul3A : i32
    %add3A = arith.addi %mul3A_0, %arg0 : i32
    %mul3A_1 = arith.constant 4 : i32
    %mul3A_2 = arith.muli %add3A, %mul3A_1 : i32
    %add3A_3 = arith.constant 0 : i32
    %add3A_4 = arith.addi %mul3A_2, %add3A_3 : i32
    "tpu.region"() ({
      %run_scoped3A = tpu.sem_alloc : memref<!tpu.dma_semaphore, #tpu.memory_space<semaphore_mem>>
      %dma_start3A_70 = arith.constant 0 : i32
      %dma_start3A_71 = tpu.memref_slice %arg2[%add3A_4, %dma_start3A_70] : memref<128x10000xf32, #tpu.memory_space<hbm>> -> memref<1x10000xf32, #tpu.memory_space<hbm>>
      %dma_start3A_72 = tpu.memref_squeeze %dma_start3A_71 : memref<1x10000xf32, #tpu.memory_space<hbm>> -> memref<10000xf32, #tpu.memory_space<hbm>>
      %dma_start3A_73 = arith.constant 0 : i32
      %dma_start3A_74 = tpu.memref_slice %arg2[%add3A_4, %dma_start3A_73] : memref<128x10000xf32, #tpu.memory_space<hbm>> -> memref<1x10000xf32, #tpu.memory_space<hbm>>
      %dma_start3A_75 = tpu.memref_squeeze %dma_start3A_74 : memref<1x10000xf32, #tpu.memory_space<hbm>> -> memref<10000xf32, #tpu.memory_space<hbm>>
      tpu.enqueue_dma source(%dma_start3A_75 : memref<10000xf32, #tpu.memory_space<hbm>>) target(%arg6 : memref<10000xf32, #tpu.memory_space<vmem>>) target_semaphore(%run_scoped3A : memref<!tpu.dma_semaphore, #tpu.memory_space<semaphore_mem>>)
      %dma_wait3A = arith.constant 0 : i32
      %dma_wait3A_76 = tpu.memref_slice %arg2[%add3A_4, %dma_wait3A] : memref<128x10000xf32, #tpu.memory_space<hbm>> -> memref<1x10000xf32, #tpu.memory_space<hbm>>
      %dma_wait3A_77 = tpu.memref_squeeze %dma_wait3A_76 : memref<1x10000xf32, #tpu.memory_space<hbm>> -> memref<10000xf32, #tpu.memory_space<hbm>>
      %dma_wait3A_78 = arith.constant 0 : i32
      %dma_wait3A_79 = tpu.memref_slice %arg2[%add3A_4, %dma_wait3A_78] : memref<128x10000xf32, #tpu.memory_space<hbm>> -> memref<1x10000xf32, #tpu.memory_space<hbm>>
      %dma_wait3A_80 = tpu.memref_squeeze %dma_wait3A_79 : memref<1x10000xf32, #tpu.memory_space<hbm>> -> memref<10000xf32, #tpu.memory_space<hbm>>
      tpu.wait_dma2 semaphore(%run_scoped3A : memref<!tpu.dma_semaphore, #tpu.memory_space<semaphore_mem>>) src(%dma_wait3A_80 : memref<10000xf32, #tpu.memory_space<hbm>>) dst(%arg6 : memref<10000xf32, #tpu.memory_space<vmem>>)
      tpu.yield
    }) : () -> ()
    %add3A_5 = arith.constant 1 : i32
    %add3A_6 = arith.addi %mul3A_2, %add3A_5 : i32
    "tpu.region"() ({
      %run_scoped3A = tpu.sem_alloc : memref<!tpu.dma_semaphore, #tpu.memory_space<semaphore_mem>>
      %dma_start3A_70 = arith.constant 0 : i32
      %dma_start3A_71 = tpu.memref_slice %arg2[%add3A_6, %dma_start3A_70] : memref<128x10000xf32, #tpu.memory_space<hbm>> -> memref<1x10000xf32, #tpu.memory_space<hbm>>
      %dma_start3A_72 = tpu.memref_squeeze %dma_start3A_71 : memref<1x10000xf32, #tpu.memory_space<hbm>> -> memref<10000xf32, #tpu.memory_space<hbm>>
      %dma_start3A_73 = arith.constant 0 : i32
      %dma_start3A_74 = tpu.memref_slice %arg2[%add3A_6, %dma_start3A_73] : memref<128x10000xf32, #tpu.memory_space<hbm>> -> memref<1x10000xf32, #tpu.memory_space<hbm>>
      %dma_start3A_75 = tpu.memref_squeeze %dma_start3A_74 : memref<1x10000xf32, #tpu.memory_space<hbm>> -> memref<10000xf32, #tpu.memory_space<hbm>>
      tpu.enqueue_dma source(%dma_start3A_75 : memref<10000xf32, #tpu.memory_space<hbm>>) target(%arg7 : memref<10000xf32, #tpu.memory_space<vmem>>) target_semaphore(%run_scoped3A : memref<!tpu.dma_semaphore, #tpu.memory_space<semaphore_mem>>)
      %dma_wait3A = arith.constant 0 : i32
      %dma_wait3A_76 = tpu.memref_slice %arg2[%add3A_6, %dma_wait3A] : memref<128x10000xf32, #tpu.memory_space<hbm>> -> memref<1x10000xf32, #tpu.memory_space<hbm>>
      %dma_wait3A_77 = tpu.memref_squeeze %dma_wait3A_76 : memref<1x10000xf32, #tpu.memory_space<hbm>> -> memref<10000xf32, #tpu.memory_space<hbm>>
      %dma_wait3A_78 = arith.constant 0 : i32
      %dma_wait3A_79 = tpu.memref_slice %arg2[%add3A_6, %dma_wait3A_78] : memref<128x10000xf32, #tpu.memory_space<hbm>> -> memref<1x10000xf32, #tpu.memory_space<hbm>>
      %dma_wait3A_80 = tpu.memref_squeeze %dma_wait3A_79 : memref<1x10000xf32, #tpu.memory_space<hbm>> -> memref<10000xf32, #tpu.memory_space<hbm>>
      tpu.wait_dma2 semaphore(%run_scoped3A : memref<!tpu.dma_semaphore, #tpu.memory_space<semaphore_mem>>) src(%dma_wait3A_80 : memref<10000xf32, #tpu.memory_space<hbm>>) dst(%arg7 : memref<10000xf32, #tpu.memory_space<vmem>>)
      tpu.yield
    }) : () -> ()
    %add3A_7 = arith.constant 2 : i32
    %add3A_8 = arith.addi %mul3A_2, %add3A_7 : i32
    "tpu.region"() ({
      %run_scoped3A = tpu.sem_alloc : memref<!tpu.dma_semaphore, #tpu.memory_space<semaphore_mem>>
      %dma_start3A_70 = arith.constant 0 : i32
      %dma_start3A_71 = tpu.memref_slice %arg2[%add3A_8, %dma_start3A_70] : memref<128x10000xf32, #tpu.memory_space<hbm>> -> memref<1x10000xf32, #tpu.memory_space<hbm>>
      %dma_start3A_72 = tpu.memref_squeeze %dma_start3A_71 : memref<1x10000xf32, #tpu.memory_space<hbm>> -> memref<10000xf32, #tpu.memory_space<hbm>>
      %dma_start3A_73 = arith.constant 0 : i32
      %dma_start3A_74 = tpu.memref_slice %arg2[%add3A_8, %dma_start3A_73] : memref<128x10000xf32, #tpu.memory_space<hbm>> -> memref<1x10000xf32, #tpu.memory_space<hbm>>
      %dma_start3A_75 = tpu.memref_squeeze %dma_start3A_74 : memref<1x10000xf32, #tpu.memory_space<hbm>> -> memref<10000xf32, #tpu.memory_space<hbm>>
      tpu.enqueue_dma source(%dma_start3A_75 : memref<10000xf32, #tpu.memory_space<hbm>>) target(%arg8 : memref<10000xf32, #tpu.memory_space<vmem>>) target_semaphore(%run_scoped3A : memref<!tpu.dma_semaphore, #tpu.memory_space<semaphore_mem>>)
      %dma_wait3A = arith.constant 0 : i32
      %dma_wait3A_76 = tpu.memref_slice %arg2[%add3A_8, %dma_wait3A] : memref<128x10000xf32, #tpu.memory_space<hbm>> -> memref<1x10000xf32, #tpu.memory_space<hbm>>
      %dma_wait3A_77 = tpu.memref_squeeze %dma_wait3A_76 : memref<1x10000xf32, #tpu.memory_space<hbm>> -> memref<10000xf32, #tpu.memory_space<hbm>>
      %dma_wait3A_78 = arith.constant 0 : i32
      %dma_wait3A_79 = tpu.memref_slice %arg2[%add3A_8, %dma_wait3A_78] : memref<128x10000xf32, #tpu.memory_space<hbm>> -> memref<1x10000xf32, #tpu.memory_space<hbm>>
      %dma_wait3A_80 = tpu.memref_squeeze %dma_wait3A_79 : memref<1x10000xf32, #tpu.memory_space<hbm>> -> memref<10000xf32, #tpu.memory_space<hbm>>
      tpu.wait_dma2 semaphore(%run_scoped3A : memref<!tpu.dma_semaphore, #tpu.memory_space<semaphore_mem>>) src(%dma_wait3A_80 : memref<10000xf32, #tpu.memory_space<hbm>>) dst(%arg8 : memref<10000xf32, #tpu.memory_space<vmem>>)
      tpu.yield
    }) : () -> ()
    %add3A_9 = arith.constant 3 : i32
    %add3A_10 = arith.addi %mul3A_2, %add3A_9 : i32
    "tpu.region"() ({
      %run_scoped3A = tpu.sem_alloc : memref<!tpu.dma_semaphore, #tpu.memory_space<semaphore_mem>>
      %dma_start3A_70 = arith.constant 0 : i32
      %dma_start3A_71 = tpu.memref_slice %arg2[%add3A_10, %dma_start3A_70] : memref<128x10000xf32, #tpu.memory_space<hbm>> -> memref<1x10000xf32, #tpu.memory_space<hbm>>
      %dma_start3A_72 = tpu.memref_squeeze %dma_start3A_71 : memref<1x10000xf32, #tpu.memory_space<hbm>> -> memref<10000xf32, #tpu.memory_space<hbm>>
      %dma_start3A_73 = arith.constant 0 : i32
      %dma_start3A_74 = tpu.memref_slice %arg2[%add3A_10, %dma_start3A_73] : memref<128x10000xf32, #tpu.memory_space<hbm>> -> memref<1x10000xf32, #tpu.memory_space<hbm>>
      %dma_start3A_75 = tpu.memref_squeeze %dma_start3A_74 : memref<1x10000xf32, #tpu.memory_space<hbm>> -> memref<10000xf32, #tpu.memory_space<hbm>>
      tpu.enqueue_dma source(%dma_start3A_75 : memref<10000xf32, #tpu.memory_space<hbm>>) target(%arg9 : memref<10000xf32, #tpu.memory_space<vmem>>) target_semaphore(%run_scoped3A : memref<!tpu.dma_semaphore, #tpu.memory_space<semaphore_mem>>)
      %dma_wait3A = arith.constant 0 : i32
      %dma_wait3A_76 = tpu.memref_slice %arg2[%add3A_10, %dma_wait3A] : memref<128x10000xf32, #tpu.memory_space<hbm>> -> memref<1x10000xf32, #tpu.memory_space<hbm>>
      %dma_wait3A_77 = tpu.memref_squeeze %dma_wait3A_76 : memref<1x10000xf32, #tpu.memory_space<hbm>> -> memref<10000xf32, #tpu.memory_space<hbm>>
      %dma_wait3A_78 = arith.constant 0 : i32
      %dma_wait3A_79 = tpu.memref_slice %arg2[%add3A_10, %dma_wait3A_78] : memref<128x10000xf32, #tpu.memory_space<hbm>> -> memref<1x10000xf32, #tpu.memory_space<hbm>>
      %dma_wait3A_80 = tpu.memref_squeeze %dma_wait3A_79 : memref<1x10000xf32, #tpu.memory_space<hbm>> -> memref<10000xf32, #tpu.memory_space<hbm>>
      tpu.wait_dma2 semaphore(%run_scoped3A : memref<!tpu.dma_semaphore, #tpu.memory_space<semaphore_mem>>) src(%dma_wait3A_80 : memref<10000xf32, #tpu.memory_space<hbm>>) dst(%arg9 : memref<10000xf32, #tpu.memory_space<vmem>>)
      tpu.yield
    }) : () -> ()
    %scan3A = arith.constant 0 : i32
    %scan3A_11 = arith.constant 625 : i32
    %scan3A_12 = arith.addi %scan3A, %scan3A_11 : i32
    %scan3A_13 = arith.constant 1 : i32
    scf.for %scan3A_70 = %scan3A to %scan3A_12 step %scan3A_13  : i32 {
      %mul3A_71 = arith.constant 16 : i32
      %mul3A_72 = arith.muli %scan3A_70, %mul3A_71 : i32
      %multiple_of3A_73 = tpu.assume_multiple %mul3A_72, 16 : i32
      %broadcast_in_dim3A = arith.constant 0.000000e+00 : f32
      %broadcast_in_dim3A_74 = vector.broadcast %broadcast_in_dim3A : f32 to vector<16xf32>
      %swap3A = arith.index_cast %multiple_of3A_73 : i32 to index
      %swap3A_75 = tpu.vector_load %arg10[%swap3A] {strides = array<i32>} : memref<10000xf32, #tpu.memory_space<vmem>>, vector<16xf32>,
      tpu.vector_store %arg10[%swap3A], %broadcast_in_dim3A_74 {strides = array<i32>} : memref<10000xf32, #tpu.memory_space<vmem>>, vector<16xf32>,
      %swap3A_76 = arith.index_cast %multiple_of3A_73 : i32 to index
      %swap3A_77 = tpu.vector_load %arg11[%swap3A_76] {strides = array<i32>} : memref<10000xf32, #tpu.memory_space<vmem>>, vector<16xf32>,
      tpu.vector_store %arg11[%swap3A_76], %broadcast_in_dim3A_74 {strides = array<i32>} : memref<10000xf32, #tpu.memory_space<vmem>>, vector<16xf32>,
      %swap3A_78 = arith.index_cast %multiple_of3A_73 : i32 to index
      %swap3A_79 = tpu.vector_load %arg12[%swap3A_78] {strides = array<i32>} : memref<10000xf32, #tpu.memory_space<vmem>>, vector<16xf32>,
      tpu.vector_store %arg12[%swap3A_78], %broadcast_in_dim3A_74 {strides = array<i32>} : memref<10000xf32, #tpu.memory_space<vmem>>, vector<16xf32>,
      %swap3A_80 = arith.index_cast %multiple_of3A_73 : i32 to index
      %swap3A_81 = tpu.vector_load %arg13[%swap3A_80] {strides = array<i32>} : memref<10000xf32, #tpu.memory_space<vmem>>, vector<16xf32>,
      tpu.vector_store %arg13[%swap3A_80], %broadcast_in_dim3A_74 {strides = array<i32>} : memref<10000xf32, #tpu.memory_space<vmem>>, vector<16xf32>,
    }
    %scan3A_14 = arith.constant 625 : i32
    %multiple_of3A = arith.constant 0 : i32
    %multiple_of3A_15 = tpu.assume_multiple %multiple_of3A, 3200 : i32
    %dma_start3A = arith.constant 0 : i32
    %dma_start3A_16 = arith.constant 0 : i32
    %dma_start3A_17 = tpu.memref_slice %arg14[%dma_start3A, %dma_start3A_16] : memref<2x3200xi32, #tpu.memory_space<vmem>> -> memref<1x3200xi32, #tpu.memory_space<vmem>>
    %dma_start3A_18 = tpu.memref_squeeze %dma_start3A_17 : memref<1x3200xi32, #tpu.memory_space<vmem>> -> memref<3200xi32, #tpu.memory_space<vmem>>
    %dma_start3A_19 = tpu.memref_slice %arg4[%multiple_of3A_15] : memref<320000xi32, #tpu.memory_space<hbm>> -> memref<3200xi32, #tpu.memory_space<hbm>>
    %dma_start3A_20 = arith.constant 0 : i32
    %dma_start3A_21 = tpu.memref_slice %arg14[%dma_start3A, %dma_start3A_20] : memref<2x3200xi32, #tpu.memory_space<vmem>> -> memref<1x3200xi32, #tpu.memory_space<vmem>>
    %dma_start3A_22 = tpu.memref_squeeze %dma_start3A_21 : memref<1x3200xi32, #tpu.memory_space<vmem>> -> memref<3200xi32, #tpu.memory_space<vmem>>
    %dma_start3A_23 = tpu.memref_slice %arg4[%multiple_of3A_15] : memref<320000xi32, #tpu.memory_space<hbm>> -> memref<3200xi32, #tpu.memory_space<hbm>>
    tpu.enqueue_dma source(%dma_start3A_23 : memref<3200xi32, #tpu.memory_space<hbm>>) target(%dma_start3A_22 : memref<3200xi32, #tpu.memory_space<vmem>>) target_semaphore(%arg16 : memref<!tpu.dma_semaphore, #tpu.memory_space<semaphore_mem>>)
    %dma_start3A_24 = arith.constant 0 : i32
    %dma_start3A_25 = arith.constant 0 : i32
    %dma_start3A_26 = arith.constant 0 : i32
    %dma_start3A_27 = tpu.memref_slice %arg15[%dma_start3A_24, %dma_start3A_25, %dma_start3A_26] : memref<2x4x3200xf32, #tpu.memory_space<vmem>> -> memref<1x4x3200xf32, #tpu.memory_space<vmem>>
    %dma_start3A_28 = tpu.memref_squeeze %dma_start3A_27 : memref<1x4x3200xf32, #tpu.memory_space<vmem>> -> memref<4x3200xf32, #tpu.memory_space<vmem>>
    %dma_start3A_29 = tpu.memref_slice %arg3[%mul3A_2, %multiple_of3A_15] : memref<128x320000xf32, #tpu.memory_space<hbm>> -> memref<4x3200xf32, #tpu.memory_space<hbm>>
    %dma_start3A_30 = arith.constant 0 : i32
    %dma_start3A_31 = arith.constant 0 : i32
    %dma_start3A_32 = tpu.memref_slice %arg15[%dma_start3A_24, %dma_start3A_30, %dma_start3A_31] : memref<2x4x3200xf32, #tpu.memory_space<vmem>> -> memref<1x4x3200xf32, #tpu.memory_space<vmem>>
    %dma_start3A_33 = tpu.memref_squeeze %dma_start3A_32 : memref<1x4x3200xf32, #tpu.memory_space<vmem>> -> memref<4x3200xf32, #tpu.memory_space<vmem>>
    %dma_start3A_34 = tpu.memref_slice %arg3[%mul3A_2, %multiple_of3A_15] : memref<128x320000xf32, #tpu.memory_space<hbm>> -> memref<4x3200xf32, #tpu.memory_space<hbm>>
    tpu.enqueue_dma source(%dma_start3A_34 : memref<4x3200xf32, #tpu.memory_space<hbm>>) target(%dma_start3A_33 : memref<4x3200xf32, #tpu.memory_space<vmem>>) target_semaphore(%arg18 : memref<!tpu.dma_semaphore, #tpu.memory_space<semaphore_mem>>)
    %multiple_of3A_35 = arith.constant 3200 : i32
    %multiple_of3A_36 = tpu.assume_multiple %multiple_of3A_35, 3200 : i32
    %dma_start3A_37 = arith.constant 1 : i32
    %dma_start3A_38 = arith.constant 0 : i32
    %dma_start3A_39 = tpu.memref_slice %arg14[%dma_start3A_37, %dma_start3A_38] : memref<2x3200xi32, #tpu.memory_space<vmem>> -> memref<1x3200xi32, #tpu.memory_space<vmem>>
    %dma_start3A_40 = tpu.memref_squeeze %dma_start3A_39 : memref<1x3200xi32, #tpu.memory_space<vmem>> -> memref<3200xi32, #tpu.memory_space<vmem>>
    %dma_start3A_41 = tpu.memref_slice %arg4[%multiple_of3A_36] : memref<320000xi32, #tpu.memory_space<hbm>> -> memref<3200xi32, #tpu.memory_space<hbm>>
    %dma_start3A_42 = arith.constant 0 : i32
    %dma_start3A_43 = tpu.memref_slice %arg14[%dma_start3A_37, %dma_start3A_42] : memref<2x3200xi32, #tpu.memory_space<vmem>> -> memref<1x3200xi32, #tpu.memory_space<vmem>>
    %dma_start3A_44 = tpu.memref_squeeze %dma_start3A_43 : memref<1x3200xi32, #tpu.memory_space<vmem>> -> memref<3200xi32, #tpu.memory_space<vmem>>
    %dma_start3A_45 = tpu.memref_slice %arg4[%multiple_of3A_36] : memref<320000xi32, #tpu.memory_space<hbm>> -> memref<3200xi32, #tpu.memory_space<hbm>>
    tpu.enqueue_dma source(%dma_start3A_45 : memref<3200xi32, #tpu.memory_space<hbm>>) target(%dma_start3A_44 : memref<3200xi32, #tpu.memory_space<vmem>>) target_semaphore(%arg17 : memref<!tpu.dma_semaphore, #tpu.memory_space<semaphore_mem>>)
    %dma_start3A_46 = arith.constant 1 : i32
    %dma_start3A_47 = arith.constant 0 : i32
    %dma_start3A_48 = arith.constant 0 : i32
    %dma_start3A_49 = tpu.memref_slice %arg15[%dma_start3A_46, %dma_start3A_47, %dma_start3A_48] : memref<2x4x3200xf32, #tpu.memory_space<vmem>> -> memref<1x4x3200xf32, #tpu.memory_space<vmem>>
    %dma_start3A_50 = tpu.memref_squeeze %dma_start3A_49 : memref<1x4x3200xf32, #tpu.memory_space<vmem>> -> memref<4x3200xf32, #tpu.memory_space<vmem>>
    %dma_start3A_51 = tpu.memref_slice %arg3[%mul3A_2, %multiple_of3A_36] : memref<128x320000xf32, #tpu.memory_space<hbm>> -> memref<4x3200xf32, #tpu.memory_space<hbm>>
    %dma_start3A_52 = arith.constant 0 : i32
    %dma_start3A_53 = arith.constant 0 : i32
    %dma_start3A_54 = tpu.memref_slice %arg15[%dma_start3A_46, %dma_start3A_52, %dma_start3A_53] : memref<2x4x3200xf32, #tpu.memory_space<vmem>> -> memref<1x4x3200xf32, #tpu.memory_space<vmem>>
    %dma_start3A_55 = tpu.memref_squeeze %dma_start3A_54 : memref<1x4x3200xf32, #tpu.memory_space<vmem>> -> memref<4x3200xf32, #tpu.memory_space<vmem>>
    %dma_start3A_56 = tpu.memref_slice %arg3[%mul3A_2, %multiple_of3A_36] : memref<128x320000xf32, #tpu.memory_space<hbm>> -> memref<4x3200xf32, #tpu.memory_space<hbm>>
    tpu.enqueue_dma source(%dma_start3A_56 : memref<4x3200xf32, #tpu.memory_space<hbm>>) target(%dma_start3A_55 : memref<4x3200xf32, #tpu.memory_space<vmem>>) target_semaphore(%arg19 : memref<!tpu.dma_semaphore, #tpu.memory_space<semaphore_mem>>)
    %scan3A_57 = arith.constant 0 : i32
    %scan3A_58 = arith.constant 50 : i32
    %scan3A_59 = arith.addi %scan3A_57, %scan3A_58 : i32
    %scan3A_60 = arith.constant 1 : i32
    scf.for %scan3A_70 = %scan3A_57 to %scan3A_59 step %scan3A_60  : i32 {
      %mul3A_71 = arith.constant 2 : i32
      %mul3A_72 = arith.muli %scan3A_70, %mul3A_71 : i32
      %add3A_73 = arith.constant 0 : i32
      %add3A_74 = arith.addi %mul3A_72, %add3A_73 : i32
      %dma_wait3A = arith.constant 0 : i32
      %dma_wait3A_75 = arith.constant 0 : i32
      %dma_wait3A_76 = tpu.memref_slice %arg14[%dma_wait3A, %dma_wait3A_75] : memref<2x3200xi32, #tpu.memory_space<vmem>> -> memref<1x3200xi32, #tpu.memory_space<vmem>>
      %dma_wait3A_77 = tpu.memref_squeeze %dma_wait3A_76 : memref<1x3200xi32, #tpu.memory_space<vmem>> -> memref<3200xi32, #tpu.memory_space<vmem>>
      %dma_wait3A_78 = arith.constant 0 : i32
      %dma_wait3A_79 = tpu.memref_slice %arg4[%dma_wait3A_78] : memref<320000xi32, #tpu.memory_space<hbm>> -> memref<3200xi32, #tpu.memory_space<hbm>>
      %dma_wait3A_80 = arith.constant 0 : i32
      %dma_wait3A_81 = tpu.memref_slice %arg14[%dma_wait3A, %dma_wait3A_80] : memref<2x3200xi32, #tpu.memory_space<vmem>> -> memref<1x3200xi32, #tpu.memory_space<vmem>>
      %dma_wait3A_82 = tpu.memref_squeeze %dma_wait3A_81 : memref<1x3200xi32, #tpu.memory_space<vmem>> -> memref<3200xi32, #tpu.memory_space<vmem>>
      %dma_wait3A_83 = arith.constant 0 : i32
      %dma_wait3A_84 = tpu.memref_slice %arg4[%dma_wait3A_83] : memref<320000xi32, #tpu.memory_space<hbm>> -> memref<3200xi32, #tpu.memory_space<hbm>>
      tpu.wait_dma2 semaphore(%arg16 : memref<!tpu.dma_semaphore, #tpu.memory_space<semaphore_mem>>) src(%dma_wait3A_84 : memref<3200xi32, #tpu.memory_space<hbm>>) dst(%dma_wait3A_82 : memref<3200xi32, #tpu.memory_space<vmem>>)
      %dma_wait3A_85 = arith.constant 0 : i32
      %dma_wait3A_86 = arith.constant 0 : i32
      %dma_wait3A_87 = arith.constant 0 : i32
      %dma_wait3A_88 = tpu.memref_slice %arg15[%dma_wait3A_85, %dma_wait3A_86, %dma_wait3A_87] : memref<2x4x3200xf32, #tpu.memory_space<vmem>> -> memref<1x4x3200xf32, #tpu.memory_space<vmem>>
      %dma_wait3A_89 = tpu.memref_squeeze %dma_wait3A_88 : memref<1x4x3200xf32, #tpu.memory_space<vmem>> -> memref<4x3200xf32, #tpu.memory_space<vmem>>
      %dma_wait3A_90 = arith.constant 0 : i32
      %dma_wait3A_91 = arith.constant 0 : i32
      %dma_wait3A_92 = tpu.memref_slice %arg3[%dma_wait3A_90, %dma_wait3A_91] : memref<128x320000xf32, #tpu.memory_space<hbm>> -> memref<4x3200xf32, #tpu.memory_space<hbm>>
      %dma_wait3A_93 = arith.constant 0 : i32
      %dma_wait3A_94 = arith.constant 0 : i32
      %dma_wait3A_95 = tpu.memref_slice %arg15[%dma_wait3A_85, %dma_wait3A_93, %dma_wait3A_94] : memref<2x4x3200xf32, #tpu.memory_space<vmem>> -> memref<1x4x3200xf32, #tpu.memory_space<vmem>>
      %dma_wait3A_96 = tpu.memref_squeeze %dma_wait3A_95 : memref<1x4x3200xf32, #tpu.memory_space<vmem>> -> memref<4x3200xf32, #tpu.memory_space<vmem>>
      %dma_wait3A_97 = arith.constant 0 : i32
      %dma_wait3A_98 = arith.constant 0 : i32
      %dma_wait3A_99 = tpu.memref_slice %arg3[%dma_wait3A_97, %dma_wait3A_98] : memref<128x320000xf32, #tpu.memory_space<hbm>> -> memref<4x3200xf32, #tpu.memory_space<hbm>>
      tpu.wait_dma2 semaphore(%arg18 : memref<!tpu.dma_semaphore, #tpu.memory_space<semaphore_mem>>) src(%dma_wait3A_99 : memref<4x3200xf32, #tpu.memory_space<hbm>>) dst(%dma_wait3A_96 : memref<4x3200xf32, #tpu.memory_space<vmem>>)
      %parallel_loop3A = arith.constant 0 : i32
      %parallel_loop3A_100 = arith.constant 200 : i32
      %parallel_loop3A_101 = arith.constant 1 : i32
      scf.for %parallel_loop3A_146 = %parallel_loop3A to %parallel_loop3A_100 step %parallel_loop3A_101  : i32 {
        %parallel_loop3A_147 = arith.constant 16 : i32
        %parallel_loop3A_148 = arith.muli %parallel_loop3A_146, %parallel_loop3A_147 : i32
        %parallel_loop3A_149 = tpu.assume_multiple %parallel_loop3A_148, 16 : i32
        %parallel_loop3A_150 = arith.constant 0 : i32
        %parallel_loop3A_151 = arith.index_cast %parallel_loop3A_150 : i32 to index
        %parallel_loop3A_152 = arith.index_cast %parallel_loop3A_149 : i32 to index
        %parallel_loop3A_153 = tpu.vector_load %arg14[%parallel_loop3A_151, %parallel_loop3A_152] {strides = array<i32>} : memref<2x3200xi32, #tpu.memory_space<vmem>>, vector<16xi32>,
        %parallel_loop3A_154 = arith.constant 65535 : i32
        %parallel_loop3A_155 = vector.broadcast %parallel_loop3A_154 : i32 to vector<16xi32>
        %parallel_loop3A_156 = arith.andi %parallel_loop3A_153, %parallel_loop3A_155 : vector<16xi32>
        %parallel_loop3A_157 = arith.constant 16 : i32
        %parallel_loop3A_158 = vector.broadcast %parallel_loop3A_157 : i32 to vector<16xi32>
        %parallel_loop3A_159 = arith.shrui %parallel_loop3A_153, %parallel_loop3A_158 : vector<16xi32>
        %parallel_loop3A_160 = arith.constant 0 : i32
        %parallel_loop3A_161 = arith.constant 0 : i32
        %parallel_loop3A_162 = arith.index_cast %parallel_loop3A_160 : i32 to index
        %parallel_loop3A_163 = arith.index_cast %parallel_loop3A_161 : i32 to index
        %parallel_loop3A_164 = arith.index_cast %parallel_loop3A_149 : i32 to index
        %parallel_loop3A_165 = tpu.vector_load %arg15[%parallel_loop3A_162, %parallel_loop3A_163, %parallel_loop3A_164] {strides = array<i32>} : memref<2x4x3200xf32, #tpu.memory_space<vmem>>, vector<16xf32>,
        %parallel_loop3A_166 = tpu.vector_load_idx %arg6[%parallel_loop3A_156] : memref<10000xf32, #tpu.memory_space<vmem>>[vector<16xi32>], vector<16xf32>,
        %parallel_loop3A_167 = arith.addf %parallel_loop3A_166, %parallel_loop3A_165 : vector<16xf32>
        %parallel_loop3A_168 = arith.constant 0.000000e+00 : f32
        %parallel_loop3A_169 = vector.broadcast %parallel_loop3A_168 : f32 to vector<16xf32>
        %parallel_loop3A_170 = arith.maximumf %parallel_loop3A_167, %parallel_loop3A_169 : vector<16xf32>
        tpu.vector_store_idx %arg10[%parallel_loop3A_159], %parallel_loop3A_170 {add = true} : memref<10000xf32, #tpu.memory_space<vmem>>[vector<16xi32>], vector<16xf32>,
        %parallel_loop3A_171 = arith.constant 0 : i32
        %parallel_loop3A_172 = arith.constant 1 : i32
        %parallel_loop3A_173 = arith.index_cast %parallel_loop3A_171 : i32 to index
        %parallel_loop3A_174 = arith.index_cast %parallel_loop3A_172 : i32 to index
        %parallel_loop3A_175 = arith.index_cast %parallel_loop3A_149 : i32 to index
        %parallel_loop3A_176 = tpu.vector_load %arg15[%parallel_loop3A_173, %parallel_loop3A_174, %parallel_loop3A_175] {strides = array<i32>} : memref<2x4x3200xf32, #tpu.memory_space<vmem>>, vector<16xf32>,
        %parallel_loop3A_177 = tpu.vector_load_idx %arg7[%parallel_loop3A_156] : memref<10000xf32, #tpu.memory_space<vmem>>[vector<16xi32>], vector<16xf32>,
        %parallel_loop3A_178 = arith.addf %parallel_loop3A_177, %parallel_loop3A_176 : vector<16xf32>
        %parallel_loop3A_179 = arith.constant 0.000000e+00 : f32
        %parallel_loop3A_180 = vector.broadcast %parallel_loop3A_179 : f32 to vector<16xf32>
        %parallel_loop3A_181 = arith.maximumf %parallel_loop3A_178, %parallel_loop3A_180 : vector<16xf32>
        tpu.vector_store_idx %arg11[%parallel_loop3A_159], %parallel_loop3A_181 {add = true} : memref<10000xf32, #tpu.memory_space<vmem>>[vector<16xi32>], vector<16xf32>,
        %parallel_loop3A_182 = arith.constant 0 : i32
        %parallel_loop3A_183 = arith.constant 2 : i32
        %parallel_loop3A_184 = arith.index_cast %parallel_loop3A_182 : i32 to index
        %parallel_loop3A_185 = arith.index_cast %parallel_loop3A_183 : i32 to index
        %parallel_loop3A_186 = arith.index_cast %parallel_loop3A_149 : i32 to index
        %parallel_loop3A_187 = tpu.vector_load %arg15[%parallel_loop3A_184, %parallel_loop3A_185, %parallel_loop3A_186] {strides = array<i32>} : memref<2x4x3200xf32, #tpu.memory_space<vmem>>, vector<16xf32>,
        %parallel_loop3A_188 = tpu.vector_load_idx %arg8[%parallel_loop3A_156] : memref<10000xf32, #tpu.memory_space<vmem>>[vector<16xi32>], vector<16xf32>,
        %parallel_loop3A_189 = arith.addf %parallel_loop3A_188, %parallel_loop3A_187 : vector<16xf32>
        %parallel_loop3A_190 = arith.constant 0.000000e+00 : f32
        %parallel_loop3A_191 = vector.broadcast %parallel_loop3A_190 : f32 to vector<16xf32>
        %parallel_loop3A_192 = arith.maximumf %parallel_loop3A_189, %parallel_loop3A_191 : vector<16xf32>
        tpu.vector_store_idx %arg12[%parallel_loop3A_159], %parallel_loop3A_192 {add = true} : memref<10000xf32, #tpu.memory_space<vmem>>[vector<16xi32>], vector<16xf32>,
        %parallel_loop3A_193 = arith.constant 0 : i32
        %parallel_loop3A_194 = arith.constant 3 : i32
        %parallel_loop3A_195 = arith.index_cast %parallel_loop3A_193 : i32 to index
        %parallel_loop3A_196 = arith.index_cast %parallel_loop3A_194 : i32 to index
        %parallel_loop3A_197 = arith.index_cast %parallel_loop3A_149 : i32 to index
        %parallel_loop3A_198 = tpu.vector_load %arg15[%parallel_loop3A_195, %parallel_loop3A_196, %parallel_loop3A_197] {strides = array<i32>} : memref<2x4x3200xf32, #tpu.memory_space<vmem>>, vector<16xf32>,
        %parallel_loop3A_199 = tpu.vector_load_idx %arg9[%parallel_loop3A_156] : memref<10000xf32, #tpu.memory_space<vmem>>[vector<16xi32>], vector<16xf32>,
        %parallel_loop3A_200 = arith.addf %parallel_loop3A_199, %parallel_loop3A_198 : vector<16xf32>
        %parallel_loop3A_201 = arith.constant 0.000000e+00 : f32
        %parallel_loop3A_202 = vector.broadcast %parallel_loop3A_201 : f32 to vector<16xf32>
        %parallel_loop3A_203 = arith.maximumf %parallel_loop3A_200, %parallel_loop3A_202 : vector<16xf32>
        tpu.vector_store_idx %arg13[%parallel_loop3A_159], %parallel_loop3A_203 {add = true} : memref<10000xf32, #tpu.memory_space<vmem>>[vector<16xi32>], vector<16xf32>,
      } {sc.loop_unroll_factor = 8 : i64, sc.parallel_access}
      %add3A_102 = arith.constant 2 : i32
      %add3A_103 = arith.addi %add3A_74, %add3A_102 : i32
      %lt3A = arith.constant 100 : i32
      %lt3A_104 = arith.cmpi slt, %add3A_103, %lt3A : i32
      %convert_element_type3A = arith.extui %lt3A_104 : i1 to i32
      %cond3A = arith.constant 0 : i32
      %cond3A_105 = arith.cmpi ne, %convert_element_type3A, %cond3A : i32
      scf.if %cond3A_105 {
        %add3A_146 = arith.constant 2 : i32
        %add3A_147 = arith.addi %add3A_74, %add3A_146 : i32
        %mul3A_148 = arith.constant 3200 : i32
        %mul3A_149 = arith.muli %add3A_147, %mul3A_148 : i32
        %multiple_of3A_150 = tpu.assume_multiple %mul3A_149, 3200 : i32
        %dma_start3A_151 = arith.constant 0 : i32
        %dma_start3A_152 = arith.constant 0 : i32
        %dma_start3A_153 = tpu.memref_slice %arg14[%dma_start3A_151, %dma_start3A_152] : memref<2x3200xi32, #tpu.memory_space<vmem>> -> memref<1x3200xi32, #tpu.memory_space<vmem>>
        %dma_start3A_154 = tpu.memref_squeeze %dma_start3A_153 : memref<1x3200xi32, #tpu.memory_space<vmem>> -> memref<3200xi32, #tpu.memory_space<vmem>>
        %dma_start3A_155 = tpu.memref_slice %arg4[%multiple_of3A_150] : memref<320000xi32, #tpu.memory_space<hbm>> -> memref<3200xi32, #tpu.memory_space<hbm>>
        %dma_start3A_156 = arith.constant 0 : i32
        %dma_start3A_157 = tpu.memref_slice %arg14[%dma_start3A_151, %dma_start3A_156] : memref<2x3200xi32, #tpu.memory_space<vmem>> -> memref<1x3200xi32, #tpu.memory_space<vmem>>
        %dma_start3A_158 = tpu.memref_squeeze %dma_start3A_157 : memref<1x3200xi32, #tpu.memory_space<vmem>> -> memref<3200xi32, #tpu.memory_space<vmem>>
        %dma_start3A_159 = tpu.memref_slice %arg4[%multiple_of3A_150] : memref<320000xi32, #tpu.memory_space<hbm>> -> memref<3200xi32, #tpu.memory_space<hbm>>
        tpu.enqueue_dma source(%dma_start3A_159 : memref<3200xi32, #tpu.memory_space<hbm>>) target(%dma_start3A_158 : memref<3200xi32, #tpu.memory_space<vmem>>) target_semaphore(%arg16 : memref<!tpu.dma_semaphore, #tpu.memory_space<semaphore_mem>>)
        %dma_start3A_160 = arith.constant 0 : i32
        %dma_start3A_161 = arith.constant 0 : i32
        %dma_start3A_162 = arith.constant 0 : i32
        %dma_start3A_163 = tpu.memref_slice %arg15[%dma_start3A_160, %dma_start3A_161, %dma_start3A_162] : memref<2x4x3200xf32, #tpu.memory_space<vmem>> -> memref<1x4x3200xf32, #tpu.memory_space<vmem>>
        %dma_start3A_164 = tpu.memref_squeeze %dma_start3A_163 : memref<1x4x3200xf32, #tpu.memory_space<vmem>> -> memref<4x3200xf32, #tpu.memory_space<vmem>>
        %dma_start3A_165 = tpu.memref_slice %arg3[%mul3A_2, %multiple_of3A_150] : memref<128x320000xf32, #tpu.memory_space<hbm>> -> memref<4x3200xf32, #tpu.memory_space<hbm>>
        %dma_start3A_166 = arith.constant 0 : i32
        %dma_start3A_167 = arith.constant 0 : i32
        %dma_start3A_168 = tpu.memref_slice %arg15[%dma_start3A_160, %dma_start3A_166, %dma_start3A_167] : memref<2x4x3200xf32, #tpu.memory_space<vmem>> -> memref<1x4x3200xf32, #tpu.memory_space<vmem>>
        %dma_start3A_169 = tpu.memref_squeeze %dma_start3A_168 : memref<1x4x3200xf32, #tpu.memory_space<vmem>> -> memref<4x3200xf32, #tpu.memory_space<vmem>>
        %dma_start3A_170 = tpu.memref_slice %arg3[%mul3A_2, %multiple_of3A_150] : memref<128x320000xf32, #tpu.memory_space<hbm>> -> memref<4x3200xf32, #tpu.memory_space<hbm>>
        tpu.enqueue_dma source(%dma_start3A_170 : memref<4x3200xf32, #tpu.memory_space<hbm>>) target(%dma_start3A_169 : memref<4x3200xf32, #tpu.memory_space<vmem>>) target_semaphore(%arg18 : memref<!tpu.dma_semaphore, #tpu.memory_space<semaphore_mem>>)
      } else {
      }
      %mul3A_106 = arith.constant 2 : i32
      %mul3A_107 = arith.muli %scan3A_70, %mul3A_106 : i32
      %add3A_108 = arith.constant 1 : i32
      %add3A_109 = arith.addi %mul3A_107, %add3A_108 : i32
      %dma_wait3A_110 = arith.constant 1 : i32
      %dma_wait3A_111 = arith.constant 0 : i32
      %dma_wait3A_112 = tpu.memref_slice %arg14[%dma_wait3A_110, %dma_wait3A_111] : memref<2x3200xi32, #tpu.memory_space<vmem>> -> memref<1x3200xi32, #tpu.memory_space<vmem>>
      %dma_wait3A_113 = tpu.memref_squeeze %dma_wait3A_112 : memref<1x3200xi32, #tpu.memory_space<vmem>> -> memref<3200xi32, #tpu.memory_space<vmem>>
      %dma_wait3A_114 = arith.constant 0 : i32
      %dma_wait3A_115 = tpu.memref_slice %arg4[%dma_wait3A_114] : memref<320000xi32, #tpu.memory_space<hbm>> -> memref<3200xi32, #tpu.memory_space<hbm>>
      %dma_wait3A_116 = arith.constant 0 : i32
      %dma_wait3A_117 = tpu.memref_slice %arg14[%dma_wait3A_110, %dma_wait3A_116] : memref<2x3200xi32, #tpu.memory_space<vmem>> -> memref<1x3200xi32, #tpu.memory_space<vmem>>
      %dma_wait3A_118 = tpu.memref_squeeze %dma_wait3A_117 : memref<1x3200xi32, #tpu.memory_space<vmem>> -> memref<3200xi32, #tpu.memory_space<vmem>>
      %dma_wait3A_119 = arith.constant 0 : i32
      %dma_wait3A_120 = tpu.memref_slice %arg4[%dma_wait3A_119] : memref<320000xi32, #tpu.memory_space<hbm>> -> memref<3200xi32, #tpu.memory_space<hbm>>
      tpu.wait_dma2 semaphore(%arg17 : memref<!tpu.dma_semaphore, #tpu.memory_space<semaphore_mem>>) src(%dma_wait3A_120 : memref<3200xi32, #tpu.memory_space<hbm>>) dst(%dma_wait3A_118 : memref<3200xi32, #tpu.memory_space<vmem>>)
      %dma_wait3A_121 = arith.constant 1 : i32
      %dma_wait3A_122 = arith.constant 0 : i32
      %dma_wait3A_123 = arith.constant 0 : i32
      %dma_wait3A_124 = tpu.memref_slice %arg15[%dma_wait3A_121, %dma_wait3A_122, %dma_wait3A_123] : memref<2x4x3200xf32, #tpu.memory_space<vmem>> -> memref<1x4x3200xf32, #tpu.memory_space<vmem>>
      %dma_wait3A_125 = tpu.memref_squeeze %dma_wait3A_124 : memref<1x4x3200xf32, #tpu.memory_space<vmem>> -> memref<4x3200xf32, #tpu.memory_space<vmem>>
      %dma_wait3A_126 = arith.constant 0 : i32
      %dma_wait3A_127 = arith.constant 0 : i32
      %dma_wait3A_128 = tpu.memref_slice %arg3[%dma_wait3A_126, %dma_wait3A_127] : memref<128x320000xf32, #tpu.memory_space<hbm>> -> memref<4x3200xf32, #tpu.memory_space<hbm>>
      %dma_wait3A_129 = arith.constant 0 : i32
      %dma_wait3A_130 = arith.constant 0 : i32
      %dma_wait3A_131 = tpu.memref_slice %arg15[%dma_wait3A_121, %dma_wait3A_129, %dma_wait3A_130] : memref<2x4x3200xf32, #tpu.memory_space<vmem>> -> memref<1x4x3200xf32, #tpu.memory_space<vmem>>
      %dma_wait3A_132 = tpu.memref_squeeze %dma_wait3A_131 : memref<1x4x3200xf32, #tpu.memory_space<vmem>> -> memref<4x3200xf32, #tpu.memory_space<vmem>>
      %dma_wait3A_133 = arith.constant 0 : i32
      %dma_wait3A_134 = arith.constant 0 : i32
      %dma_wait3A_135 = tpu.memref_slice %arg3[%dma_wait3A_133, %dma_wait3A_134] : memref<128x320000xf32, #tpu.memory_space<hbm>> -> memref<4x3200xf32, #tpu.memory_space<hbm>>
      tpu.wait_dma2 semaphore(%arg19 : memref<!tpu.dma_semaphore, #tpu.memory_space<semaphore_mem>>) src(%dma_wait3A_135 : memref<4x3200xf32, #tpu.memory_space<hbm>>) dst(%dma_wait3A_132 : memref<4x3200xf32, #tpu.memory_space<vmem>>)
      %parallel_loop3A_136 = arith.constant 0 : i32
      %parallel_loop3A_137 = arith.constant 200 : i32
      %parallel_loop3A_138 = arith.constant 1 : i32
      scf.for %parallel_loop3A_146 = %parallel_loop3A_136 to %parallel_loop3A_137 step %parallel_loop3A_138  : i32 {
        %parallel_loop3A_147 = arith.constant 16 : i32
        %parallel_loop3A_148 = arith.muli %parallel_loop3A_146, %parallel_loop3A_147 : i32
        %parallel_loop3A_149 = tpu.assume_multiple %parallel_loop3A_148, 16 : i32
        %parallel_loop3A_150 = arith.constant 1 : i32
        %parallel_loop3A_151 = arith.index_cast %parallel_loop3A_150 : i32 to index
        %parallel_loop3A_152 = arith.index_cast %parallel_loop3A_149 : i32 to index
        %parallel_loop3A_153 = tpu.vector_load %arg14[%parallel_loop3A_151, %parallel_loop3A_152] {strides = array<i32>} : memref<2x3200xi32, #tpu.memory_space<vmem>>, vector<16xi32>,
        %parallel_loop3A_154 = arith.constant 65535 : i32
        %parallel_loop3A_155 = vector.broadcast %parallel_loop3A_154 : i32 to vector<16xi32>
        %parallel_loop3A_156 = arith.andi %parallel_loop3A_153, %parallel_loop3A_155 : vector<16xi32>
        %parallel_loop3A_157 = arith.constant 16 : i32
        %parallel_loop3A_158 = vector.broadcast %parallel_loop3A_157 : i32 to vector<16xi32>
        %parallel_loop3A_159 = arith.shrui %parallel_loop3A_153, %parallel_loop3A_158 : vector<16xi32>
        %parallel_loop3A_160 = arith.constant 1 : i32
        %parallel_loop3A_161 = arith.constant 0 : i32
        %parallel_loop3A_162 = arith.index_cast %parallel_loop3A_160 : i32 to index
        %parallel_loop3A_163 = arith.index_cast %parallel_loop3A_161 : i32 to index
        %parallel_loop3A_164 = arith.index_cast %parallel_loop3A_149 : i32 to index
        %parallel_loop3A_165 = tpu.vector_load %arg15[%parallel_loop3A_162, %parallel_loop3A_163, %parallel_loop3A_164] {strides = array<i32>} : memref<2x4x3200xf32, #tpu.memory_space<vmem>>, vector<16xf32>,
        %parallel_loop3A_166 = tpu.vector_load_idx %arg6[%parallel_loop3A_156] : memref<10000xf32, #tpu.memory_space<vmem>>[vector<16xi32>], vector<16xf32>,
        %parallel_loop3A_167 = arith.addf %parallel_loop3A_166, %parallel_loop3A_165 : vector<16xf32>
        %parallel_loop3A_168 = arith.constant 0.000000e+00 : f32
        %parallel_loop3A_169 = vector.broadcast %parallel_loop3A_168 : f32 to vector<16xf32>
        %parallel_loop3A_170 = arith.maximumf %parallel_loop3A_167, %parallel_loop3A_169 : vector<16xf32>
        tpu.vector_store_idx %arg10[%parallel_loop3A_159], %parallel_loop3A_170 {add = true} : memref<10000xf32, #tpu.memory_space<vmem>>[vector<16xi32>], vector<16xf32>,
        %parallel_loop3A_171 = arith.constant 1 : i32
        %parallel_loop3A_172 = arith.constant 1 : i32
        %parallel_loop3A_173 = arith.index_cast %parallel_loop3A_171 : i32 to index
        %parallel_loop3A_174 = arith.index_cast %parallel_loop3A_172 : i32 to index
        %parallel_loop3A_175 = arith.index_cast %parallel_loop3A_149 : i32 to index
        %parallel_loop3A_176 = tpu.vector_load %arg15[%parallel_loop3A_173, %parallel_loop3A_174, %parallel_loop3A_175] {strides = array<i32>} : memref<2x4x3200xf32, #tpu.memory_space<vmem>>, vector<16xf32>,
        %parallel_loop3A_177 = tpu.vector_load_idx %arg7[%parallel_loop3A_156] : memref<10000xf32, #tpu.memory_space<vmem>>[vector<16xi32>], vector<16xf32>,
        %parallel_loop3A_178 = arith.addf %parallel_loop3A_177, %parallel_loop3A_176 : vector<16xf32>
        %parallel_loop3A_179 = arith.constant 0.000000e+00 : f32
        %parallel_loop3A_180 = vector.broadcast %parallel_loop3A_179 : f32 to vector<16xf32>
        %parallel_loop3A_181 = arith.maximumf %parallel_loop3A_178, %parallel_loop3A_180 : vector<16xf32>
        tpu.vector_store_idx %arg11[%parallel_loop3A_159], %parallel_loop3A_181 {add = true} : memref<10000xf32, #tpu.memory_space<vmem>>[vector<16xi32>], vector<16xf32>,
        %parallel_loop3A_182 = arith.constant 1 : i32
        %parallel_loop3A_183 = arith.constant 2 : i32
        %parallel_loop3A_184 = arith.index_cast %parallel_loop3A_182 : i32 to index
        %parallel_loop3A_185 = arith.index_cast %parallel_loop3A_183 : i32 to index
        %parallel_loop3A_186 = arith.index_cast %parallel_loop3A_149 : i32 to index
        %parallel_loop3A_187 = tpu.vector_load %arg15[%parallel_loop3A_184, %parallel_loop3A_185, %parallel_loop3A_186] {strides = array<i32>} : memref<2x4x3200xf32, #tpu.memory_space<vmem>>, vector<16xf32>,
        %parallel_loop3A_188 = tpu.vector_load_idx %arg8[%parallel_loop3A_156] : memref<10000xf32, #tpu.memory_space<vmem>>[vector<16xi32>], vector<16xf32>,
        %parallel_loop3A_189 = arith.addf %parallel_loop3A_188, %parallel_loop3A_187 : vector<16xf32>
        %parallel_loop3A_190 = arith.constant 0.000000e+00 : f32
        %parallel_loop3A_191 = vector.broadcast %parallel_loop3A_190 : f32 to vector<16xf32>
        %parallel_loop3A_192 = arith.maximumf %parallel_loop3A_189, %parallel_loop3A_191 : vector<16xf32>
        tpu.vector_store_idx %arg12[%parallel_loop3A_159], %parallel_loop3A_192 {add = true} : memref<10000xf32, #tpu.memory_space<vmem>>[vector<16xi32>], vector<16xf32>,
        %parallel_loop3A_193 = arith.constant 1 : i32
        %parallel_loop3A_194 = arith.constant 3 : i32
        %parallel_loop3A_195 = arith.index_cast %parallel_loop3A_193 : i32 to index
        %parallel_loop3A_196 = arith.index_cast %parallel_loop3A_194 : i32 to index
        %parallel_loop3A_197 = arith.index_cast %parallel_loop3A_149 : i32 to index
        %parallel_loop3A_198 = tpu.vector_load %arg15[%parallel_loop3A_195, %parallel_loop3A_196, %parallel_loop3A_197] {strides = array<i32>} : memref<2x4x3200xf32, #tpu.memory_space<vmem>>, vector<16xf32>,
        %parallel_loop3A_199 = tpu.vector_load_idx %arg9[%parallel_loop3A_156] : memref<10000xf32, #tpu.memory_space<vmem>>[vector<16xi32>], vector<16xf32>,
        %parallel_loop3A_200 = arith.addf %parallel_loop3A_199, %parallel_loop3A_198 : vector<16xf32>
        %parallel_loop3A_201 = arith.constant 0.000000e+00 : f32
        %parallel_loop3A_202 = vector.broadcast %parallel_loop3A_201 : f32 to vector<16xf32>
        %parallel_loop3A_203 = arith.maximumf %parallel_loop3A_200, %parallel_loop3A_202 : vector<16xf32>
        tpu.vector_store_idx %arg13[%parallel_loop3A_159], %parallel_loop3A_203 {add = true} : memref<10000xf32, #tpu.memory_space<vmem>>[vector<16xi32>], vector<16xf32>,
      } {sc.loop_unroll_factor = 8 : i64, sc.parallel_access}
      %add3A_139 = arith.constant 2 : i32
      %add3A_140 = arith.addi %add3A_109, %add3A_139 : i32
      %lt3A_141 = arith.constant 100 : i32
      %lt3A_142 = arith.cmpi slt, %add3A_140, %lt3A_141 : i32
      %convert_element_type3A_143 = arith.extui %lt3A_142 : i1 to i32
      %cond3A_144 = arith.constant 0 : i32
      %cond3A_145 = arith.cmpi ne, %convert_element_type3A_143, %cond3A_144 : i32
      scf.if %cond3A_145 {
        %add3A_146 = arith.constant 2 : i32
        %add3A_147 = arith.addi %add3A_109, %add3A_146 : i32
        %mul3A_148 = arith.constant 3200 : i32
        %mul3A_149 = arith.muli %add3A_147, %mul3A_148 : i32
        %multiple_of3A_150 = tpu.assume_multiple %mul3A_149, 3200 : i32
        %dma_start3A_151 = arith.constant 1 : i32
        %dma_start3A_152 = arith.constant 0 : i32
        %dma_start3A_153 = tpu.memref_slice %arg14[%dma_start3A_151, %dma_start3A_152] : memref<2x3200xi32, #tpu.memory_space<vmem>> -> memref<1x3200xi32, #tpu.memory_space<vmem>>
        %dma_start3A_154 = tpu.memref_squeeze %dma_start3A_153 : memref<1x3200xi32, #tpu.memory_space<vmem>> -> memref<3200xi32, #tpu.memory_space<vmem>>
        %dma_start3A_155 = tpu.memref_slice %arg4[%multiple_of3A_150] : memref<320000xi32, #tpu.memory_space<hbm>> -> memref<3200xi32, #tpu.memory_space<hbm>>
        %dma_start3A_156 = arith.constant 0 : i32
        %dma_start3A_157 = tpu.memref_slice %arg14[%dma_start3A_151, %dma_start3A_156] : memref<2x3200xi32, #tpu.memory_space<vmem>> -> memref<1x3200xi32, #tpu.memory_space<vmem>>
        %dma_start3A_158 = tpu.memref_squeeze %dma_start3A_157 : memref<1x3200xi32, #tpu.memory_space<vmem>> -> memref<3200xi32, #tpu.memory_space<vmem>>
        %dma_start3A_159 = tpu.memref_slice %arg4[%multiple_of3A_150] : memref<320000xi32, #tpu.memory_space<hbm>> -> memref<3200xi32, #tpu.memory_space<hbm>>
        tpu.enqueue_dma source(%dma_start3A_159 : memref<3200xi32, #tpu.memory_space<hbm>>) target(%dma_start3A_158 : memref<3200xi32, #tpu.memory_space<vmem>>) target_semaphore(%arg17 : memref<!tpu.dma_semaphore, #tpu.memory_space<semaphore_mem>>)
        %dma_start3A_160 = arith.constant 1 : i32
        %dma_start3A_161 = arith.constant 0 : i32
        %dma_start3A_162 = arith.constant 0 : i32
        %dma_start3A_163 = tpu.memref_slice %arg15[%dma_start3A_160, %dma_start3A_161, %dma_start3A_162] : memref<2x4x3200xf32, #tpu.memory_space<vmem>> -> memref<1x4x3200xf32, #tpu.memory_space<vmem>>
        %dma_start3A_164 = tpu.memref_squeeze %dma_start3A_163 : memref<1x4x3200xf32, #tpu.memory_space<vmem>> -> memref<4x3200xf32, #tpu.memory_space<vmem>>
        %dma_start3A_165 = tpu.memref_slice %arg3[%mul3A_2, %multiple_of3A_150] : memref<128x320000xf32, #tpu.memory_space<hbm>> -> memref<4x3200xf32, #tpu.memory_space<hbm>>
        %dma_start3A_166 = arith.constant 0 : i32
        %dma_start3A_167 = arith.constant 0 : i32
        %dma_start3A_168 = tpu.memref_slice %arg15[%dma_start3A_160, %dma_start3A_166, %dma_start3A_167] : memref<2x4x3200xf32, #tpu.memory_space<vmem>> -> memref<1x4x3200xf32, #tpu.memory_space<vmem>>
        %dma_start3A_169 = tpu.memref_squeeze %dma_start3A_168 : memref<1x4x3200xf32, #tpu.memory_space<vmem>> -> memref<4x3200xf32, #tpu.memory_space<vmem>>
        %dma_start3A_170 = tpu.memref_slice %arg3[%mul3A_2, %multiple_of3A_150] : memref<128x320000xf32, #tpu.memory_space<hbm>> -> memref<4x3200xf32, #tpu.memory_space<hbm>>
        tpu.enqueue_dma source(%dma_start3A_170 : memref<4x3200xf32, #tpu.memory_space<hbm>>) target(%dma_start3A_169 : memref<4x3200xf32, #tpu.memory_space<vmem>>) target_semaphore(%arg19 : memref<!tpu.dma_semaphore, #tpu.memory_space<semaphore_mem>>)
      } else {
      }
    }
    %scan3A_61 = arith.constant 50 : i32
    %add3A_62 = arith.constant 0 : i32
    %add3A_63 = arith.addi %mul3A_2, %add3A_62 : i32
    "tpu.region"() ({
      %run_scoped3A = tpu.sem_alloc : memref<!tpu.dma_semaphore, #tpu.memory_space<semaphore_mem>>
      %dma_start3A_70 = arith.constant 0 : i32
      %dma_start3A_71 = tpu.memref_slice %arg5[%add3A_63, %dma_start3A_70] : memref<128x10000xf32, #tpu.memory_space<hbm>> -> memref<1x10000xf32, #tpu.memory_space<hbm>>
      %dma_start3A_72 = tpu.memref_squeeze %dma_start3A_71 : memref<1x10000xf32, #tpu.memory_space<hbm>> -> memref<10000xf32, #tpu.memory_space<hbm>>
      %dma_start3A_73 = arith.constant 0 : i32
      %dma_start3A_74 = tpu.memref_slice %arg5[%add3A_63, %dma_start3A_73] : memref<128x10000xf32, #tpu.memory_space<hbm>> -> memref<1x10000xf32, #tpu.memory_space<hbm>>
      %dma_start3A_75 = tpu.memref_squeeze %dma_start3A_74 : memref<1x10000xf32, #tpu.memory_space<hbm>> -> memref<10000xf32, #tpu.memory_space<hbm>>
      tpu.enqueue_dma source(%arg10 : memref<10000xf32, #tpu.memory_space<vmem>>) target(%dma_start3A_75 : memref<10000xf32, #tpu.memory_space<hbm>>) target_semaphore(%run_scoped3A : memref<!tpu.dma_semaphore, #tpu.memory_space<semaphore_mem>>)
      %dma_wait3A = arith.constant 0 : i32
      %dma_wait3A_76 = tpu.memref_slice %arg5[%add3A_63, %dma_wait3A] : memref<128x10000xf32, #tpu.memory_space<hbm>> -> memref<1x10000xf32, #tpu.memory_space<hbm>>
      %dma_wait3A_77 = tpu.memref_squeeze %dma_wait3A_76 : memref<1x10000xf32, #tpu.memory_space<hbm>> -> memref<10000xf32, #tpu.memory_space<hbm>>
      %dma_wait3A_78 = arith.constant 0 : i32
      %dma_wait3A_79 = tpu.memref_slice %arg5[%add3A_63, %dma_wait3A_78] : memref<128x10000xf32, #tpu.memory_space<hbm>> -> memref<1x10000xf32, #tpu.memory_space<hbm>>
      %dma_wait3A_80 = tpu.memref_squeeze %dma_wait3A_79 : memref<1x10000xf32, #tpu.memory_space<hbm>> -> memref<10000xf32, #tpu.memory_space<hbm>>
      tpu.wait_dma2 semaphore(%run_scoped3A : memref<!tpu.dma_semaphore, #tpu.memory_space<semaphore_mem>>) src(%arg10 : memref<10000xf32, #tpu.memory_space<vmem>>) dst(%dma_wait3A_80 : memref<10000xf32, #tpu.memory_space<hbm>>)
      tpu.yield
    }) : () -> ()
    %add3A_64 = arith.constant 1 : i32
    %add3A_65 = arith.addi %mul3A_2, %add3A_64 : i32
    "tpu.region"() ({
      %run_scoped3A = tpu.sem_alloc : memref<!tpu.dma_semaphore, #tpu.memory_space<semaphore_mem>>
      %dma_start3A_70 = arith.constant 0 : i32
      %dma_start3A_71 = tpu.memref_slice %arg5[%add3A_65, %dma_start3A_70] : memref<128x10000xf32, #tpu.memory_space<hbm>> -> memref<1x10000xf32, #tpu.memory_space<hbm>>
      %dma_start3A_72 = tpu.memref_squeeze %dma_start3A_71 : memref<1x10000xf32, #tpu.memory_space<hbm>> -> memref<10000xf32, #tpu.memory_space<hbm>>
      %dma_start3A_73 = arith.constant 0 : i32
      %dma_start3A_74 = tpu.memref_slice %arg5[%add3A_65, %dma_start3A_73] : memref<128x10000xf32, #tpu.memory_space<hbm>> -> memref<1x10000xf32, #tpu.memory_space<hbm>>
      %dma_start3A_75 = tpu.memref_squeeze %dma_start3A_74 : memref<1x10000xf32, #tpu.memory_space<hbm>> -> memref<10000xf32, #tpu.memory_space<hbm>>
      tpu.enqueue_dma source(%arg11 : memref<10000xf32, #tpu.memory_space<vmem>>) target(%dma_start3A_75 : memref<10000xf32, #tpu.memory_space<hbm>>) target_semaphore(%run_scoped3A : memref<!tpu.dma_semaphore, #tpu.memory_space<semaphore_mem>>)
      %dma_wait3A = arith.constant 0 : i32
      %dma_wait3A_76 = tpu.memref_slice %arg5[%add3A_65, %dma_wait3A] : memref<128x10000xf32, #tpu.memory_space<hbm>> -> memref<1x10000xf32, #tpu.memory_space<hbm>>
      %dma_wait3A_77 = tpu.memref_squeeze %dma_wait3A_76 : memref<1x10000xf32, #tpu.memory_space<hbm>> -> memref<10000xf32, #tpu.memory_space<hbm>>
      %dma_wait3A_78 = arith.constant 0 : i32
      %dma_wait3A_79 = tpu.memref_slice %arg5[%add3A_65, %dma_wait3A_78] : memref<128x10000xf32, #tpu.memory_space<hbm>> -> memref<1x10000xf32, #tpu.memory_space<hbm>>
      %dma_wait3A_80 = tpu.memref_squeeze %dma_wait3A_79 : memref<1x10000xf32, #tpu.memory_space<hbm>> -> memref<10000xf32, #tpu.memory_space<hbm>>
      tpu.wait_dma2 semaphore(%run_scoped3A : memref<!tpu.dma_semaphore, #tpu.memory_space<semaphore_mem>>) src(%arg11 : memref<10000xf32, #tpu.memory_space<vmem>>) dst(%dma_wait3A_80 : memref<10000xf32, #tpu.memory_space<hbm>>)
      tpu.yield
    }) : () -> ()
    %add3A_66 = arith.constant 2 : i32
    %add3A_67 = arith.addi %mul3A_2, %add3A_66 : i32
    "tpu.region"() ({
      %run_scoped3A = tpu.sem_alloc : memref<!tpu.dma_semaphore, #tpu.memory_space<semaphore_mem>>
      %dma_start3A_70 = arith.constant 0 : i32
      %dma_start3A_71 = tpu.memref_slice %arg5[%add3A_67, %dma_start3A_70] : memref<128x10000xf32, #tpu.memory_space<hbm>> -> memref<1x10000xf32, #tpu.memory_space<hbm>>
      %dma_start3A_72 = tpu.memref_squeeze %dma_start3A_71 : memref<1x10000xf32, #tpu.memory_space<hbm>> -> memref<10000xf32, #tpu.memory_space<hbm>>
      %dma_start3A_73 = arith.constant 0 : i32
      %dma_start3A_74 = tpu.memref_slice %arg5[%add3A_67, %dma_start3A_73] : memref<128x10000xf32, #tpu.memory_space<hbm>> -> memref<1x10000xf32, #tpu.memory_space<hbm>>
      %dma_start3A_75 = tpu.memref_squeeze %dma_start3A_74 : memref<1x10000xf32, #tpu.memory_space<hbm>> -> memref<10000xf32, #tpu.memory_space<hbm>>
      tpu.enqueue_dma source(%arg12 : memref<10000xf32, #tpu.memory_space<vmem>>) target(%dma_start3A_75 : memref<10000xf32, #tpu.memory_space<hbm>>) target_semaphore(%run_scoped3A : memref<!tpu.dma_semaphore, #tpu.memory_space<semaphore_mem>>)
      %dma_wait3A = arith.constant 0 : i32
      %dma_wait3A_76 = tpu.memref_slice %arg5[%add3A_67, %dma_wait3A] : memref<128x10000xf32, #tpu.memory_space<hbm>> -> memref<1x10000xf32, #tpu.memory_space<hbm>>
      %dma_wait3A_77 = tpu.memref_squeeze %dma_wait3A_76 : memref<1x10000xf32, #tpu.memory_space<hbm>> -> memref<10000xf32, #tpu.memory_space<hbm>>
      %dma_wait3A_78 = arith.constant 0 : i32
      %dma_wait3A_79 = tpu.memref_slice %arg5[%add3A_67, %dma_wait3A_78] : memref<128x10000xf32, #tpu.memory_space<hbm>> -> memref<1x10000xf32, #tpu.memory_space<hbm>>
      %dma_wait3A_80 = tpu.memref_squeeze %dma_wait3A_79 : memref<1x10000xf32, #tpu.memory_space<hbm>> -> memref<10000xf32, #tpu.memory_space<hbm>>
      tpu.wait_dma2 semaphore(%run_scoped3A : memref<!tpu.dma_semaphore, #tpu.memory_space<semaphore_mem>>) src(%arg12 : memref<10000xf32, #tpu.memory_space<vmem>>) dst(%dma_wait3A_80 : memref<10000xf32, #tpu.memory_space<hbm>>)
      tpu.yield
    }) : () -> ()
    %add3A_68 = arith.constant 3 : i32
    %add3A_69 = arith.addi %mul3A_2, %add3A_68 : i32
    "tpu.region"() ({
      %run_scoped3A = tpu.sem_alloc : memref<!tpu.dma_semaphore, #tpu.memory_space<semaphore_mem>>
      %dma_start3A_70 = arith.constant 0 : i32
      %dma_start3A_71 = tpu.memref_slice %arg5[%add3A_69, %dma_start3A_70] : memref<128x10000xf32, #tpu.memory_space<hbm>> -> memref<1x10000xf32, #tpu.memory_space<hbm>>
      %dma_start3A_72 = tpu.memref_squeeze %dma_start3A_71 : memref<1x10000xf32, #tpu.memory_space<hbm>> -> memref<10000xf32, #tpu.memory_space<hbm>>
      %dma_start3A_73 = arith.constant 0 : i32
      %dma_start3A_74 = tpu.memref_slice %arg5[%add3A_69, %dma_start3A_73] : memref<128x10000xf32, #tpu.memory_space<hbm>> -> memref<1x10000xf32, #tpu.memory_space<hbm>>
      %dma_start3A_75 = tpu.memref_squeeze %dma_start3A_74 : memref<1x10000xf32, #tpu.memory_space<hbm>> -> memref<10000xf32, #tpu.memory_space<hbm>>
      tpu.enqueue_dma source(%arg13 : memref<10000xf32, #tpu.memory_space<vmem>>) target(%dma_start3A_75 : memref<10000xf32, #tpu.memory_space<hbm>>) target_semaphore(%run_scoped3A : memref<!tpu.dma_semaphore, #tpu.memory_space<semaphore_mem>>)
      %dma_wait3A = arith.constant 0 : i32
      %dma_wait3A_76 = tpu.memref_slice %arg5[%add3A_69, %dma_wait3A] : memref<128x10000xf32, #tpu.memory_space<hbm>> -> memref<1x10000xf32, #tpu.memory_space<hbm>>
      %dma_wait3A_77 = tpu.memref_squeeze %dma_wait3A_76 : memref<1x10000xf32, #tpu.memory_space<hbm>> -> memref<10000xf32, #tpu.memory_space<hbm>>
      %dma_wait3A_78 = arith.constant 0 : i32
      %dma_wait3A_79 = tpu.memref_slice %arg5[%add3A_69, %dma_wait3A_78] : memref<128x10000xf32, #tpu.memory_space<hbm>> -> memref<1x10000xf32, #tpu.memory_space<hbm>>
      %dma_wait3A_80 = tpu.memref_squeeze %dma_wait3A_79 : memref<1x10000xf32, #tpu.memory_space<hbm>> -> memref<10000xf32, #tpu.memory_space<hbm>>
      tpu.wait_dma2 semaphore(%run_scoped3A : memref<!tpu.dma_semaphore, #tpu.memory_space<semaphore_mem>>) src(%arg13 : memref<10000xf32, #tpu.memory_space<vmem>>) dst(%dma_wait3A_80 : memref<10000xf32, #tpu.memory_space<hbm>>)
      tpu.yield
    }) : () -> ()
    return
  }
}

module attributes {stable_mosaic.version = 14 : i64} {
  func.func @_node_enc_body(%arg0: memref<10000x128xf32, #tpu.memory_space<vmem>>, %arg1: memref<128x128xf32, #tpu.memory_space<vmem>>, %arg2: memref<128x1xf32, #tpu.memory_space<vmem>>, %arg3: memref<128x10000xf32, #tpu.memory_space<vmem>>) attributes {dimension_semantics = [], scalar_prefetch = 0 : i64, scratch_operands = 0 : i64, tpu.core_type = #tpu.core_type<tc>} {
    %get3A = arith.constant 0 : index
    %get3A_0 = arith.constant 0 : index
    %get3A_1 = vector.load %arg1[%get3A, %get3A_0] : memref<128x128xf32, #tpu.memory_space<vmem>>, vector<128x128xf32>
    %get3A_2 = arith.constant 0 : index
    %get3A_3 = arith.constant 0 : index
    %get3A_4 = vector.load %arg0[%get3A_2, %get3A_3] : memref<10000x128xf32, #tpu.memory_space<vmem>>, vector<10000x128xf32>
    %dot_general3A = arith.constant dense<0.000000e+00> : vector<128x10000xf32>
    %dot_general3A_5 = tpu.matmul %get3A_1, %get3A_4, %dot_general3A {dimension_numbers = #tpu.dot_dimension_numbers<[0], [1], [1], [0], [0, 1, 1, 0], [], []>, transpose_lhs_hint = false} : vector<128x128xf32>, vector<10000x128xf32>, vector<128x10000xf32> -> vector<128x10000xf32>
    %get3A_6 = arith.constant 0 : index
    %get3A_7 = arith.constant 0 : index
    %get3A_8 = vector.load %arg2[%get3A_6, %get3A_7] : memref<128x1xf32, #tpu.memory_space<vmem>>, vector<128x1xf32>
    %add3A = vector.broadcast %get3A_8 : vector<128x1xf32> to vector<128x10000xf32>
    %add3A_9 = arith.addf %dot_general3A_5, %add3A : vector<128x10000xf32>
    %swap3A = arith.constant 0 : index
    %swap3A_10 = arith.constant 0 : index
    %swap3A_11 = vector.load %arg3[%swap3A, %swap3A_10] : memref<128x10000xf32, #tpu.memory_space<vmem>>, vector<128x10000xf32>
    tpu.vector_store %arg3[%swap3A, %swap3A_10], %add3A_9 {strides = array<i32>} : memref<128x10000xf32, #tpu.memory_space<vmem>>, vector<128x10000xf32>,
    return
  }
}

module attributes {stable_mosaic.version = 14 : i64} {
  func.func @_edge_enc_body(%arg0: i32, %arg1: memref<16x16000xf32, #tpu.memory_space<vmem>>, %arg2: memref<16x128xf32, #tpu.memory_space<vmem>>, %arg3: memref<128x1xf32, #tpu.memory_space<vmem>>, %arg4: memref<128x320000xf32, #tpu.memory_space<any>>, %arg5: memref<128x16000xf32, #tpu.memory_space<vmem>>, %arg6: memref<128x16000xf32, #tpu.memory_space<vmem>>, %arg7: memref<!tpu.dma_semaphore, #tpu.memory_space<semaphore_mem>>, %arg8: memref<!tpu.dma_semaphore, #tpu.memory_space<semaphore_mem>>) attributes {dimension_semantics = [#tpu.dimension_semantics<arbitrary>], iteration_bounds = array<i64: 20>, scalar_prefetch = 0 : i64, scratch_operands = 4 : i64, tpu.core_type = #tpu.core_type<tc>, window_params = [{transform_indices = @transform_0, window_bounds = array<i64: 16, 16000>}, {pipeline_mode = #tpu.pipeline_mode<synchronous>, transform_indices = @transform_1, window_bounds = array<i64: 16, 128>}, {pipeline_mode = #tpu.pipeline_mode<synchronous>, transform_indices = @transform_2, window_bounds = array<i64: 128, 1>}, {}]} {
    %get3A = arith.constant 0 : index
    %get3A_0 = arith.constant 0 : index
    %get3A_1 = vector.load %arg2[%get3A, %get3A_0] : memref<16x128xf32, #tpu.memory_space<vmem>>, vector<16x128xf32>
    %get3A_2 = arith.constant 0 : index
    %get3A_3 = arith.constant 0 : index
    %get3A_4 = vector.load %arg1[%get3A_2, %get3A_3] : memref<16x16000xf32, #tpu.memory_space<vmem>>, vector<16x16000xf32>
    %dot_general3A = arith.constant dense<0.000000e+00> : vector<128x16000xf32>
    %dot_general3A_5 = tpu.matmul %get3A_1, %get3A_4, %dot_general3A {dimension_numbers = #tpu.dot_dimension_numbers<[0], [0], [1], [1], [0, 1, 1, 1], [], []>, transpose_lhs_hint = false} : vector<16x128xf32>, vector<16x16000xf32>, vector<128x16000xf32> -> vector<128x16000xf32>
    %get3A_6 = arith.constant 0 : index
    %get3A_7 = arith.constant 0 : index
    %get3A_8 = vector.load %arg3[%get3A_6, %get3A_7] : memref<128x1xf32, #tpu.memory_space<vmem>>, vector<128x1xf32>
    %add3A = vector.broadcast %get3A_8 : vector<128x1xf32> to vector<128x16000xf32>
    %add3A_9 = arith.addf %dot_general3A_5, %add3A : vector<128x16000xf32>
    %rem3A = arith.constant 2 : i32
    %rem3A_10 = arith.remsi %arg0, %rem3A : i32
    %eq3A = arith.constant 0 : i32
    %eq3A_11 = arith.cmpi eq, %rem3A_10, %eq3A : i32
    %convert_element_type3A = arith.extui %eq3A_11 : i1 to i32
    %cond3A = arith.constant 0 : i32
    %cond3A_12 = arith.cmpi ne, %convert_element_type3A, %cond3A : i32
    scf.if %cond3A_12 {
      %ge3A = arith.constant 2 : i32
      %ge3A_25 = arith.cmpi sge, %arg0, %ge3A : i32
      %convert_element_type3A_26 = arith.extui %ge3A_25 : i1 to i32
      %cond3A_27 = arith.constant 0 : i32
      %cond3A_28 = arith.cmpi ne, %convert_element_type3A_26, %cond3A_27 : i32
      scf.if %cond3A_28 {
        %dma_wait3A = arith.constant 0 : i32
        %dma_wait3A_38 = arith.constant 0 : i32
        %dma_wait3A_39 = tpu.memref_slice %arg4[%dma_wait3A, %dma_wait3A_38] : memref<128x320000xf32, #tpu.memory_space<any>> -> memref<128x16000xf32, #tpu.memory_space<any>>
        tpu.wait_dma2 semaphore(%arg7 : memref<!tpu.dma_semaphore, #tpu.memory_space<semaphore_mem>>) src(%arg5 : memref<128x16000xf32, #tpu.memory_space<vmem>>) dst(%dma_wait3A_39 : memref<128x16000xf32, #tpu.memory_space<any>>)
      } else {
      }
      %swap3A = arith.constant 0 : index
      %swap3A_29 = arith.constant 0 : index
      %swap3A_30 = vector.load %arg5[%swap3A, %swap3A_29] : memref<128x16000xf32, #tpu.memory_space<vmem>>, vector<128x16000xf32>
      tpu.vector_store %arg5[%swap3A, %swap3A_29], %add3A_9 {strides = array<i32>} : memref<128x16000xf32, #tpu.memory_space<vmem>>, vector<128x16000xf32>,
      %mul3A = arith.constant 16000 : i32
      %mul3A_31 = arith.muli %arg0, %mul3A : i32
      %dma_start3A = arith.constant 0 : i32
      %dma_start3A_32 = tpu.memref_slice %arg4[%dma_start3A, %mul3A_31] : memref<128x320000xf32, #tpu.memory_space<any>> -> memref<128x16000xf32, #tpu.memory_space<any>>
      tpu.enqueue_dma source(%arg5 : memref<128x16000xf32, #tpu.memory_space<vmem>>) target(%dma_start3A_32 : memref<128x16000xf32, #tpu.memory_space<any>>) target_semaphore(%arg7 : memref<!tpu.dma_semaphore, #tpu.memory_space<semaphore_mem>>)
      %eq3A_33 = arith.constant 19 : i32
      %eq3A_34 = arith.cmpi eq, %arg0, %eq3A_33 : i32
      %convert_element_type3A_35 = arith.extui %eq3A_34 : i1 to i32
      %cond3A_36 = arith.constant 0 : i32
      %cond3A_37 = arith.cmpi ne, %convert_element_type3A_35, %cond3A_36 : i32
      scf.if %cond3A_37 {
        %dma_wait3A = arith.constant 0 : i32
        %dma_wait3A_38 = tpu.memref_slice %arg4[%dma_wait3A, %mul3A_31] : memref<128x320000xf32, #tpu.memory_space<any>> -> memref<128x16000xf32, #tpu.memory_space<any>>
        tpu.wait_dma2 semaphore(%arg7 : memref<!tpu.dma_semaphore, #tpu.memory_space<semaphore_mem>>) src(%arg5 : memref<128x16000xf32, #tpu.memory_space<vmem>>) dst(%dma_wait3A_38 : memref<128x16000xf32, #tpu.memory_space<any>>)
      } else {
      }
    } else {
    }
    %rem3A_13 = arith.constant 2 : i32
    %rem3A_14 = arith.remsi %arg0, %rem3A_13 : i32
    %eq3A_15 = arith.constant 1 : i32
    %eq3A_16 = arith.cmpi eq, %rem3A_14, %eq3A_15 : i32
    %convert_element_type3A_17 = arith.extui %eq3A_16 : i1 to i32
    %cond3A_18 = arith.constant 0 : i32
    %cond3A_19 = arith.cmpi ne, %convert_element_type3A_17, %cond3A_18 : i32
    scf.if %cond3A_19 {
      %ge3A = arith.constant 2 : i32
      %ge3A_25 = arith.cmpi sge, %arg0, %ge3A : i32
      %convert_element_type3A_26 = arith.extui %ge3A_25 : i1 to i32
      %cond3A_27 = arith.constant 0 : i32
      %cond3A_28 = arith.cmpi ne, %convert_element_type3A_26, %cond3A_27 : i32
      scf.if %cond3A_28 {
        %dma_wait3A = arith.constant 0 : i32
        %dma_wait3A_38 = arith.constant 0 : i32
        %dma_wait3A_39 = tpu.memref_slice %arg4[%dma_wait3A, %dma_wait3A_38] : memref<128x320000xf32, #tpu.memory_space<any>> -> memref<128x16000xf32, #tpu.memory_space<any>>
        tpu.wait_dma2 semaphore(%arg8 : memref<!tpu.dma_semaphore, #tpu.memory_space<semaphore_mem>>) src(%arg6 : memref<128x16000xf32, #tpu.memory_space<vmem>>) dst(%dma_wait3A_39 : memref<128x16000xf32, #tpu.memory_space<any>>)
      } else {
      }
      %swap3A = arith.constant 0 : index
      %swap3A_29 = arith.constant 0 : index
      %swap3A_30 = vector.load %arg6[%swap3A, %swap3A_29] : memref<128x16000xf32, #tpu.memory_space<vmem>>, vector<128x16000xf32>
      tpu.vector_store %arg6[%swap3A, %swap3A_29], %add3A_9 {strides = array<i32>} : memref<128x16000xf32, #tpu.memory_space<vmem>>, vector<128x16000xf32>,
      %mul3A = arith.constant 16000 : i32
      %mul3A_31 = arith.muli %arg0, %mul3A : i32
      %dma_start3A = arith.constant 0 : i32
      %dma_start3A_32 = tpu.memref_slice %arg4[%dma_start3A, %mul3A_31] : memref<128x320000xf32, #tpu.memory_space<any>> -> memref<128x16000xf32, #tpu.memory_space<any>>
      tpu.enqueue_dma source(%arg6 : memref<128x16000xf32, #tpu.memory_space<vmem>>) target(%dma_start3A_32 : memref<128x16000xf32, #tpu.memory_space<any>>) target_semaphore(%arg8 : memref<!tpu.dma_semaphore, #tpu.memory_space<semaphore_mem>>)
      %eq3A_33 = arith.constant 19 : i32
      %eq3A_34 = arith.cmpi eq, %arg0, %eq3A_33 : i32
      %convert_element_type3A_35 = arith.extui %eq3A_34 : i1 to i32
      %cond3A_36 = arith.constant 0 : i32
      %cond3A_37 = arith.cmpi ne, %convert_element_type3A_35, %cond3A_36 : i32
      scf.if %cond3A_37 {
        %dma_wait3A = arith.constant 0 : i32
        %dma_wait3A_38 = tpu.memref_slice %arg4[%dma_wait3A, %mul3A_31] : memref<128x320000xf32, #tpu.memory_space<any>> -> memref<128x16000xf32, #tpu.memory_space<any>>
        tpu.wait_dma2 semaphore(%arg8 : memref<!tpu.dma_semaphore, #tpu.memory_space<semaphore_mem>>) src(%arg6 : memref<128x16000xf32, #tpu.memory_space<vmem>>) dst(%dma_wait3A_38 : memref<128x16000xf32, #tpu.memory_space<any>>)
      } else {
      }
    } else {
    }
    %eq3A_20 = arith.constant 19 : i32
    %eq3A_21 = arith.cmpi eq, %arg0, %eq3A_20 : i32
    %convert_element_type3A_22 = arith.extui %eq3A_21 : i1 to i32
    %cond3A_23 = arith.constant 0 : i32
    %cond3A_24 = arith.cmpi ne, %convert_element_type3A_22, %cond3A_23 : i32
    scf.if %cond3A_24 {
      %rem3A_25 = arith.constant 2 : i32
      %rem3A_26 = arith.remsi %arg0, %rem3A_25 : i32
      %ne3A = arith.constant 0 : i32
      %ne3A_27 = arith.cmpi ne, %rem3A_26, %ne3A : i32
      %convert_element_type3A_28 = arith.extui %ne3A_27 : i1 to i32
      %cond3A_29 = arith.constant 0 : i32
      %cond3A_30 = arith.cmpi ne, %convert_element_type3A_28, %cond3A_29 : i32
      scf.if %cond3A_30 {
        %dma_wait3A = arith.constant 0 : i32
        %dma_wait3A_38 = arith.constant 0 : i32
        %dma_wait3A_39 = tpu.memref_slice %arg4[%dma_wait3A, %dma_wait3A_38] : memref<128x320000xf32, #tpu.memory_space<any>> -> memref<128x16000xf32, #tpu.memory_space<any>>
        tpu.wait_dma2 semaphore(%arg7 : memref<!tpu.dma_semaphore, #tpu.memory_space<semaphore_mem>>) src(%arg5 : memref<128x16000xf32, #tpu.memory_space<vmem>>) dst(%dma_wait3A_39 : memref<128x16000xf32, #tpu.memory_space<any>>)
      } else {
      }
      %rem3A_31 = arith.constant 2 : i32
      %rem3A_32 = arith.remsi %arg0, %rem3A_31 : i32
      %ne3A_33 = arith.constant 1 : i32
      %ne3A_34 = arith.cmpi ne, %rem3A_32, %ne3A_33 : i32
      %convert_element_type3A_35 = arith.extui %ne3A_34 : i1 to i32
      %cond3A_36 = arith.constant 0 : i32
      %cond3A_37 = arith.cmpi ne, %convert_element_type3A_35, %cond3A_36 : i32
      scf.if %cond3A_37 {
        %dma_wait3A = arith.constant 0 : i32
        %dma_wait3A_38 = arith.constant 0 : i32
        %dma_wait3A_39 = tpu.memref_slice %arg4[%dma_wait3A, %dma_wait3A_38] : memref<128x320000xf32, #tpu.memory_space<any>> -> memref<128x16000xf32, #tpu.memory_space<any>>
        tpu.wait_dma2 semaphore(%arg8 : memref<!tpu.dma_semaphore, #tpu.memory_space<semaphore_mem>>) src(%arg6 : memref<128x16000xf32, #tpu.memory_space<vmem>>) dst(%dma_wait3A_39 : memref<128x16000xf32, #tpu.memory_space<any>>)
      } else {
      }
    } else {
    }
    return
  }
  func.func @transform_0(%arg0: i32) -> (i32, i32) {
    %c0_i32 = arith.constant 0 : i32
    %c0_i32_0 = arith.constant 0 : i32
    return %c0_i32, %arg0 : i32, i32
  }
  func.func @transform_1(%arg0: i32) -> (i32, i32) {
    %c0_i32 = arith.constant 0 : i32
    %c0_i32_0 = arith.constant 0 : i32
    %c0_i32_1 = arith.constant 0 : i32
    return %c0_i32, %c0_i32_0 : i32, i32
  }
  func.func @transform_2(%arg0: i32) -> (i32, i32) {
    %c0_i32 = arith.constant 0 : i32
    %c0_i32_0 = arith.constant 0 : i32
    %c0_i32_1 = arith.constant 0 : i32
    return %c0_i32, %c0_i32_0 : i32, i32
  }
}

module attributes {stable_mosaic.version = 14 : i64} {
  func.func @_mlp_body(%arg0: memref<128x10000xf32, #tpu.memory_space<vmem>>, %arg1: memref<128x10000xf32, #tpu.memory_space<vmem>>, %arg2: memref<128x128xf32, #tpu.memory_space<vmem>>, %arg3: memref<128x1xf32, #tpu.memory_space<vmem>>, %arg4: memref<128x1xf32, #tpu.memory_space<vmem>>, %arg5: memref<128x1xf32, #tpu.memory_space<vmem>>, %arg6: memref<128x128xf32, #tpu.memory_space<vmem>>, %arg7: memref<128x1xf32, #tpu.memory_space<vmem>>, %arg8: memref<128x10000xf32, #tpu.memory_space<vmem>>) attributes {dimension_semantics = [], scalar_prefetch = 0 : i64, scratch_operands = 0 : i64, tpu.core_type = #tpu.core_type<tc>} {
    %get3A = arith.constant 0 : index
    %get3A_0 = arith.constant 0 : index
    %get3A_1 = vector.load %arg0[%get3A, %get3A_0] : memref<128x10000xf32, #tpu.memory_space<vmem>>, vector<128x10000xf32>
    %get3A_2 = arith.constant 0 : index
    %get3A_3 = arith.constant 0 : index
    %get3A_4 = vector.load %arg1[%get3A_2, %get3A_3] : memref<128x10000xf32, #tpu.memory_space<vmem>>, vector<128x10000xf32>
    %add3A = arith.addf %get3A_1, %get3A_4 : vector<128x10000xf32>
    %get3A_5 = arith.constant 0 : index
    %get3A_6 = arith.constant 0 : index
    %get3A_7 = vector.load %arg2[%get3A_5, %get3A_6] : memref<128x128xf32, #tpu.memory_space<vmem>>, vector<128x128xf32>
    %dot_general3A = arith.constant dense<0.000000e+00> : vector<128x10000xf32>
    %dot_general3A_8 = tpu.matmul %get3A_7, %add3A, %dot_general3A {dimension_numbers = #tpu.dot_dimension_numbers<[0], [0], [1], [1], [0, 1, 1, 1], [], []>, transpose_lhs_hint = false} : vector<128x128xf32>, vector<128x10000xf32>, vector<128x10000xf32> -> vector<128x10000xf32>
    %get3A_9 = arith.constant 0 : index
    %get3A_10 = arith.constant 0 : index
    %get3A_11 = vector.load %arg3[%get3A_9, %get3A_10] : memref<128x1xf32, #tpu.memory_space<vmem>>, vector<128x1xf32>
    %add3A_12 = vector.broadcast %get3A_11 : vector<128x1xf32> to vector<128x10000xf32>
    %add3A_13 = arith.addf %dot_general3A_8, %add3A_12 : vector<128x10000xf32>
    %reduce_sum3A = arith.constant dense<0.000000e+00> : vector<128xf32>
    %reduce_sum3A_14 = vector.multi_reduction <add>, %add3A_13, %reduce_sum3A [1] : vector<128x10000xf32> to vector<128xf32>
    %broadcast_in_dim3A = vector.shape_cast %reduce_sum3A_14 : vector<128xf32> to vector<128x1xf32>
    %div3A = arith.constant 1.000000e+04 : f32
    %div3A_15 = vector.broadcast %div3A : f32 to vector<128x1xf32>
    %div3A_16 = arith.divf %broadcast_in_dim3A, %div3A_15 : vector<128x1xf32>
    %sub3A = vector.broadcast %div3A_16 : vector<128x1xf32> to vector<128x10000xf32>
    %sub3A_17 = arith.subf %add3A_13, %sub3A : vector<128x10000xf32>
    %integer_pow3A = arith.mulf %sub3A_17, %sub3A_17 : vector<128x10000xf32>
    %reduce_sum3A_18 = arith.constant dense<0.000000e+00> : vector<128xf32>
    %reduce_sum3A_19 = vector.multi_reduction <add>, %integer_pow3A, %reduce_sum3A_18 [1] : vector<128x10000xf32> to vector<128xf32>
    %broadcast_in_dim3A_20 = vector.shape_cast %reduce_sum3A_19 : vector<128xf32> to vector<128x1xf32>
    %div3A_21 = arith.constant 1.000000e+04 : f32
    %div3A_22 = vector.broadcast %div3A_21 : f32 to vector<128x1xf32>
    %div3A_23 = arith.divf %broadcast_in_dim3A_20, %div3A_22 : vector<128x1xf32>
    %sub3A_24 = vector.broadcast %div3A_16 : vector<128x1xf32> to vector<128x10000xf32>
    %sub3A_25 = arith.subf %add3A_13, %sub3A_24 : vector<128x10000xf32>
    %add3A_26 = arith.constant 9.99999974E-6 : f32
    %add3A_27 = vector.broadcast %add3A_26 : f32 to vector<128x1xf32>
    %add3A_28 = arith.addf %div3A_23, %add3A_27 : vector<128x1xf32>
    %rsqrt3A = math.rsqrt %add3A_28 : vector<128x1xf32>
    %mul3A = vector.broadcast %rsqrt3A : vector<128x1xf32> to vector<128x10000xf32>
    %mul3A_29 = arith.mulf %sub3A_25, %mul3A : vector<128x10000xf32>
    %get3A_30 = arith.constant 0 : index
    %get3A_31 = arith.constant 0 : index
    %get3A_32 = vector.load %arg4[%get3A_30, %get3A_31] : memref<128x1xf32, #tpu.memory_space<vmem>>, vector<128x1xf32>
    %mul3A_33 = vector.broadcast %get3A_32 : vector<128x1xf32> to vector<128x10000xf32>
    %mul3A_34 = arith.mulf %mul3A_29, %mul3A_33 : vector<128x10000xf32>
    %get3A_35 = arith.constant 0 : index
    %get3A_36 = arith.constant 0 : index
    %get3A_37 = vector.load %arg5[%get3A_35, %get3A_36] : memref<128x1xf32, #tpu.memory_space<vmem>>, vector<128x1xf32>
    %add3A_38 = vector.broadcast %get3A_37 : vector<128x1xf32> to vector<128x10000xf32>
    %add3A_39 = arith.addf %mul3A_34, %add3A_38 : vector<128x10000xf32>
    %max3A = arith.constant 0.000000e+00 : f32
    %max3A_40 = vector.broadcast %max3A : f32 to vector<128x10000xf32>
    %max3A_41 = arith.maximumf %add3A_39, %max3A_40 : vector<128x10000xf32>
    %get3A_42 = arith.constant 0 : index
    %get3A_43 = arith.constant 0 : index
    %get3A_44 = vector.load %arg6[%get3A_42, %get3A_43] : memref<128x128xf32, #tpu.memory_space<vmem>>, vector<128x128xf32>
    %dot_general3A_45 = arith.constant dense<0.000000e+00> : vector<128x10000xf32>
    %dot_general3A_46 = tpu.matmul %get3A_44, %max3A_41, %dot_general3A_45 {dimension_numbers = #tpu.dot_dimension_numbers<[0], [0], [1], [1], [0, 1, 1, 1], [], []>, transpose_lhs_hint = false} : vector<128x128xf32>, vector<128x10000xf32>, vector<128x10000xf32> -> vector<128x10000xf32>
    %get3A_47 = arith.constant 0 : index
    %get3A_48 = arith.constant 0 : index
    %get3A_49 = vector.load %arg7[%get3A_47, %get3A_48] : memref<128x1xf32, #tpu.memory_space<vmem>>, vector<128x1xf32>
    %add3A_50 = vector.broadcast %get3A_49 : vector<128x1xf32> to vector<128x10000xf32>
    %add3A_51 = arith.addf %dot_general3A_46, %add3A_50 : vector<128x10000xf32>
    %max3A_52 = arith.constant 0.000000e+00 : f32
    %max3A_53 = vector.broadcast %max3A_52 : f32 to vector<128x10000xf32>
    %max3A_54 = arith.maximumf %add3A_51, %max3A_53 : vector<128x10000xf32>
    %swap3A = arith.constant 0 : index
    %swap3A_55 = arith.constant 0 : index
    %swap3A_56 = vector.load %arg8[%swap3A, %swap3A_55] : memref<128x10000xf32, #tpu.memory_space<vmem>>, vector<128x10000xf32>
    tpu.vector_store %arg8[%swap3A, %swap3A_55], %max3A_54 {strides = array<i32>} : memref<128x10000xf32, #tpu.memory_space<vmem>>, vector<128x10000xf32>,
    return
  }
}

module attributes {stable_mosaic.version = 14 : i64} {
  func.func @_pool_body(%arg0: memref<128x10000xf32, #tpu.memory_space<vmem>>, %arg1: memref<1x10000xi32, #tpu.memory_space<vmem>>, %arg2: memref<128x1xf32, #tpu.memory_space<vmem>>, %arg3: memref<64x1xf32, #tpu.memory_space<vmem>>) attributes {dimension_semantics = [], scalar_prefetch = 0 : i64, scratch_operands = 0 : i64, tpu.core_type = #tpu.core_type<tc>} {
    %iota3A = tpu.iota {dimensions = array<i32: 0>} : vector<64x10000xi32>
    %get3A = arith.constant 0 : index
    %get3A_0 = arith.constant 0 : index
    %get3A_1 = vector.load %arg1[%get3A, %get3A_0] : memref<1x10000xi32, #tpu.memory_space<vmem>>, vector<1x10000xi32>
    %eq3A = vector.broadcast %get3A_1 : vector<1x10000xi32> to vector<64x10000xi32>
    %eq3A_2 = arith.cmpi eq, %iota3A, %eq3A : vector<64x10000xi32>
    %jit3A = arith.constant 1.000000e+00 : f32
    %jit3A_3 = arith.constant 0.000000e+00 : f32
    %broadcast_in_dim3A = vector.broadcast %jit3A : f32 to vector<64x10000xf32>
    %broadcast_in_dim3A_4 = vector.broadcast %jit3A_3 : f32 to vector<64x10000xf32>
    %select_n3A = arith.select %eq3A_2, %broadcast_in_dim3A, %broadcast_in_dim3A_4 : vector<64x10000xi1>, vector<64x10000xf32>
    %get3A_5 = arith.constant 0 : index
    %get3A_6 = arith.constant 0 : index
    %get3A_7 = vector.load %arg0[%get3A_5, %get3A_6] : memref<128x10000xf32, #tpu.memory_space<vmem>>, vector<128x10000xf32>
    %dot_general3A = arith.constant dense<0.000000e+00> : vector<64x128xf32>
    %dot_general3A_8 = tpu.matmul %select_n3A, %get3A_7, %dot_general3A {dimension_numbers = #tpu.dot_dimension_numbers<[1], [1], [0], [0], [0, 0, 1, 0], [], []>, transpose_lhs_hint = false} : vector<64x10000xf32>, vector<128x10000xf32>, vector<64x128xf32> -> vector<64x128xf32>
    %get3A_9 = arith.constant 0 : index
    %get3A_10 = arith.constant 0 : index
    %get3A_11 = vector.load %arg2[%get3A_9, %get3A_10] : memref<128x1xf32, #tpu.memory_space<vmem>>, vector<128x1xf32>
    %dot_general3A_12 = arith.constant dense<0.000000e+00> : vector<64x1xf32>
    %dot_general3A_13 = tpu.matmul %dot_general3A_8, %get3A_11, %dot_general3A_12 {dimension_numbers = #tpu.dot_dimension_numbers<[1], [0], [0], [1], [0, 0, 1, 1], [], []>, transpose_lhs_hint = false} : vector<64x128xf32>, vector<128x1xf32>, vector<64x1xf32> -> vector<64x1xf32>
    %swap3A = arith.constant 0 : index
    %swap3A_14 = arith.constant 0 : index
    %swap3A_15 = vector.load %arg3[%swap3A, %swap3A_14] : memref<64x1xf32, #tpu.memory_space<vmem>>, vector<64x1xf32>
    tpu.vector_store %arg3[%swap3A, %swap3A_14], %dot_general3A_13 {strides = array<i32>} : memref<64x1xf32, #tpu.memory_space<vmem>>, vector<64x1xf32>,
    return
  }
}

</mosaic_0001>

<sc_bundles>
// kernel: kernel.11.cloned.1.call-start
scs
__scs_entry_jumppad:
0x0: {  	(pc) =	sbr.rel $0x88, $3  }
0x1: {  	(tag) =	ssettag $0x0;
	lr =	simm.s32 $0x1  }
0x2: {  	[smem:$0x3F91] =	sst lr;
	_ =	strace $0xD0000000  }
0x3: {  	_ = 	snop  }
0x4: {  	_ = 	snop  }
0x5: {  	_ = 	snop  }
0x6: {  	_ = 	snop  }
0x7: {  	_ = 	snop  }
__scs_overlays_trampoline_lowered:
0x8: {  	[smem:$0x3FA0] =	sst s0  }
0x9: {  	[smem:$0x3FA1] =	sst s1  }
0xa: {  	[smem:$0x3FA2] =	sst s2  }
0xb: {  	[smem:$0x3FA3] =	sst s3  }
0xc: {  	[smem:$0x3FA4] =	sst s4  }
0xd: {  	[smem:$0x3FA5] =	sst s5  }
0xe: {  	[smem:$0x3FA6] =	sst s6  }
0xf: {  	[smem:$0x3FA7] =	sst s7  }
0x10: {  	[smem:$0x3FA8] =	sst s8  }
0x11: {  	[smem:$0x3FA9] =	sst s9;
	s0 =	simm.s32 @!p0 $0x0  }
0x12: {  	s1 =	sld [smem:$0x3F8F];
	s0 =	simm.s32 @p0 $0x1  }
0x13: {  	[smem:$0x3FAA] =	sst s0;
	s0 =	simm.s32 @!p1 $0x0  }
0x14: {  	s2 =	sld [smem:$0x3F8E];
	s0 =	simm.s32 @p1 $0x1  }
0x15: {  	[smem:$0x3FAB] =	sst s0;
	s0 =	simm.s32 @!p2 $0x0  }
0x16: {  	s3 =	sld [smem:$0x3FDB];
	s0 =	simm.s32 @p2 $0x1  }
0x17: {  	s4 =	simm.s32 $0x1BF5;
	[smem:$0x3FAD] =	sst s0  }
0x18: {  	s0 =	sld [smem:$0x3F90];
	_ =	swait.ge [sflag:s4], $0x0  }
0x19: {  	s7 =	sld [smem:$0x3F91]  }
0x1a: {  	s8 =	sadd.s32 $0xFFFFE003, lr  }
0x1b: {  	s9 =	sadd.s32 $0xFFFFFEF7, lr;
	s5 =	simm.s32 $0xFFFFFFFF;
	p2 =	slt.u32 s8, $0xFFFFF086  }
0x1c: {  	p1 =	slt.u32 s9, $0xF7A;
	s5 =	simm.s32 @!p2 $0x0  }
0x1d: {  	s5 =	simm.s32 @p1 $0x1;
	p0 =	seq.s32 s7, s2  }
0x1e: {  	s7 =	smul.u32 @!p0 $0xF7A, s2;
	p2 =	seq.s32 @!p0 s5, $0x0  }
0x1f: {  	s9 =	smul.u32 $0xF7A, s1;
	s8 =	simm.s32 @!p0 $0x1BF5;
	p2 =	por !p2, p0  }
0x20: {  	[sflag:s8] =	ssyncset.s32 @!p0 $0xFFFFF086;
	s6 =	sadd.s32 @!p0 s3, s7;
	s7 =	simm.s32 @!p0 $0x108  }
0x21: {  	s3 =	sadd.s32 s3, s9;
	s6 =	sadd.s32 @!p0 $0x88, s6;
	s7 =	simm.s32 @p2 $0x1082  }
0x22: {  	[simem:s7], [sflag:s8] =	dma.local @!p0 [hbm:s6], $0xF7A  }
0x23: {  	s9 =	sor.u32 $0xD0000000, s2;
	s6 =	simm.s32 $0x108;
	_ =	swait.ge @!p0 [sflag:s8], $0x0  }
0x24: {  	s3 =	sadd.s32 $0x88, s3;
	s6 =	simm.s32 @!p1 $0x1082;
	[sflag:s4] =	ssyncset.s32 $0xFFFFF086  }
0x25: {  	[simem:s6], [sflag:s4] =	dma.local [hbm:s3], $0xF7A  }
0x26: {  	[smem:$0x3F91] =	sst s1;
	(tag) =	ssettag s2;
	_ =	strace s9  }
0x27: {  	s1 =	sld [smem:$0x3FA1]  }
0x28: {  	s2 =	sld [smem:$0x3FA2]  }
0x29: {  	s4 =	sld [smem:$0x3FA4]  }
0x2a: {  	p0 =	seq.s32 s5, $0x0;
	s5 =	sld [smem:$0x3FA5]  }
0x2b: {  	s6 =	sld [smem:$0x3FA6]  }
0x2c: {  	s7 =	sld [smem:$0x3FA7]  }
0x2d: {  	s3 =	simm.s32 $0x108;
	s8 =	sld [smem:$0x3FA8]  }
0x2e: {  	s3 =	simm.s32 @!p0 $0x1082;
	s9 =	sld [smem:$0x3FA9]  }
0x2f: {  	lr =	sadd.s32 s0, s3;
	s0 =	sld [smem:$0x3FA0]  }
0x30: {  	s3 =	sld [smem:$0x3FA3]  }
0x31: {  	[smem:$0x3FAC] =	sst s10  }
0x32: {  	s10 =	sld [smem:$0x3FAA];
	_ =	sdelay $0x3  }
0x33: {  	p0 =	seq.s32 s10, $0x1;
	s10 =	sld [smem:$0x3FAC];
	_ =	sdelay $0x3  }
0x34: {  	[smem:$0x3FAC] =	sst s10  }
0x35: {  	s10 =	sld [smem:$0x3FAB];
	_ =	sdelay $0x3  }
0x36: {  	p1 =	seq.s32 s10, $0x1;
	s10 =	sld [smem:$0x3FAC];
	_ =	sdelay $0x3  }
0x37: {  	[smem:$0x3FAC] =	sst s10  }
0x38: {  	s10 =	sld [smem:$0x3FAD]  }
0x39: {  	_ = 	snop;
	(pc) =	sbr.ind lr, $3  }
0x3a: {  	_ = 	snop  }
0x3b: {  	_ = 	snop  }
0x3c: {  	p2 =	seq.s32 s10, $0x1;
	s10 =	sld [smem:$0x3FAC]  }
0x3d: {  	_ =	shalt  }
0x3e: {  	_ =	shalt  }
0x3f: {  	_ =	shalt  }
0x40: {  	_ =	shalt  }
0x41: {  	_ =	shalt  }
0x42: {  	_ =	shalt  }
0x43: {  	_ =	shalt  }
0x44: {  	_ =	shalt  }
0x45: {  	_ =	shalt  }
0x46: {  	_ =	shalt  }
0x47: {  	_ =	shalt  }
0x48: {  	_ =	shalt  }
0x49: {  	_ =	shalt  }
0x4a: {  	_ =	shalt  }
0x4b: {  	_ =	shalt  }
0x4c: {  	_ =	shalt  }
0x4d: {  	_ =	shalt  }
0x4e: {  	_ =	shalt  }
0x4f: {  	_ =	shalt  }
0x50: {  	_ =	shalt  }
0x51: {  	_ =	shalt  }
0x52: {  	_ =	shalt  }
0x53: {  	_ =	shalt  }
0x54: {  	_ =	shalt  }
0x55: {  	_ =	shalt  }
0x56: {  	_ =	shalt  }
0x57: {  	_ =	shalt  }
0x58: {  	_ =	shalt  }
0x59: {  	_ =	shalt  }
0x5a: {  	_ =	shalt  }
0x5b: {  	_ =	shalt  }
0x5c: {  	_ =	shalt  }
0x5d: {  	_ =	shalt  }
0x5e: {  	_ =	shalt  }
0x5f: {  	_ =	shalt  }
0x60: {  	_ =	shalt  }
0x61: {  	_ =	shalt  }
0x62: {  	_ =	shalt  }
0x63: {  	_ =	shalt  }
0x64: {  	_ =	shalt  }
0x65: {  	_ =	shalt  }
0x66: {  	_ =	shalt  }
0x67: {  	_ =	shalt  }
0x68: {  	_ =	shalt  }
0x69: {  	_ =	shalt  }
0x6a: {  	_ =	shalt  }
0x6b: {  	_ =	shalt  }
0x6c: {  	_ =	shalt  }
0x6d: {  	_ =	shalt  }
0x6e: {  	_ =	shalt  }
0x6f: {  	_ =	shalt  }
0x70: {  	_ =	shalt  }
0x71: {  	_ =	shalt  }
0x72: {  	_ =	shalt  }
0x73: {  	_ =	shalt  }
0x74: {  	_ =	shalt  }
0x75: {  	_ =	shalt  }
0x76: {  	_ =	shalt  }
0x77: {  	_ =	shalt  }
0x78: {  	_ =	shalt  }
0x79: {  	_ =	shalt  }
0x7a: {  	_ =	shalt  }
0x7b: {  	_ =	shalt  }
0x7c: {  	_ =	shalt  }
0x7d: {  	_ =	shalt  }
0x7e: {  	_ =	shalt  }
0x7f: {  	_ =	shalt  }
0x80: {  	_ =	shalt  }
0x81: {  	_ =	shalt  }
0x82: {  	_ =	shalt  }
0x83: {  	_ =	shalt  }
0x84: {  	_ =	shalt  }
0x85: {  	_ =	shalt  }
0x86: {  	_ =	shalt  }
0x87: {  	_ =	shalt  }
.Lfunc_end0:
.L_simem_size_0:
called_computation_lowered:
.L_overlay_start_0:
0x88: {  	s2 =	sld [smem:$0x3FD9]  }
0x89: {  	s3 =	sld [smem:$0x3FFE];
	_ =	sdelay $0x1  }
0x8a: {  	s1 =	srdreg.scid  }
0x8b: {  	s0 =	sand.u32 $0x1, s1  }
0x8c: {  	s16 =	sshll.u32 s0, $0xA;
	s2 =	sadd.s32 s3, s2  }
0x8d: {  	s2 =	sadd.s32 s2, s16  }
0x8e: {  	[smem:$0x3FB8] =	sst s2  }
0x8f: {  	_ = 	snop  }
0x90: {  	(tm) =	ssettm $0x1  }
0x91: {  	s17 =	sld [smem:$0x3FFB];
	_ =	sdelay $0x3  }
0x92: {  	_ =	strace s17  }
0x93: {  	s2 =	sld [smem:$0x3FFC];
	_ =	sdelay $0x3  }
0x94: {  	_ =	strace s2  }
0x95: {  	s2 =	sld [smem:$0x3FFD];
	_ =	sdelay $0x3  }
0x96: {  	_ =	strace s2  }
0x97: {  	_ =	strace $0x8FFFFFFF  }
0x98: {  	s18 =	sld [smem:$0x3FDB];
	_ =	sdelay $0x1  }
0x99: {  	s19 =	simm.s32 $_scs_section_size  }
0x9a: {  	s4 =	simm.s32 $_size__tile_overlayer_lowered;
	s5 =	simm.s32 $_tile_overlayer_lowered  }
0x9b: {  	s22 =	simm.s32 $0x1BFF;
	s21 =	sshll.u32 s5, $0x1;
	s2 =	sadd.s32 s19, s18  }
0x9c: {  	s6 =	simm.s32 $0x0;
	s20 =	sshll.u32 s4, $0x1;
	s4 =	sadd.s32 s21, s2  }
0x9d: {  	[timem:s6], [sflag:s22] =	dma.local [hbm:s4], s20  }
0x9e: {  	_ =	swait.ge [sflag:s22], s20  }
0x9f: {  	s3 =	ssub.s32 $0x0, s20;
	[sflag:s22] =	ssyncset.done $0x0  }
0xa0: {  	[sflag:s22] =	ssyncadd.s32 s3;
	_ =	sdelay $0x1  }
0xa1: {  	s23 =	simm.s32 $0x1B8B  }
0xa2: {  	_ =	swait.ge [sflag:s23], $0x1  }
0xa3: {  	[sflag:s23] =	ssyncset.done $0x0  }
0xa4: {  	s25 =	simm.s32 $0x1B8E;
	s24 =	sld [smem:$0x3FFE];
	[sflag:s23] =	ssyncadd.s32 $0xFFFFFFFF  }
0xa5: {  	s26 =	simm.s32 $execute0_lowered;
	[smem:$0x3FD2] =	sst s25  }
0xa6: {  	s4 =	sshll.u32 s26, $0x1;
	_ =	strace $0x80000046;
	[dreg:$0x1] =	wrdreg $0xFFFFFFFF  }
0xa7: {  	s28 =	simm.s32 $_size_execute0_lowered;
	s2 =	sadd.s32 s2, s4;
	[dreg:$0x0] =	wrdreg $0x0  }
0xa8: {  	s4 =	sshll.u32 s28, $0x1;
	[dreg:$0x2] =	wrdreg s2  }
0xa9: {  	[dreg:$0x3] =	wrdreg s4  }
0xaa: {  	[dreg:$0x4] =	wrdreg $0xC0  }
0xab: {  	_ =	task [dreg:s6], $0x5FFFF  }
0xac: {  	[dreg:$0x1] =	wrdreg $0xFFFFFFFF  }
0xad: {  	[dreg:$0x0] =	wrdreg $0x60  }
0xae: {  	[dreg:$0x2] =	wrdreg s24  }
0xaf: {  	[dreg:$0x3] =	wrdreg $0x9  }
0xb0: {  	_ =	task.clear_ibuf [dreg:s6], $0x4FFFF;
	_ =	strace $0x90000046  }
0xb1: {  	s29 =	simm.s32 $0x9;
	_ =	strace $0x80000048  }
0xb2: {  	_ =	swait.ge [sflag:s29], $0x1  }
0xb3: {  	[sflag:s29] =	ssyncadd.s32 $0xFFFFFFFF  }
0xb4: {  	_ =	strace $0x90000048  }
0xb5: {  	_ =	sfence  }
0xb6: {  	s30 =	sld [smem:$0x0];
	_ =	sdelay $0x2  }
0xb7: {  	s31 =	sshll.u32 s1, $0xD;
	s1 =	sshrl.u32 s1, $0x2  }
0xb8: {  	s3 =	sand.u32 $0x4000, s31;
	s1 =	sadd.s32 s1, s30  }
0xb9: {  	s0 =	sor.u32 s3, s0;
	s1 =	sshll.u32 s1, $0x11  }
0xba: {  	s0 =	sor.u32 s1, s0  }
0xbb: {  	s0 =	sadd.s32 $0x8F2B, s0  }
0xbc: {  	[sflag:s0] =	ssyncadd.remote.s32 $0x1  }
0xbd: {  	_ =	sfence.sel $0xFFFF  }
0xbe: {  	[dreg:$0x0] =	wrdreg $0xFFFFFFFF;
	(pc) =	sbr.abs _section_cstart, $3  }
0xbf: {  	[dreg:$0x1] =	wrdreg $0xFFFFFFFF  }
0xc0: {  	_ =	task.clear_ibuf [dreg:s6], $0x2FFFF;
	_ =	strace $0x9FFFFFFF  }
0xc1: {  	(tm) =	ssettm $0x7FFFFFFF  }
tec
execute0_lowered:
.L_overlay_start_1:
0x0: {  	(tag) =	ssettag $0x1  }
0x1: {  	s0 =	rddreg [dreg:$0x0];
	s2 =	simm.s32 $0x0  }
0x2: {  	s1 =	srdreg.scid;
	s11 =	stileid.u32;
	s28 =	simm.s32 $0x1  }
0x3: {  	s29 =	simm.s32 $0x3;
	s30 =	simm.s32 $0x9E00;
	s31 =	simm.s32 $0xC580  }
0x4: {  	[smem:$0x7FF] =	sst s2;
	s1 =	sand.u32 $0x1, s1;
	s5 =	smul.u32 $0x13C00, s11  }
0x5: {  	s6 =	sadd.s32 $0x4F1200, s0;
	s3 =	sadd.s32 $0xF200, s0;
	s4 =	sadd.s32 $0x5400, s0  }
0x6: {  	s9 =	sadd.s32 $0x518A00, s0;
	s16 =	smul.u32 $0x271000, s11;
	s7 =	sshll.u32 s1, $0x9  }
0x7: {  	s11 =	sadd.s32 $0x5590, s0;
	s1 =	ssub.s32 $0x2, s1;
	s5 =	sor.u32 s7, s5  }
0x8: {  	_ =	strace $0x80000047;
	s8 =	sshrl.u32 s1, $0x1;
	s5 =	sshrl.u32 s5, $0x3  }
0x9: {  	s1 =	ssub.s32 s1, s8;
	s8 =	sor.u32 s7, s16;
	s10 =	sor.u32 $0x10, s5  }
0xa: {  	s17 =	sadd.s32 s6, s5;
	s12 =	sor.u32 $0x20, s5;
	s13 =	sor.u32 $0x30, s5  }
0xb: {  	s20 =	sshrl.u32 s8, $0x3;
	s7 =	sadd.s32 $0x6400, s8;
	s22 =	sadd.s32 s9, s5  }
0xc: {  	s26 =	smax.u32 s1, $0x1;
	s1 =	simm.s32 $0x11480;
	[dreg:$0x2] =	wrdreg s17  }
0xd: {  	s5 =	simm.s32 $0x2;
	s18 =	sadd.s32 s6, s10;
	[dreg:$0x8] =	wrdreg s22  }
0xe: {  	s19 =	sadd.s32 s6, s12;
	s6 =	sadd.s32 s6, s13;
	[dreg:$0xc] =	wrdreg s26  }
0xf: {  	s21 =	sshrl.u32 s7, $0x3;
	s23 =	sadd.s32 s9, s10;
	[dreg:$0x3] =	wrdreg s18  }
0x10: {  	s24 =	sadd.s32 s9, s12;
	s25 =	sadd.s32 s9, s13;
	[dreg:$0x4] =	wrdreg s19  }
0x11: {  	s22 =	simm.s32 $0x4F00;
	s26 =	simm.s32 $0x18700;
	[dreg:$0x5] =	wrdreg s6  }
0x12: {  	s7 =	simm.s32 $0x0;
	s6 =	sadd.s32 s3, s20;
	[dreg:$0x9] =	wrdreg s23  }
.Ltmp0:
0x13: {  	s0 =	sadd.s32 s3, s21;
	[dreg:$0xa] =	wrdreg s24;
	(pc) =	sbr.rel .LBB2_1-.Ltmp0, $4  }
0x14: {  	[dreg:$0xb] =	wrdreg s25;
	s18 =	simm.s32 $0x80;
	s19 =	simm.s32 $0x400  }
0x15: {  	s20 =	simm.s32 $0x5;
	s21 =	simm.s32 $0x2780;
	s23 =	simm.s32 $0x7680  }
0x16: {  	s24 =	simm.s32 $0x200;
	s25 =	simm.s32 $0x15500;
	[dreg:$0x6] =	wrdreg s6  }
0x17: {  	v0 =	vimm.f32 $0.0e+00;
	[dreg:$0x7] =	wrdreg s0;
	s0 =	simm.s32 $0xED00;
	s6 =	simm.s32 $0x4  }
.LBB2_20:
0x18: {  	s9 =	rddreg [dreg:$0x8]  }
0x19: {  	[hbm4b:s9+s18] =	stream.strided.scatter [tilespmem:s30], [sflag:$0x5], $0x2780, s19, s18, $0x38;
	[tilespmem:$0x1B900] =	vst v63  }
0x1a: {  	_ =	swait.ge [sflag:s20], $0x2780  }
0x1b: {  	[sflag:s20] =	ssyncset.done $0x0  }
0x1c: {  	s14 =	rddreg [dreg:$0x9];
	[sflag:s20] =	ssyncadd.s32 $0xFFFFD880  }
0x1d: {  	[hbm4b:s14+s18] =	stream.strided.scatter [tilespmem:s31], [sflag:$0x5], $0x2780, s19, s18, $0x38;
	[tilespmem:$0x1B900] =	vst v63  }
0x1e: {  	_ =	swait.ge [sflag:s20], $0x2780  }
0x1f: {  	[sflag:s20] =	ssyncset.done $0x0  }
0x20: {  	s15 =	rddreg [dreg:$0xa];
	[sflag:s20] =	ssyncadd.s32 $0xFFFFD880  }
0x21: {  	[hbm4b:s15+s18] =	stream.strided.scatter [tilespmem:s0], [sflag:$0x5], $0x2780, s19, s18, $0x38;
	[tilespmem:$0x1B900] =	vst v63  }
0x22: {  	_ =	swait.ge [sflag:s20], $0x2780  }
0x23: {  	[sflag:s20] =	ssyncset.done $0x0  }
0x24: {  	s16 =	rddreg [dreg:$0xb];
	[sflag:s20] =	ssyncadd.s32 $0xFFFFD880  }
0x25: {  	[hbm4b:s16+s18] =	stream.strided.scatter [tilespmem:s1], [sflag:$0x5], $0x2780, s19, s18, $0x38;
	[tilespmem:$0x1B900] =	vst v63  }
0x26: {  	_ =	swait.ge [sflag:s20], $0x2780  }
0x27: {  	s7 =	sadd.s32 $0x1, s7;
	s17 =	rddreg [dreg:$0xc]  }
0x28: {  	p0 =	sne.s32 s7, s17  }
.Ltmp1:
0x29: {  	_ = 	snop;
	(pc) =	sbr.rel @!p0 .LBB2_21-.Ltmp1, $3  }
0x2a: {  	_ =	sdelay $0x1  }
0x2b: {  	[sflag:s20] =	ssyncset.done $0x0  }
0x2c: {  	[sflag:s20] =	ssyncadd.s32 $0xFFFFD880  }
.LBB2_1:
0x2d: {  	s9 =	rddreg [dreg:$0x2]  }
0x2e: {  	[tilespmem:s2], [sflag:$0x5] =	stream.strided.gather [hbm4b:s9+s18], $0x2780, s19, s18, $0x38;
	[tilespmem:$0x1B900] =	vst v63  }
0x2f: {  	_ =	swait.ge [sflag:s20], $0x2780  }
0x30: {  	[sflag:s20] =	ssyncset.done $0x0  }
0x31: {  	s15 =	rddreg [dreg:$0x3];
	[sflag:s20] =	ssyncadd.s32 $0xFFFFD880  }
0x32: {  	[tilespmem:s21], [sflag:$0x5] =	stream.strided.gather [hbm4b:s15+s18], $0x2780, s19, s18, $0x38;
	[tilespmem:$0x1B900] =	vst v63  }
0x33: {  	_ =	swait.ge [sflag:s20], $0x2780  }
0x34: {  	[sflag:s20] =	ssyncset.done $0x0  }
0x35: {  	s16 =	rddreg [dreg:$0x4];
	[sflag:s20] =	ssyncadd.s32 $0xFFFFD880  }
0x36: {  	[tilespmem:s22], [sflag:$0x5] =	stream.strided.gather [hbm4b:s16+s18], $0x2780, s19, s18, $0x38;
	[tilespmem:$0x1B900] =	vst v63  }
0x37: {  	_ =	swait.ge [sflag:s20], $0x2780  }
0x38: {  	[sflag:s20] =	ssyncset.done $0x0  }
0x39: {  	s17 =	rddreg [dreg:$0x5];
	[sflag:s20] =	ssyncadd.s32 $0xFFFFD880  }
0x3a: {  	[tilespmem:s23], [sflag:$0x5] =	stream.strided.gather [hbm4b:s17+s18], $0x2780, s19, s18, $0x38;
	[tilespmem:$0x1B900] =	vst v63  }
0x3b: {  	_ =	swait.ge [sflag:s20], $0x2780  }
0x3c: {  	[sflag:s20] =	ssyncset.done $0x0  }
0x3d: {  	s9 =	simm.s32 $0x0;
	[sflag:s20] =	ssyncadd.s32 $0xFFFFD880  }
.LBB2_2:
0x3e: {  	p0 =	sne.s32 s9, $0x9C00  }
.Ltmp2:
0x3f: {  	s10 =	sshra.s32 s9, $0x2;
	(pc) =	sbr.rel @p0 .LBB2_2-.Ltmp2, $4  }
0x40: {  	[tilespmem:s10+$0x9E00] =	vst v0  }
0x41: {  	[tilespmem:s10+$0xC580] =	vst v0  }
0x42: {  	[tilespmem:s10+$0xED00] =	vst v0  }
0x43: {  	s9 =	sadd.s32 $0x40, s9;
	[tilespmem:s10+$0x11480] =	vst v0  }
0x44: {  	s9 =	simm.s32 $0x13C00  }
0x45: {  	s10 =	simm.s32 $0x10;
	s13 =	sadd.s32 $0x0, s4;
	s12 =	simm.s32 $0x13D00  }
.LBB2_4:
0x46: {  	[tilespmem:s9], [sflag:$0x1] =	stream.linear.gather [hbm4b:s13+s2], $0x80, $0x38;
	[tilespmem:$0x1B900] =	vst v63  }
0x47: {  	s13 =	smov.u32 s10;
	s9 =	smov.u32 s12;
	p0 =	sne.s32 s10, $0x180  }
.Ltmp3:
0x48: {  	s10 =	sadd.s32 $0x10, s10;
	(pc) =	sbr.rel @p0 .LBB2_4-.Ltmp3, $2  }
0x49: {  	_ =	sdelay $0x2  }
0x4a: {  	s12 =	sadd.s32 $0x100, s12;
	s13 =	sadd.s32 s13, s4  }
0x4b: {  	[tilespmem:s9], [sflag:$0x1] =	stream.linear.gather [hbm4b:s13+s2], $0x80, $0x38;
	[tilespmem:$0x1B900] =	vst v63  }
0x4c: {  	s17 =	rddreg [dreg:$0x6];
	s9 =	simm.s32 $0x13C80  }
0x4d: {  	s10 =	simm.s32 $0x10;
	s13 =	sadd.s32 $0x0, s11;
	s12 =	simm.s32 $0x13D80  }
0x4e: {  	[tilespmem:s25], [sflag:$0x3] =	stream.strided.gather [hbm4b:s17+s24], $0x3200, s19, s24, $0x38;
	[tilespmem:$0x1B900] =	vst v63  }
.LBB2_6:
0x4f: {  	[tilespmem:s9], [sflag:$0x2] =	stream.linear.gather [hbm4b:s13+s2], $0x80, $0x38;
	[tilespmem:$0x1B900] =	vst v63  }
0x50: {  	s13 =	smov.u32 s10;
	s9 =	smov.u32 s12;
	p0 =	sne.s32 s10, $0x180  }
.Ltmp4:
0x51: {  	s10 =	sadd.s32 $0x10, s10;
	(pc) =	sbr.rel @p0 .LBB2_6-.Ltmp4, $2  }
0x52: {  	_ =	sdelay $0x2  }
0x53: {  	s12 =	sadd.s32 $0x100, s12;
	s13 =	sadd.s32 s13, s11  }
0x54: {  	[tilespmem:s9], [sflag:$0x2] =	stream.linear.gather [hbm4b:s13+s2], $0x80, $0x38;
	[tilespmem:$0x1B900] =	vst v63  }
0x55: {  	s17 =	rddreg [dreg:$0x7];
	s9 =	simm.s32 $0x0  }
0x56: {  	[tilespmem:s26], [sflag:$0x4] =	stream.strided.gather [hbm4b:s17+s24], $0x3200, s19, s24, $0x38;
	[tilespmem:$0x1B900] =	vst v63  }
.LBB2_8:
0x57: {  	_ =	swait.ge [sflag:s28], $0xC80  }
0x58: {  	[sflag:s28] =	ssyncset.done $0x0  }
0x59: {  	[sflag:s28] =	ssyncadd.s32 $0xFFFFF380  }
0x5a: {  	_ =	swait.ge [sflag:s29], $0x3200  }
0x5b: {  	[sflag:s29] =	ssyncset.done $0x0  }
0x5c: {  	s10 =	simm.s32 $0x13C40;
	[sflag:s29] =	ssyncadd.s32 $0xFFFFCE00  }
0x5d: {  	v1 =	vld [tilespmem:s10+$0x30];
	_ =	sdelay $0x1  }
0x5e: {  	v2 =	vld [tilespmem:s10+$0xFFFFFFD0]  }
0x5f: {  	v3 =	vld [tilespmem:s10+$0xFFFFFFE0]  }
0x60: {  	v4 =	vld [tilespmem:s10+$0xFFFFFFF0]  }
0x61: {  	v5 =	vld [tilespmem:s10+$0x0];
	v15 =	vand.u32 $0xFFFF, v1  }
0x62: {  	v16 =	vld [tilespmem:s10+$0x10]  }
0x63: {  	v13 =	vld [tilespmem:s10+$0xFFFFFFC0]  }
0x64: {  	v17 =	vld [tilespmem:s10+$0x20];
	s10 =	simm.s32 $0x15600  }
0x65: {  	v18 =	vld [tilespmem:s10+$0xFFFFFF70]  }
0x66: {  	v14 =	vld.idx.msk [tilespmem:v15+s2+$0x0], $0xffff  }
0x67: {  	v26 =	vld [tilespmem:s10+$0xFFFFFF00]  }
0x68: {  	v27 =	vld [tilespmem:s10+$0xFFFFFF10]  }
0x69: {  	v28 =	vld [tilespmem:s10+$0xFFFFFF20];
	v22 =	vshrl.u32 v1, $0x10  }
0x6a: {  	v29 =	vld [tilespmem:s10+$0xFFFFFF30]  }
0x6b: {  	v30 =	vld [tilespmem:s10+$0xFFFFFF40];
	v1 =	vadd.f32 v14, v18  }
0x6c: {  	v31 =	vld [tilespmem:s10+$0xFFFFFF50];
	v6 =	vand.u32 $0xFFFF, v2  }
0x6d: {  	v32 =	vld [tilespmem:s10+$0xFFFFFF60];
	v7 =	vand.u32 $0xFFFF, v3;
	v1 =	vmax.f32 v1, $0.0e+00  }
0x6e: {  	v12 =	vand.u32 $0xFFFF, v13;
	[tilespmem:v22+s30+$0x0] =	vst.idx.add.f32.msk $0xffff, v1  }
0x6f: {  	v8 =	vand.u32 $0xFFFF, v4;
	v1 =	vld.idx.msk [tilespmem:v15+s21+$0x0], $0xffff  }
0x70: {  	v10 =	vand.u32 $0xFFFF, v5;
	v14 =	vld [tilespmem:s10+$0xFFFFFFF0]  }
0x71: {  	v11 =	vand.u32 $0xFFFF, v16;
	v19 =	vld.idx.msk [tilespmem:v6+s2+$0x0], $0xffff  }
0x72: {  	v9 =	vand.u32 $0xFFFF, v17;
	v20 =	vld.idx.msk [tilespmem:v7+s2+$0x0], $0xffff  }
0x73: {  	v62 =	vld.idx.msk [tilespmem:v12+s2+$0x0], $0xffff  }
0x74: {  	v21 =	vld.idx.msk [tilespmem:v8+s2+$0x0], $0xffff  }
0x75: {  	v23 =	vld.idx.msk [tilespmem:v10+s2+$0x0], $0xffff;
	v1 =	vadd.f32 v1, v14  }
0x76: {  	v24 =	vld.idx.msk [tilespmem:v11+s2+$0x0], $0xffff;
	v14 =	vshrl.u32 v13, $0x10  }
0x77: {  	v25 =	vld.idx.msk [tilespmem:v9+s2+$0x0], $0xffff;
	v13 =	vshrl.u32 v2, $0x10;
	v1 =	vmax.f32 v1, $0.0e+00  }
0x78: {  	v18 =	vadd.f32 v62, v26;
	v2 =	vshrl.u32 v3, $0x10;
	[tilespmem:v22+s31+$0x0] =	vst.idx.add.f32.msk $0xffff, v1  }
0x79: {  	v19 =	vadd.f32 v19, v27;
	v63 =	vld.idx.msk [tilespmem:v15+s22+$0x0], $0xffff  }
0x7a: {  	v27 =	vadd.f32 v20, v28;
	v3 =	vshrl.u32 v5, $0x10;
	v5 =	vmax.f32 v18, $0.0e+00;
	v28 =	vld [tilespmem:s10+$0x70]  }
0x7b: {  	v1 =	vshrl.u32 v4, $0x10;
	v4 =	vshrl.u32 v16, $0x10;
	v16 =	vmax.f32 v19, $0.0e+00;
	[tilespmem:v14+s30+$0x0] =	vst.idx.add.f32.msk $0xffff, v5  }
0x7c: {  	v5 =	vshrl.u32 v17, $0x10;
	v17 =	vmax.f32 v27, $0.0e+00;
	[tilespmem:v13+s30+$0x0] =	vst.idx.add.f32.msk $0xffff, v16  }
0x7d: {  	v30 =	vadd.f32 v23, v30;
	[tilespmem:v2+s30+$0x0] =	vst.idx.add.f32.msk $0xffff, v17  }
0x7e: {  	v39 =	vld [tilespmem:s10+$0xFFFFFF80]  }
0x7f: {  	v17 =	vmax.f32 v30, $0.0e+00;
	v40 =	vld [tilespmem:s10+$0xFFFFFF90]  }
0x80: {  	v29 =	vadd.f32 v21, v29;
	[tilespmem:v3+s30+$0x0] =	vst.idx.add.f32.msk $0xffff, v17  }
0x81: {  	v34 =	vld.idx.msk [tilespmem:v7+s21+$0x0], $0xffff  }
0x82: {  	v16 =	vmax.f32 v29, $0.0e+00;
	v41 =	vld [tilespmem:s10+$0xFFFFFFA0]  }
0x83: {  	v31 =	vadd.f32 v24, v31;
	[tilespmem:v1+s30+$0x0] =	vst.idx.add.f32.msk $0xffff, v16  }
0x84: {  	v36 =	vld.idx.msk [tilespmem:v10+s21+$0x0], $0xffff  }
0x85: {  	v16 =	vmax.f32 v31, $0.0e+00;
	v43 =	vld [tilespmem:s10+$0xFFFFFFC0]  }
0x86: {  	v33 =	vadd.f32 v25, v32;
	[tilespmem:v4+s30+$0x0] =	vst.idx.add.f32.msk $0xffff, v16  }
0x87: {  	v17 =	vadd.f32 v63, v28;
	v35 =	vld.idx.msk [tilespmem:v8+s21+$0x0], $0xffff  }
0x88: {  	v18 =	vmax.f32 v33, $0.0e+00;
	v42 =	vld [tilespmem:s10+$0xFFFFFFB0]  }
0x89: {  	[tilespmem:v5+s30+$0x0] =	vst.idx.add.f32.msk $0xffff, v18;
	v16 =	vmax.f32 v17, $0.0e+00  }
0x8a: {  	[tilespmem:v22+s0+$0x0] =	vst.idx.add.f32.msk $0xffff, v16  }
0x8b: {  	v16 =	vld.idx.msk [tilespmem:v12+s21+$0x0], $0xffff  }
0x8c: {  	v17 =	vld.idx.msk [tilespmem:v6+s21+$0x0], $0xffff  }
0x8d: {  	v15 =	vld.idx.msk [tilespmem:v15+s23+$0x0], $0xffff  }
0x8e: {  	v46 =	vld [tilespmem:s10+$0xF0]  }
0x8f: {  	v37 =	vld.idx.msk [tilespmem:v11+s21+$0x0], $0xffff  }
0x90: {  	v44 =	vld [tilespmem:s10+$0xFFFFFFD0];
	v16 =	vadd.f32 v16, v39  }
0x91: {  	v38 =	vld.idx.msk [tilespmem:v9+s21+$0x0], $0xffff;
	v17 =	vadd.f32 v17, v40  }
0x92: {  	v45 =	vld [tilespmem:s10+$0xFFFFFFE0];
	v16 =	vmax.f32 v16, $0.0e+00  }
0x93: {  	v15 =	vadd.f32 v15, v46;
	[tilespmem:v14+s31+$0x0] =	vst.idx.add.f32.msk $0xffff, v16;
	v16 =	vmax.f32 v17, $0.0e+00  }
0x94: {  	v18 =	vadd.f32 v34, v41;
	[tilespmem:v13+s31+$0x0] =	vst.idx.add.f32.msk $0xffff, v16  }
0x95: {  	v15 =	vmax.f32 v15, $0.0e+00;
	v54 =	vld [tilespmem:s10+$0x0]  }
0x96: {  	v17 =	vadd.f32 v35, v42;
	v16 =	vmax.f32 v18, $0.0e+00;
	[tilespmem:v22+s1+$0x0] =	vst.idx.add.f32.msk $0xffff, v15  }
0x97: {  	[tilespmem:v2+s31+$0x0] =	vst.idx.add.f32.msk $0xffff, v16  }
0x98: {  	v16 =	vmax.f32 v17, $0.0e+00;
	v55 =	vld [tilespmem:s10+$0x10]  }
0x99: {  	v47 =	vadd.f32 v36, v43;
	[tilespmem:v1+s31+$0x0] =	vst.idx.add.f32.msk $0xffff, v16  }
0x9a: {  	v49 =	vld.idx.msk [tilespmem:v7+s22+$0x0], $0xffff  }
0x9b: {  	v17 =	vadd.f32 v37, v44;
	v16 =	vmax.f32 v47, $0.0e+00;
	v56 =	vld [tilespmem:s10+$0x20]  }
0x9c: {  	[tilespmem:v3+s31+$0x0] =	vst.idx.add.f32.msk $0xffff, v16  }
0x9d: {  	v48 =	vadd.f32 v38, v45;
	v16 =	vmax.f32 v17, $0.0e+00;
	v17 =	vld.idx.msk [tilespmem:v6+s22+$0x0], $0xffff  }
0x9e: {  	v50 =	vld.idx.msk [tilespmem:v8+s22+$0x0], $0xffff  }
0x9f: {  	[tilespmem:v4+s31+$0x0] =	vst.idx.add.f32.msk $0xffff, v16;
	v16 =	vmax.f32 v48, $0.0e+00  }
0xa0: {  	[tilespmem:v5+s31+$0x0] =	vst.idx.add.f32.msk $0xffff, v16  }
0xa1: {  	v16 =	vld.idx.msk [tilespmem:v12+s22+$0x0], $0xffff  }
0xa2: {  	v57 =	vld [tilespmem:s10+$0x30]  }
0xa3: {  	v51 =	vld.idx.msk [tilespmem:v10+s22+$0x0], $0xffff  }
0xa4: {  	v58 =	vld [tilespmem:s10+$0x40]  }
0xa5: {  	v52 =	vld.idx.msk [tilespmem:v11+s22+$0x0], $0xffff  }
0xa6: {  	v59 =	vld [tilespmem:s10+$0x50];
	v16 =	vadd.f32 v16, v54  }
0xa7: {  	v53 =	vld.idx.msk [tilespmem:v9+s22+$0x0], $0xffff;
	v17 =	vadd.f32 v17, v55  }
0xa8: {  	v60 =	vld [tilespmem:s10+$0x60];
	v15 =	vmax.f32 v16, $0.0e+00  }
0xa9: {  	v16 =	vadd.f32 v49, v56;
	[tilespmem:v14+s0+$0x0] =	vst.idx.add.f32.msk $0xffff, v15;
	v15 =	vmax.f32 v17, $0.0e+00  }
0xaa: {  	[tilespmem:v13+s0+$0x0] =	vst.idx.add.f32.msk $0xffff, v15  }
0xab: {  	v17 =	vadd.f32 v50, v57;
	v15 =	vmax.f32 v16, $0.0e+00;
	v12 =	vld.idx.msk [tilespmem:v12+s23+$0x0], $0xffff  }
0xac: {  	[tilespmem:v2+s0+$0x0] =	vst.idx.add.f32.msk $0xffff, v15  }
0xad: {  	v15 =	vmax.f32 v17, $0.0e+00;
	v6 =	vld.idx.msk [tilespmem:v6+s23+$0x0], $0xffff  }
0xae: {  	v16 =	vadd.f32 v51, v58;
	[tilespmem:v1+s0+$0x0] =	vst.idx.add.f32.msk $0xffff, v15  }
0xaf: {  	v7 =	vld.idx.msk [tilespmem:v7+s23+$0x0], $0xffff  }
0xb0: {  	v15 =	vmax.f32 v16, $0.0e+00;
	v61 =	vld [tilespmem:s10+$0xA0]  }
0xb1: {  	v17 =	vadd.f32 v52, v59;
	[tilespmem:v3+s0+$0x0] =	vst.idx.add.f32.msk $0xffff, v15  }
0xb2: {  	v8 =	vld.idx.msk [tilespmem:v8+s23+$0x0], $0xffff  }
0xb3: {  	v16 =	vadd.f32 v53, v60;
	v15 =	vmax.f32 v17, $0.0e+00;
	v17 =	vld [tilespmem:s10+$0x90]  }
0xb4: {  	v62 =	vld [tilespmem:s10+$0xB0]  }
0xb5: {  	[tilespmem:v4+s0+$0x0] =	vst.idx.add.f32.msk $0xffff, v15;
	v15 =	vmax.f32 v16, $0.0e+00  }
0xb6: {  	[tilespmem:v5+s0+$0x0] =	vst.idx.add.f32.msk $0xffff, v15  }
0xb7: {  	v15 =	vld [tilespmem:s10+$0x80]  }
0xb8: {  	v16 =	vld.idx.msk [tilespmem:v10+s23+$0x0], $0xffff  }
0xb9: {  	v63 =	vld [tilespmem:s10+$0xC0]  }
0xba: {  	v10 =	vld.idx.msk [tilespmem:v11+s23+$0x0], $0xffff  }
0xbb: {  	v11 =	vld.idx.msk [tilespmem:v9+s23+$0x0], $0xffff  }
0xbc: {  	v6 =	vadd.f32 v6, v17;
	v9 =	vadd.f32 v12, v15;
	v15 =	vld [tilespmem:s10+$0xD0]  }
0xbd: {  	v12 =	vld [tilespmem:s10+$0xE0]  }
0xbe: {  	v17 =	vadd.f32 v7, v61;
	v6 =	vmax.f32 v6, $0.0e+00  }
0xbf: {  	v7 =	vadd.f32 v8, v62;
	[tilespmem:v13+s1+$0x0] =	vst.idx.add.f32.msk $0xffff, v6;
	v9 =	vmax.f32 v9, $0.0e+00  }
0xc0: {  	s12 =	simm.s32 $0x0;
	s13 =	simm.s32 $0x13D40;
	v8 =	vmax.f32 v17, $0.0e+00;
	v6 =	vadd.f32 v16, v63;
	[tilespmem:v14+s1+$0x0] =	vst.idx.add.f32.msk $0xffff, v9  }
.LBB2_9:
0xc1: {  	v21 =	vld [tilespmem:s13+$0x30];
	s12 =	sadd.s32 $0x8, s12;
	v9 =	vmax.f32 v7, $0.0e+00;
	v7 =	vadd.f32 v10, v15  }
0xc2: {  	v10 =	vld [tilespmem:s13+$0xFFFFFFD0];
	p0 =	slt.u32 s12, $0xC0;
	v19 =	vmax.f32 v6, $0.0e+00;
	v6 =	vadd.f32 v11, v12  }
0xc3: {  	v11 =	vld [tilespmem:s13+$0xFFFFFFE0];
	v16 =	vmax.f32 v7, $0.0e+00  }
0xc4: {  	v12 =	vld [tilespmem:s13+$0xFFFFFFF0];
	v7 =	vmax.f32 v6, $0.0e+00  }
0xc5: {  	v13 =	vld [tilespmem:s13+$0x0]  }
0xc6: {  	v14 =	vld [tilespmem:s13+$0x10];
	v22 =	vand.u32 $0xFFFF, v21  }
0xc7: {  	v6 =	vshrl.u32 v10, $0x10;
	v10 =	vand.u32 $0xFFFF, v10;
	v15 =	vld [tilespmem:s13+$0x20]  }
0xc8: {  	v17 =	vld [tilespmem:s13+$0xFFFFFFC0];
	v18 =	vshrl.u32 v11, $0x10;
	v11 =	vand.u32 $0xFFFF, v11  }
0xc9: {  	v23 =	vshrl.u32 v12, $0x10;
	v12 =	vand.u32 $0xFFFF, v12;
	[tilespmem:v2+s1+$0x0] =	vst.idx.add.f32.msk $0xffff, v8;
	v2 =	vmov v18  }
0xca: {  	v20 =	vshrl.u32 v13, $0x10;
	v13 =	vand.u32 $0xFFFF, v13;
	[tilespmem:v1+s1+$0x0] =	vst.idx.add.f32.msk $0xffff, v9;
	v1 =	vmov v23  }
0xcb: {  	s10 =	sadd.s32 $0x200, s10;
	v18 =	vshrl.u32 v14, $0x10;
	v14 =	vand.u32 $0xFFFF, v14;
	v23 =	vld.idx.msk [tilespmem:v22+s2+$0x0], $0xffff  }
0xcc: {  	v8 =	vshrl.u32 v15, $0x10;
	v15 =	vand.u32 $0xFFFF, v15;
	v24 =	vld [tilespmem:s10+$0xFFFFFF70]  }
0xcd: {  	v9 =	vshrl.u32 v17, $0x10;
	v17 =	vand.u32 $0xFFFF, v17;
	v25 =	vld.idx.msk [tilespmem:v10+s2+$0x0], $0xffff  }
0xce: {  	v26 =	vld.idx.msk [tilespmem:v11+s2+$0x0], $0xffff  }
0xcf: {  	v21 =	vshrl.u32 v21, $0x10;
	v27 =	vld.idx.msk [tilespmem:v12+s2+$0x0], $0xffff  }
0xd0: {  	v28 =	vld.idx.msk [tilespmem:v13+s2+$0x0], $0xffff  }
0xd1: {  	v29 =	vld.idx.msk [tilespmem:v14+s2+$0x0], $0xffff;
	v23 =	vadd.f32 v23, v24  }
0xd2: {  	v24 =	vld.idx.msk [tilespmem:v17+s2+$0x0], $0xffff  }
0xd3: {  	v30 =	vld.idx.msk [tilespmem:v15+s2+$0x0], $0xffff;
	v23 =	vmax.f32 v23, $0.0e+00  }
0xd4: {  	[tilespmem:v21+s30+$0x0] =	vst.idx.add.f32.msk $0xffff, v23  }
0xd5: {  	v23 =	vld.idx.msk [tilespmem:v22+s21+$0x0], $0xffff  }
0xd6: {  	v31 =	vld [tilespmem:s10+$0xFFFFFFF0]  }
0xd7: {  	v32 =	vld [tilespmem:s10+$0xFFFFFF00]  }
0xd8: {  	v33 =	vld [tilespmem:s10+$0xFFFFFF10]  }
0xd9: {  	v34 =	vld [tilespmem:s10+$0xFFFFFF20]  }
0xda: {  	v35 =	vld [tilespmem:s10+$0xFFFFFF30]  }
0xdb: {  	v36 =	vld [tilespmem:s10+$0xFFFFFF40];
	v23 =	vadd.f32 v23, v31  }
0xdc: {  	v24 =	vadd.f32 v24, v32;
	v31 =	vld [tilespmem:s10+$0xFFFFFF50]  }
0xdd: {  	v25 =	vadd.f32 v25, v33;
	v32 =	vld [tilespmem:s10+$0xFFFFFF60];
	v23 =	vmax.f32 v23, $0.0e+00  }
0xde: {  	v24 =	vmax.f32 v24, $0.0e+00;
	v26 =	vadd.f32 v26, v34;
	[tilespmem:v21+s31+$0x0] =	vst.idx.add.f32.msk $0xffff, v23  }
0xdf: {  	v23 =	vmax.f32 v25, $0.0e+00;
	v25 =	vadd.f32 v27, v35;
	v27 =	vld.idx.msk [tilespmem:v22+s22+$0x0], $0xffff  }
0xe0: {  	v26 =	vmax.f32 v26, $0.0e+00;
	v28 =	vadd.f32 v28, v36;
	v33 =	vld [tilespmem:s10+$0x70]  }
0xe1: {  	[tilespmem:v9+s30+$0x0] =	vst.idx.add.f32.msk $0xffff, v24;
	v24 =	vmax.f32 v25, $0.0e+00;
	v25 =	vadd.f32 v29, v31  }
0xe2: {  	[tilespmem:v6+s30+$0x0] =	vst.idx.add.f32.msk $0xffff, v23;
	v23 =	vmax.f32 v28, $0.0e+00;
	v28 =	vadd.f32 v30, v32  }
0xe3: {  	[tilespmem:v2+s30+$0x0] =	vst.idx.add.f32.msk $0xffff, v26;
	v25 =	vmax.f32 v25, $0.0e+00  }
0xe4: {  	[tilespmem:v1+s30+$0x0] =	vst.idx.add.f32.msk $0xffff, v24;
	v24 =	vmax.f32 v28, $0.0e+00  }
0xe5: {  	[tilespmem:v20+s30+$0x0] =	vst.idx.add.f32.msk $0xffff, v23;
	v23 =	vadd.f32 v27, v33  }
0xe6: {  	[tilespmem:v18+s30+$0x0] =	vst.idx.add.f32.msk $0xffff, v25  }
0xe7: {  	[tilespmem:v8+s30+$0x0] =	vst.idx.add.f32.msk $0xffff, v24;
	v23 =	vmax.f32 v23, $0.0e+00  }
0xe8: {  	[tilespmem:v21+s0+$0x0] =	vst.idx.add.f32.msk $0xffff, v23  }
0xe9: {  	v22 =	vld.idx.msk [tilespmem:v22+s23+$0x0], $0xffff  }
0xea: {  	v23 =	vld [tilespmem:s10+$0xF0]  }
0xeb: {  	v24 =	vld.idx.msk [tilespmem:v17+s21+$0x0], $0xffff  }
0xec: {  	v25 =	vld.idx.msk [tilespmem:v10+s21+$0x0], $0xffff  }
0xed: {  	v26 =	vld.idx.msk [tilespmem:v11+s21+$0x0], $0xffff  }
0xee: {  	v27 =	vld.idx.msk [tilespmem:v12+s21+$0x0], $0xffff  }
0xef: {  	v28 =	vld.idx.msk [tilespmem:v13+s21+$0x0], $0xffff;
	v22 =	vadd.f32 v22, v23  }
0xf0: {  	v23 =	vld.idx.msk [tilespmem:v14+s21+$0x0], $0xffff  }
0xf1: {  	v29 =	vld.idx.msk [tilespmem:v15+s21+$0x0], $0xffff;
	v22 =	vmax.f32 v22, $0.0e+00  }
0xf2: {  	[tilespmem:v21+s1+$0x0] =	vst.idx.add.f32.msk $0xffff, v22  }
0xf3: {  	v21 =	vld [tilespmem:s10+$0xFFFFFF80]  }
0xf4: {  	v22 =	vld [tilespmem:s10+$0xFFFFFF90]  }
0xf5: {  	v30 =	vld [tilespmem:s10+$0xFFFFFFA0]  }
0xf6: {  	v31 =	vld [tilespmem:s10+$0xFFFFFFB0]  }
0xf7: {  	v32 =	vld [tilespmem:s10+$0xFFFFFFC0]  }
0xf8: {  	v21 =	vadd.f32 v24, v21;
	v24 =	vld [tilespmem:s10+$0xFFFFFFD0]  }
0xf9: {  	v22 =	vadd.f32 v25, v22;
	v25 =	vld [tilespmem:s10+$0xFFFFFFE0]  }
0xfa: {  	v21 =	vmax.f32 v21, $0.0e+00;
	v26 =	vadd.f32 v26, v30;
	[tilespmem:v3+s1+$0x0] =	vst.idx.add.f32.msk $0xffff, v19;
	v3 =	vmov v20  }
0xfb: {  	[tilespmem:v9+s31+$0x0] =	vst.idx.add.f32.msk $0xffff, v21;
	v19 =	vmax.f32 v22, $0.0e+00;
	v20 =	vadd.f32 v27, v31  }
0xfc: {  	[tilespmem:v6+s31+$0x0] =	vst.idx.add.f32.msk $0xffff, v19;
	v19 =	vmax.f32 v26, $0.0e+00;
	v21 =	vadd.f32 v28, v32  }
0xfd: {  	[tilespmem:v2+s31+$0x0] =	vst.idx.add.f32.msk $0xffff, v19;
	v19 =	vmax.f32 v20, $0.0e+00;
	v20 =	vadd.f32 v23, v24  }
0xfe: {  	[tilespmem:v1+s31+$0x0] =	vst.idx.add.f32.msk $0xffff, v19;
	v19 =	vmax.f32 v21, $0.0e+00;
	v21 =	vadd.f32 v29, v25  }
0xff: {  	[tilespmem:v3+s31+$0x0] =	vst.idx.add.f32.msk $0xffff, v19;
	v19 =	vmax.f32 v20, $0.0e+00  }
0x100: {  	[tilespmem:v18+s31+$0x0] =	vst.idx.add.f32.msk $0xffff, v19;
	v19 =	vmax.f32 v21, $0.0e+00  }
0x101: {  	[tilespmem:v8+s31+$0x0] =	vst.idx.add.f32.msk $0xffff, v19  }
0x102: {  	v19 =	vld.idx.msk [tilespmem:v17+s22+$0x0], $0xffff  }
0x103: {  	v20 =	vld.idx.msk [tilespmem:v10+s22+$0x0], $0xffff  }
0x104: {  	v21 =	vld.idx.msk [tilespmem:v11+s22+$0x0], $0xffff  }
0x105: {  	v22 =	vld.idx.msk [tilespmem:v12+s22+$0x0], $0xffff  }
0x106: {  	v23 =	vld.idx.msk [tilespmem:v13+s22+$0x0], $0xffff  }
0x107: {  	v24 =	vld.idx.msk [tilespmem:v14+s22+$0x0], $0xffff  }
0x108: {  	v25 =	vld.idx.msk [tilespmem:v15+s22+$0x0], $0xffff  }
0x109: {  	v26 =	vld [tilespmem:s10+$0x0]  }
0x10a: {  	v27 =	vld [tilespmem:s10+$0x10]  }
0x10b: {  	v28 =	vld [tilespmem:s10+$0x20]  }
0x10c: {  	v29 =	vld [tilespmem:s10+$0x30]  }
0x10d: {  	v30 =	vld [tilespmem:s10+$0x40]  }
0x10e: {  	v19 =	vadd.f32 v19, v26;
	v26 =	vld [tilespmem:s10+$0x50]  }
0x10f: {  	v20 =	vadd.f32 v20, v27;
	v27 =	vld [tilespmem:s10+$0x60]  }
0x110: {  	v19 =	vmax.f32 v19, $0.0e+00;
	v21 =	vadd.f32 v21, v28;
	[tilespmem:v4+s1+$0x0] =	vst.idx.add.f32.msk $0xffff, v16;
	v4 =	vmov v18  }
0x111: {  	[tilespmem:v9+s0+$0x0] =	vst.idx.add.f32.msk $0xffff, v19;
	v16 =	vmax.f32 v20, $0.0e+00;
	v18 =	vadd.f32 v22, v29  }
0x112: {  	[tilespmem:v6+s0+$0x0] =	vst.idx.add.f32.msk $0xffff, v16;
	v16 =	vmax.f32 v21, $0.0e+00;
	v19 =	vadd.f32 v23, v30  }
0x113: {  	[tilespmem:v2+s0+$0x0] =	vst.idx.add.f32.msk $0xffff, v16;
	v16 =	vmax.f32 v18, $0.0e+00;
	v18 =	vadd.f32 v24, v26  }
0x114: {  	[tilespmem:v1+s0+$0x0] =	vst.idx.add.f32.msk $0xffff, v16;
	v16 =	vmax.f32 v19, $0.0e+00;
	v19 =	vadd.f32 v25, v27  }
0x115: {  	[tilespmem:v3+s0+$0x0] =	vst.idx.add.f32.msk $0xffff, v16;
	v16 =	vmax.f32 v18, $0.0e+00  }
0x116: {  	[tilespmem:v4+s0+$0x0] =	vst.idx.add.f32.msk $0xffff, v16;
	v16 =	vmax.f32 v19, $0.0e+00  }
0x117: {  	[tilespmem:v8+s0+$0x0] =	vst.idx.add.f32.msk $0xffff, v16  }
0x118: {  	v16 =	vld.idx.msk [tilespmem:v17+s23+$0x0], $0xffff  }
0x119: {  	v17 =	vld.idx.msk [tilespmem:v10+s23+$0x0], $0xffff  }
0x11a: {  	v18 =	vld.idx.msk [tilespmem:v11+s23+$0x0], $0xffff  }
0x11b: {  	v19 =	vld.idx.msk [tilespmem:v12+s23+$0x0], $0xffff  }
0x11c: {  	v13 =	vld.idx.msk [tilespmem:v13+s23+$0x0], $0xffff  }
0x11d: {  	v10 =	vld.idx.msk [tilespmem:v14+s23+$0x0], $0xffff  }
0x11e: {  	v11 =	vld.idx.msk [tilespmem:v15+s23+$0x0], $0xffff  }
0x11f: {  	v12 =	vld [tilespmem:s10+$0x80]  }
0x120: {  	v14 =	vld [tilespmem:s10+$0x90]  }
0x121: {  	v20 =	vld [tilespmem:s10+$0xA0]  }
0x122: {  	v21 =	vld [tilespmem:s10+$0xB0]  }
0x123: {  	v22 =	vld [tilespmem:s10+$0xC0]  }
.Ltmp5:
0x124: {  	v16 =	vadd.f32 v16, v12;
	v15 =	vld [tilespmem:s10+$0xD0];
	(pc) =	sbr.rel @p0 .LBB2_9-.Ltmp5, $4  }
0x125: {  	v14 =	vadd.f32 v17, v14;
	v12 =	vld [tilespmem:s10+$0xE0]  }
0x126: {  	v16 =	vmax.f32 v16, $0.0e+00;
	v17 =	vadd.f32 v18, v20;
	[tilespmem:v5+s1+$0x0] =	vst.idx.add.f32.msk $0xffff, v7;
	v5 =	vmov v8  }
0x127: {  	[tilespmem:v9+s1+$0x0] =	vst.idx.add.f32.msk $0xffff, v16;
	v8 =	vmax.f32 v14, $0.0e+00;
	v7 =	vadd.f32 v19, v21  }
0x128: {  	s13 =	sadd.s32 $0x100, s13;
	[tilespmem:v6+s1+$0x0] =	vst.idx.add.f32.msk $0xffff, v8;
	v8 =	vmax.f32 v17, $0.0e+00;
	v6 =	vadd.f32 v13, v22  }
0x129: {  	_ =	sdelay $0x2  }
0x12a: {  	p0 =	seq.s32 s9, $0x31  }
.Ltmp6:
0x12b: {  	v7 =	vmax.f32 v7, $0.0e+00;
	v9 =	vadd.f32 v10, v15;
	[tilespmem:v2+s1+$0x0] =	vst.idx.add.f32.msk $0xffff, v8;
	(pc) =	sbr.rel @p0 .LBB2_14-.Ltmp6, $4  }
0x12c: {  	v2 =	vmax.f32 v6, $0.0e+00;
	v63 =	vadd.f32 v11, v12;
	[tilespmem:v1+s1+$0x0] =	vst.idx.add.f32.msk $0xffff, v7  }
0x12d: {  	v1 =	vmax.f32 v9, $0.0e+00;
	[tilespmem:v3+s1+$0x0] =	vst.idx.add.f32.msk $0xffff, v2  }
0x12e: {  	v2 =	vmax.f32 v63, $0.0e+00;
	[tilespmem:v4+s1+$0x0] =	vst.idx.add.f32.msk $0xffff, v1  }
0x12f: {  	s10 =	sshll.u32 s9, $0x1;
	[tilespmem:v5+s1+$0x0] =	vst.idx.add.f32.msk $0xffff, v2  }
0x130: {  	s12 =	sadd.s32 $0x2, s10  }
0x131: {  	s13 =	smul.u32 $0x190, s12;
	_ =	sdelay $0x1  }
0x132: {  	s14 =	simm.s32 $0x13C00;
	s13 =	sadd.s32 s4, s13  }
0x133: {  	s15 =	simm.s32 $0x10;
	s16 =	simm.s32 $0x13D00;
	s17 =	sadd.s32 $0x0, s13  }
.LBB2_12:
0x134: {  	[tilespmem:s14], [sflag:$0x1] =	stream.linear.gather [hbm4b:s17+s2], $0x80, $0x38;
	[tilespmem:$0x1B900] =	vst v63  }
0x135: {  	s17 =	smov.u32 s15;
	s14 =	smov.u32 s16;
	p1 =	sne.s32 s15, $0x180  }
.Ltmp7:
0x136: {  	s15 =	sadd.s32 $0x10, s15;
	(pc) =	sbr.rel @p1 .LBB2_12-.Ltmp7, $2  }
0x137: {  	_ =	sdelay $0x2  }
0x138: {  	s16 =	sadd.s32 $0x100, s16;
	s17 =	sadd.s32 s17, s13  }
0x139: {  	s12 =	smul.u32 $0x6400, s12  }
0x13a: {  	[tilespmem:s14], [sflag:$0x1] =	stream.linear.gather [hbm4b:s17+s2], $0x80, $0x38;
	[tilespmem:$0x1B900] =	vst v63  }
0x13b: {  	s12 =	sadd.s32 s8, s12  }
0x13c: {  	s12 =	sshrl.u32 s12, $0x3  }
0x13d: {  	s12 =	sadd.s32 s3, s12  }
0x13e: {  	[tilespmem:s25], [sflag:$0x3] =	stream.strided.gather [hbm4b:s12+s24], $0x3200, s19, s24, $0x38;
	[tilespmem:$0x1B900] =	vst v63  }
.LBB2_14:
0x13f: {  	_ =	swait.ge [sflag:s5], $0xC80  }
0x140: {  	[sflag:s5] =	ssyncset.done $0x0  }
0x141: {  	[sflag:s5] =	ssyncadd.s32 $0xFFFFF380  }
0x142: {  	_ =	swait.ge [sflag:s6], $0x3200  }
0x143: {  	[sflag:s6] =	ssyncset.done $0x0  }
0x144: {  	s12 =	simm.s32 $0x13CF0;
	[sflag:s6] =	ssyncadd.s32 $0xFFFFCE00  }
0x145: {  	v1 =	vld [tilespmem:s12+$0x0];
	_ =	sdelay $0x1  }
0x146: {  	v2 =	vld [tilespmem:s12+$0xFFFFFFA0]  }
0x147: {  	v3 =	vld [tilespmem:s12+$0xFFFFFFB0]  }
0x148: {  	v4 =	vld [tilespmem:s12+$0xFFFFFFC0]  }
0x149: {  	v5 =	vld [tilespmem:s12+$0xFFFFFFD0];
	v15 =	vand.u32 $0xFFFF, v1  }
0x14a: {  	v16 =	vld [tilespmem:s12+$0xFFFFFFE0]  }
0x14b: {  	v13 =	vld [tilespmem:s12+$0xFFFFFF90]  }
0x14c: {  	v17 =	vld [tilespmem:s12+$0xFFFFFFF0];
	s12 =	simm.s32 $0x188F0  }
0x14d: {  	v18 =	vld [tilespmem:s12+$0xFFFFFE80]  }
0x14e: {  	v14 =	vld.idx.msk [tilespmem:v15+s2+$0x0], $0xffff  }
0x14f: {  	v26 =	vld [tilespmem:s12+$0xFFFFFE10]  }
0x150: {  	v27 =	vld [tilespmem:s12+$0xFFFFFE20]  }
0x151: {  	v28 =	vld [tilespmem:s12+$0xFFFFFE30];
	v22 =	vshrl.u32 v1, $0x10  }
0x152: {  	v29 =	vld [tilespmem:s12+$0xFFFFFE40]  }
0x153: {  	v30 =	vld [tilespmem:s12+$0xFFFFFE50];
	v1 =	vadd.f32 v14, v18  }
0x154: {  	v31 =	vld [tilespmem:s12+$0xFFFFFE60];
	v6 =	vand.u32 $0xFFFF, v2  }
0x155: {  	v32 =	vld [tilespmem:s12+$0xFFFFFE70];
	v7 =	vand.u32 $0xFFFF, v3;
	v1 =	vmax.f32 v1, $0.0e+00  }
0x156: {  	v12 =	vand.u32 $0xFFFF, v13;
	[tilespmem:v22+s30+$0x0] =	vst.idx.add.f32.msk $0xffff, v1  }
0x157: {  	v8 =	vand.u32 $0xFFFF, v4;
	v1 =	vld.idx.msk [tilespmem:v15+s21+$0x0], $0xffff  }
0x158: {  	v10 =	vand.u32 $0xFFFF, v5;
	v14 =	vld [tilespmem:s12+$0xFFFFFF00]  }
0x159: {  	v11 =	vand.u32 $0xFFFF, v16;
	v19 =	vld.idx.msk [tilespmem:v6+s2+$0x0], $0xffff  }
0x15a: {  	v9 =	vand.u32 $0xFFFF, v17;
	v20 =	vld.idx.msk [tilespmem:v7+s2+$0x0], $0xffff  }
0x15b: {  	v62 =	vld.idx.msk [tilespmem:v12+s2+$0x0], $0xffff  }
0x15c: {  	v21 =	vld.idx.msk [tilespmem:v8+s2+$0x0], $0xffff  }
0x15d: {  	v23 =	vld.idx.msk [tilespmem:v10+s2+$0x0], $0xffff;
	v1 =	vadd.f32 v1, v14  }
0x15e: {  	v24 =	vld.idx.msk [tilespmem:v11+s2+$0x0], $0xffff;
	v14 =	vshrl.u32 v13, $0x10  }
0x15f: {  	v25 =	vld.idx.msk [tilespmem:v9+s2+$0x0], $0xffff;
	v13 =	vshrl.u32 v2, $0x10;
	v1 =	vmax.f32 v1, $0.0e+00  }
0x160: {  	v18 =	vadd.f32 v62, v26;
	v2 =	vshrl.u32 v3, $0x10;
	[tilespmem:v22+s31+$0x0] =	vst.idx.add.f32.msk $0xffff, v1  }
0x161: {  	v19 =	vadd.f32 v19, v27;
	v63 =	vld.idx.msk [tilespmem:v15+s22+$0x0], $0xffff  }
0x162: {  	v27 =	vadd.f32 v20, v28;
	v3 =	vshrl.u32 v5, $0x10;
	v5 =	vmax.f32 v18, $0.0e+00;
	v28 =	vld [tilespmem:s12+$0xFFFFFF80]  }
0x163: {  	v1 =	vshrl.u32 v4, $0x10;
	v4 =	vshrl.u32 v16, $0x10;
	v16 =	vmax.f32 v19, $0.0e+00;
	[tilespmem:v14+s30+$0x0] =	vst.idx.add.f32.msk $0xffff, v5  }
0x164: {  	v5 =	vshrl.u32 v17, $0x10;
	v17 =	vmax.f32 v27, $0.0e+00;
	[tilespmem:v13+s30+$0x0] =	vst.idx.add.f32.msk $0xffff, v16  }
0x165: {  	v30 =	vadd.f32 v23, v30;
	[tilespmem:v2+s30+$0x0] =	vst.idx.add.f32.msk $0xffff, v17  }
0x166: {  	v39 =	vld [tilespmem:s12+$0xFFFFFE90]  }
0x167: {  	v17 =	vmax.f32 v30, $0.0e+00;
	v40 =	vld [tilespmem:s12+$0xFFFFFEA0]  }
0x168: {  	v29 =	vadd.f32 v21, v29;
	[tilespmem:v3+s30+$0x0] =	vst.idx.add.f32.msk $0xffff, v17  }
0x169: {  	v34 =	vld.idx.msk [tilespmem:v7+s21+$0x0], $0xffff  }
0x16a: {  	v16 =	vmax.f32 v29, $0.0e+00;
	v41 =	vld [tilespmem:s12+$0xFFFFFEB0]  }
0x16b: {  	v31 =	vadd.f32 v24, v31;
	[tilespmem:v1+s30+$0x0] =	vst.idx.add.f32.msk $0xffff, v16  }
0x16c: {  	v36 =	vld.idx.msk [tilespmem:v10+s21+$0x0], $0xffff  }
0x16d: {  	v16 =	vmax.f32 v31, $0.0e+00;
	v43 =	vld [tilespmem:s12+$0xFFFFFED0]  }
0x16e: {  	v33 =	vadd.f32 v25, v32;
	[tilespmem:v4+s30+$0x0] =	vst.idx.add.f32.msk $0xffff, v16  }
0x16f: {  	v17 =	vadd.f32 v63, v28;
	v35 =	vld.idx.msk [tilespmem:v8+s21+$0x0], $0xffff  }
0x170: {  	v18 =	vmax.f32 v33, $0.0e+00;
	v42 =	vld [tilespmem:s12+$0xFFFFFEC0]  }
0x171: {  	[tilespmem:v5+s30+$0x0] =	vst.idx.add.f32.msk $0xffff, v18;
	v16 =	vmax.f32 v17, $0.0e+00  }
0x172: {  	[tilespmem:v22+s0+$0x0] =	vst.idx.add.f32.msk $0xffff, v16  }
0x173: {  	v16 =	vld.idx.msk [tilespmem:v12+s21+$0x0], $0xffff  }
0x174: {  	v17 =	vld.idx.msk [tilespmem:v6+s21+$0x0], $0xffff  }
0x175: {  	v15 =	vld.idx.msk [tilespmem:v15+s23+$0x0], $0xffff  }
0x176: {  	v46 =	vld [tilespmem:s12+$0x0]  }
0x177: {  	v37 =	vld.idx.msk [tilespmem:v11+s21+$0x0], $0xffff  }
0x178: {  	v44 =	vld [tilespmem:s12+$0xFFFFFEE0];
	v16 =	vadd.f32 v16, v39  }
0x179: {  	v38 =	vld.idx.msk [tilespmem:v9+s21+$0x0], $0xffff;
	v17 =	vadd.f32 v17, v40  }
0x17a: {  	v45 =	vld [tilespmem:s12+$0xFFFFFEF0];
	v16 =	vmax.f32 v16, $0.0e+00  }
0x17b: {  	v15 =	vadd.f32 v15, v46;
	[tilespmem:v14+s31+$0x0] =	vst.idx.add.f32.msk $0xffff, v16;
	v16 =	vmax.f32 v17, $0.0e+00  }
0x17c: {  	v18 =	vadd.f32 v34, v41;
	[tilespmem:v13+s31+$0x0] =	vst.idx.add.f32.msk $0xffff, v16  }
0x17d: {  	v15 =	vmax.f32 v15, $0.0e+00;
	v54 =	vld [tilespmem:s12+$0xFFFFFF10]  }
0x17e: {  	v17 =	vadd.f32 v35, v42;
	v16 =	vmax.f32 v18, $0.0e+00;
	[tilespmem:v22+s1+$0x0] =	vst.idx.add.f32.msk $0xffff, v15  }
0x17f: {  	[tilespmem:v2+s31+$0x0] =	vst.idx.add.f32.msk $0xffff, v16  }
0x180: {  	v16 =	vmax.f32 v17, $0.0e+00;
	v55 =	vld [tilespmem:s12+$0xFFFFFF20]  }
0x181: {  	v47 =	vadd.f32 v36, v43;
	[tilespmem:v1+s31+$0x0] =	vst.idx.add.f32.msk $0xffff, v16  }
0x182: {  	v49 =	vld.idx.msk [tilespmem:v7+s22+$0x0], $0xffff  }
0x183: {  	v17 =	vadd.f32 v37, v44;
	v16 =	vmax.f32 v47, $0.0e+00;
	v56 =	vld [tilespmem:s12+$0xFFFFFF30]  }
0x184: {  	[tilespmem:v3+s31+$0x0] =	vst.idx.add.f32.msk $0xffff, v16  }
0x185: {  	v48 =	vadd.f32 v38, v45;
	v16 =	vmax.f32 v17, $0.0e+00;
	v17 =	vld.idx.msk [tilespmem:v6+s22+$0x0], $0xffff  }
0x186: {  	v50 =	vld.idx.msk [tilespmem:v8+s22+$0x0], $0xffff  }
0x187: {  	[tilespmem:v4+s31+$0x0] =	vst.idx.add.f32.msk $0xffff, v16;
	v16 =	vmax.f32 v48, $0.0e+00  }
0x188: {  	[tilespmem:v5+s31+$0x0] =	vst.idx.add.f32.msk $0xffff, v16  }
0x189: {  	v16 =	vld.idx.msk [tilespmem:v12+s22+$0x0], $0xffff  }
0x18a: {  	v57 =	vld [tilespmem:s12+$0xFFFFFF40]  }
0x18b: {  	v51 =	vld.idx.msk [tilespmem:v10+s22+$0x0], $0xffff  }
0x18c: {  	v58 =	vld [tilespmem:s12+$0xFFFFFF50]  }
0x18d: {  	v52 =	vld.idx.msk [tilespmem:v11+s22+$0x0], $0xffff  }
0x18e: {  	v59 =	vld [tilespmem:s12+$0xFFFFFF60];
	v16 =	vadd.f32 v16, v54  }
0x18f: {  	v53 =	vld.idx.msk [tilespmem:v9+s22+$0x0], $0xffff;
	v17 =	vadd.f32 v17, v55  }
0x190: {  	v60 =	vld [tilespmem:s12+$0xFFFFFF70];
	v15 =	vmax.f32 v16, $0.0e+00  }
0x191: {  	v16 =	vadd.f32 v49, v56;
	[tilespmem:v14+s0+$0x0] =	vst.idx.add.f32.msk $0xffff, v15;
	v15 =	vmax.f32 v17, $0.0e+00  }
0x192: {  	[tilespmem:v13+s0+$0x0] =	vst.idx.add.f32.msk $0xffff, v15  }
0x193: {  	v17 =	vadd.f32 v50, v57;
	v15 =	vmax.f32 v16, $0.0e+00;
	v12 =	vld.idx.msk [tilespmem:v12+s23+$0x0], $0xffff  }
0x194: {  	[tilespmem:v2+s0+$0x0] =	vst.idx.add.f32.msk $0xffff, v15  }
0x195: {  	v15 =	vmax.f32 v17, $0.0e+00;
	v6 =	vld.idx.msk [tilespmem:v6+s23+$0x0], $0xffff  }
0x196: {  	v16 =	vadd.f32 v51, v58;
	[tilespmem:v1+s0+$0x0] =	vst.idx.add.f32.msk $0xffff, v15  }
0x197: {  	v7 =	vld.idx.msk [tilespmem:v7+s23+$0x0], $0xffff  }
0x198: {  	v15 =	vmax.f32 v16, $0.0e+00;
	v61 =	vld [tilespmem:s12+$0xFFFFFFB0]  }
0x199: {  	v17 =	vadd.f32 v52, v59;
	[tilespmem:v3+s0+$0x0] =	vst.idx.add.f32.msk $0xffff, v15  }
0x19a: {  	v8 =	vld.idx.msk [tilespmem:v8+s23+$0x0], $0xffff  }
0x19b: {  	v16 =	vadd.f32 v53, v60;
	v15 =	vmax.f32 v17, $0.0e+00;
	v17 =	vld [tilespmem:s12+$0xFFFFFFA0]  }
0x19c: {  	v62 =	vld [tilespmem:s12+$0xFFFFFFC0]  }
0x19d: {  	[tilespmem:v4+s0+$0x0] =	vst.idx.add.f32.msk $0xffff, v15;
	v15 =	vmax.f32 v16, $0.0e+00  }
0x19e: {  	[tilespmem:v5+s0+$0x0] =	vst.idx.add.f32.msk $0xffff, v15  }
0x19f: {  	v15 =	vld [tilespmem:s12+$0xFFFFFF90]  }
0x1a0: {  	v16 =	vld.idx.msk [tilespmem:v10+s23+$0x0], $0xffff  }
0x1a1: {  	v63 =	vld [tilespmem:s12+$0xFFFFFFD0]  }
0x1a2: {  	v10 =	vld.idx.msk [tilespmem:v11+s23+$0x0], $0xffff  }
0x1a3: {  	v11 =	vld.idx.msk [tilespmem:v9+s23+$0x0], $0xffff  }
0x1a4: {  	v6 =	vadd.f32 v6, v17;
	v9 =	vadd.f32 v12, v15;
	v15 =	vld [tilespmem:s12+$0xFFFFFFE0]  }
0x1a5: {  	v12 =	vld [tilespmem:s12+$0xFFFFFFF0]  }
0x1a6: {  	v17 =	vadd.f32 v7, v61;
	v6 =	vmax.f32 v6, $0.0e+00  }
0x1a7: {  	v7 =	vadd.f32 v8, v62;
	[tilespmem:v13+s1+$0x0] =	vst.idx.add.f32.msk $0xffff, v6;
	v9 =	vmax.f32 v9, $0.0e+00  }
0x1a8: {  	s13 =	simm.s32 $0x0;
	s14 =	simm.s32 $0x13DF0;
	v8 =	vmax.f32 v17, $0.0e+00;
	v6 =	vadd.f32 v16, v63;
	[tilespmem:v14+s1+$0x0] =	vst.idx.add.f32.msk $0xffff, v9  }
.LBB2_15:
0x1a9: {  	v21 =	vld [tilespmem:s14+$0x0];
	s13 =	sadd.s32 $0x8, s13;
	v9 =	vmax.f32 v7, $0.0e+00;
	v7 =	vadd.f32 v10, v15  }
0x1aa: {  	v10 =	vld [tilespmem:s14+$0xFFFFFFA0];
	p1 =	slt.u32 s13, $0xC0;
	v19 =	vmax.f32 v6, $0.0e+00;
	v6 =	vadd.f32 v11, v12  }
0x1ab: {  	v11 =	vld [tilespmem:s14+$0xFFFFFFB0];
	v16 =	vmax.f32 v7, $0.0e+00  }
0x1ac: {  	v12 =	vld [tilespmem:s14+$0xFFFFFFC0];
	v7 =	vmax.f32 v6, $0.0e+00  }
0x1ad: {  	v13 =	vld [tilespmem:s14+$0xFFFFFFD0]  }
0x1ae: {  	v14 =	vld [tilespmem:s14+$0xFFFFFFE0];
	v22 =	vand.u32 $0xFFFF, v21  }
0x1af: {  	v6 =	vshrl.u32 v10, $0x10;
	v10 =	vand.u32 $0xFFFF, v10;
	v15 =	vld [tilespmem:s14+$0xFFFFFFF0]  }
0x1b0: {  	v17 =	vld [tilespmem:s14+$0xFFFFFF90];
	v18 =	vshrl.u32 v11, $0x10;
	v11 =	vand.u32 $0xFFFF, v11  }
0x1b1: {  	v23 =	vshrl.u32 v12, $0x10;
	v12 =	vand.u32 $0xFFFF, v12;
	[tilespmem:v2+s1+$0x0] =	vst.idx.add.f32.msk $0xffff, v8;
	v2 =	vmov v18  }
0x1b2: {  	v20 =	vshrl.u32 v13, $0x10;
	v13 =	vand.u32 $0xFFFF, v13;
	[tilespmem:v1+s1+$0x0] =	vst.idx.add.f32.msk $0xffff, v9;
	v1 =	vmov v23  }
0x1b3: {  	s12 =	sadd.s32 $0x200, s12;
	v18 =	vshrl.u32 v14, $0x10;
	v14 =	vand.u32 $0xFFFF, v14;
	v23 =	vld.idx.msk [tilespmem:v22+s2+$0x0], $0xffff  }
0x1b4: {  	v8 =	vshrl.u32 v15, $0x10;
	v15 =	vand.u32 $0xFFFF, v15;
	v24 =	vld [tilespmem:s12+$0xFFFFFE80]  }
0x1b5: {  	v9 =	vshrl.u32 v17, $0x10;
	v17 =	vand.u32 $0xFFFF, v17;
	v25 =	vld.idx.msk [tilespmem:v10+s2+$0x0], $0xffff  }
0x1b6: {  	v26 =	vld.idx.msk [tilespmem:v11+s2+$0x0], $0xffff  }
0x1b7: {  	v21 =	vshrl.u32 v21, $0x10;
	v27 =	vld.idx.msk [tilespmem:v12+s2+$0x0], $0xffff  }
0x1b8: {  	v28 =	vld.idx.msk [tilespmem:v13+s2+$0x0], $0xffff  }
0x1b9: {  	v29 =	vld.idx.msk [tilespmem:v14+s2+$0x0], $0xffff;
	v23 =	vadd.f32 v23, v24  }
0x1ba: {  	v24 =	vld.idx.msk [tilespmem:v17+s2+$0x0], $0xffff  }
0x1bb: {  	v30 =	vld.idx.msk [tilespmem:v15+s2+$0x0], $0xffff;
	v23 =	vmax.f32 v23, $0.0e+00  }
0x1bc: {  	[tilespmem:v21+s30+$0x0] =	vst.idx.add.f32.msk $0xffff, v23  }
0x1bd: {  	v23 =	vld.idx.msk [tilespmem:v22+s21+$0x0], $0xffff  }
0x1be: {  	v31 =	vld [tilespmem:s12+$0xFFFFFF00]  }
0x1bf: {  	v32 =	vld [tilespmem:s12+$0xFFFFFE10]  }
0x1c0: {  	v33 =	vld [tilespmem:s12+$0xFFFFFE20]  }
0x1c1: {  	v34 =	vld [tilespmem:s12+$0xFFFFFE30]  }
0x1c2: {  	v35 =	vld [tilespmem:s12+$0xFFFFFE40]  }
0x1c3: {  	v36 =	vld [tilespmem:s12+$0xFFFFFE50];
	v23 =	vadd.f32 v23, v31  }
0x1c4: {  	v24 =	vadd.f32 v24, v32;
	v31 =	vld [tilespmem:s12+$0xFFFFFE60]  }
0x1c5: {  	v25 =	vadd.f32 v25, v33;
	v32 =	vld [tilespmem:s12+$0xFFFFFE70];
	v23 =	vmax.f32 v23, $0.0e+00  }
0x1c6: {  	v24 =	vmax.f32 v24, $0.0e+00;
	v26 =	vadd.f32 v26, v34;
	[tilespmem:v21+s31+$0x0] =	vst.idx.add.f32.msk $0xffff, v23  }
0x1c7: {  	v23 =	vmax.f32 v25, $0.0e+00;
	v25 =	vadd.f32 v27, v35;
	v27 =	vld.idx.msk [tilespmem:v22+s22+$0x0], $0xffff  }
0x1c8: {  	v26 =	vmax.f32 v26, $0.0e+00;
	v28 =	vadd.f32 v28, v36;
	v33 =	vld [tilespmem:s12+$0xFFFFFF80]  }
0x1c9: {  	[tilespmem:v9+s30+$0x0] =	vst.idx.add.f32.msk $0xffff, v24;
	v24 =	vmax.f32 v25, $0.0e+00;
	v25 =	vadd.f32 v29, v31  }
0x1ca: {  	[tilespmem:v6+s30+$0x0] =	vst.idx.add.f32.msk $0xffff, v23;
	v23 =	vmax.f32 v28, $0.0e+00;
	v28 =	vadd.f32 v30, v32  }
0x1cb: {  	[tilespmem:v2+s30+$0x0] =	vst.idx.add.f32.msk $0xffff, v26;
	v25 =	vmax.f32 v25, $0.0e+00  }
0x1cc: {  	[tilespmem:v1+s30+$0x0] =	vst.idx.add.f32.msk $0xffff, v24;
	v24 =	vmax.f32 v28, $0.0e+00  }
0x1cd: {  	[tilespmem:v20+s30+$0x0] =	vst.idx.add.f32.msk $0xffff, v23;
	v23 =	vadd.f32 v27, v33  }
0x1ce: {  	[tilespmem:v18+s30+$0x0] =	vst.idx.add.f32.msk $0xffff, v25  }
0x1cf: {  	[tilespmem:v8+s30+$0x0] =	vst.idx.add.f32.msk $0xffff, v24;
	v23 =	vmax.f32 v23, $0.0e+00  }
0x1d0: {  	[tilespmem:v21+s0+$0x0] =	vst.idx.add.f32.msk $0xffff, v23  }
0x1d1: {  	v22 =	vld.idx.msk [tilespmem:v22+s23+$0x0], $0xffff  }
0x1d2: {  	v23 =	vld [tilespmem:s12+$0x0]  }
0x1d3: {  	v24 =	vld.idx.msk [tilespmem:v17+s21+$0x0], $0xffff  }
0x1d4: {  	v25 =	vld.idx.msk [tilespmem:v10+s21+$0x0], $0xffff  }
0x1d5: {  	v26 =	vld.idx.msk [tilespmem:v11+s21+$0x0], $0xffff  }
0x1d6: {  	v27 =	vld.idx.msk [tilespmem:v12+s21+$0x0], $0xffff  }
0x1d7: {  	v28 =	vld.idx.msk [tilespmem:v13+s21+$0x0], $0xffff;
	v22 =	vadd.f32 v22, v23  }
0x1d8: {  	v23 =	vld.idx.msk [tilespmem:v14+s21+$0x0], $0xffff  }
0x1d9: {  	v29 =	vld.idx.msk [tilespmem:v15+s21+$0x0], $0xffff;
	v22 =	vmax.f32 v22, $0.0e+00  }
0x1da: {  	[tilespmem:v21+s1+$0x0] =	vst.idx.add.f32.msk $0xffff, v22  }
0x1db: {  	v21 =	vld [tilespmem:s12+$0xFFFFFE90]  }
0x1dc: {  	v22 =	vld [tilespmem:s12+$0xFFFFFEA0]  }
0x1dd: {  	v30 =	vld [tilespmem:s12+$0xFFFFFEB0]  }
0x1de: {  	v31 =	vld [tilespmem:s12+$0xFFFFFEC0]  }
0x1df: {  	v32 =	vld [tilespmem:s12+$0xFFFFFED0]  }
0x1e0: {  	v21 =	vadd.f32 v24, v21;
	v24 =	vld [tilespmem:s12+$0xFFFFFEE0]  }
0x1e1: {  	v22 =	vadd.f32 v25, v22;
	v25 =	vld [tilespmem:s12+$0xFFFFFEF0]  }
0x1e2: {  	v21 =	vmax.f32 v21, $0.0e+00;
	v26 =	vadd.f32 v26, v30;
	[tilespmem:v3+s1+$0x0] =	vst.idx.add.f32.msk $0xffff, v19;
	v3 =	vmov v20  }
0x1e3: {  	[tilespmem:v9+s31+$0x0] =	vst.idx.add.f32.msk $0xffff, v21;
	v19 =	vmax.f32 v22, $0.0e+00;
	v20 =	vadd.f32 v27, v31  }
0x1e4: {  	[tilespmem:v6+s31+$0x0] =	vst.idx.add.f32.msk $0xffff, v19;
	v19 =	vmax.f32 v26, $0.0e+00;
	v21 =	vadd.f32 v28, v32  }
0x1e5: {  	[tilespmem:v2+s31+$0x0] =	vst.idx.add.f32.msk $0xffff, v19;
	v19 =	vmax.f32 v20, $0.0e+00;
	v20 =	vadd.f32 v23, v24  }
0x1e6: {  	[tilespmem:v1+s31+$0x0] =	vst.idx.add.f32.msk $0xffff, v19;
	v19 =	vmax.f32 v21, $0.0e+00;
	v21 =	vadd.f32 v29, v25  }
0x1e7: {  	[tilespmem:v3+s31+$0x0] =	vst.idx.add.f32.msk $0xffff, v19;
	v19 =	vmax.f32 v20, $0.0e+00  }
0x1e8: {  	[tilespmem:v18+s31+$0x0] =	vst.idx.add.f32.msk $0xffff, v19;
	v19 =	vmax.f32 v21, $0.0e+00  }
0x1e9: {  	[tilespmem:v8+s31+$0x0] =	vst.idx.add.f32.msk $0xffff, v19  }
0x1ea: {  	v19 =	vld.idx.msk [tilespmem:v17+s22+$0x0], $0xffff  }
0x1eb: {  	v20 =	vld.idx.msk [tilespmem:v10+s22+$0x0], $0xffff  }
0x1ec: {  	v21 =	vld.idx.msk [tilespmem:v11+s22+$0x0], $0xffff  }
0x1ed: {  	v22 =	vld.idx.msk [tilespmem:v12+s22+$0x0], $0xffff  }
0x1ee: {  	v23 =	vld.idx.msk [tilespmem:v13+s22+$0x0], $0xffff  }
0x1ef: {  	v24 =	vld.idx.msk [tilespmem:v14+s22+$0x0], $0xffff  }
0x1f0: {  	v25 =	vld.idx.msk [tilespmem:v15+s22+$0x0], $0xffff  }
0x1f1: {  	v26 =	vld [tilespmem:s12+$0xFFFFFF10]  }
0x1f2: {  	v27 =	vld [tilespmem:s12+$0xFFFFFF20]  }
0x1f3: {  	v28 =	vld [tilespmem:s12+$0xFFFFFF30]  }
0x1f4: {  	v29 =	vld [tilespmem:s12+$0xFFFFFF40]  }
0x1f5: {  	v30 =	vld [tilespmem:s12+$0xFFFFFF50]  }
0x1f6: {  	v19 =	vadd.f32 v19, v26;
	v26 =	vld [tilespmem:s12+$0xFFFFFF60]  }
0x1f7: {  	v20 =	vadd.f32 v20, v27;
	v27 =	vld [tilespmem:s12+$0xFFFFFF70]  }
0x1f8: {  	v19 =	vmax.f32 v19, $0.0e+00;
	v21 =	vadd.f32 v21, v28;
	[tilespmem:v4+s1+$0x0] =	vst.idx.add.f32.msk $0xffff, v16;
	v4 =	vmov v18  }
0x1f9: {  	[tilespmem:v9+s0+$0x0] =	vst.idx.add.f32.msk $0xffff, v19;
	v16 =	vmax.f32 v20, $0.0e+00;
	v18 =	vadd.f32 v22, v29  }
0x1fa: {  	[tilespmem:v6+s0+$0x0] =	vst.idx.add.f32.msk $0xffff, v16;
	v16 =	vmax.f32 v21, $0.0e+00;
	v19 =	vadd.f32 v23, v30  }
0x1fb: {  	[tilespmem:v2+s0+$0x0] =	vst.idx.add.f32.msk $0xffff, v16;
	v16 =	vmax.f32 v18, $0.0e+00;
	v18 =	vadd.f32 v24, v26  }
0x1fc: {  	[tilespmem:v1+s0+$0x0] =	vst.idx.add.f32.msk $0xffff, v16;
	v16 =	vmax.f32 v19, $0.0e+00;
	v19 =	vadd.f32 v25, v27  }
0x1fd: {  	[tilespmem:v3+s0+$0x0] =	vst.idx.add.f32.msk $0xffff, v16;
	v16 =	vmax.f32 v18, $0.0e+00  }
0x1fe: {  	[tilespmem:v4+s0+$0x0] =	vst.idx.add.f32.msk $0xffff, v16;
	v16 =	vmax.f32 v19, $0.0e+00  }
0x1ff: {  	[tilespmem:v8+s0+$0x0] =	vst.idx.add.f32.msk $0xffff, v16  }
0x200: {  	v16 =	vld.idx.msk [tilespmem:v17+s23+$0x0], $0xffff  }
0x201: {  	v17 =	vld.idx.msk [tilespmem:v10+s23+$0x0], $0xffff  }
0x202: {  	v18 =	vld.idx.msk [tilespmem:v11+s23+$0x0], $0xffff  }
0x203: {  	v19 =	vld.idx.msk [tilespmem:v12+s23+$0x0], $0xffff  }
0x204: {  	v13 =	vld.idx.msk [tilespmem:v13+s23+$0x0], $0xffff  }
0x205: {  	v10 =	vld.idx.msk [tilespmem:v14+s23+$0x0], $0xffff  }
0x206: {  	v11 =	vld.idx.msk [tilespmem:v15+s23+$0x0], $0xffff  }
0x207: {  	v12 =	vld [tilespmem:s12+$0xFFFFFF90]  }
0x208: {  	v14 =	vld [tilespmem:s12+$0xFFFFFFA0]  }
0x209: {  	v20 =	vld [tilespmem:s12+$0xFFFFFFB0]  }
0x20a: {  	v21 =	vld [tilespmem:s12+$0xFFFFFFC0]  }
0x20b: {  	v22 =	vld [tilespmem:s12+$0xFFFFFFD0]  }
.Ltmp8:
0x20c: {  	v16 =	vadd.f32 v16, v12;
	v15 =	vld [tilespmem:s12+$0xFFFFFFE0];
	(pc) =	sbr.rel @p1 .LBB2_15-.Ltmp8, $4  }
0x20d: {  	v14 =	vadd.f32 v17, v14;
	v12 =	vld [tilespmem:s12+$0xFFFFFFF0]  }
0x20e: {  	v16 =	vmax.f32 v16, $0.0e+00;
	v17 =	vadd.f32 v18, v20;
	[tilespmem:v5+s1+$0x0] =	vst.idx.add.f32.msk $0xffff, v7;
	v5 =	vmov v8  }
0x20f: {  	[tilespmem:v9+s1+$0x0] =	vst.idx.add.f32.msk $0xffff, v16;
	v8 =	vmax.f32 v14, $0.0e+00;
	v7 =	vadd.f32 v19, v21  }
0x210: {  	s14 =	sadd.s32 $0x100, s14;
	[tilespmem:v6+s1+$0x0] =	vst.idx.add.f32.msk $0xffff, v8;
	v8 =	vmax.f32 v17, $0.0e+00;
	v6 =	vadd.f32 v13, v22  }
0x211: {  	_ =	sdelay $0x3  }
.Ltmp9:
0x212: {  	v7 =	vmax.f32 v7, $0.0e+00;
	v9 =	vadd.f32 v10, v15;
	[tilespmem:v2+s1+$0x0] =	vst.idx.add.f32.msk $0xffff, v8;
	(pc) =	sbr.rel @p0 .LBB2_20-.Ltmp9, $4  }
0x213: {  	v2 =	vmax.f32 v6, $0.0e+00;
	v63 =	vadd.f32 v11, v12;
	[tilespmem:v1+s1+$0x0] =	vst.idx.add.f32.msk $0xffff, v7  }
0x214: {  	v1 =	vmax.f32 v9, $0.0e+00;
	[tilespmem:v3+s1+$0x0] =	vst.idx.add.f32.msk $0xffff, v2  }
0x215: {  	v2 =	vmax.f32 v63, $0.0e+00;
	[tilespmem:v4+s1+$0x0] =	vst.idx.add.f32.msk $0xffff, v1  }
0x216: {  	[tilespmem:v5+s1+$0x0] =	vst.idx.add.f32.msk $0xffff, v2  }
0x217: {  	s10 =	sadd.s32 $0x3, s10  }
0x218: {  	s12 =	smul.u32 $0x190, s10;
	_ =	sdelay $0x1  }
0x219: {  	s13 =	simm.s32 $0x13C80;
	s12 =	sadd.s32 s4, s12  }
0x21a: {  	s14 =	simm.s32 $0x10;
	s15 =	simm.s32 $0x13D80;
	s16 =	sadd.s32 $0x0, s12  }
.LBB2_18:
0x21b: {  	[tilespmem:s13], [sflag:$0x2] =	stream.linear.gather [hbm4b:s16+s2], $0x80, $0x38;
	[tilespmem:$0x1B900] =	vst v63  }
0x21c: {  	s16 =	smov.u32 s14;
	s13 =	smov.u32 s15;
	p0 =	sne.s32 s14, $0x180  }
.Ltmp10:
0x21d: {  	s14 =	sadd.s32 $0x10, s14;
	(pc) =	sbr.rel @p0 .LBB2_18-.Ltmp10, $2  }
0x21e: {  	_ =	sdelay $0x2  }
0x21f: {  	s15 =	sadd.s32 $0x100, s15;
	s16 =	sadd.s32 s16, s12  }
0x220: {  	s10 =	smul.u32 $0x6400, s10  }
0x221: {  	[tilespmem:s13], [sflag:$0x2] =	stream.linear.gather [hbm4b:s16+s2], $0x80, $0x38;
	[tilespmem:$0x1B900] =	vst v63  }
.Ltmp11:
0x222: {  	_ = 	snop;
	(pc) =	sbr.rel .LBB2_8-.Ltmp11, $4  }
0x223: {  	s10 =	sadd.s32 s8, s10  }
0x224: {  	s10 =	sshrl.u32 s10, $0x3  }
0x225: {  	s9 =	sadd.s32 $0x1, s9;
	s10 =	sadd.s32 s3, s10  }
0x226: {  	[tilespmem:s26], [sflag:$0x4] =	stream.strided.gather [hbm4b:s10+s24], $0x3200, s19, s24, $0x38;
	[tilespmem:$0x1B900] =	vst v63  }
.LBB2_21:
0x227: {  	_ =	sfence.sel $0x180000  }
0x228: {  	[bflag:$0x0] =	sbarrier.arrive $0xFFFF  }
0x229: {  	_ =	strace $0x90000047  }
0x22a: {  	s0 =	stileid.u32;
	[bflag:$0x2] =	sbarrier.arrive $0xFFFF  }
0x22b: {  	p0 =	sne.s32 s0, $0x0;
	s0 =	rddreg [dreg:$0x1]  }
0x22c: {  	s0 =	sadd.s32 @!p0 $0x100000, s0  }
0x22d: {  	[sflag:s0] =	ssyncadd.tile.s32 @!p0 $0x1;
	_ =	shalt  }
.Lfunc_end2:
_tile_overlayer_lowered:
.L_overlay_start_2:
0x22e: {  	(tag) =	ssettag $0x2  }
0x22f: {  	s0 =	rddreg [dreg:$0x0];
	s2 =	stileid.u32  }
0x230: {  	s1 =	rddreg [dreg:$0x1];
	p0 =	sne.s32 s2, $0x0  }
0x231: {  	s3 =	rddreg [dreg:$0x2];
	[bflag:$0x3] =	sbarrier.arrive $0xFFFF;
	s2 =	simm.s32 @!p0 $0x1C05  }
0x232: {  	[timem:s3], [sflag:s2] =	dma.local @!p0 [hbm:s0], s1  }
0x233: {  	s0 =	simm.s32 @!p0 $0x5  }
0x234: {  	_ =	swait.ge @!p0 [sflag:s0], s1  }
0x235: {  	s1 =	ssub.s32 @!p0 $0x0, s1;
	[sflag:s0] =	ssyncset.done @!p0 $0x0  }
0x236: {  	[sflag:s0] =	ssyncadd.s32 @!p0 s1  }
0x237: {  	[bflag:$0x3] =	sbarrier.arrive $0xFFFF  }
0x238: {  	_ =	shalt  }

// kernel: kernel.14.cloned.1.call-start
scs
__scs_entry_jumppad:
0x0: {  	(pc) =	sbr.rel $0x88, $3  }
0x1: {  	(tag) =	ssettag $0x0;
	lr =	simm.s32 $0x1  }
0x2: {  	[smem:$0x3F91] =	sst lr;
	_ =	strace $0xD0000000  }
0x3: {  	_ = 	snop  }
0x4: {  	_ = 	snop  }
0x5: {  	_ = 	snop  }
0x6: {  	_ = 	snop  }
0x7: {  	_ = 	snop  }
__scs_overlays_trampoline_lowered:
0x8: {  	[smem:$0x3FA0] =	sst s0  }
0x9: {  	[smem:$0x3FA1] =	sst s1  }
0xa: {  	[smem:$0x3FA2] =	sst s2  }
0xb: {  	[smem:$0x3FA3] =	sst s3  }
0xc: {  	[smem:$0x3FA4] =	sst s4  }
0xd: {  	[smem:$0x3FA5] =	sst s5  }
0xe: {  	[smem:$0x3FA6] =	sst s6  }
0xf: {  	[smem:$0x3FA7] =	sst s7  }
0x10: {  	[smem:$0x3FA8] =	sst s8  }
0x11: {  	[smem:$0x3FA9] =	sst s9;
	s0 =	simm.s32 @!p0 $0x0  }
0x12: {  	s1 =	sld [smem:$0x3F8F];
	s0 =	simm.s32 @p0 $0x1  }
0x13: {  	[smem:$0x3FAA] =	sst s0;
	s0 =	simm.s32 @!p1 $0x0  }
0x14: {  	s2 =	sld [smem:$0x3F8E];
	s0 =	simm.s32 @p1 $0x1  }
0x15: {  	[smem:$0x3FAB] =	sst s0;
	s0 =	simm.s32 @!p2 $0x0  }
0x16: {  	s3 =	sld [smem:$0x3FDB];
	s0 =	simm.s32 @p2 $0x1  }
0x17: {  	s4 =	simm.s32 $0x1BF5;
	[smem:$0x3FAD] =	sst s0  }
0x18: {  	s0 =	sld [smem:$0x3F90];
	_ =	swait.ge [sflag:s4], $0x0  }
0x19: {  	s7 =	sld [smem:$0x3F91]  }
0x1a: {  	s8 =	sadd.s32 $0xFFFFE003, lr  }
0x1b: {  	s9 =	sadd.s32 $0xFFFFFEF7, lr;
	s5 =	simm.s32 $0xFFFFFFFF;
	p2 =	slt.u32 s8, $0xFFFFF086  }
0x1c: {  	p1 =	slt.u32 s9, $0xF7A;
	s5 =	simm.s32 @!p2 $0x0  }
0x1d: {  	s5 =	simm.s32 @p1 $0x1;
	p0 =	seq.s32 s7, s2  }
0x1e: {  	s7 =	smul.u32 @!p0 $0xF7A, s2;
	p2 =	seq.s32 @!p0 s5, $0x0  }
0x1f: {  	s9 =	smul.u32 $0xF7A, s1;
	s8 =	simm.s32 @!p0 $0x1BF5;
	p2 =	por !p2, p0  }
0x20: {  	[sflag:s8] =	ssyncset.s32 @!p0 $0xFFFFF086;
	s6 =	sadd.s32 @!p0 s3, s7;
	s7 =	simm.s32 @!p0 $0x108  }
0x21: {  	s3 =	sadd.s32 s3, s9;
	s6 =	sadd.s32 @!p0 $0x88, s6;
	s7 =	simm.s32 @p2 $0x1082  }
0x22: {  	[simem:s7], [sflag:s8] =	dma.local @!p0 [hbm:s6], $0xF7A  }
0x23: {  	s9 =	sor.u32 $0xD0000000, s2;
	s6 =	simm.s32 $0x108;
	_ =	swait.ge @!p0 [sflag:s8], $0x0  }
0x24: {  	s3 =	sadd.s32 $0x88, s3;
	s6 =	simm.s32 @!p1 $0x1082;
	[sflag:s4] =	ssyncset.s32 $0xFFFFF086  }
0x25: {  	[simem:s6], [sflag:s4] =	dma.local [hbm:s3], $0xF7A  }
0x26: {  	[smem:$0x3F91] =	sst s1;
	(tag) =	ssettag s2;
	_ =	strace s9  }
0x27: {  	s1 =	sld [smem:$0x3FA1]  }
0x28: {  	s2 =	sld [smem:$0x3FA2]  }
0x29: {  	s4 =	sld [smem:$0x3FA4]  }
0x2a: {  	p0 =	seq.s32 s5, $0x0;
	s5 =	sld [smem:$0x3FA5]  }
0x2b: {  	s6 =	sld [smem:$0x3FA6]  }
0x2c: {  	s7 =	sld [smem:$0x3FA7]  }
0x2d: {  	s3 =	simm.s32 $0x108;
	s8 =	sld [smem:$0x3FA8]  }
0x2e: {  	s3 =	simm.s32 @!p0 $0x1082;
	s9 =	sld [smem:$0x3FA9]  }
0x2f: {  	lr =	sadd.s32 s0, s3;
	s0 =	sld [smem:$0x3FA0]  }
0x30: {  	s3 =	sld [smem:$0x3FA3]  }
0x31: {  	[smem:$0x3FAC] =	sst s10  }
0x32: {  	s10 =	sld [smem:$0x3FAA];
	_ =	sdelay $0x3  }
0x33: {  	p0 =	seq.s32 s10, $0x1;
	s10 =	sld [smem:$0x3FAC];
	_ =	sdelay $0x3  }
0x34: {  	[smem:$0x3FAC] =	sst s10  }
0x35: {  	s10 =	sld [smem:$0x3FAB];
	_ =	sdelay $0x3  }
0x36: {  	p1 =	seq.s32 s10, $0x1;
	s10 =	sld [smem:$0x3FAC];
	_ =	sdelay $0x3  }
0x37: {  	[smem:$0x3FAC] =	sst s10  }
0x38: {  	s10 =	sld [smem:$0x3FAD]  }
0x39: {  	_ = 	snop;
	(pc) =	sbr.ind lr, $3  }
0x3a: {  	_ = 	snop  }
0x3b: {  	_ = 	snop  }
0x3c: {  	p2 =	seq.s32 s10, $0x1;
	s10 =	sld [smem:$0x3FAC]  }
0x3d: {  	_ =	shalt  }
0x3e: {  	_ =	shalt  }
0x3f: {  	_ =	shalt  }
0x40: {  	_ =	shalt  }
0x41: {  	_ =	shalt  }
0x42: {  	_ =	shalt  }
0x43: {  	_ =	shalt  }
0x44: {  	_ =	shalt  }
0x45: {  	_ =	shalt  }
0x46: {  	_ =	shalt  }
0x47: {  	_ =	shalt  }
0x48: {  	_ =	shalt  }
0x49: {  	_ =	shalt  }
0x4a: {  	_ =	shalt  }
0x4b: {  	_ =	shalt  }
0x4c: {  	_ =	shalt  }
0x4d: {  	_ =	shalt  }
0x4e: {  	_ =	shalt  }
0x4f: {  	_ =	shalt  }
0x50: {  	_ =	shalt  }
0x51: {  	_ =	shalt  }
0x52: {  	_ =	shalt  }
0x53: {  	_ =	shalt  }
0x54: {  	_ =	shalt  }
0x55: {  	_ =	shalt  }
0x56: {  	_ =	shalt  }
0x57: {  	_ =	shalt  }
0x58: {  	_ =	shalt  }
0x59: {  	_ =	shalt  }
0x5a: {  	_ =	shalt  }
0x5b: {  	_ =	shalt  }
0x5c: {  	_ =	shalt  }
0x5d: {  	_ =	shalt  }
0x5e: {  	_ =	shalt  }
0x5f: {  	_ =	shalt  }
0x60: {  	_ =	shalt  }
0x61: {  	_ =	shalt  }
0x62: {  	_ =	shalt  }
0x63: {  	_ =	shalt  }
0x64: {  	_ =	shalt  }
0x65: {  	_ =	shalt  }
0x66: {  	_ =	shalt  }
0x67: {  	_ =	shalt  }
0x68: {  	_ =	shalt  }
0x69: {  	_ =	shalt  }
0x6a: {  	_ =	shalt  }
0x6b: {  	_ =	shalt  }
0x6c: {  	_ =	shalt  }
0x6d: {  	_ =	shalt  }
0x6e: {  	_ =	shalt  }
0x6f: {  	_ =	shalt  }
0x70: {  	_ =	shalt  }
0x71: {  	_ =	shalt  }
0x72: {  	_ =	shalt  }
0x73: {  	_ =	shalt  }
0x74: {  	_ =	shalt  }
0x75: {  	_ =	shalt  }
0x76: {  	_ =	shalt  }
0x77: {  	_ =	shalt  }
0x78: {  	_ =	shalt  }
0x79: {  	_ =	shalt  }
0x7a: {  	_ =	shalt  }
0x7b: {  	_ =	shalt  }
0x7c: {  	_ =	shalt  }
0x7d: {  	_ =	shalt  }
0x7e: {  	_ =	shalt  }
0x7f: {  	_ =	shalt  }
0x80: {  	_ =	shalt  }
0x81: {  	_ =	shalt  }
0x82: {  	_ =	shalt  }
0x83: {  	_ =	shalt  }
0x84: {  	_ =	shalt  }
0x85: {  	_ =	shalt  }
0x86: {  	_ =	shalt  }
0x87: {  	_ =	shalt  }
.Lfunc_end0:
.L_simem_size_0:
called_computation.1_lowered:
.L_overlay_start_0:
0x88: {  	s2 =	sld [smem:$0x3FD9]  }
0x89: {  	s3 =	sld [smem:$0x3FFE];
	_ =	sdelay $0x1  }
0x8a: {  	s1 =	srdreg.scid  }
0x8b: {  	s0 =	sand.u32 $0x1, s1  }
0x8c: {  	s16 =	sshll.u32 s0, $0xA;
	s2 =	sadd.s32 s3, s2  }
0x8d: {  	s2 =	sadd.s32 s2, s16  }
0x8e: {  	[smem:$0x3FB8] =	sst s2  }
0x8f: {  	_ = 	snop  }
0x90: {  	(tm) =	ssettm $0x1  }
0x91: {  	s17 =	sld [smem:$0x3FFB];
	_ =	sdelay $0x3  }
0x92: {  	_ =	strace s17  }
0x93: {  	s2 =	sld [smem:$0x3FFC];
	_ =	sdelay $0x3  }
0x94: {  	_ =	strace s2  }
0x95: {  	s2 =	sld [smem:$0x3FFD];
	_ =	sdelay $0x3  }
0x96: {  	_ =	strace s2  }
0x97: {  	_ =	strace $0x8FFFFFFF  }
0x98: {  	s18 =	sld [smem:$0x3FDB];
	_ =	sdelay $0x1  }
0x99: {  	s19 =	simm.s32 $_scs_section_size  }
0x9a: {  	s4 =	simm.s32 $_size__tile_overlayer_lowered;
	s5 =	simm.s32 $_tile_overlayer_lowered  }
0x9b: {  	s22 =	simm.s32 $0x1BFF;
	s21 =	sshll.u32 s5, $0x1;
	s2 =	sadd.s32 s19, s18  }
0x9c: {  	s6 =	simm.s32 $0x0;
	s20 =	sshll.u32 s4, $0x1;
	s4 =	sadd.s32 s21, s2  }
0x9d: {  	[timem:s6], [sflag:s22] =	dma.local [hbm:s4], s20  }
0x9e: {  	_ =	swait.ge [sflag:s22], s20  }
0x9f: {  	s3 =	ssub.s32 $0x0, s20;
	[sflag:s22] =	ssyncset.done $0x0  }
0xa0: {  	[sflag:s22] =	ssyncadd.s32 s3;
	_ =	sdelay $0x1  }
0xa1: {  	s23 =	simm.s32 $0x1B8B  }
0xa2: {  	_ =	swait.ge [sflag:s23], $0x1  }
0xa3: {  	[sflag:s23] =	ssyncset.done $0x0  }
0xa4: {  	s25 =	simm.s32 $0x1B8E;
	s24 =	sld [smem:$0x3FFE];
	[sflag:s23] =	ssyncadd.s32 $0xFFFFFFFF  }
0xa5: {  	s26 =	simm.s32 $execute0_lowered;
	[smem:$0x3FD2] =	sst s25  }
0xa6: {  	s4 =	sshll.u32 s26, $0x1;
	_ =	strace $0x80000049;
	[dreg:$0x1] =	wrdreg $0xFFFFFFFF  }
0xa7: {  	s28 =	simm.s32 $_size_execute0_lowered;
	s2 =	sadd.s32 s2, s4;
	[dreg:$0x0] =	wrdreg $0x0  }
0xa8: {  	s4 =	sshll.u32 s28, $0x1;
	[dreg:$0x2] =	wrdreg s2  }
0xa9: {  	[dreg:$0x3] =	wrdreg s4  }
0xaa: {  	[dreg:$0x4] =	wrdreg $0xC0  }
0xab: {  	_ =	task [dreg:s6], $0x5FFFF  }
0xac: {  	[dreg:$0x1] =	wrdreg $0xFFFFFFFF  }
0xad: {  	[dreg:$0x0] =	wrdreg $0x60  }
0xae: {  	[dreg:$0x2] =	wrdreg s24  }
0xaf: {  	[dreg:$0x3] =	wrdreg $0x9  }
0xb0: {  	_ =	task.clear_ibuf [dreg:s6], $0x4FFFF;
	_ =	strace $0x90000049  }
0xb1: {  	s29 =	simm.s32 $0x9;
	_ =	strace $0x8000004B  }
0xb2: {  	_ =	swait.ge [sflag:s29], $0x1  }
0xb3: {  	[sflag:s29] =	ssyncadd.s32 $0xFFFFFFFF  }
0xb4: {  	_ =	strace $0x9000004B  }
0xb5: {  	_ =	sfence  }
0xb6: {  	s30 =	sld [smem:$0x0];
	_ =	sdelay $0x2  }
0xb7: {  	s31 =	sshll.u32 s1, $0xD;
	s1 =	sshrl.u32 s1, $0x2  }
0xb8: {  	s3 =	sand.u32 $0x4000, s31;
	s1 =	sadd.s32 s1, s30  }
0xb9: {  	s0 =	sor.u32 s3, s0;
	s1 =	sshll.u32 s1, $0x11  }
0xba: {  	s0 =	sor.u32 s1, s0  }
0xbb: {  	s0 =	sadd.s32 $0x8F2B, s0  }
0xbc: {  	[sflag:s0] =	ssyncadd.remote.s32 $0x1  }
0xbd: {  	_ =	sfence.sel $0xFFFF  }
0xbe: {  	[dreg:$0x0] =	wrdreg $0xFFFFFFFF;
	(pc) =	sbr.abs _section_cstart, $3  }
0xbf: {  	[dreg:$0x1] =	wrdreg $0xFFFFFFFF  }
0xc0: {  	_ =	task.clear_ibuf [dreg:s6], $0x2FFFF;
	_ =	strace $0x9FFFFFFF  }
0xc1: {  	(tm) =	ssettm $0x7FFFFFFF  }
tec
execute0_lowered:
.L_overlay_start_1:
0x0: {  	(tag) =	ssettag $0x1  }
0x1: {  	s0 =	rddreg [dreg:$0x0];
	s2 =	simm.s32 $0x0  }
0x2: {  	s1 =	srdreg.scid;
	s11 =	stileid.u32;
	s28 =	simm.s32 $0x1  }
0x3: {  	s29 =	simm.s32 $0x3;
	s30 =	simm.s32 $0x9E00;
	s31 =	simm.s32 $0xC580  }
0x4: {  	[smem:$0x7FF] =	sst s2;
	s1 =	sand.u32 $0x1, s1;
	s5 =	smul.u32 $0x13C00, s11  }
0x5: {  	s6 =	sadd.s32 $0x4F1200, s0;
	s3 =	sadd.s32 $0xF200, s0;
	s4 =	sadd.s32 $0x5400, s0  }
0x6: {  	s9 =	sadd.s32 $0x518A00, s0;
	s16 =	smul.u32 $0x271000, s11;
	s7 =	sshll.u32 s1, $0x9  }
0x7: {  	s11 =	sadd.s32 $0x5590, s0;
	s1 =	ssub.s32 $0x2, s1;
	s5 =	sor.u32 s7, s5  }
0x8: {  	_ =	strace $0x8000004A;
	s8 =	sshrl.u32 s1, $0x1;
	s5 =	sshrl.u32 s5, $0x3  }
0x9: {  	s1 =	ssub.s32 s1, s8;
	s8 =	sor.u32 s7, s16;
	s10 =	sor.u32 $0x10, s5  }
0xa: {  	s17 =	sadd.s32 s6, s5;
	s12 =	sor.u32 $0x20, s5;
	s13 =	sor.u32 $0x30, s5  }
0xb: {  	s20 =	sshrl.u32 s8, $0x3;
	s7 =	sadd.s32 $0x6400, s8;
	s22 =	sadd.s32 s9, s5  }
0xc: {  	s26 =	smax.u32 s1, $0x1;
	s1 =	simm.s32 $0x11480;
	[dreg:$0x2] =	wrdreg s17  }
0xd: {  	s5 =	simm.s32 $0x2;
	s18 =	sadd.s32 s6, s10;
	[dreg:$0x8] =	wrdreg s22  }
0xe: {  	s19 =	sadd.s32 s6, s12;
	s6 =	sadd.s32 s6, s13;
	[dreg:$0xc] =	wrdreg s26  }
0xf: {  	s21 =	sshrl.u32 s7, $0x3;
	s23 =	sadd.s32 s9, s10;
	[dreg:$0x3] =	wrdreg s18  }
0x10: {  	s24 =	sadd.s32 s9, s12;
	s25 =	sadd.s32 s9, s13;
	[dreg:$0x4] =	wrdreg s19  }
0x11: {  	s22 =	simm.s32 $0x4F00;
	s26 =	simm.s32 $0x18700;
	[dreg:$0x5] =	wrdreg s6  }
0x12: {  	s7 =	simm.s32 $0x0;
	s6 =	sadd.s32 s3, s20;
	[dreg:$0x9] =	wrdreg s23  }
.Ltmp0:
0x13: {  	s0 =	sadd.s32 s3, s21;
	[dreg:$0xa] =	wrdreg s24;
	(pc) =	sbr.rel .LBB2_1-.Ltmp0, $4  }
0x14: {  	[dreg:$0xb] =	wrdreg s25;
	s18 =	simm.s32 $0x80;
	s19 =	simm.s32 $0x400  }
0x15: {  	s20 =	simm.s32 $0x5;
	s21 =	simm.s32 $0x2780;
	s23 =	simm.s32 $0x7680  }
0x16: {  	s24 =	simm.s32 $0x200;
	s25 =	simm.s32 $0x15500;
	[dreg:$0x6] =	wrdreg s6  }
0x17: {  	v0 =	vimm.f32 $0.0e+00;
	[dreg:$0x7] =	wrdreg s0;
	s0 =	simm.s32 $0xED00;
	s6 =	simm.s32 $0x4  }
.LBB2_20:
0x18: {  	s9 =	rddreg [dreg:$0x8]  }
0x19: {  	[hbm4b:s9+s18] =	stream.strided.scatter [tilespmem:s30], [sflag:$0x5], $0x2780, s19, s18, $0x38;
	[tilespmem:$0x1B900] =	vst v63  }
0x1a: {  	_ =	swait.ge [sflag:s20], $0x2780  }
0x1b: {  	[sflag:s20] =	ssyncset.done $0x0  }
0x1c: {  	s14 =	rddreg [dreg:$0x9];
	[sflag:s20] =	ssyncadd.s32 $0xFFFFD880  }
0x1d: {  	[hbm4b:s14+s18] =	stream.strided.scatter [tilespmem:s31], [sflag:$0x5], $0x2780, s19, s18, $0x38;
	[tilespmem:$0x1B900] =	vst v63  }
0x1e: {  	_ =	swait.ge [sflag:s20], $0x2780  }
0x1f: {  	[sflag:s20] =	ssyncset.done $0x0  }
0x20: {  	s15 =	rddreg [dreg:$0xa];
	[sflag:s20] =	ssyncadd.s32 $0xFFFFD880  }
0x21: {  	[hbm4b:s15+s18] =	stream.strided.scatter [tilespmem:s0], [sflag:$0x5], $0x2780, s19, s18, $0x38;
	[tilespmem:$0x1B900] =	vst v63  }
0x22: {  	_ =	swait.ge [sflag:s20], $0x2780  }
0x23: {  	[sflag:s20] =	ssyncset.done $0x0  }
0x24: {  	s16 =	rddreg [dreg:$0xb];
	[sflag:s20] =	ssyncadd.s32 $0xFFFFD880  }
0x25: {  	[hbm4b:s16+s18] =	stream.strided.scatter [tilespmem:s1], [sflag:$0x5], $0x2780, s19, s18, $0x38;
	[tilespmem:$0x1B900] =	vst v63  }
0x26: {  	_ =	swait.ge [sflag:s20], $0x2780  }
0x27: {  	s7 =	sadd.s32 $0x1, s7;
	s17 =	rddreg [dreg:$0xc]  }
0x28: {  	p0 =	sne.s32 s7, s17  }
.Ltmp1:
0x29: {  	_ = 	snop;
	(pc) =	sbr.rel @!p0 .LBB2_21-.Ltmp1, $3  }
0x2a: {  	_ =	sdelay $0x1  }
0x2b: {  	[sflag:s20] =	ssyncset.done $0x0  }
0x2c: {  	[sflag:s20] =	ssyncadd.s32 $0xFFFFD880  }
.LBB2_1:
0x2d: {  	s9 =	rddreg [dreg:$0x2]  }
0x2e: {  	[tilespmem:s2], [sflag:$0x5] =	stream.strided.gather [hbm4b:s9+s18], $0x2780, s19, s18, $0x38;
	[tilespmem:$0x1B900] =	vst v63  }
0x2f: {  	_ =	swait.ge [sflag:s20], $0x2780  }
0x30: {  	[sflag:s20] =	ssyncset.done $0x0  }
0x31: {  	s15 =	rddreg [dreg:$0x3];
	[sflag:s20] =	ssyncadd.s32 $0xFFFFD880  }
0x32: {  	[tilespmem:s21], [sflag:$0x5] =	stream.strided.gather [hbm4b:s15+s18], $0x2780, s19, s18, $0x38;
	[tilespmem:$0x1B900] =	vst v63  }
0x33: {  	_ =	swait.ge [sflag:s20], $0x2780  }
0x34: {  	[sflag:s20] =	ssyncset.done $0x0  }
0x35: {  	s16 =	rddreg [dreg:$0x4];
	[sflag:s20] =	ssyncadd.s32 $0xFFFFD880  }
0x36: {  	[tilespmem:s22], [sflag:$0x5] =	stream.strided.gather [hbm4b:s16+s18], $0x2780, s19, s18, $0x38;
	[tilespmem:$0x1B900] =	vst v63  }
0x37: {  	_ =	swait.ge [sflag:s20], $0x2780  }
0x38: {  	[sflag:s20] =	ssyncset.done $0x0  }
0x39: {  	s17 =	rddreg [dreg:$0x5];
	[sflag:s20] =	ssyncadd.s32 $0xFFFFD880  }
0x3a: {  	[tilespmem:s23], [sflag:$0x5] =	stream.strided.gather [hbm4b:s17+s18], $0x2780, s19, s18, $0x38;
	[tilespmem:$0x1B900] =	vst v63  }
0x3b: {  	_ =	swait.ge [sflag:s20], $0x2780  }
0x3c: {  	[sflag:s20] =	ssyncset.done $0x0  }
0x3d: {  	s9 =	simm.s32 $0x0;
	[sflag:s20] =	ssyncadd.s32 $0xFFFFD880  }
.LBB2_2:
0x3e: {  	p0 =	sne.s32 s9, $0x9C00  }
.Ltmp2:
0x3f: {  	s10 =	sshra.s32 s9, $0x2;
	(pc) =	sbr.rel @p0 .LBB2_2-.Ltmp2, $4  }
0x40: {  	[tilespmem:s10+$0x9E00] =	vst v0  }
0x41: {  	[tilespmem:s10+$0xC580] =	vst v0  }
0x42: {  	[tilespmem:s10+$0xED00] =	vst v0  }
0x43: {  	s9 =	sadd.s32 $0x40, s9;
	[tilespmem:s10+$0x11480] =	vst v0  }
0x44: {  	s9 =	simm.s32 $0x13C00  }
0x45: {  	s10 =	simm.s32 $0x10;
	s13 =	sadd.s32 $0x0, s4;
	s12 =	simm.s32 $0x13D00  }
.LBB2_4:
0x46: {  	[tilespmem:s9], [sflag:$0x1] =	stream.linear.gather [hbm4b:s13+s2], $0x80, $0x38;
	[tilespmem:$0x1B900] =	vst v63  }
0x47: {  	s13 =	smov.u32 s10;
	s9 =	smov.u32 s12;
	p0 =	sne.s32 s10, $0x180  }
.Ltmp3:
0x48: {  	s10 =	sadd.s32 $0x10, s10;
	(pc) =	sbr.rel @p0 .LBB2_4-.Ltmp3, $2  }
0x49: {  	_ =	sdelay $0x2  }
0x4a: {  	s12 =	sadd.s32 $0x100, s12;
	s13 =	sadd.s32 s13, s4  }
0x4b: {  	[tilespmem:s9], [sflag:$0x1] =	stream.linear.gather [hbm4b:s13+s2], $0x80, $0x38;
	[tilespmem:$0x1B900] =	vst v63  }
0x4c: {  	s17 =	rddreg [dreg:$0x6];
	s9 =	simm.s32 $0x13C80  }
0x4d: {  	s10 =	simm.s32 $0x10;
	s13 =	sadd.s32 $0x0, s11;
	s12 =	simm.s32 $0x13D80  }
0x4e: {  	[tilespmem:s25], [sflag:$0x3] =	stream.strided.gather [hbm4b:s17+s24], $0x3200, s19, s24, $0x38;
	[tilespmem:$0x1B900] =	vst v63  }
.LBB2_6:
0x4f: {  	[tilespmem:s9], [sflag:$0x2] =	stream.linear.gather [hbm4b:s13+s2], $0x80, $0x38;
	[tilespmem:$0x1B900] =	vst v63  }
0x50: {  	s13 =	smov.u32 s10;
	s9 =	smov.u32 s12;
	p0 =	sne.s32 s10, $0x180  }
.Ltmp4:
0x51: {  	s10 =	sadd.s32 $0x10, s10;
	(pc) =	sbr.rel @p0 .LBB2_6-.Ltmp4, $2  }
0x52: {  	_ =	sdelay $0x2  }
0x53: {  	s12 =	sadd.s32 $0x100, s12;
	s13 =	sadd.s32 s13, s11  }
0x54: {  	[tilespmem:s9], [sflag:$0x2] =	stream.linear.gather [hbm4b:s13+s2], $0x80, $0x38;
	[tilespmem:$0x1B900] =	vst v63  }
0x55: {  	s17 =	rddreg [dreg:$0x7];
	s9 =	simm.s32 $0x0  }
0x56: {  	[tilespmem:s26], [sflag:$0x4] =	stream.strided.gather [hbm4b:s17+s24], $0x3200, s19, s24, $0x38;
	[tilespmem:$0x1B900] =	vst v63  }
.LBB2_8:
0x57: {  	_ =	swait.ge [sflag:s28], $0xC80  }
0x58: {  	[sflag:s28] =	ssyncset.done $0x0  }
0x59: {  	[sflag:s28] =	ssyncadd.s32 $0xFFFFF380  }
0x5a: {  	_ =	swait.ge [sflag:s29], $0x3200  }
0x5b: {  	[sflag:s29] =	ssyncset.done $0x0  }
0x5c: {  	s10 =	simm.s32 $0x13C40;
	[sflag:s29] =	ssyncadd.s32 $0xFFFFCE00  }
0x5d: {  	v1 =	vld [tilespmem:s10+$0x30];
	_ =	sdelay $0x1  }
0x5e: {  	v2 =	vld [tilespmem:s10+$0xFFFFFFD0]  }
0x5f: {  	v3 =	vld [tilespmem:s10+$0xFFFFFFE0]  }
0x60: {  	v4 =	vld [tilespmem:s10+$0xFFFFFFF0]  }
0x61: {  	v5 =	vld [tilespmem:s10+$0x0];
	v15 =	vand.u32 $0xFFFF, v1  }
0x62: {  	v16 =	vld [tilespmem:s10+$0x10]  }
0x63: {  	v13 =	vld [tilespmem:s10+$0xFFFFFFC0]  }
0x64: {  	v17 =	vld [tilespmem:s10+$0x20];
	s10 =	simm.s32 $0x15600  }
0x65: {  	v18 =	vld [tilespmem:s10+$0xFFFFFF70]  }
0x66: {  	v14 =	vld.idx.msk [tilespmem:v15+s2+$0x0], $0xffff  }
0x67: {  	v26 =	vld [tilespmem:s10+$0xFFFFFF00]  }
0x68: {  	v27 =	vld [tilespmem:s10+$0xFFFFFF10]  }
0x69: {  	v28 =	vld [tilespmem:s10+$0xFFFFFF20];
	v22 =	vshrl.u32 v1, $0x10  }
0x6a: {  	v29 =	vld [tilespmem:s10+$0xFFFFFF30]  }
0x6b: {  	v30 =	vld [tilespmem:s10+$0xFFFFFF40];
	v1 =	vadd.f32 v14, v18  }
0x6c: {  	v31 =	vld [tilespmem:s10+$0xFFFFFF50];
	v6 =	vand.u32 $0xFFFF, v2  }
0x6d: {  	v32 =	vld [tilespmem:s10+$0xFFFFFF60];
	v7 =	vand.u32 $0xFFFF, v3;
	v1 =	vmax.f32 v1, $0.0e+00  }
0x6e: {  	v12 =	vand.u32 $0xFFFF, v13;
	[tilespmem:v22+s30+$0x0] =	vst.idx.add.f32.msk $0xffff, v1  }
0x6f: {  	v8 =	vand.u32 $0xFFFF, v4;
	v1 =	vld.idx.msk [tilespmem:v15+s21+$0x0], $0xffff  }
0x70: {  	v10 =	vand.u32 $0xFFFF, v5;
	v14 =	vld [tilespmem:s10+$0xFFFFFFF0]  }
0x71: {  	v11 =	vand.u32 $0xFFFF, v16;
	v19 =	vld.idx.msk [tilespmem:v6+s2+$0x0], $0xffff  }
0x72: {  	v9 =	vand.u32 $0xFFFF, v17;
	v20 =	vld.idx.msk [tilespmem:v7+s2+$0x0], $0xffff  }
0x73: {  	v62 =	vld.idx.msk [tilespmem:v12+s2+$0x0], $0xffff  }
0x74: {  	v21 =	vld.idx.msk [tilespmem:v8+s2+$0x0], $0xffff  }
0x75: {  	v23 =	vld.idx.msk [tilespmem:v10+s2+$0x0], $0xffff;
	v1 =	vadd.f32 v1, v14  }
0x76: {  	v24 =	vld.idx.msk [tilespmem:v11+s2+$0x0], $0xffff;
	v14 =	vshrl.u32 v13, $0x10  }
0x77: {  	v25 =	vld.idx.msk [tilespmem:v9+s2+$0x0], $0xffff;
	v13 =	vshrl.u32 v2, $0x10;
	v1 =	vmax.f32 v1, $0.0e+00  }
0x78: {  	v18 =	vadd.f32 v62, v26;
	v2 =	vshrl.u32 v3, $0x10;
	[tilespmem:v22+s31+$0x0] =	vst.idx.add.f32.msk $0xffff, v1  }
0x79: {  	v19 =	vadd.f32 v19, v27;
	v63 =	vld.idx.msk [tilespmem:v15+s22+$0x0], $0xffff  }
0x7a: {  	v27 =	vadd.f32 v20, v28;
	v3 =	vshrl.u32 v5, $0x10;
	v5 =	vmax.f32 v18, $0.0e+00;
	v28 =	vld [tilespmem:s10+$0x70]  }
0x7b: {  	v1 =	vshrl.u32 v4, $0x10;
	v4 =	vshrl.u32 v16, $0x10;
	v16 =	vmax.f32 v19, $0.0e+00;
	[tilespmem:v14+s30+$0x0] =	vst.idx.add.f32.msk $0xffff, v5  }
0x7c: {  	v5 =	vshrl.u32 v17, $0x10;
	v17 =	vmax.f32 v27, $0.0e+00;
	[tilespmem:v13+s30+$0x0] =	vst.idx.add.f32.msk $0xffff, v16  }
0x7d: {  	v30 =	vadd.f32 v23, v30;
	[tilespmem:v2+s30+$0x0] =	vst.idx.add.f32.msk $0xffff, v17  }
0x7e: {  	v39 =	vld [tilespmem:s10+$0xFFFFFF80]  }
0x7f: {  	v17 =	vmax.f32 v30, $0.0e+00;
	v40 =	vld [tilespmem:s10+$0xFFFFFF90]  }
0x80: {  	v29 =	vadd.f32 v21, v29;
	[tilespmem:v3+s30+$0x0] =	vst.idx.add.f32.msk $0xffff, v17  }
0x81: {  	v34 =	vld.idx.msk [tilespmem:v7+s21+$0x0], $0xffff  }
0x82: {  	v16 =	vmax.f32 v29, $0.0e+00;
	v41 =	vld [tilespmem:s10+$0xFFFFFFA0]  }
0x83: {  	v31 =	vadd.f32 v24, v31;
	[tilespmem:v1+s30+$0x0] =	vst.idx.add.f32.msk $0xffff, v16  }
0x84: {  	v36 =	vld.idx.msk [tilespmem:v10+s21+$0x0], $0xffff  }
0x85: {  	v16 =	vmax.f32 v31, $0.0e+00;
	v43 =	vld [tilespmem:s10+$0xFFFFFFC0]  }
0x86: {  	v33 =	vadd.f32 v25, v32;
	[tilespmem:v4+s30+$0x0] =	vst.idx.add.f32.msk $0xffff, v16  }
0x87: {  	v17 =	vadd.f32 v63, v28;
	v35 =	vld.idx.msk [tilespmem:v8+s21+$0x0], $0xffff  }
0x88: {  	v18 =	vmax.f32 v33, $0.0e+00;
	v42 =	vld [tilespmem:s10+$0xFFFFFFB0]  }
0x89: {  	[tilespmem:v5+s30+$0x0] =	vst.idx.add.f32.msk $0xffff, v18;
	v16 =	vmax.f32 v17, $0.0e+00  }
0x8a: {  	[tilespmem:v22+s0+$0x0] =	vst.idx.add.f32.msk $0xffff, v16  }
0x8b: {  	v16 =	vld.idx.msk [tilespmem:v12+s21+$0x0], $0xffff  }
0x8c: {  	v17 =	vld.idx.msk [tilespmem:v6+s21+$0x0], $0xffff  }
0x8d: {  	v15 =	vld.idx.msk [tilespmem:v15+s23+$0x0], $0xffff  }
0x8e: {  	v46 =	vld [tilespmem:s10+$0xF0]  }
0x8f: {  	v37 =	vld.idx.msk [tilespmem:v11+s21+$0x0], $0xffff  }
0x90: {  	v44 =	vld [tilespmem:s10+$0xFFFFFFD0];
	v16 =	vadd.f32 v16, v39  }
0x91: {  	v38 =	vld.idx.msk [tilespmem:v9+s21+$0x0], $0xffff;
	v17 =	vadd.f32 v17, v40  }
0x92: {  	v45 =	vld [tilespmem:s10+$0xFFFFFFE0];
	v16 =	vmax.f32 v16, $0.0e+00  }
0x93: {  	v15 =	vadd.f32 v15, v46;
	[tilespmem:v14+s31+$0x0] =	vst.idx.add.f32.msk $0xffff, v16;
	v16 =	vmax.f32 v17, $0.0e+00  }
0x94: {  	v18 =	vadd.f32 v34, v41;
	[tilespmem:v13+s31+$0x0] =	vst.idx.add.f32.msk $0xffff, v16  }
0x95: {  	v15 =	vmax.f32 v15, $0.0e+00;
	v54 =	vld [tilespmem:s10+$0x0]  }
0x96: {  	v17 =	vadd.f32 v35, v42;
	v16 =	vmax.f32 v18, $0.0e+00;
	[tilespmem:v22+s1+$0x0] =	vst.idx.add.f32.msk $0xffff, v15  }
0x97: {  	[tilespmem:v2+s31+$0x0] =	vst.idx.add.f32.msk $0xffff, v16  }
0x98: {  	v16 =	vmax.f32 v17, $0.0e+00;
	v55 =	vld [tilespmem:s10+$0x10]  }
0x99: {  	v47 =	vadd.f32 v36, v43;
	[tilespmem:v1+s31+$0x0] =	vst.idx.add.f32.msk $0xffff, v16  }
0x9a: {  	v49 =	vld.idx.msk [tilespmem:v7+s22+$0x0], $0xffff  }
0x9b: {  	v17 =	vadd.f32 v37, v44;
	v16 =	vmax.f32 v47, $0.0e+00;
	v56 =	vld [tilespmem:s10+$0x20]  }
0x9c: {  	[tilespmem:v3+s31+$0x0] =	vst.idx.add.f32.msk $0xffff, v16  }
0x9d: {  	v48 =	vadd.f32 v38, v45;
	v16 =	vmax.f32 v17, $0.0e+00;
	v17 =	vld.idx.msk [tilespmem:v6+s22+$0x0], $0xffff  }
0x9e: {  	v50 =	vld.idx.msk [tilespmem:v8+s22+$0x0], $0xffff  }
0x9f: {  	[tilespmem:v4+s31+$0x0] =	vst.idx.add.f32.msk $0xffff, v16;
	v16 =	vmax.f32 v48, $0.0e+00  }
0xa0: {  	[tilespmem:v5+s31+$0x0] =	vst.idx.add.f32.msk $0xffff, v16  }
0xa1: {  	v16 =	vld.idx.msk [tilespmem:v12+s22+$0x0], $0xffff  }
0xa2: {  	v57 =	vld [tilespmem:s10+$0x30]  }
0xa3: {  	v51 =	vld.idx.msk [tilespmem:v10+s22+$0x0], $0xffff  }
0xa4: {  	v58 =	vld [tilespmem:s10+$0x40]  }
0xa5: {  	v52 =	vld.idx.msk [tilespmem:v11+s22+$0x0], $0xffff  }
0xa6: {  	v59 =	vld [tilespmem:s10+$0x50];
	v16 =	vadd.f32 v16, v54  }
0xa7: {  	v53 =	vld.idx.msk [tilespmem:v9+s22+$0x0], $0xffff;
	v17 =	vadd.f32 v17, v55  }
0xa8: {  	v60 =	vld [tilespmem:s10+$0x60];
	v15 =	vmax.f32 v16, $0.0e+00  }
0xa9: {  	v16 =	vadd.f32 v49, v56;
	[tilespmem:v14+s0+$0x0] =	vst.idx.add.f32.msk $0xffff, v15;
	v15 =	vmax.f32 v17, $0.0e+00  }
0xaa: {  	[tilespmem:v13+s0+$0x0] =	vst.idx.add.f32.msk $0xffff, v15  }
0xab: {  	v17 =	vadd.f32 v50, v57;
	v15 =	vmax.f32 v16, $0.0e+00;
	v12 =	vld.idx.msk [tilespmem:v12+s23+$0x0], $0xffff  }
0xac: {  	[tilespmem:v2+s0+$0x0] =	vst.idx.add.f32.msk $0xffff, v15  }
0xad: {  	v15 =	vmax.f32 v17, $0.0e+00;
	v6 =	vld.idx.msk [tilespmem:v6+s23+$0x0], $0xffff  }
0xae: {  	v16 =	vadd.f32 v51, v58;
	[tilespmem:v1+s0+$0x0] =	vst.idx.add.f32.msk $0xffff, v15  }
0xaf: {  	v7 =	vld.idx.msk [tilespmem:v7+s23+$0x0], $0xffff  }
0xb0: {  	v15 =	vmax.f32 v16, $0.0e+00;
	v61 =	vld [tilespmem:s10+$0xA0]  }
0xb1: {  	v17 =	vadd.f32 v52, v59;
	[tilespmem:v3+s0+$0x0] =	vst.idx.add.f32.msk $0xffff, v15  }
0xb2: {  	v8 =	vld.idx.msk [tilespmem:v8+s23+$0x0], $0xffff  }
0xb3: {  	v16 =	vadd.f32 v53, v60;
	v15 =	vmax.f32 v17, $0.0e+00;
	v17 =	vld [tilespmem:s10+$0x90]  }
0xb4: {  	v62 =	vld [tilespmem:s10+$0xB0]  }
0xb5: {  	[tilespmem:v4+s0+$0x0] =	vst.idx.add.f32.msk $0xffff, v15;
	v15 =	vmax.f32 v16, $0.0e+00  }
0xb6: {  	[tilespmem:v5+s0+$0x0] =	vst.idx.add.f32.msk $0xffff, v15  }
0xb7: {  	v15 =	vld [tilespmem:s10+$0x80]  }
0xb8: {  	v16 =	vld.idx.msk [tilespmem:v10+s23+$0x0], $0xffff  }
0xb9: {  	v63 =	vld [tilespmem:s10+$0xC0]  }
0xba: {  	v10 =	vld.idx.msk [tilespmem:v11+s23+$0x0], $0xffff  }
0xbb: {  	v11 =	vld.idx.msk [tilespmem:v9+s23+$0x0], $0xffff  }
0xbc: {  	v6 =	vadd.f32 v6, v17;
	v9 =	vadd.f32 v12, v15;
	v15 =	vld [tilespmem:s10+$0xD0]  }
0xbd: {  	v12 =	vld [tilespmem:s10+$0xE0]  }
0xbe: {  	v17 =	vadd.f32 v7, v61;
	v6 =	vmax.f32 v6, $0.0e+00  }
0xbf: {  	v7 =	vadd.f32 v8, v62;
	[tilespmem:v13+s1+$0x0] =	vst.idx.add.f32.msk $0xffff, v6;
	v9 =	vmax.f32 v9, $0.0e+00  }
0xc0: {  	s12 =	simm.s32 $0x0;
	s13 =	simm.s32 $0x13D40;
	v8 =	vmax.f32 v17, $0.0e+00;
	v6 =	vadd.f32 v16, v63;
	[tilespmem:v14+s1+$0x0] =	vst.idx.add.f32.msk $0xffff, v9  }
.LBB2_9:
0xc1: {  	v21 =	vld [tilespmem:s13+$0x30];
	s12 =	sadd.s32 $0x8, s12;
	v9 =	vmax.f32 v7, $0.0e+00;
	v7 =	vadd.f32 v10, v15  }
0xc2: {  	v10 =	vld [tilespmem:s13+$0xFFFFFFD0];
	p0 =	slt.u32 s12, $0xC0;
	v19 =	vmax.f32 v6, $0.0e+00;
	v6 =	vadd.f32 v11, v12  }
0xc3: {  	v11 =	vld [tilespmem:s13+$0xFFFFFFE0];
	v16 =	vmax.f32 v7, $0.0e+00  }
0xc4: {  	v12 =	vld [tilespmem:s13+$0xFFFFFFF0];
	v7 =	vmax.f32 v6, $0.0e+00  }
0xc5: {  	v13 =	vld [tilespmem:s13+$0x0]  }
0xc6: {  	v14 =	vld [tilespmem:s13+$0x10];
	v22 =	vand.u32 $0xFFFF, v21  }
0xc7: {  	v6 =	vshrl.u32 v10, $0x10;
	v10 =	vand.u32 $0xFFFF, v10;
	v15 =	vld [tilespmem:s13+$0x20]  }
0xc8: {  	v17 =	vld [tilespmem:s13+$0xFFFFFFC0];
	v18 =	vshrl.u32 v11, $0x10;
	v11 =	vand.u32 $0xFFFF, v11  }
0xc9: {  	v23 =	vshrl.u32 v12, $0x10;
	v12 =	vand.u32 $0xFFFF, v12;
	[tilespmem:v2+s1+$0x0] =	vst.idx.add.f32.msk $0xffff, v8;
	v2 =	vmov v18  }
0xca: {  	v20 =	vshrl.u32 v13, $0x10;
	v13 =	vand.u32 $0xFFFF, v13;
	[tilespmem:v1+s1+$0x0] =	vst.idx.add.f32.msk $0xffff, v9;
	v1 =	vmov v23  }
0xcb: {  	s10 =	sadd.s32 $0x200, s10;
	v18 =	vshrl.u32 v14, $0x10;
	v14 =	vand.u32 $0xFFFF, v14;
	v23 =	vld.idx.msk [tilespmem:v22+s2+$0x0], $0xffff  }
0xcc: {  	v8 =	vshrl.u32 v15, $0x10;
	v15 =	vand.u32 $0xFFFF, v15;
	v24 =	vld [tilespmem:s10+$0xFFFFFF70]  }
0xcd: {  	v9 =	vshrl.u32 v17, $0x10;
	v17 =	vand.u32 $0xFFFF, v17;
	v25 =	vld.idx.msk [tilespmem:v10+s2+$0x0], $0xffff  }
0xce: {  	v26 =	vld.idx.msk [tilespmem:v11+s2+$0x0], $0xffff  }
0xcf: {  	v21 =	vshrl.u32 v21, $0x10;
	v27 =	vld.idx.msk [tilespmem:v12+s2+$0x0], $0xffff  }
0xd0: {  	v28 =	vld.idx.msk [tilespmem:v13+s2+$0x0], $0xffff  }
0xd1: {  	v29 =	vld.idx.msk [tilespmem:v14+s2+$0x0], $0xffff;
	v23 =	vadd.f32 v23, v24  }
0xd2: {  	v24 =	vld.idx.msk [tilespmem:v17+s2+$0x0], $0xffff  }
0xd3: {  	v30 =	vld.idx.msk [tilespmem:v15+s2+$0x0], $0xffff;
	v23 =	vmax.f32 v23, $0.0e+00  }
0xd4: {  	[tilespmem:v21+s30+$0x0] =	vst.idx.add.f32.msk $0xffff, v23  }
0xd5: {  	v23 =	vld.idx.msk [tilespmem:v22+s21+$0x0], $0xffff  }
0xd6: {  	v31 =	vld [tilespmem:s10+$0xFFFFFFF0]  }
0xd7: {  	v32 =	vld [tilespmem:s10+$0xFFFFFF00]  }
0xd8: {  	v33 =	vld [tilespmem:s10+$0xFFFFFF10]  }
0xd9: {  	v34 =	vld [tilespmem:s10+$0xFFFFFF20]  }
0xda: {  	v35 =	vld [tilespmem:s10+$0xFFFFFF30]  }
0xdb: {  	v36 =	vld [tilespmem:s10+$0xFFFFFF40];
	v23 =	vadd.f32 v23, v31  }
0xdc: {  	v24 =	vadd.f32 v24, v32;
	v31 =	vld [tilespmem:s10+$0xFFFFFF50]  }
0xdd: {  	v25 =	vadd.f32 v25, v33;
	v32 =	vld [tilespmem:s10+$0xFFFFFF60];
	v23 =	vmax.f32 v23, $0.0e+00  }
0xde: {  	v24 =	vmax.f32 v24, $0.0e+00;
	v26 =	vadd.f32 v26, v34;
	[tilespmem:v21+s31+$0x0] =	vst.idx.add.f32.msk $0xffff, v23  }
0xdf: {  	v23 =	vmax.f32 v25, $0.0e+00;
	v25 =	vadd.f32 v27, v35;
	v27 =	vld.idx.msk [tilespmem:v22+s22+$0x0], $0xffff  }
0xe0: {  	v26 =	vmax.f32 v26, $0.0e+00;
	v28 =	vadd.f32 v28, v36;
	v33 =	vld [tilespmem:s10+$0x70]  }
0xe1: {  	[tilespmem:v9+s30+$0x0] =	vst.idx.add.f32.msk $0xffff, v24;
	v24 =	vmax.f32 v25, $0.0e+00;
	v25 =	vadd.f32 v29, v31  }
0xe2: {  	[tilespmem:v6+s30+$0x0] =	vst.idx.add.f32.msk $0xffff, v23;
	v23 =	vmax.f32 v28, $0.0e+00;
	v28 =	vadd.f32 v30, v32  }
0xe3: {  	[tilespmem:v2+s30+$0x0] =	vst.idx.add.f32.msk $0xffff, v26;
	v25 =	vmax.f32 v25, $0.0e+00  }
0xe4: {  	[tilespmem:v1+s30+$0x0] =	vst.idx.add.f32.msk $0xffff, v24;
	v24 =	vmax.f32 v28, $0.0e+00  }
0xe5: {  	[tilespmem:v20+s30+$0x0] =	vst.idx.add.f32.msk $0xffff, v23;
	v23 =	vadd.f32 v27, v33  }
0xe6: {  	[tilespmem:v18+s30+$0x0] =	vst.idx.add.f32.msk $0xffff, v25  }
0xe7: {  	[tilespmem:v8+s30+$0x0] =	vst.idx.add.f32.msk $0xffff, v24;
	v23 =	vmax.f32 v23, $0.0e+00  }
0xe8: {  	[tilespmem:v21+s0+$0x0] =	vst.idx.add.f32.msk $0xffff, v23  }
0xe9: {  	v22 =	vld.idx.msk [tilespmem:v22+s23+$0x0], $0xffff  }
0xea: {  	v23 =	vld [tilespmem:s10+$0xF0]  }
0xeb: {  	v24 =	vld.idx.msk [tilespmem:v17+s21+$0x0], $0xffff  }
0xec: {  	v25 =	vld.idx.msk [tilespmem:v10+s21+$0x0], $0xffff  }
0xed: {  	v26 =	vld.idx.msk [tilespmem:v11+s21+$0x0], $0xffff  }
0xee: {  	v27 =	vld.idx.msk [tilespmem:v12+s21+$0x0], $0xffff  }
0xef: {  	v28 =	vld.idx.msk [tilespmem:v13+s21+$0x0], $0xffff;
	v22 =	vadd.f32 v22, v23  }
0xf0: {  	v23 =	vld.idx.msk [tilespmem:v14+s21+$0x0], $0xffff  }
0xf1: {  	v29 =	vld.idx.msk [tilespmem:v15+s21+$0x0], $0xffff;
	v22 =	vmax.f32 v22, $0.0e+00  }
0xf2: {  	[tilespmem:v21+s1+$0x0] =	vst.idx.add.f32.msk $0xffff, v22  }
0xf3: {  	v21 =	vld [tilespmem:s10+$0xFFFFFF80]  }
0xf4: {  	v22 =	vld [tilespmem:s10+$0xFFFFFF90]  }
0xf5: {  	v30 =	vld [tilespmem:s10+$0xFFFFFFA0]  }
0xf6: {  	v31 =	vld [tilespmem:s10+$0xFFFFFFB0]  }
0xf7: {  	v32 =	vld [tilespmem:s10+$0xFFFFFFC0]  }
0xf8: {  	v21 =	vadd.f32 v24, v21;
	v24 =	vld [tilespmem:s10+$0xFFFFFFD0]  }
0xf9: {  	v22 =	vadd.f32 v25, v22;
	v25 =	vld [tilespmem:s10+$0xFFFFFFE0]  }
0xfa: {  	v21 =	vmax.f32 v21, $0.0e+00;
	v26 =	vadd.f32 v26, v30;
	[tilespmem:v3+s1+$0x0] =	vst.idx.add.f32.msk $0xffff, v19;
	v3 =	vmov v20  }
0xfb: {  	[tilespmem:v9+s31+$0x0] =	vst.idx.add.f32.msk $0xffff, v21;
	v19 =	vmax.f32 v22, $0.0e+00;
	v20 =	vadd.f32 v27, v31  }
0xfc: {  	[tilespmem:v6+s31+$0x0] =	vst.idx.add.f32.msk $0xffff, v19;
	v19 =	vmax.f32 v26, $0.0e+00;
	v21 =	vadd.f32 v28, v32  }
0xfd: {  	[tilespmem:v2+s31+$0x0] =	vst.idx.add.f32.msk $0xffff, v19;
	v19 =	vmax.f32 v20, $0.0e+00;
	v20 =	vadd.f32 v23, v24  }
0xfe: {  	[tilespmem:v1+s31+$0x0] =	vst.idx.add.f32.msk $0xffff, v19;
	v19 =	vmax.f32 v21, $0.0e+00;
	v21 =	vadd.f32 v29, v25  }
0xff: {  	[tilespmem:v3+s31+$0x0] =	vst.idx.add.f32.msk $0xffff, v19;
	v19 =	vmax.f32 v20, $0.0e+00  }
0x100: {  	[tilespmem:v18+s31+$0x0] =	vst.idx.add.f32.msk $0xffff, v19;
	v19 =	vmax.f32 v21, $0.0e+00  }
0x101: {  	[tilespmem:v8+s31+$0x0] =	vst.idx.add.f32.msk $0xffff, v19  }
0x102: {  	v19 =	vld.idx.msk [tilespmem:v17+s22+$0x0], $0xffff  }
0x103: {  	v20 =	vld.idx.msk [tilespmem:v10+s22+$0x0], $0xffff  }
0x104: {  	v21 =	vld.idx.msk [tilespmem:v11+s22+$0x0], $0xffff  }
0x105: {  	v22 =	vld.idx.msk [tilespmem:v12+s22+$0x0], $0xffff  }
0x106: {  	v23 =	vld.idx.msk [tilespmem:v13+s22+$0x0], $0xffff  }
0x107: {  	v24 =	vld.idx.msk [tilespmem:v14+s22+$0x0], $0xffff  }
0x108: {  	v25 =	vld.idx.msk [tilespmem:v15+s22+$0x0], $0xffff  }
0x109: {  	v26 =	vld [tilespmem:s10+$0x0]  }
0x10a: {  	v27 =	vld [tilespmem:s10+$0x10]  }
0x10b: {  	v28 =	vld [tilespmem:s10+$0x20]  }
0x10c: {  	v29 =	vld [tilespmem:s10+$0x30]  }
0x10d: {  	v30 =	vld [tilespmem:s10+$0x40]  }
0x10e: {  	v19 =	vadd.f32 v19, v26;
	v26 =	vld [tilespmem:s10+$0x50]  }
0x10f: {  	v20 =	vadd.f32 v20, v27;
	v27 =	vld [tilespmem:s10+$0x60]  }
0x110: {  	v19 =	vmax.f32 v19, $0.0e+00;
	v21 =	vadd.f32 v21, v28;
	[tilespmem:v4+s1+$0x0] =	vst.idx.add.f32.msk $0xffff, v16;
	v4 =	vmov v18  }
0x111: {  	[tilespmem:v9+s0+$0x0] =	vst.idx.add.f32.msk $0xffff, v19;
	v16 =	vmax.f32 v20, $0.0e+00;
	v18 =	vadd.f32 v22, v29  }
0x112: {  	[tilespmem:v6+s0+$0x0] =	vst.idx.add.f32.msk $0xffff, v16;
	v16 =	vmax.f32 v21, $0.0e+00;
	v19 =	vadd.f32 v23, v30  }
0x113: {  	[tilespmem:v2+s0+$0x0] =	vst.idx.add.f32.msk $0xffff, v16;
	v16 =	vmax.f32 v18, $0.0e+00;
	v18 =	vadd.f32 v24, v26  }
0x114: {  	[tilespmem:v1+s0+$0x0] =	vst.idx.add.f32.msk $0xffff, v16;
	v16 =	vmax.f32 v19, $0.0e+00;
	v19 =	vadd.f32 v25, v27  }
0x115: {  	[tilespmem:v3+s0+$0x0] =	vst.idx.add.f32.msk $0xffff, v16;
	v16 =	vmax.f32 v18, $0.0e+00  }
0x116: {  	[tilespmem:v4+s0+$0x0] =	vst.idx.add.f32.msk $0xffff, v16;
	v16 =	vmax.f32 v19, $0.0e+00  }
0x117: {  	[tilespmem:v8+s0+$0x0] =	vst.idx.add.f32.msk $0xffff, v16  }
0x118: {  	v16 =	vld.idx.msk [tilespmem:v17+s23+$0x0], $0xffff  }
0x119: {  	v17 =	vld.idx.msk [tilespmem:v10+s23+$0x0], $0xffff  }
0x11a: {  	v18 =	vld.idx.msk [tilespmem:v11+s23+$0x0], $0xffff  }
0x11b: {  	v19 =	vld.idx.msk [tilespmem:v12+s23+$0x0], $0xffff  }
0x11c: {  	v13 =	vld.idx.msk [tilespmem:v13+s23+$0x0], $0xffff  }
0x11d: {  	v10 =	vld.idx.msk [tilespmem:v14+s23+$0x0], $0xffff  }
0x11e: {  	v11 =	vld.idx.msk [tilespmem:v15+s23+$0x0], $0xffff  }
0x11f: {  	v12 =	vld [tilespmem:s10+$0x80]  }
0x120: {  	v14 =	vld [tilespmem:s10+$0x90]  }
0x121: {  	v20 =	vld [tilespmem:s10+$0xA0]  }
0x122: {  	v21 =	vld [tilespmem:s10+$0xB0]  }
0x123: {  	v22 =	vld [tilespmem:s10+$0xC0]  }
.Ltmp5:
0x124: {  	v16 =	vadd.f32 v16, v12;
	v15 =	vld [tilespmem:s10+$0xD0];
	(pc) =	sbr.rel @p0 .LBB2_9-.Ltmp5, $4  }
0x125: {  	v14 =	vadd.f32 v17, v14;
	v12 =	vld [tilespmem:s10+$0xE0]  }
0x126: {  	v16 =	vmax.f32 v16, $0.0e+00;
	v17 =	vadd.f32 v18, v20;
	[tilespmem:v5+s1+$0x0] =	vst.idx.add.f32.msk $0xffff, v7;
	v5 =	vmov v8  }
0x127: {  	[tilespmem:v9+s1+$0x0] =	vst.idx.add.f32.msk $0xffff, v16;
	v8 =	vmax.f32 v14, $0.0e+00;
	v7 =	vadd.f32 v19, v21  }
0x128: {  	s13 =	sadd.s32 $0x100, s13;
	[tilespmem:v6+s1+$0x0] =	vst.idx.add.f32.msk $0xffff, v8;
	v8 =	vmax.f32 v17, $0.0e+00;
	v6 =	vadd.f32 v13, v22  }
0x129: {  	_ =	sdelay $0x2  }
0x12a: {  	p0 =	seq.s32 s9, $0x31  }
.Ltmp6:
0x12b: {  	v7 =	vmax.f32 v7, $0.0e+00;
	v9 =	vadd.f32 v10, v15;
	[tilespmem:v2+s1+$0x0] =	vst.idx.add.f32.msk $0xffff, v8;
	(pc) =	sbr.rel @p0 .LBB2_14-.Ltmp6, $4  }
0x12c: {  	v2 =	vmax.f32 v6, $0.0e+00;
	v63 =	vadd.f32 v11, v12;
	[tilespmem:v1+s1+$0x0] =	vst.idx.add.f32.msk $0xffff, v7  }
0x12d: {  	v1 =	vmax.f32 v9, $0.0e+00;
	[tilespmem:v3+s1+$0x0] =	vst.idx.add.f32.msk $0xffff, v2  }
0x12e: {  	v2 =	vmax.f32 v63, $0.0e+00;
	[tilespmem:v4+s1+$0x0] =	vst.idx.add.f32.msk $0xffff, v1  }
0x12f: {  	s10 =	sshll.u32 s9, $0x1;
	[tilespmem:v5+s1+$0x0] =	vst.idx.add.f32.msk $0xffff, v2  }
0x130: {  	s12 =	sadd.s32 $0x2, s10  }
0x131: {  	s13 =	smul.u32 $0x190, s12;
	_ =	sdelay $0x1  }
0x132: {  	s14 =	simm.s32 $0x13C00;
	s13 =	sadd.s32 s4, s13  }
0x133: {  	s15 =	simm.s32 $0x10;
	s16 =	simm.s32 $0x13D00;
	s17 =	sadd.s32 $0x0, s13  }
.LBB2_12:
0x134: {  	[tilespmem:s14], [sflag:$0x1] =	stream.linear.gather [hbm4b:s17+s2], $0x80, $0x38;
	[tilespmem:$0x1B900] =	vst v63  }
0x135: {  	s17 =	smov.u32 s15;
	s14 =	smov.u32 s16;
	p1 =	sne.s32 s15, $0x180  }
.Ltmp7:
0x136: {  	s15 =	sadd.s32 $0x10, s15;
	(pc) =	sbr.rel @p1 .LBB2_12-.Ltmp7, $2  }
0x137: {  	_ =	sdelay $0x2  }
0x138: {  	s16 =	sadd.s32 $0x100, s16;
	s17 =	sadd.s32 s17, s13  }
0x139: {  	s12 =	smul.u32 $0x6400, s12  }
0x13a: {  	[tilespmem:s14], [sflag:$0x1] =	stream.linear.gather [hbm4b:s17+s2], $0x80, $0x38;
	[tilespmem:$0x1B900] =	vst v63  }
0x13b: {  	s12 =	sadd.s32 s8, s12  }
0x13c: {  	s12 =	sshrl.u32 s12, $0x3  }
0x13d: {  	s12 =	sadd.s32 s3, s12  }
0x13e: {  	[tilespmem:s25], [sflag:$0x3] =	stream.strided.gather [hbm4b:s12+s24], $0x3200, s19, s24, $0x38;
	[tilespmem:$0x1B900] =	vst v63  }
.LBB2_14:
0x13f: {  	_ =	swait.ge [sflag:s5], $0xC80  }
0x140: {  	[sflag:s5] =	ssyncset.done $0x0  }
0x141: {  	[sflag:s5] =	ssyncadd.s32 $0xFFFFF380  }
0x142: {  	_ =	swait.ge [sflag:s6], $0x3200  }
0x143: {  	[sflag:s6] =	ssyncset.done $0x0  }
0x144: {  	s12 =	simm.s32 $0x13CF0;
	[sflag:s6] =	ssyncadd.s32 $0xFFFFCE00  }
0x145: {  	v1 =	vld [tilespmem:s12+$0x0];
	_ =	sdelay $0x1  }
0x146: {  	v2 =	vld [tilespmem:s12+$0xFFFFFFA0]  }
0x147: {  	v3 =	vld [tilespmem:s12+$0xFFFFFFB0]  }
0x148: {  	v4 =	vld [tilespmem:s12+$0xFFFFFFC0]  }
0x149: {  	v5 =	vld [tilespmem:s12+$0xFFFFFFD0];
	v15 =	vand.u32 $0xFFFF, v1  }
0x14a: {  	v16 =	vld [tilespmem:s12+$0xFFFFFFE0]  }
0x14b: {  	v13 =	vld [tilespmem:s12+$0xFFFFFF90]  }
0x14c: {  	v17 =	vld [tilespmem:s12+$0xFFFFFFF0];
	s12 =	simm.s32 $0x188F0  }
0x14d: {  	v18 =	vld [tilespmem:s12+$0xFFFFFE80]  }
0x14e: {  	v14 =	vld.idx.msk [tilespmem:v15+s2+$0x0], $0xffff  }
0x14f: {  	v26 =	vld [tilespmem:s12+$0xFFFFFE10]  }
0x150: {  	v27 =	vld [tilespmem:s12+$0xFFFFFE20]  }
0x151: {  	v28 =	vld [tilespmem:s12+$0xFFFFFE30];
	v22 =	vshrl.u32 v1, $0x10  }
0x152: {  	v29 =	vld [tilespmem:s12+$0xFFFFFE40]  }
0x153: {  	v30 =	vld [tilespmem:s12+$0xFFFFFE50];
	v1 =	vadd.f32 v14, v18  }
0x154: {  	v31 =	vld [tilespmem:s12+$0xFFFFFE60];
	v6 =	vand.u32 $0xFFFF, v2  }
0x155: {  	v32 =	vld [tilespmem:s12+$0xFFFFFE70];
	v7 =	vand.u32 $0xFFFF, v3;
	v1 =	vmax.f32 v1, $0.0e+00  }
0x156: {  	v12 =	vand.u32 $0xFFFF, v13;
	[tilespmem:v22+s30+$0x0] =	vst.idx.add.f32.msk $0xffff, v1  }
0x157: {  	v8 =	vand.u32 $0xFFFF, v4;
	v1 =	vld.idx.msk [tilespmem:v15+s21+$0x0], $0xffff  }
0x158: {  	v10 =	vand.u32 $0xFFFF, v5;
	v14 =	vld [tilespmem:s12+$0xFFFFFF00]  }
0x159: {  	v11 =	vand.u32 $0xFFFF, v16;
	v19 =	vld.idx.msk [tilespmem:v6+s2+$0x0], $0xffff  }
0x15a: {  	v9 =	vand.u32 $0xFFFF, v17;
	v20 =	vld.idx.msk [tilespmem:v7+s2+$0x0], $0xffff  }
0x15b: {  	v62 =	vld.idx.msk [tilespmem:v12+s2+$0x0], $0xffff  }
0x15c: {  	v21 =	vld.idx.msk [tilespmem:v8+s2+$0x0], $0xffff  }
0x15d: {  	v23 =	vld.idx.msk [tilespmem:v10+s2+$0x0], $0xffff;
	v1 =	vadd.f32 v1, v14  }
0x15e: {  	v24 =	vld.idx.msk [tilespmem:v11+s2+$0x0], $0xffff;
	v14 =	vshrl.u32 v13, $0x10  }
0x15f: {  	v25 =	vld.idx.msk [tilespmem:v9+s2+$0x0], $0xffff;
	v13 =	vshrl.u32 v2, $0x10;
	v1 =	vmax.f32 v1, $0.0e+00  }
0x160: {  	v18 =	vadd.f32 v62, v26;
	v2 =	vshrl.u32 v3, $0x10;
	[tilespmem:v22+s31+$0x0] =	vst.idx.add.f32.msk $0xffff, v1  }
0x161: {  	v19 =	vadd.f32 v19, v27;
	v63 =	vld.idx.msk [tilespmem:v15+s22+$0x0], $0xffff  }
0x162: {  	v27 =	vadd.f32 v20, v28;
	v3 =	vshrl.u32 v5, $0x10;
	v5 =	vmax.f32 v18, $0.0e+00;
	v28 =	vld [tilespmem:s12+$0xFFFFFF80]  }
0x163: {  	v1 =	vshrl.u32 v4, $0x10;
	v4 =	vshrl.u32 v16, $0x10;
	v16 =	vmax.f32 v19, $0.0e+00;
	[tilespmem:v14+s30+$0x0] =	vst.idx.add.f32.msk $0xffff, v5  }
0x164: {  	v5 =	vshrl.u32 v17, $0x10;
	v17 =	vmax.f32 v27, $0.0e+00;
	[tilespmem:v13+s30+$0x0] =	vst.idx.add.f32.msk $0xffff, v16  }
0x165: {  	v30 =	vadd.f32 v23, v30;
	[tilespmem:v2+s30+$0x0] =	vst.idx.add.f32.msk $0xffff, v17  }
0x166: {  	v39 =	vld [tilespmem:s12+$0xFFFFFE90]  }
0x167: {  	v17 =	vmax.f32 v30, $0.0e+00;
	v40 =	vld [tilespmem:s12+$0xFFFFFEA0]  }
0x168: {  	v29 =	vadd.f32 v21, v29;
	[tilespmem:v3+s30+$0x0] =	vst.idx.add.f32.msk $0xffff, v17  }
0x169: {  	v34 =	vld.idx.msk [tilespmem:v7+s21+$0x0], $0xffff  }
0x16a: {  	v16 =	vmax.f32 v29, $0.0e+00;
	v41 =	vld [tilespmem:s12+$0xFFFFFEB0]  }
0x16b: {  	v31 =	vadd.f32 v24, v31;
	[tilespmem:v1+s30+$0x0] =	vst.idx.add.f32.msk $0xffff, v16  }
0x16c: {  	v36 =	vld.idx.msk [tilespmem:v10+s21+$0x0], $0xffff  }
0x16d: {  	v16 =	vmax.f32 v31, $0.0e+00;
	v43 =	vld [tilespmem:s12+$0xFFFFFED0]  }
0x16e: {  	v33 =	vadd.f32 v25, v32;
	[tilespmem:v4+s30+$0x0] =	vst.idx.add.f32.msk $0xffff, v16  }
0x16f: {  	v17 =	vadd.f32 v63, v28;
	v35 =	vld.idx.msk [tilespmem:v8+s21+$0x0], $0xffff  }
0x170: {  	v18 =	vmax.f32 v33, $0.0e+00;
	v42 =	vld [tilespmem:s12+$0xFFFFFEC0]  }
0x171: {  	[tilespmem:v5+s30+$0x0] =	vst.idx.add.f32.msk $0xffff, v18;
	v16 =	vmax.f32 v17, $0.0e+00  }
0x172: {  	[tilespmem:v22+s0+$0x0] =	vst.idx.add.f32.msk $0xffff, v16  }
0x173: {  	v16 =	vld.idx.msk [tilespmem:v12+s21+$0x0], $0xffff  }
0x174: {  	v17 =	vld.idx.msk [tilespmem:v6+s21+$0x0], $0xffff  }
0x175: {  	v15 =	vld.idx.msk [tilespmem:v15+s23+$0x0], $0xffff  }
0x176: {  	v46 =	vld [tilespmem:s12+$0x0]  }
0x177: {  	v37 =	vld.idx.msk [tilespmem:v11+s21+$0x0], $0xffff  }
0x178: {  	v44 =	vld [tilespmem:s12+$0xFFFFFEE0];
	v16 =	vadd.f32 v16, v39  }
0x179: {  	v38 =	vld.idx.msk [tilespmem:v9+s21+$0x0], $0xffff;
	v17 =	vadd.f32 v17, v40  }
0x17a: {  	v45 =	vld [tilespmem:s12+$0xFFFFFEF0];
	v16 =	vmax.f32 v16, $0.0e+00  }
0x17b: {  	v15 =	vadd.f32 v15, v46;
	[tilespmem:v14+s31+$0x0] =	vst.idx.add.f32.msk $0xffff, v16;
	v16 =	vmax.f32 v17, $0.0e+00  }
0x17c: {  	v18 =	vadd.f32 v34, v41;
	[tilespmem:v13+s31+$0x0] =	vst.idx.add.f32.msk $0xffff, v16  }
0x17d: {  	v15 =	vmax.f32 v15, $0.0e+00;
	v54 =	vld [tilespmem:s12+$0xFFFFFF10]  }
0x17e: {  	v17 =	vadd.f32 v35, v42;
	v16 =	vmax.f32 v18, $0.0e+00;
	[tilespmem:v22+s1+$0x0] =	vst.idx.add.f32.msk $0xffff, v15  }
0x17f: {  	[tilespmem:v2+s31+$0x0] =	vst.idx.add.f32.msk $0xffff, v16  }
0x180: {  	v16 =	vmax.f32 v17, $0.0e+00;
	v55 =	vld [tilespmem:s12+$0xFFFFFF20]  }
0x181: {  	v47 =	vadd.f32 v36, v43;
	[tilespmem:v1+s31+$0x0] =	vst.idx.add.f32.msk $0xffff, v16  }
0x182: {  	v49 =	vld.idx.msk [tilespmem:v7+s22+$0x0], $0xffff  }
0x183: {  	v17 =	vadd.f32 v37, v44;
	v16 =	vmax.f32 v47, $0.0e+00;
	v56 =	vld [tilespmem:s12+$0xFFFFFF30]  }
0x184: {  	[tilespmem:v3+s31+$0x0] =	vst.idx.add.f32.msk $0xffff, v16  }
0x185: {  	v48 =	vadd.f32 v38, v45;
	v16 =	vmax.f32 v17, $0.0e+00;
	v17 =	vld.idx.msk [tilespmem:v6+s22+$0x0], $0xffff  }
0x186: {  	v50 =	vld.idx.msk [tilespmem:v8+s22+$0x0], $0xffff  }
0x187: {  	[tilespmem:v4+s31+$0x0] =	vst.idx.add.f32.msk $0xffff, v16;
	v16 =	vmax.f32 v48, $0.0e+00  }
0x188: {  	[tilespmem:v5+s31+$0x0] =	vst.idx.add.f32.msk $0xffff, v16  }
0x189: {  	v16 =	vld.idx.msk [tilespmem:v12+s22+$0x0], $0xffff  }
0x18a: {  	v57 =	vld [tilespmem:s12+$0xFFFFFF40]  }
0x18b: {  	v51 =	vld.idx.msk [tilespmem:v10+s22+$0x0], $0xffff  }
0x18c: {  	v58 =	vld [tilespmem:s12+$0xFFFFFF50]  }
0x18d: {  	v52 =	vld.idx.msk [tilespmem:v11+s22+$0x0], $0xffff  }
0x18e: {  	v59 =	vld [tilespmem:s12+$0xFFFFFF60];
	v16 =	vadd.f32 v16, v54  }
0x18f: {  	v53 =	vld.idx.msk [tilespmem:v9+s22+$0x0], $0xffff;
	v17 =	vadd.f32 v17, v55  }
0x190: {  	v60 =	vld [tilespmem:s12+$0xFFFFFF70];
	v15 =	vmax.f32 v16, $0.0e+00  }
0x191: {  	v16 =	vadd.f32 v49, v56;
	[tilespmem:v14+s0+$0x0] =	vst.idx.add.f32.msk $0xffff, v15;
	v15 =	vmax.f32 v17, $0.0e+00  }
0x192: {  	[tilespmem:v13+s0+$0x0] =	vst.idx.add.f32.msk $0xffff, v15  }
0x193: {  	v17 =	vadd.f32 v50, v57;
	v15 =	vmax.f32 v16, $0.0e+00;
	v12 =	vld.idx.msk [tilespmem:v12+s23+$0x0], $0xffff  }
0x194: {  	[tilespmem:v2+s0+$0x0] =	vst.idx.add.f32.msk $0xffff, v15  }
0x195: {  	v15 =	vmax.f32 v17, $0.0e+00;
	v6 =	vld.idx.msk [tilespmem:v6+s23+$0x0], $0xffff  }
0x196: {  	v16 =	vadd.f32 v51, v58;
	[tilespmem:v1+s0+$0x0] =	vst.idx.add.f32.msk $0xffff, v15  }
0x197: {  	v7 =	vld.idx.msk [tilespmem:v7+s23+$0x0], $0xffff  }
0x198: {  	v15 =	vmax.f32 v16, $0.0e+00;
	v61 =	vld [tilespmem:s12+$0xFFFFFFB0]  }
0x199: {  	v17 =	vadd.f32 v52, v59;
	[tilespmem:v3+s0+$0x0] =	vst.idx.add.f32.msk $0xffff, v15  }
0x19a: {  	v8 =	vld.idx.msk [tilespmem:v8+s23+$0x0], $0xffff  }
0x19b: {  	v16 =	vadd.f32 v53, v60;
	v15 =	vmax.f32 v17, $0.0e+00;
	v17 =	vld [tilespmem:s12+$0xFFFFFFA0]  }
0x19c: {  	v62 =	vld [tilespmem:s12+$0xFFFFFFC0]  }
0x19d: {  	[tilespmem:v4+s0+$0x0] =	vst.idx.add.f32.msk $0xffff, v15;
	v15 =	vmax.f32 v16, $0.0e+00  }
0x19e: {  	[tilespmem:v5+s0+$0x0] =	vst.idx.add.f32.msk $0xffff, v15  }
0x19f: {  	v15 =	vld [tilespmem:s12+$0xFFFFFF90]  }
0x1a0: {  	v16 =	vld.idx.msk [tilespmem:v10+s23+$0x0], $0xffff  }
0x1a1: {  	v63 =	vld [tilespmem:s12+$0xFFFFFFD0]  }
0x1a2: {  	v10 =	vld.idx.msk [tilespmem:v11+s23+$0x0], $0xffff  }
0x1a3: {  	v11 =	vld.idx.msk [tilespmem:v9+s23+$0x0], $0xffff  }
0x1a4: {  	v6 =	vadd.f32 v6, v17;
	v9 =	vadd.f32 v12, v15;
	v15 =	vld [tilespmem:s12+$0xFFFFFFE0]  }
0x1a5: {  	v12 =	vld [tilespmem:s12+$0xFFFFFFF0]  }
0x1a6: {  	v17 =	vadd.f32 v7, v61;
	v6 =	vmax.f32 v6, $0.0e+00  }
0x1a7: {  	v7 =	vadd.f32 v8, v62;
	[tilespmem:v13+s1+$0x0] =	vst.idx.add.f32.msk $0xffff, v6;
	v9 =	vmax.f32 v9, $0.0e+00  }
0x1a8: {  	s13 =	simm.s32 $0x0;
	s14 =	simm.s32 $0x13DF0;
	v8 =	vmax.f32 v17, $0.0e+00;
	v6 =	vadd.f32 v16, v63;
	[tilespmem:v14+s1+$0x0] =	vst.idx.add.f32.msk $0xffff, v9  }
.LBB2_15:
0x1a9: {  	v21 =	vld [tilespmem:s14+$0x0];
	s13 =	sadd.s32 $0x8, s13;
	v9 =	vmax.f32 v7, $0.0e+00;
	v7 =	vadd.f32 v10, v15  }
0x1aa: {  	v10 =	vld [tilespmem:s14+$0xFFFFFFA0];
	p1 =	slt.u32 s13, $0xC0;
	v19 =	vmax.f32 v6, $0.0e+00;
	v6 =	vadd.f32 v11, v12  }
0x1ab: {  	v11 =	vld [tilespmem:s14+$0xFFFFFFB0];
	v16 =	vmax.f32 v7, $0.0e+00  }
0x1ac: {  	v12 =	vld [tilespmem:s14+$0xFFFFFFC0];
	v7 =	vmax.f32 v6, $0.0e+00  }
0x1ad: {  	v13 =	vld [tilespmem:s14+$0xFFFFFFD0]  }
0x1ae: {  	v14 =	vld [tilespmem:s14+$0xFFFFFFE0];
	v22 =	vand.u32 $0xFFFF, v21  }
0x1af: {  	v6 =	vshrl.u32 v10, $0x10;
	v10 =	vand.u32 $0xFFFF, v10;
	v15 =	vld [tilespmem:s14+$0xFFFFFFF0]  }
0x1b0: {  	v17 =	vld [tilespmem:s14+$0xFFFFFF90];
	v18 =	vshrl.u32 v11, $0x10;
	v11 =	vand.u32 $0xFFFF, v11  }
0x1b1: {  	v23 =	vshrl.u32 v12, $0x10;
	v12 =	vand.u32 $0xFFFF, v12;
	[tilespmem:v2+s1+$0x0] =	vst.idx.add.f32.msk $0xffff, v8;
	v2 =	vmov v18  }
0x1b2: {  	v20 =	vshrl.u32 v13, $0x10;
	v13 =	vand.u32 $0xFFFF, v13;
	[tilespmem:v1+s1+$0x0] =	vst.idx.add.f32.msk $0xffff, v9;
	v1 =	vmov v23  }
0x1b3: {  	s12 =	sadd.s32 $0x200, s12;
	v18 =	vshrl.u32 v14, $0x10;
	v14 =	vand.u32 $0xFFFF, v14;
	v23 =	vld.idx.msk [tilespmem:v22+s2+$0x0], $0xffff  }
0x1b4: {  	v8 =	vshrl.u32 v15, $0x10;
	v15 =	vand.u32 $0xFFFF, v15;
	v24 =	vld [tilespmem:s12+$0xFFFFFE80]  }
0x1b5: {  	v9 =	vshrl.u32 v17, $0x10;
	v17 =	vand.u32 $0xFFFF, v17;
	v25 =	vld.idx.msk [tilespmem:v10+s2+$0x0], $0xffff  }
0x1b6: {  	v26 =	vld.idx.msk [tilespmem:v11+s2+$0x0], $0xffff  }
0x1b7: {  	v21 =	vshrl.u32 v21, $0x10;
	v27 =	vld.idx.msk [tilespmem:v12+s2+$0x0], $0xffff  }
0x1b8: {  	v28 =	vld.idx.msk [tilespmem:v13+s2+$0x0], $0xffff  }
0x1b9: {  	v29 =	vld.idx.msk [tilespmem:v14+s2+$0x0], $0xffff;
	v23 =	vadd.f32 v23, v24  }
0x1ba: {  	v24 =	vld.idx.msk [tilespmem:v17+s2+$0x0], $0xffff  }
0x1bb: {  	v30 =	vld.idx.msk [tilespmem:v15+s2+$0x0], $0xffff;
	v23 =	vmax.f32 v23, $0.0e+00  }
0x1bc: {  	[tilespmem:v21+s30+$0x0] =	vst.idx.add.f32.msk $0xffff, v23  }
0x1bd: {  	v23 =	vld.idx.msk [tilespmem:v22+s21+$0x0], $0xffff  }
0x1be: {  	v31 =	vld [tilespmem:s12+$0xFFFFFF00]  }
0x1bf: {  	v32 =	vld [tilespmem:s12+$0xFFFFFE10]  }
0x1c0: {  	v33 =	vld [tilespmem:s12+$0xFFFFFE20]  }
0x1c1: {  	v34 =	vld [tilespmem:s12+$0xFFFFFE30]  }
0x1c2: {  	v35 =	vld [tilespmem:s12+$0xFFFFFE40]  }
0x1c3: {  	v36 =	vld [tilespmem:s12+$0xFFFFFE50];
	v23 =	vadd.f32 v23, v31  }
0x1c4: {  	v24 =	vadd.f32 v24, v32;
	v31 =	vld [tilespmem:s12+$0xFFFFFE60]  }
0x1c5: {  	v25 =	vadd.f32 v25, v33;
	v32 =	vld [tilespmem:s12+$0xFFFFFE70];
	v23 =	vmax.f32 v23, $0.0e+00  }
0x1c6: {  	v24 =	vmax.f32 v24, $0.0e+00;
	v26 =	vadd.f32 v26, v34;
	[tilespmem:v21+s31+$0x0] =	vst.idx.add.f32.msk $0xffff, v23  }
0x1c7: {  	v23 =	vmax.f32 v25, $0.0e+00;
	v25 =	vadd.f32 v27, v35;
	v27 =	vld.idx.msk [tilespmem:v22+s22+$0x0], $0xffff  }
0x1c8: {  	v26 =	vmax.f32 v26, $0.0e+00;
	v28 =	vadd.f32 v28, v36;
	v33 =	vld [tilespmem:s12+$0xFFFFFF80]  }
0x1c9: {  	[tilespmem:v9+s30+$0x0] =	vst.idx.add.f32.msk $0xffff, v24;
	v24 =	vmax.f32 v25, $0.0e+00;
	v25 =	vadd.f32 v29, v31  }
0x1ca: {  	[tilespmem:v6+s30+$0x0] =	vst.idx.add.f32.msk $0xffff, v23;
	v23 =	vmax.f32 v28, $0.0e+00;
	v28 =	vadd.f32 v30, v32  }
0x1cb: {  	[tilespmem:v2+s30+$0x0] =	vst.idx.add.f32.msk $0xffff, v26;
	v25 =	vmax.f32 v25, $0.0e+00  }
0x1cc: {  	[tilespmem:v1+s30+$0x0] =	vst.idx.add.f32.msk $0xffff, v24;
	v24 =	vmax.f32 v28, $0.0e+00  }
0x1cd: {  	[tilespmem:v20+s30+$0x0] =	vst.idx.add.f32.msk $0xffff, v23;
	v23 =	vadd.f32 v27, v33  }
0x1ce: {  	[tilespmem:v18+s30+$0x0] =	vst.idx.add.f32.msk $0xffff, v25  }
0x1cf: {  	[tilespmem:v8+s30+$0x0] =	vst.idx.add.f32.msk $0xffff, v24;
	v23 =	vmax.f32 v23, $0.0e+00  }
0x1d0: {  	[tilespmem:v21+s0+$0x0] =	vst.idx.add.f32.msk $0xffff, v23  }
0x1d1: {  	v22 =	vld.idx.msk [tilespmem:v22+s23+$0x0], $0xffff  }
0x1d2: {  	v23 =	vld [tilespmem:s12+$0x0]  }
0x1d3: {  	v24 =	vld.idx.msk [tilespmem:v17+s21+$0x0], $0xffff  }
0x1d4: {  	v25 =	vld.idx.msk [tilespmem:v10+s21+$0x0], $0xffff  }
0x1d5: {  	v26 =	vld.idx.msk [tilespmem:v11+s21+$0x0], $0xffff  }
0x1d6: {  	v27 =	vld.idx.msk [tilespmem:v12+s21+$0x0], $0xffff  }
0x1d7: {  	v28 =	vld.idx.msk [tilespmem:v13+s21+$0x0], $0xffff;
	v22 =	vadd.f32 v22, v23  }
0x1d8: {  	v23 =	vld.idx.msk [tilespmem:v14+s21+$0x0], $0xffff  }
0x1d9: {  	v29 =	vld.idx.msk [tilespmem:v15+s21+$0x0], $0xffff;
	v22 =	vmax.f32 v22, $0.0e+00  }
0x1da: {  	[tilespmem:v21+s1+$0x0] =	vst.idx.add.f32.msk $0xffff, v22  }
0x1db: {  	v21 =	vld [tilespmem:s12+$0xFFFFFE90]  }
0x1dc: {  	v22 =	vld [tilespmem:s12+$0xFFFFFEA0]  }
0x1dd: {  	v30 =	vld [tilespmem:s12+$0xFFFFFEB0]  }
0x1de: {  	v31 =	vld [tilespmem:s12+$0xFFFFFEC0]  }
0x1df: {  	v32 =	vld [tilespmem:s12+$0xFFFFFED0]  }
0x1e0: {  	v21 =	vadd.f32 v24, v21;
	v24 =	vld [tilespmem:s12+$0xFFFFFEE0]  }
0x1e1: {  	v22 =	vadd.f32 v25, v22;
	v25 =	vld [tilespmem:s12+$0xFFFFFEF0]  }
0x1e2: {  	v21 =	vmax.f32 v21, $0.0e+00;
	v26 =	vadd.f32 v26, v30;
	[tilespmem:v3+s1+$0x0] =	vst.idx.add.f32.msk $0xffff, v19;
	v3 =	vmov v20  }
0x1e3: {  	[tilespmem:v9+s31+$0x0] =	vst.idx.add.f32.msk $0xffff, v21;
	v19 =	vmax.f32 v22, $0.0e+00;
	v20 =	vadd.f32 v27, v31  }
0x1e4: {  	[tilespmem:v6+s31+$0x0] =	vst.idx.add.f32.msk $0xffff, v19;
	v19 =	vmax.f32 v26, $0.0e+00;
	v21 =	vadd.f32 v28, v32  }
0x1e5: {  	[tilespmem:v2+s31+$0x0] =	vst.idx.add.f32.msk $0xffff, v19;
	v19 =	vmax.f32 v20, $0.0e+00;
	v20 =	vadd.f32 v23, v24  }
0x1e6: {  	[tilespmem:v1+s31+$0x0] =	vst.idx.add.f32.msk $0xffff, v19;
	v19 =	vmax.f32 v21, $0.0e+00;
	v21 =	vadd.f32 v29, v25  }
0x1e7: {  	[tilespmem:v3+s31+$0x0] =	vst.idx.add.f32.msk $0xffff, v19;
	v19 =	vmax.f32 v20, $0.0e+00  }
0x1e8: {  	[tilespmem:v18+s31+$0x0] =	vst.idx.add.f32.msk $0xffff, v19;
	v19 =	vmax.f32 v21, $0.0e+00  }
0x1e9: {  	[tilespmem:v8+s31+$0x0] =	vst.idx.add.f32.msk $0xffff, v19  }
0x1ea: {  	v19 =	vld.idx.msk [tilespmem:v17+s22+$0x0], $0xffff  }
0x1eb: {  	v20 =	vld.idx.msk [tilespmem:v10+s22+$0x0], $0xffff  }
0x1ec: {  	v21 =	vld.idx.msk [tilespmem:v11+s22+$0x0], $0xffff  }
0x1ed: {  	v22 =	vld.idx.msk [tilespmem:v12+s22+$0x0], $0xffff  }
0x1ee: {  	v23 =	vld.idx.msk [tilespmem:v13+s22+$0x0], $0xffff  }
0x1ef: {  	v24 =	vld.idx.msk [tilespmem:v14+s22+$0x0], $0xffff  }
0x1f0: {  	v25 =	vld.idx.msk [tilespmem:v15+s22+$0x0], $0xffff  }
0x1f1: {  	v26 =	vld [tilespmem:s12+$0xFFFFFF10]  }
0x1f2: {  	v27 =	vld [tilespmem:s12+$0xFFFFFF20]  }
0x1f3: {  	v28 =	vld [tilespmem:s12+$0xFFFFFF30]  }
0x1f4: {  	v29 =	vld [tilespmem:s12+$0xFFFFFF40]  }
0x1f5: {  	v30 =	vld [tilespmem:s12+$0xFFFFFF50]  }
0x1f6: {  	v19 =	vadd.f32 v19, v26;
	v26 =	vld [tilespmem:s12+$0xFFFFFF60]  }
0x1f7: {  	v20 =	vadd.f32 v20, v27;
	v27 =	vld [tilespmem:s12+$0xFFFFFF70]  }
0x1f8: {  	v19 =	vmax.f32 v19, $0.0e+00;
	v21 =	vadd.f32 v21, v28;
	[tilespmem:v4+s1+$0x0] =	vst.idx.add.f32.msk $0xffff, v16;
	v4 =	vmov v18  }
0x1f9: {  	[tilespmem:v9+s0+$0x0] =	vst.idx.add.f32.msk $0xffff, v19;
	v16 =	vmax.f32 v20, $0.0e+00;
	v18 =	vadd.f32 v22, v29  }
0x1fa: {  	[tilespmem:v6+s0+$0x0] =	vst.idx.add.f32.msk $0xffff, v16;
	v16 =	vmax.f32 v21, $0.0e+00;
	v19 =	vadd.f32 v23, v30  }
0x1fb: {  	[tilespmem:v2+s0+$0x0] =	vst.idx.add.f32.msk $0xffff, v16;
	v16 =	vmax.f32 v18, $0.0e+00;
	v18 =	vadd.f32 v24, v26  }
0x1fc: {  	[tilespmem:v1+s0+$0x0] =	vst.idx.add.f32.msk $0xffff, v16;
	v16 =	vmax.f32 v19, $0.0e+00;
	v19 =	vadd.f32 v25, v27  }
0x1fd: {  	[tilespmem:v3+s0+$0x0] =	vst.idx.add.f32.msk $0xffff, v16;
	v16 =	vmax.f32 v18, $0.0e+00  }
0x1fe: {  	[tilespmem:v4+s0+$0x0] =	vst.idx.add.f32.msk $0xffff, v16;
	v16 =	vmax.f32 v19, $0.0e+00  }
0x1ff: {  	[tilespmem:v8+s0+$0x0] =	vst.idx.add.f32.msk $0xffff, v16  }
0x200: {  	v16 =	vld.idx.msk [tilespmem:v17+s23+$0x0], $0xffff  }
0x201: {  	v17 =	vld.idx.msk [tilespmem:v10+s23+$0x0], $0xffff  }
0x202: {  	v18 =	vld.idx.msk [tilespmem:v11+s23+$0x0], $0xffff  }
0x203: {  	v19 =	vld.idx.msk [tilespmem:v12+s23+$0x0], $0xffff  }
0x204: {  	v13 =	vld.idx.msk [tilespmem:v13+s23+$0x0], $0xffff  }
0x205: {  	v10 =	vld.idx.msk [tilespmem:v14+s23+$0x0], $0xffff  }
0x206: {  	v11 =	vld.idx.msk [tilespmem:v15+s23+$0x0], $0xffff  }
0x207: {  	v12 =	vld [tilespmem:s12+$0xFFFFFF90]  }
0x208: {  	v14 =	vld [tilespmem:s12+$0xFFFFFFA0]  }
0x209: {  	v20 =	vld [tilespmem:s12+$0xFFFFFFB0]  }
0x20a: {  	v21 =	vld [tilespmem:s12+$0xFFFFFFC0]  }
0x20b: {  	v22 =	vld [tilespmem:s12+$0xFFFFFFD0]  }
.Ltmp8:
0x20c: {  	v16 =	vadd.f32 v16, v12;
	v15 =	vld [tilespmem:s12+$0xFFFFFFE0];
	(pc) =	sbr.rel @p1 .LBB2_15-.Ltmp8, $4  }
0x20d: {  	v14 =	vadd.f32 v17, v14;
	v12 =	vld [tilespmem:s12+$0xFFFFFFF0]  }
0x20e: {  	v16 =	vmax.f32 v16, $0.0e+00;
	v17 =	vadd.f32 v18, v20;
	[tilespmem:v5+s1+$0x0] =	vst.idx.add.f32.msk $0xffff, v7;
	v5 =	vmov v8  }
0x20f: {  	[tilespmem:v9+s1+$0x0] =	vst.idx.add.f32.msk $0xffff, v16;
	v8 =	vmax.f32 v14, $0.0e+00;
	v7 =	vadd.f32 v19, v21  }
0x210: {  	s14 =	sadd.s32 $0x100, s14;
	[tilespmem:v6+s1+$0x0] =	vst.idx.add.f32.msk $0xffff, v8;
	v8 =	vmax.f32 v17, $0.0e+00;
	v6 =	vadd.f32 v13, v22  }
0x211: {  	_ =	sdelay $0x3  }
.Ltmp9:
0x212: {  	v7 =	vmax.f32 v7, $0.0e+00;
	v9 =	vadd.f32 v10, v15;
	[tilespmem:v2+s1+$0x0] =	vst.idx.add.f32.msk $0xffff, v8;
	(pc) =	sbr.rel @p0 .LBB2_20-.Ltmp9, $4  }
0x213: {  	v2 =	vmax.f32 v6, $0.0e+00;
	v63 =	vadd.f32 v11, v12;
	[tilespmem:v1+s1+$0x0] =	vst.idx.add.f32.msk $0xffff, v7  }
0x214: {  	v1 =	vmax.f32 v9, $0.0e+00;
	[tilespmem:v3+s1+$0x0] =	vst.idx.add.f32.msk $0xffff, v2  }
0x215: {  	v2 =	vmax.f32 v63, $0.0e+00;
	[tilespmem:v4+s1+$0x0] =	vst.idx.add.f32.msk $0xffff, v1  }
0x216: {  	[tilespmem:v5+s1+$0x0] =	vst.idx.add.f32.msk $0xffff, v2  }
0x217: {  	s10 =	sadd.s32 $0x3, s10  }
0x218: {  	s12 =	smul.u32 $0x190, s10;
	_ =	sdelay $0x1  }
0x219: {  	s13 =	simm.s32 $0x13C80;
	s12 =	sadd.s32 s4, s12  }
0x21a: {  	s14 =	simm.s32 $0x10;
	s15 =	simm.s32 $0x13D80;
	s16 =	sadd.s32 $0x0, s12  }
.LBB2_18:
0x21b: {  	[tilespmem:s13], [sflag:$0x2] =	stream.linear.gather [hbm4b:s16+s2], $0x80, $0x38;
	[tilespmem:$0x1B900] =	vst v63  }
0x21c: {  	s16 =	smov.u32 s14;
	s13 =	smov.u32 s15;
	p0 =	sne.s32 s14, $0x180  }
.Ltmp10:
0x21d: {  	s14 =	sadd.s32 $0x10, s14;
	(pc) =	sbr.rel @p0 .LBB2_18-.Ltmp10, $2  }
0x21e: {  	_ =	sdelay $0x2  }
0x21f: {  	s15 =	sadd.s32 $0x100, s15;
	s16 =	sadd.s32 s16, s12  }
0x220: {  	s10 =	smul.u32 $0x6400, s10  }
0x221: {  	[tilespmem:s13], [sflag:$0x2] =	stream.linear.gather [hbm4b:s16+s2], $0x80, $0x38;
	[tilespmem:$0x1B900] =	vst v63  }
.Ltmp11:
0x222: {  	_ = 	snop;
	(pc) =	sbr.rel .LBB2_8-.Ltmp11, $4  }
0x223: {  	s10 =	sadd.s32 s8, s10  }
0x224: {  	s10 =	sshrl.u32 s10, $0x3  }
0x225: {  	s9 =	sadd.s32 $0x1, s9;
	s10 =	sadd.s32 s3, s10  }
0x226: {  	[tilespmem:s26], [sflag:$0x4] =	stream.strided.gather [hbm4b:s10+s24], $0x3200, s19, s24, $0x38;
	[tilespmem:$0x1B900] =	vst v63  }
.LBB2_21:
0x227: {  	_ =	sfence.sel $0x180000  }
0x228: {  	[bflag:$0x0] =	sbarrier.arrive $0xFFFF  }
0x229: {  	_ =	strace $0x9000004A  }
0x22a: {  	s0 =	stileid.u32;
	[bflag:$0x2] =	sbarrier.arrive $0xFFFF  }
0x22b: {  	p0 =	sne.s32 s0, $0x0;
	s0 =	rddreg [dreg:$0x1]  }
0x22c: {  	s0 =	sadd.s32 @!p0 $0x100000, s0  }
0x22d: {  	[sflag:s0] =	ssyncadd.tile.s32 @!p0 $0x1;
	_ =	shalt  }
.Lfunc_end2:
_tile_overlayer_lowered:
.L_overlay_start_2:
0x22e: {  	(tag) =	ssettag $0x2  }
0x22f: {  	s0 =	rddreg [dreg:$0x0];
	s2 =	stileid.u32  }
0x230: {  	s1 =	rddreg [dreg:$0x1];
	p0 =	sne.s32 s2, $0x0  }
0x231: {  	s3 =	rddreg [dreg:$0x2];
	[bflag:$0x3] =	sbarrier.arrive $0xFFFF;
	s2 =	simm.s32 @!p0 $0x1C05  }
0x232: {  	[timem:s3], [sflag:s2] =	dma.local @!p0 [hbm:s0], s1  }
0x233: {  	s0 =	simm.s32 @!p0 $0x5  }
0x234: {  	_ =	swait.ge @!p0 [sflag:s0], s1  }
0x235: {  	s1 =	ssub.s32 @!p0 $0x0, s1;
	[sflag:s0] =	ssyncset.done @!p0 $0x0  }
0x236: {  	[sflag:s0] =	ssyncadd.s32 @!p0 s1  }
0x237: {  	[bflag:$0x3] =	sbarrier.arrive $0xFFFF  }
0x238: {  	_ =	shalt  }

// kernel: kernel.17.cloned.1.call-start
scs
__scs_entry_jumppad:
0x0: {  	(pc) =	sbr.rel $0x88, $3  }
0x1: {  	(tag) =	ssettag $0x0;
	lr =	simm.s32 $0x1  }
0x2: {  	[smem:$0x3F91] =	sst lr;
	_ =	strace $0xD0000000  }
0x3: {  	_ = 	snop  }
0x4: {  	_ = 	snop  }
0x5: {  	_ = 	snop  }
0x6: {  	_ = 	snop  }
0x7: {  	_ = 	snop  }
__scs_overlays_trampoline_lowered:
0x8: {  	[smem:$0x3FA0] =	sst s0  }
0x9: {  	[smem:$0x3FA1] =	sst s1  }
0xa: {  	[smem:$0x3FA2] =	sst s2  }
0xb: {  	[smem:$0x3FA3] =	sst s3  }
0xc: {  	[smem:$0x3FA4] =	sst s4  }
0xd: {  	[smem:$0x3FA5] =	sst s5  }
0xe: {  	[smem:$0x3FA6] =	sst s6  }
0xf: {  	[smem:$0x3FA7] =	sst s7  }
0x10: {  	[smem:$0x3FA8] =	sst s8  }
0x11: {  	[smem:$0x3FA9] =	sst s9;
	s0 =	simm.s32 @!p0 $0x0  }
0x12: {  	s1 =	sld [smem:$0x3F8F];
	s0 =	simm.s32 @p0 $0x1  }
0x13: {  	[smem:$0x3FAA] =	sst s0;
	s0 =	simm.s32 @!p1 $0x0  }
0x14: {  	s2 =	sld [smem:$0x3F8E];
	s0 =	simm.s32 @p1 $0x1  }
0x15: {  	[smem:$0x3FAB] =	sst s0;
	s0 =	simm.s32 @!p2 $0x0  }
0x16: {  	s3 =	sld [smem:$0x3FDB];
	s0 =	simm.s32 @p2 $0x1  }
0x17: {  	s4 =	simm.s32 $0x1BF5;
	[smem:$0x3FAD] =	sst s0  }
0x18: {  	s0 =	sld [smem:$0x3F90];
	_ =	swait.ge [sflag:s4], $0x0  }
0x19: {  	s7 =	sld [smem:$0x3F91]  }
0x1a: {  	s8 =	sadd.s32 $0xFFFFE003, lr  }
0x1b: {  	s9 =	sadd.s32 $0xFFFFFEF7, lr;
	s5 =	simm.s32 $0xFFFFFFFF;
	p2 =	slt.u32 s8, $0xFFFFF086  }
0x1c: {  	p1 =	slt.u32 s9, $0xF7A;
	s5 =	simm.s32 @!p2 $0x0  }
0x1d: {  	s5 =	simm.s32 @p1 $0x1;
	p0 =	seq.s32 s7, s2  }
0x1e: {  	s7 =	smul.u32 @!p0 $0xF7A, s2;
	p2 =	seq.s32 @!p0 s5, $0x0  }
0x1f: {  	s9 =	smul.u32 $0xF7A, s1;
	s8 =	simm.s32 @!p0 $0x1BF5;
	p2 =	por !p2, p0  }
0x20: {  	[sflag:s8] =	ssyncset.s32 @!p0 $0xFFFFF086;
	s6 =	sadd.s32 @!p0 s3, s7;
	s7 =	simm.s32 @!p0 $0x108  }
0x21: {  	s3 =	sadd.s32 s3, s9;
	s6 =	sadd.s32 @!p0 $0x88, s6;
	s7 =	simm.s32 @p2 $0x1082  }
0x22: {  	[simem:s7], [sflag:s8] =	dma.local @!p0 [hbm:s6], $0xF7A  }
0x23: {  	s9 =	sor.u32 $0xD0000000, s2;
	s6 =	simm.s32 $0x108;
	_ =	swait.ge @!p0 [sflag:s8], $0x0  }
0x24: {  	s3 =	sadd.s32 $0x88, s3;
	s6 =	simm.s32 @!p1 $0x1082;
	[sflag:s4] =	ssyncset.s32 $0xFFFFF086  }
0x25: {  	[simem:s6], [sflag:s4] =	dma.local [hbm:s3], $0xF7A  }
0x26: {  	[smem:$0x3F91] =	sst s1;
	(tag) =	ssettag s2;
	_ =	strace s9  }
0x27: {  	s1 =	sld [smem:$0x3FA1]  }
0x28: {  	s2 =	sld [smem:$0x3FA2]  }
0x29: {  	s4 =	sld [smem:$0x3FA4]  }
0x2a: {  	p0 =	seq.s32 s5, $0x0;
	s5 =	sld [smem:$0x3FA5]  }
0x2b: {  	s6 =	sld [smem:$0x3FA6]  }
0x2c: {  	s7 =	sld [smem:$0x3FA7]  }
0x2d: {  	s3 =	simm.s32 $0x108;
	s8 =	sld [smem:$0x3FA8]  }
0x2e: {  	s3 =	simm.s32 @!p0 $0x1082;
	s9 =	sld [smem:$0x3FA9]  }
0x2f: {  	lr =	sadd.s32 s0, s3;
	s0 =	sld [smem:$0x3FA0]  }
0x30: {  	s3 =	sld [smem:$0x3FA3]  }
0x31: {  	[smem:$0x3FAC] =	sst s10  }
0x32: {  	s10 =	sld [smem:$0x3FAA];
	_ =	sdelay $0x3  }
0x33: {  	p0 =	seq.s32 s10, $0x1;
	s10 =	sld [smem:$0x3FAC];
	_ =	sdelay $0x3  }
0x34: {  	[smem:$0x3FAC] =	sst s10  }
0x35: {  	s10 =	sld [smem:$0x3FAB];
	_ =	sdelay $0x3  }
0x36: {  	p1 =	seq.s32 s10, $0x1;
	s10 =	sld [smem:$0x3FAC];
	_ =	sdelay $0x3  }
0x37: {  	[smem:$0x3FAC] =	sst s10  }
0x38: {  	s10 =	sld [smem:$0x3FAD]  }
0x39: {  	_ = 	snop;
	(pc) =	sbr.ind lr, $3  }
0x3a: {  	_ = 	snop  }
0x3b: {  	_ = 	snop  }
0x3c: {  	p2 =	seq.s32 s10, $0x1;
	s10 =	sld [smem:$0x3FAC]  }
0x3d: {  	_ =	shalt  }
0x3e: {  	_ =	shalt  }
0x3f: {  	_ =	shalt  }
0x40: {  	_ =	shalt  }
0x41: {  	_ =	shalt  }
0x42: {  	_ =	shalt  }
0x43: {  	_ =	shalt  }
0x44: {  	_ =	shalt  }
0x45: {  	_ =	shalt  }
0x46: {  	_ =	shalt  }
0x47: {  	_ =	shalt  }
0x48: {  	_ =	shalt  }
0x49: {  	_ =	shalt  }
0x4a: {  	_ =	shalt  }
0x4b: {  	_ =	shalt  }
0x4c: {  	_ =	shalt  }
0x4d: {  	_ =	shalt  }
0x4e: {  	_ =	shalt  }
0x4f: {  	_ =	shalt  }
0x50: {  	_ =	shalt  }
0x51: {  	_ =	shalt  }
0x52: {  	_ =	shalt  }
0x53: {  	_ =	shalt  }
0x54: {  	_ =	shalt  }
0x55: {  	_ =	shalt  }
0x56: {  	_ =	shalt  }
0x57: {  	_ =	shalt  }
0x58: {  	_ =	shalt  }
0x59: {  	_ =	shalt  }
0x5a: {  	_ =	shalt  }
0x5b: {  	_ =	shalt  }
0x5c: {  	_ =	shalt  }
0x5d: {  	_ =	shalt  }
0x5e: {  	_ =	shalt  }
0x5f: {  	_ =	shalt  }
0x60: {  	_ =	shalt  }
0x61: {  	_ =	shalt  }
0x62: {  	_ =	shalt  }
0x63: {  	_ =	shalt  }
0x64: {  	_ =	shalt  }
0x65: {  	_ =	shalt  }
0x66: {  	_ =	shalt  }
0x67: {  	_ =	shalt  }
0x68: {  	_ =	shalt  }
0x69: {  	_ =	shalt  }
0x6a: {  	_ =	shalt  }
0x6b: {  	_ =	shalt  }
0x6c: {  	_ =	shalt  }
0x6d: {  	_ =	shalt  }
0x6e: {  	_ =	shalt  }
0x6f: {  	_ =	shalt  }
0x70: {  	_ =	shalt  }
0x71: {  	_ =	shalt  }
0x72: {  	_ =	shalt  }
0x73: {  	_ =	shalt  }
0x74: {  	_ =	shalt  }
0x75: {  	_ =	shalt  }
0x76: {  	_ =	shalt  }
0x77: {  	_ =	shalt  }
0x78: {  	_ =	shalt  }
0x79: {  	_ =	shalt  }
0x7a: {  	_ =	shalt  }
0x7b: {  	_ =	shalt  }
0x7c: {  	_ =	shalt  }
0x7d: {  	_ =	shalt  }
0x7e: {  	_ =	shalt  }
0x7f: {  	_ =	shalt  }
0x80: {  	_ =	shalt  }
0x81: {  	_ =	shalt  }
0x82: {  	_ =	shalt  }
0x83: {  	_ =	shalt  }
0x84: {  	_ =	shalt  }
0x85: {  	_ =	shalt  }
0x86: {  	_ =	shalt  }
0x87: {  	_ =	shalt  }
.Lfunc_end0:
.L_simem_size_0:
called_computation.2_lowered:
.L_overlay_start_0:
0x88: {  	s2 =	sld [smem:$0x3FD9]  }
0x89: {  	s3 =	sld [smem:$0x3FFE];
	_ =	sdelay $0x1  }
0x8a: {  	s1 =	srdreg.scid  }
0x8b: {  	s0 =	sand.u32 $0x1, s1  }
0x8c: {  	s16 =	sshll.u32 s0, $0xA;
	s2 =	sadd.s32 s3, s2  }
0x8d: {  	s2 =	sadd.s32 s2, s16  }
0x8e: {  	[smem:$0x3FB8] =	sst s2  }
0x8f: {  	_ = 	snop  }
0x90: {  	(tm) =	ssettm $0x1  }
0x91: {  	s17 =	sld [smem:$0x3FFB];
	_ =	sdelay $0x3  }
0x92: {  	_ =	strace s17  }
0x93: {  	s2 =	sld [smem:$0x3FFC];
	_ =	sdelay $0x3  }
0x94: {  	_ =	strace s2  }
0x95: {  	s2 =	sld [smem:$0x3FFD];
	_ =	sdelay $0x3  }
0x96: {  	_ =	strace s2  }
0x97: {  	_ =	strace $0x8FFFFFFF  }
0x98: {  	s18 =	sld [smem:$0x3FDB];
	_ =	sdelay $0x1  }
0x99: {  	s19 =	simm.s32 $_scs_section_size  }
0x9a: {  	s4 =	simm.s32 $_size__tile_overlayer_lowered;
	s5 =	simm.s32 $_tile_overlayer_lowered  }
0x9b: {  	s22 =	simm.s32 $0x1BFF;
	s21 =	sshll.u32 s5, $0x1;
	s2 =	sadd.s32 s19, s18  }
0x9c: {  	s6 =	simm.s32 $0x0;
	s20 =	sshll.u32 s4, $0x1;
	s4 =	sadd.s32 s21, s2  }
0x9d: {  	[timem:s6], [sflag:s22] =	dma.local [hbm:s4], s20  }
0x9e: {  	_ =	swait.ge [sflag:s22], s20  }
0x9f: {  	s3 =	ssub.s32 $0x0, s20;
	[sflag:s22] =	ssyncset.done $0x0  }
0xa0: {  	[sflag:s22] =	ssyncadd.s32 s3;
	_ =	sdelay $0x1  }
0xa1: {  	s23 =	simm.s32 $0x1B8B  }
0xa2: {  	_ =	swait.ge [sflag:s23], $0x1  }
0xa3: {  	[sflag:s23] =	ssyncset.done $0x0  }
0xa4: {  	s25 =	simm.s32 $0x1B8E;
	s24 =	sld [smem:$0x3FFE];
	[sflag:s23] =	ssyncadd.s32 $0xFFFFFFFF  }
0xa5: {  	s26 =	simm.s32 $execute0_lowered;
	[smem:$0x3FD2] =	sst s25  }
0xa6: {  	s4 =	sshll.u32 s26, $0x1;
	_ =	strace $0x8000004C;
	[dreg:$0x1] =	wrdreg $0xFFFFFFFF  }
0xa7: {  	s28 =	simm.s32 $_size_execute0_lowered;
	s2 =	sadd.s32 s2, s4;
	[dreg:$0x0] =	wrdreg $0x0  }
0xa8: {  	s4 =	sshll.u32 s28, $0x1;
	[dreg:$0x2] =	wrdreg s2  }
0xa9: {  	[dreg:$0x3] =	wrdreg s4  }
0xaa: {  	[dreg:$0x4] =	wrdreg $0xC0  }
0xab: {  	_ =	task [dreg:s6], $0x5FFFF  }
0xac: {  	[dreg:$0x1] =	wrdreg $0xFFFFFFFF  }
0xad: {  	[dreg:$0x0] =	wrdreg $0x60  }
0xae: {  	[dreg:$0x2] =	wrdreg s24  }
0xaf: {  	[dreg:$0x3] =	wrdreg $0x9  }
0xb0: {  	_ =	task.clear_ibuf [dreg:s6], $0x4FFFF;
	_ =	strace $0x9000004C  }
0xb1: {  	s29 =	simm.s32 $0x9;
	_ =	strace $0x8000004E  }
0xb2: {  	_ =	swait.ge [sflag:s29], $0x1  }
0xb3: {  	[sflag:s29] =	ssyncadd.s32 $0xFFFFFFFF  }
0xb4: {  	_ =	strace $0x9000004E  }
0xb5: {  	_ =	sfence  }
0xb6: {  	s30 =	sld [smem:$0x0];
	_ =	sdelay $0x2  }
0xb7: {  	s31 =	sshll.u32 s1, $0xD;
	s1 =	sshrl.u32 s1, $0x2  }
0xb8: {  	s3 =	sand.u32 $0x4000, s31;
	s1 =	sadd.s32 s1, s30  }
0xb9: {  	s0 =	sor.u32 s3, s0;
	s1 =	sshll.u32 s1, $0x11  }
0xba: {  	s0 =	sor.u32 s1, s0  }
0xbb: {  	s0 =	sadd.s32 $0x8F2B, s0  }
0xbc: {  	[sflag:s0] =	ssyncadd.remote.s32 $0x1  }
0xbd: {  	_ =	sfence.sel $0xFFFF  }
0xbe: {  	[dreg:$0x0] =	wrdreg $0xFFFFFFFF;
	(pc) =	sbr.abs _section_cstart, $3  }
0xbf: {  	[dreg:$0x1] =	wrdreg $0xFFFFFFFF  }
0xc0: {  	_ =	task.clear_ibuf [dreg:s6], $0x2FFFF;
	_ =	strace $0x9FFFFFFF  }
0xc1: {  	(tm) =	ssettm $0x7FFFFFFF  }
tec
execute0_lowered:
.L_overlay_start_1:
0x0: {  	(tag) =	ssettag $0x1  }
0x1: {  	s0 =	rddreg [dreg:$0x0];
	s2 =	simm.s32 $0x0  }
0x2: {  	s1 =	srdreg.scid;
	s11 =	stileid.u32;
	s28 =	simm.s32 $0x1  }
0x3: {  	s29 =	simm.s32 $0x3;
	s30 =	simm.s32 $0x9E00;
	s31 =	simm.s32 $0xC580  }
0x4: {  	[smem:$0x7FF] =	sst s2;
	s1 =	sand.u32 $0x1, s1;
	s5 =	smul.u32 $0x13C00, s11  }
0x5: {  	s6 =	sadd.s32 $0x4F1200, s0;
	s3 =	sadd.s32 $0xF200, s0;
	s4 =	sadd.s32 $0x5400, s0  }
0x6: {  	s9 =	sadd.s32 $0x518A00, s0;
	s16 =	smul.u32 $0x271000, s11;
	s7 =	sshll.u32 s1, $0x9  }
0x7: {  	s11 =	sadd.s32 $0x5590, s0;
	s1 =	ssub.s32 $0x2, s1;
	s5 =	sor.u32 s7, s5  }
0x8: {  	_ =	strace $0x8000004D;
	s8 =	sshrl.u32 s1, $0x1;
	s5 =	sshrl.u32 s5, $0x3  }
0x9: {  	s1 =	ssub.s32 s1, s8;
	s8 =	sor.u32 s7, s16;
	s10 =	sor.u32 $0x10, s5  }
0xa: {  	s17 =	sadd.s32 s6, s5;
	s12 =	sor.u32 $0x20, s5;
	s13 =	sor.u32 $0x30, s5  }
0xb: {  	s20 =	sshrl.u32 s8, $0x3;
	s7 =	sadd.s32 $0x6400, s8;
	s22 =	sadd.s32 s9, s5  }
0xc: {  	s26 =	smax.u32 s1, $0x1;
	s1 =	simm.s32 $0x11480;
	[dreg:$0x2] =	wrdreg s17  }
0xd: {  	s5 =	simm.s32 $0x2;
	s18 =	sadd.s32 s6, s10;
	[dreg:$0x8] =	wrdreg s22  }
0xe: {  	s19 =	sadd.s32 s6, s12;
	s6 =	sadd.s32 s6, s13;
	[dreg:$0xc] =	wrdreg s26  }
0xf: {  	s21 =	sshrl.u32 s7, $0x3;
	s23 =	sadd.s32 s9, s10;
	[dreg:$0x3] =	wrdreg s18  }
0x10: {  	s24 =	sadd.s32 s9, s12;
	s25 =	sadd.s32 s9, s13;
	[dreg:$0x4] =	wrdreg s19  }
0x11: {  	s22 =	simm.s32 $0x4F00;
	s26 =	simm.s32 $0x18700;
	[dreg:$0x5] =	wrdreg s6  }
0x12: {  	s7 =	simm.s32 $0x0;
	s6 =	sadd.s32 s3, s20;
	[dreg:$0x9] =	wrdreg s23  }
.Ltmp0:
0x13: {  	s0 =	sadd.s32 s3, s21;
	[dreg:$0xa] =	wrdreg s24;
	(pc) =	sbr.rel .LBB2_1-.Ltmp0, $4  }
0x14: {  	[dreg:$0xb] =	wrdreg s25;
	s18 =	simm.s32 $0x80;
	s19 =	simm.s32 $0x400  }
0x15: {  	s20 =	simm.s32 $0x5;
	s21 =	simm.s32 $0x2780;
	s23 =	simm.s32 $0x7680  }
0x16: {  	s24 =	simm.s32 $0x200;
	s25 =	simm.s32 $0x15500;
	[dreg:$0x6] =	wrdreg s6  }
0x17: {  	v0 =	vimm.f32 $0.0e+00;
	[dreg:$0x7] =	wrdreg s0;
	s0 =	simm.s32 $0xED00;
	s6 =	simm.s32 $0x4  }
.LBB2_20:
0x18: {  	s9 =	rddreg [dreg:$0x8]  }
0x19: {  	[hbm4b:s9+s18] =	stream.strided.scatter [tilespmem:s30], [sflag:$0x5], $0x2780, s19, s18, $0x38;
	[tilespmem:$0x1B900] =	vst v63  }
0x1a: {  	_ =	swait.ge [sflag:s20], $0x2780  }
0x1b: {  	[sflag:s20] =	ssyncset.done $0x0  }
0x1c: {  	s14 =	rddreg [dreg:$0x9];
	[sflag:s20] =	ssyncadd.s32 $0xFFFFD880  }
0x1d: {  	[hbm4b:s14+s18] =	stream.strided.scatter [tilespmem:s31], [sflag:$0x5], $0x2780, s19, s18, $0x38;
	[tilespmem:$0x1B900] =	vst v63  }
0x1e: {  	_ =	swait.ge [sflag:s20], $0x2780  }
0x1f: {  	[sflag:s20] =	ssyncset.done $0x0  }
0x20: {  	s15 =	rddreg [dreg:$0xa];
	[sflag:s20] =	ssyncadd.s32 $0xFFFFD880  }
0x21: {  	[hbm4b:s15+s18] =	stream.strided.scatter [tilespmem:s0], [sflag:$0x5], $0x2780, s19, s18, $0x38;
	[tilespmem:$0x1B900] =	vst v63  }
0x22: {  	_ =	swait.ge [sflag:s20], $0x2780  }
0x23: {  	[sflag:s20] =	ssyncset.done $0x0  }
0x24: {  	s16 =	rddreg [dreg:$0xb];
	[sflag:s20] =	ssyncadd.s32 $0xFFFFD880  }
0x25: {  	[hbm4b:s16+s18] =	stream.strided.scatter [tilespmem:s1], [sflag:$0x5], $0x2780, s19, s18, $0x38;
	[tilespmem:$0x1B900] =	vst v63  }
0x26: {  	_ =	swait.ge [sflag:s20], $0x2780  }
0x27: {  	s7 =	sadd.s32 $0x1, s7;
	s17 =	rddreg [dreg:$0xc]  }
0x28: {  	p0 =	sne.s32 s7, s17  }
.Ltmp1:
0x29: {  	_ = 	snop;
	(pc) =	sbr.rel @!p0 .LBB2_21-.Ltmp1, $3  }
0x2a: {  	_ =	sdelay $0x1  }
0x2b: {  	[sflag:s20] =	ssyncset.done $0x0  }
0x2c: {  	[sflag:s20] =	ssyncadd.s32 $0xFFFFD880  }
.LBB2_1:
0x2d: {  	s9 =	rddreg [dreg:$0x2]  }
0x2e: {  	[tilespmem:s2], [sflag:$0x5] =	stream.strided.gather [hbm4b:s9+s18], $0x2780, s19, s18, $0x38;
	[tilespmem:$0x1B900] =	vst v63  }
0x2f: {  	_ =	swait.ge [sflag:s20], $0x2780  }
0x30: {  	[sflag:s20] =	ssyncset.done $0x0  }
0x31: {  	s15 =	rddreg [dreg:$0x3];
	[sflag:s20] =	ssyncadd.s32 $0xFFFFD880  }
0x32: {  	[tilespmem:s21], [sflag:$0x5] =	stream.strided.gather [hbm4b:s15+s18], $0x2780, s19, s18, $0x38;
	[tilespmem:$0x1B900] =	vst v63  }
0x33: {  	_ =	swait.ge [sflag:s20], $0x2780  }
0x34: {  	[sflag:s20] =	ssyncset.done $0x0  }
0x35: {  	s16 =	rddreg [dreg:$0x4];
	[sflag:s20] =	ssyncadd.s32 $0xFFFFD880  }
0x36: {  	[tilespmem:s22], [sflag:$0x5] =	stream.strided.gather [hbm4b:s16+s18], $0x2780, s19, s18, $0x38;
	[tilespmem:$0x1B900] =	vst v63  }
0x37: {  	_ =	swait.ge [sflag:s20], $0x2780  }
0x38: {  	[sflag:s20] =	ssyncset.done $0x0  }
0x39: {  	s17 =	rddreg [dreg:$0x5];
	[sflag:s20] =	ssyncadd.s32 $0xFFFFD880  }
0x3a: {  	[tilespmem:s23], [sflag:$0x5] =	stream.strided.gather [hbm4b:s17+s18], $0x2780, s19, s18, $0x38;
	[tilespmem:$0x1B900] =	vst v63  }
0x3b: {  	_ =	swait.ge [sflag:s20], $0x2780  }
0x3c: {  	[sflag:s20] =	ssyncset.done $0x0  }
0x3d: {  	s9 =	simm.s32 $0x0;
	[sflag:s20] =	ssyncadd.s32 $0xFFFFD880  }
.LBB2_2:
0x3e: {  	p0 =	sne.s32 s9, $0x9C00  }
.Ltmp2:
0x3f: {  	s10 =	sshra.s32 s9, $0x2;
	(pc) =	sbr.rel @p0 .LBB2_2-.Ltmp2, $4  }
0x40: {  	[tilespmem:s10+$0x9E00] =	vst v0  }
0x41: {  	[tilespmem:s10+$0xC580] =	vst v0  }
0x42: {  	[tilespmem:s10+$0xED00] =	vst v0  }
0x43: {  	s9 =	sadd.s32 $0x40, s9;
	[tilespmem:s10+$0x11480] =	vst v0  }
0x44: {  	s9 =	simm.s32 $0x13C00  }
0x45: {  	s10 =	simm.s32 $0x10;
	s13 =	sadd.s32 $0x0, s4;
	s12 =	simm.s32 $0x13D00  }
.LBB2_4:
0x46: {  	[tilespmem:s9], [sflag:$0x1] =	stream.linear.gather [hbm4b:s13+s2], $0x80, $0x38;
	[tilespmem:$0x1B900] =	vst v63  }
0x47: {  	s13 =	smov.u32 s10;
	s9 =	smov.u32 s12;
	p0 =	sne.s32 s10, $0x180  }
.Ltmp3:
0x48: {  	s10 =	sadd.s32 $0x10, s10;
	(pc) =	sbr.rel @p0 .LBB2_4-.Ltmp3, $2  }
0x49: {  	_ =	sdelay $0x2  }
0x4a: {  	s12 =	sadd.s32 $0x100, s12;
	s13 =	sadd.s32 s13, s4  }
0x4b: {  	[tilespmem:s9], [sflag:$0x1] =	stream.linear.gather [hbm4b:s13+s2], $0x80, $0x38;
	[tilespmem:$0x1B900] =	vst v63  }
0x4c: {  	s17 =	rddreg [dreg:$0x6];
	s9 =	simm.s32 $0x13C80  }
0x4d: {  	s10 =	simm.s32 $0x10;
	s13 =	sadd.s32 $0x0, s11;
	s12 =	simm.s32 $0x13D80  }
0x4e: {  	[tilespmem:s25], [sflag:$0x3] =	stream.strided.gather [hbm4b:s17+s24], $0x3200, s19, s24, $0x38;
	[tilespmem:$0x1B900] =	vst v63  }
.LBB2_6:
0x4f: {  	[tilespmem:s9], [sflag:$0x2] =	stream.linear.gather [hbm4b:s13+s2], $0x80, $0x38;
	[tilespmem:$0x1B900] =	vst v63  }
0x50: {  	s13 =	smov.u32 s10;
	s9 =	smov.u32 s12;
	p0 =	sne.s32 s10, $0x180  }
.Ltmp4:
0x51: {  	s10 =	sadd.s32 $0x10, s10;
	(pc) =	sbr.rel @p0 .LBB2_6-.Ltmp4, $2  }
0x52: {  	_ =	sdelay $0x2  }
0x53: {  	s12 =	sadd.s32 $0x100, s12;
	s13 =	sadd.s32 s13, s11  }
0x54: {  	[tilespmem:s9], [sflag:$0x2] =	stream.linear.gather [hbm4b:s13+s2], $0x80, $0x38;
	[tilespmem:$0x1B900] =	vst v63  }
0x55: {  	s17 =	rddreg [dreg:$0x7];
	s9 =	simm.s32 $0x0  }
0x56: {  	[tilespmem:s26], [sflag:$0x4] =	stream.strided.gather [hbm4b:s17+s24], $0x3200, s19, s24, $0x38;
	[tilespmem:$0x1B900] =	vst v63  }
.LBB2_8:
0x57: {  	_ =	swait.ge [sflag:s28], $0xC80  }
0x58: {  	[sflag:s28] =	ssyncset.done $0x0  }
0x59: {  	[sflag:s28] =	ssyncadd.s32 $0xFFFFF380  }
0x5a: {  	_ =	swait.ge [sflag:s29], $0x3200  }
0x5b: {  	[sflag:s29] =	ssyncset.done $0x0  }
0x5c: {  	s10 =	simm.s32 $0x13C40;
	[sflag:s29] =	ssyncadd.s32 $0xFFFFCE00  }
0x5d: {  	v1 =	vld [tilespmem:s10+$0x30];
	_ =	sdelay $0x1  }
0x5e: {  	v2 =	vld [tilespmem:s10+$0xFFFFFFD0]  }
0x5f: {  	v3 =	vld [tilespmem:s10+$0xFFFFFFE0]  }
0x60: {  	v4 =	vld [tilespmem:s10+$0xFFFFFFF0]  }
0x61: {  	v5 =	vld [tilespmem:s10+$0x0];
	v15 =	vand.u32 $0xFFFF, v1  }
0x62: {  	v16 =	vld [tilespmem:s10+$0x10]  }
0x63: {  	v13 =	vld [tilespmem:s10+$0xFFFFFFC0]  }
0x64: {  	v17 =	vld [tilespmem:s10+$0x20];
	s10 =	simm.s32 $0x15600  }
0x65: {  	v18 =	vld [tilespmem:s10+$0xFFFFFF70]  }
0x66: {  	v14 =	vld.idx.msk [tilespmem:v15+s2+$0x0], $0xffff  }
0x67: {  	v26 =	vld [tilespmem:s10+$0xFFFFFF00]  }
0x68: {  	v27 =	vld [tilespmem:s10+$0xFFFFFF10]  }
0x69: {  	v28 =	vld [tilespmem:s10+$0xFFFFFF20];
	v22 =	vshrl.u32 v1, $0x10  }
0x6a: {  	v29 =	vld [tilespmem:s10+$0xFFFFFF30]  }
0x6b: {  	v30 =	vld [tilespmem:s10+$0xFFFFFF40];
	v1 =	vadd.f32 v14, v18  }
0x6c: {  	v31 =	vld [tilespmem:s10+$0xFFFFFF50];
	v6 =	vand.u32 $0xFFFF, v2  }
0x6d: {  	v32 =	vld [tilespmem:s10+$0xFFFFFF60];
	v7 =	vand.u32 $0xFFFF, v3;
	v1 =	vmax.f32 v1, $0.0e+00  }
0x6e: {  	v12 =	vand.u32 $0xFFFF, v13;
	[tilespmem:v22+s30+$0x0] =	vst.idx.add.f32.msk $0xffff, v1  }
0x6f: {  	v8 =	vand.u32 $0xFFFF, v4;
	v1 =	vld.idx.msk [tilespmem:v15+s21+$0x0], $0xffff  }
0x70: {  	v10 =	vand.u32 $0xFFFF, v5;
	v14 =	vld [tilespmem:s10+$0xFFFFFFF0]  }
0x71: {  	v11 =	vand.u32 $0xFFFF, v16;
	v19 =	vld.idx.msk [tilespmem:v6+s2+$0x0], $0xffff  }
0x72: {  	v9 =	vand.u32 $0xFFFF, v17;
	v20 =	vld.idx.msk [tilespmem:v7+s2+$0x0], $0xffff  }
0x73: {  	v62 =	vld.idx.msk [tilespmem:v12+s2+$0x0], $0xffff  }
0x74: {  	v21 =	vld.idx.msk [tilespmem:v8+s2+$0x0], $0xffff  }
0x75: {  	v23 =	vld.idx.msk [tilespmem:v10+s2+$0x0], $0xffff;
	v1 =	vadd.f32 v1, v14  }
0x76: {  	v24 =	vld.idx.msk [tilespmem:v11+s2+$0x0], $0xffff;
	v14 =	vshrl.u32 v13, $0x10  }
0x77: {  	v25 =	vld.idx.msk [tilespmem:v9+s2+$0x0], $0xffff;
	v13 =	vshrl.u32 v2, $0x10;
	v1 =	vmax.f32 v1, $0.0e+00  }
0x78: {  	v18 =	vadd.f32 v62, v26;
	v2 =	vshrl.u32 v3, $0x10;
	[tilespmem:v22+s31+$0x0] =	vst.idx.add.f32.msk $0xffff, v1  }
0x79: {  	v19 =	vadd.f32 v19, v27;
	v63 =	vld.idx.msk [tilespmem:v15+s22+$0x0], $0xffff  }
0x7a: {  	v27 =	vadd.f32 v20, v28;
	v3 =	vshrl.u32 v5, $0x10;
	v5 =	vmax.f32 v18, $0.0e+00;
	v28 =	vld [tilespmem:s10+$0x70]  }
0x7b: {  	v1 =	vshrl.u32 v4, $0x10;
	v4 =	vshrl.u32 v16, $0x10;
	v16 =	vmax.f32 v19, $0.0e+00;
	[tilespmem:v14+s30+$0x0] =	vst.idx.add.f32.msk $0xffff, v5  }
0x7c: {  	v5 =	vshrl.u32 v17, $0x10;
	v17 =	vmax.f32 v27, $0.0e+00;
	[tilespmem:v13+s30+$0x0] =	vst.idx.add.f32.msk $0xffff, v16  }
0x7d: {  	v30 =	vadd.f32 v23, v30;
	[tilespmem:v2+s30+$0x0] =	vst.idx.add.f32.msk $0xffff, v17  }
0x7e: {  	v39 =	vld [tilespmem:s10+$0xFFFFFF80]  }
0x7f: {  	v17 =	vmax.f32 v30, $0.0e+00;
	v40 =	vld [tilespmem:s10+$0xFFFFFF90]  }
0x80: {  	v29 =	vadd.f32 v21, v29;
	[tilespmem:v3+s30+$0x0] =	vst.idx.add.f32.msk $0xffff, v17  }
0x81: {  	v34 =	vld.idx.msk [tilespmem:v7+s21+$0x0], $0xffff  }
0x82: {  	v16 =	vmax.f32 v29, $0.0e+00;
	v41 =	vld [tilespmem:s10+$0xFFFFFFA0]  }
0x83: {  	v31 =	vadd.f32 v24, v31;
	[tilespmem:v1+s30+$0x0] =	vst.idx.add.f32.msk $0xffff, v16  }
0x84: {  	v36 =	vld.idx.msk [tilespmem:v10+s21+$0x0], $0xffff  }
0x85: {  	v16 =	vmax.f32 v31, $0.0e+00;
	v43 =	vld [tilespmem:s10+$0xFFFFFFC0]  }
0x86: {  	v33 =	vadd.f32 v25, v32;
	[tilespmem:v4+s30+$0x0] =	vst.idx.add.f32.msk $0xffff, v16  }
0x87: {  	v17 =	vadd.f32 v63, v28;
	v35 =	vld.idx.msk [tilespmem:v8+s21+$0x0], $0xffff  }
0x88: {  	v18 =	vmax.f32 v33, $0.0e+00;
	v42 =	vld [tilespmem:s10+$0xFFFFFFB0]  }
0x89: {  	[tilespmem:v5+s30+$0x0] =	vst.idx.add.f32.msk $0xffff, v18;
	v16 =	vmax.f32 v17, $0.0e+00  }
0x8a: {  	[tilespmem:v22+s0+$0x0] =	vst.idx.add.f32.msk $0xffff, v16  }
0x8b: {  	v16 =	vld.idx.msk [tilespmem:v12+s21+$0x0], $0xffff  }
0x8c: {  	v17 =	vld.idx.msk [tilespmem:v6+s21+$0x0], $0xffff  }
0x8d: {  	v15 =	vld.idx.msk [tilespmem:v15+s23+$0x0], $0xffff  }
0x8e: {  	v46 =	vld [tilespmem:s10+$0xF0]  }
0x8f: {  	v37 =	vld.idx.msk [tilespmem:v11+s21+$0x0], $0xffff  }
0x90: {  	v44 =	vld [tilespmem:s10+$0xFFFFFFD0];
	v16 =	vadd.f32 v16, v39  }
0x91: {  	v38 =	vld.idx.msk [tilespmem:v9+s21+$0x0], $0xffff;
	v17 =	vadd.f32 v17, v40  }
0x92: {  	v45 =	vld [tilespmem:s10+$0xFFFFFFE0];
	v16 =	vmax.f32 v16, $0.0e+00  }
0x93: {  	v15 =	vadd.f32 v15, v46;
	[tilespmem:v14+s31+$0x0] =	vst.idx.add.f32.msk $0xffff, v16;
	v16 =	vmax.f32 v17, $0.0e+00  }
0x94: {  	v18 =	vadd.f32 v34, v41;
	[tilespmem:v13+s31+$0x0] =	vst.idx.add.f32.msk $0xffff, v16  }
0x95: {  	v15 =	vmax.f32 v15, $0.0e+00;
	v54 =	vld [tilespmem:s10+$0x0]  }
0x96: {  	v17 =	vadd.f32 v35, v42;
	v16 =	vmax.f32 v18, $0.0e+00;
	[tilespmem:v22+s1+$0x0] =	vst.idx.add.f32.msk $0xffff, v15  }
0x97: {  	[tilespmem:v2+s31+$0x0] =	vst.idx.add.f32.msk $0xffff, v16  }
0x98: {  	v16 =	vmax.f32 v17, $0.0e+00;
	v55 =	vld [tilespmem:s10+$0x10]  }
0x99: {  	v47 =	vadd.f32 v36, v43;
	[tilespmem:v1+s31+$0x0] =	vst.idx.add.f32.msk $0xffff, v16  }
0x9a: {  	v49 =	vld.idx.msk [tilespmem:v7+s22+$0x0], $0xffff  }
0x9b: {  	v17 =	vadd.f32 v37, v44;
	v16 =	vmax.f32 v47, $0.0e+00;
	v56 =	vld [tilespmem:s10+$0x20]  }
0x9c: {  	[tilespmem:v3+s31+$0x0] =	vst.idx.add.f32.msk $0xffff, v16  }
0x9d: {  	v48 =	vadd.f32 v38, v45;
	v16 =	vmax.f32 v17, $0.0e+00;
	v17 =	vld.idx.msk [tilespmem:v6+s22+$0x0], $0xffff  }
0x9e: {  	v50 =	vld.idx.msk [tilespmem:v8+s22+$0x0], $0xffff  }
0x9f: {  	[tilespmem:v4+s31+$0x0] =	vst.idx.add.f32.msk $0xffff, v16;
	v16 =	vmax.f32 v48, $0.0e+00  }
0xa0: {  	[tilespmem:v5+s31+$0x0] =	vst.idx.add.f32.msk $0xffff, v16  }
0xa1: {  	v16 =	vld.idx.msk [tilespmem:v12+s22+$0x0], $0xffff  }
0xa2: {  	v57 =	vld [tilespmem:s10+$0x30]  }
0xa3: {  	v51 =	vld.idx.msk [tilespmem:v10+s22+$0x0], $0xffff  }
0xa4: {  	v58 =	vld [tilespmem:s10+$0x40]  }
0xa5: {  	v52 =	vld.idx.msk [tilespmem:v11+s22+$0x0], $0xffff  }
0xa6: {  	v59 =	vld [tilespmem:s10+$0x50];
	v16 =	vadd.f32 v16, v54  }
0xa7: {  	v53 =	vld.idx.msk [tilespmem:v9+s22+$0x0], $0xffff;
	v17 =	vadd.f32 v17, v55  }
0xa8: {  	v60 =	vld [tilespmem:s10+$0x60];
	v15 =	vmax.f32 v16, $0.0e+00  }
0xa9: {  	v16 =	vadd.f32 v49, v56;
	[tilespmem:v14+s0+$0x0] =	vst.idx.add.f32.msk $0xffff, v15;
	v15 =	vmax.f32 v17, $0.0e+00  }
0xaa: {  	[tilespmem:v13+s0+$0x0] =	vst.idx.add.f32.msk $0xffff, v15  }
0xab: {  	v17 =	vadd.f32 v50, v57;
	v15 =	vmax.f32 v16, $0.0e+00;
	v12 =	vld.idx.msk [tilespmem:v12+s23+$0x0], $0xffff  }
0xac: {  	[tilespmem:v2+s0+$0x0] =	vst.idx.add.f32.msk $0xffff, v15  }
0xad: {  	v15 =	vmax.f32 v17, $0.0e+00;
	v6 =	vld.idx.msk [tilespmem:v6+s23+$0x0], $0xffff  }
0xae: {  	v16 =	vadd.f32 v51, v58;
	[tilespmem:v1+s0+$0x0] =	vst.idx.add.f32.msk $0xffff, v15  }
0xaf: {  	v7 =	vld.idx.msk [tilespmem:v7+s23+$0x0], $0xffff  }
0xb0: {  	v15 =	vmax.f32 v16, $0.0e+00;
	v61 =	vld [tilespmem:s10+$0xA0]  }
0xb1: {  	v17 =	vadd.f32 v52, v59;
	[tilespmem:v3+s0+$0x0] =	vst.idx.add.f32.msk $0xffff, v15  }
0xb2: {  	v8 =	vld.idx.msk [tilespmem:v8+s23+$0x0], $0xffff  }
0xb3: {  	v16 =	vadd.f32 v53, v60;
	v15 =	vmax.f32 v17, $0.0e+00;
	v17 =	vld [tilespmem:s10+$0x90]  }
0xb4: {  	v62 =	vld [tilespmem:s10+$0xB0]  }
0xb5: {  	[tilespmem:v4+s0+$0x0] =	vst.idx.add.f32.msk $0xffff, v15;
	v15 =	vmax.f32 v16, $0.0e+00  }
0xb6: {  	[tilespmem:v5+s0+$0x0] =	vst.idx.add.f32.msk $0xffff, v15  }
0xb7: {  	v15 =	vld [tilespmem:s10+$0x80]  }
0xb8: {  	v16 =	vld.idx.msk [tilespmem:v10+s23+$0x0], $0xffff  }
0xb9: {  	v63 =	vld [tilespmem:s10+$0xC0]  }
0xba: {  	v10 =	vld.idx.msk [tilespmem:v11+s23+$0x0], $0xffff  }
0xbb: {  	v11 =	vld.idx.msk [tilespmem:v9+s23+$0x0], $0xffff  }
0xbc: {  	v6 =	vadd.f32 v6, v17;
	v9 =	vadd.f32 v12, v15;
	v15 =	vld [tilespmem:s10+$0xD0]  }
0xbd: {  	v12 =	vld [tilespmem:s10+$0xE0]  }
0xbe: {  	v17 =	vadd.f32 v7, v61;
	v6 =	vmax.f32 v6, $0.0e+00  }
0xbf: {  	v7 =	vadd.f32 v8, v62;
	[tilespmem:v13+s1+$0x0] =	vst.idx.add.f32.msk $0xffff, v6;
	v9 =	vmax.f32 v9, $0.0e+00  }
0xc0: {  	s12 =	simm.s32 $0x0;
	s13 =	simm.s32 $0x13D40;
	v8 =	vmax.f32 v17, $0.0e+00;
	v6 =	vadd.f32 v16, v63;
	[tilespmem:v14+s1+$0x0] =	vst.idx.add.f32.msk $0xffff, v9  }
.LBB2_9:
0xc1: {  	v21 =	vld [tilespmem:s13+$0x30];
	s12 =	sadd.s32 $0x8, s12;
	v9 =	vmax.f32 v7, $0.0e+00;
	v7 =	vadd.f32 v10, v15  }
0xc2: {  	v10 =	vld [tilespmem:s13+$0xFFFFFFD0];
	p0 =	slt.u32 s12, $0xC0;
	v19 =	vmax.f32 v6, $0.0e+00;
	v6 =	vadd.f32 v11, v12  }
0xc3: {  	v11 =	vld [tilespmem:s13+$0xFFFFFFE0];
	v16 =	vmax.f32 v7, $0.0e+00  }
0xc4: {  	v12 =	vld [tilespmem:s13+$0xFFFFFFF0];
	v7 =	vmax.f32 v6, $0.0e+00  }
0xc5: {  	v13 =	vld [tilespmem:s13+$0x0]  }
0xc6: {  	v14 =	vld [tilespmem:s13+$0x10];
	v22 =	vand.u32 $0xFFFF, v21  }
0xc7: {  	v6 =	vshrl.u32 v10, $0x10;
	v10 =	vand.u32 $0xFFFF, v10;
	v15 =	vld [tilespmem:s13+$0x20]  }
0xc8: {  	v17 =	vld [tilespmem:s13+$0xFFFFFFC0];
	v18 =	vshrl.u32 v11, $0x10;
	v11 =	vand.u32 $0xFFFF, v11  }
0xc9: {  	v23 =	vshrl.u32 v12, $0x10;
	v12 =	vand.u32 $0xFFFF, v12;
	[tilespmem:v2+s1+$0x0] =	vst.idx.add.f32.msk $0xffff, v8;
	v2 =	vmov v18  }
0xca: {  	v20 =	vshrl.u32 v13, $0x10;
	v13 =	vand.u32 $0xFFFF, v13;
	[tilespmem:v1+s1+$0x0] =	vst.idx.add.f32.msk $0xffff, v9;
	v1 =	vmov v23  }
0xcb: {  	s10 =	sadd.s32 $0x200, s10;
	v18 =	vshrl.u32 v14, $0x10;
	v14 =	vand.u32 $0xFFFF, v14;
	v23 =	vld.idx.msk [tilespmem:v22+s2+$0x0], $0xffff  }
0xcc: {  	v8 =	vshrl.u32 v15, $0x10;
	v15 =	vand.u32 $0xFFFF, v15;
	v24 =	vld [tilespmem:s10+$0xFFFFFF70]  }
0xcd: {  	v9 =	vshrl.u32 v17, $0x10;
	v17 =	vand.u32 $0xFFFF, v17;
	v25 =	vld.idx.msk [tilespmem:v10+s2+$0x0], $0xffff  }
0xce: {  	v26 =	vld.idx.msk [tilespmem:v11+s2+$0x0], $0xffff  }
0xcf: {  	v21 =	vshrl.u32 v21, $0x10;
	v27 =	vld.idx.msk [tilespmem:v12+s2+$0x0], $0xffff  }
0xd0: {  	v28 =	vld.idx.msk [tilespmem:v13+s2+$0x0], $0xffff  }
0xd1: {  	v29 =	vld.idx.msk [tilespmem:v14+s2+$0x0], $0xffff;
	v23 =	vadd.f32 v23, v24  }
0xd2: {  	v24 =	vld.idx.msk [tilespmem:v17+s2+$0x0], $0xffff  }
0xd3: {  	v30 =	vld.idx.msk [tilespmem:v15+s2+$0x0], $0xffff;
	v23 =	vmax.f32 v23, $0.0e+00  }
0xd4: {  	[tilespmem:v21+s30+$0x0] =	vst.idx.add.f32.msk $0xffff, v23  }
0xd5: {  	v23 =	vld.idx.msk [tilespmem:v22+s21+$0x0], $0xffff  }
0xd6: {  	v31 =	vld [tilespmem:s10+$0xFFFFFFF0]  }
0xd7: {  	v32 =	vld [tilespmem:s10+$0xFFFFFF00]  }
0xd8: {  	v33 =	vld [tilespmem:s10+$0xFFFFFF10]  }
0xd9: {  	v34 =	vld [tilespmem:s10+$0xFFFFFF20]  }
0xda: {  	v35 =	vld [tilespmem:s10+$0xFFFFFF30]  }
0xdb: {  	v36 =	vld [tilespmem:s10+$0xFFFFFF40];
	v23 =	vadd.f32 v23, v31  }
0xdc: {  	v24 =	vadd.f32 v24, v32;
	v31 =	vld [tilespmem:s10+$0xFFFFFF50]  }
0xdd: {  	v25 =	vadd.f32 v25, v33;
	v32 =	vld [tilespmem:s10+$0xFFFFFF60];
	v23 =	vmax.f32 v23, $0.0e+00  }
0xde: {  	v24 =	vmax.f32 v24, $0.0e+00;
	v26 =	vadd.f32 v26, v34;
	[tilespmem:v21+s31+$0x0] =	vst.idx.add.f32.msk $0xffff, v23  }
0xdf: {  	v23 =	vmax.f32 v25, $0.0e+00;
	v25 =	vadd.f32 v27, v35;
	v27 =	vld.idx.msk [tilespmem:v22+s22+$0x0], $0xffff  }
0xe0: {  	v26 =	vmax.f32 v26, $0.0e+00;
	v28 =	vadd.f32 v28, v36;
	v33 =	vld [tilespmem:s10+$0x70]  }
0xe1: {  	[tilespmem:v9+s30+$0x0] =	vst.idx.add.f32.msk $0xffff, v24;
	v24 =	vmax.f32 v25, $0.0e+00;
	v25 =	vadd.f32 v29, v31  }
0xe2: {  	[tilespmem:v6+s30+$0x0] =	vst.idx.add.f32.msk $0xffff, v23;
	v23 =	vmax.f32 v28, $0.0e+00;
	v28 =	vadd.f32 v30, v32  }
0xe3: {  	[tilespmem:v2+s30+$0x0] =	vst.idx.add.f32.msk $0xffff, v26;
	v25 =	vmax.f32 v25, $0.0e+00  }
0xe4: {  	[tilespmem:v1+s30+$0x0] =	vst.idx.add.f32.msk $0xffff, v24;
	v24 =	vmax.f32 v28, $0.0e+00  }
0xe5: {  	[tilespmem:v20+s30+$0x0] =	vst.idx.add.f32.msk $0xffff, v23;
	v23 =	vadd.f32 v27, v33  }
0xe6: {  	[tilespmem:v18+s30+$0x0] =	vst.idx.add.f32.msk $0xffff, v25  }
0xe7: {  	[tilespmem:v8+s30+$0x0] =	vst.idx.add.f32.msk $0xffff, v24;
	v23 =	vmax.f32 v23, $0.0e+00  }
0xe8: {  	[tilespmem:v21+s0+$0x0] =	vst.idx.add.f32.msk $0xffff, v23  }
0xe9: {  	v22 =	vld.idx.msk [tilespmem:v22+s23+$0x0], $0xffff  }
0xea: {  	v23 =	vld [tilespmem:s10+$0xF0]  }
0xeb: {  	v24 =	vld.idx.msk [tilespmem:v17+s21+$0x0], $0xffff  }
0xec: {  	v25 =	vld.idx.msk [tilespmem:v10+s21+$0x0], $0xffff  }
0xed: {  	v26 =	vld.idx.msk [tilespmem:v11+s21+$0x0], $0xffff  }
0xee: {  	v27 =	vld.idx.msk [tilespmem:v12+s21+$0x0], $0xffff  }
0xef: {  	v28 =	vld.idx.msk [tilespmem:v13+s21+$0x0], $0xffff;
	v22 =	vadd.f32 v22, v23  }
0xf0: {  	v23 =	vld.idx.msk [tilespmem:v14+s21+$0x0], $0xffff  }
0xf1: {  	v29 =	vld.idx.msk [tilespmem:v15+s21+$0x0], $0xffff;
	v22 =	vmax.f32 v22, $0.0e+00  }
0xf2: {  	[tilespmem:v21+s1+$0x0] =	vst.idx.add.f32.msk $0xffff, v22  }
0xf3: {  	v21 =	vld [tilespmem:s10+$0xFFFFFF80]  }
0xf4: {  	v22 =	vld [tilespmem:s10+$0xFFFFFF90]  }
0xf5: {  	v30 =	vld [tilespmem:s10+$0xFFFFFFA0]  }
0xf6: {  	v31 =	vld [tilespmem:s10+$0xFFFFFFB0]  }
0xf7: {  	v32 =	vld [tilespmem:s10+$0xFFFFFFC0]  }
0xf8: {  	v21 =	vadd.f32 v24, v21;
	v24 =	vld [tilespmem:s10+$0xFFFFFFD0]  }
0xf9: {  	v22 =	vadd.f32 v25, v22;
	v25 =	vld [tilespmem:s10+$0xFFFFFFE0]  }
0xfa: {  	v21 =	vmax.f32 v21, $0.0e+00;
	v26 =	vadd.f32 v26, v30;
	[tilespmem:v3+s1+$0x0] =	vst.idx.add.f32.msk $0xffff, v19;
	v3 =	vmov v20  }
0xfb: {  	[tilespmem:v9+s31+$0x0] =	vst.idx.add.f32.msk $0xffff, v21;
	v19 =	vmax.f32 v22, $0.0e+00;
	v20 =	vadd.f32 v27, v31  }
0xfc: {  	[tilespmem:v6+s31+$0x0] =	vst.idx.add.f32.msk $0xffff, v19;
	v19 =	vmax.f32 v26, $0.0e+00;
	v21 =	vadd.f32 v28, v32  }
0xfd: {  	[tilespmem:v2+s31+$0x0] =	vst.idx.add.f32.msk $0xffff, v19;
	v19 =	vmax.f32 v20, $0.0e+00;
	v20 =	vadd.f32 v23, v24  }
0xfe: {  	[tilespmem:v1+s31+$0x0] =	vst.idx.add.f32.msk $0xffff, v19;
	v19 =	vmax.f32 v21, $0.0e+00;
	v21 =	vadd.f32 v29, v25  }
0xff: {  	[tilespmem:v3+s31+$0x0] =	vst.idx.add.f32.msk $0xffff, v19;
	v19 =	vmax.f32 v20, $0.0e+00  }
0x100: {  	[tilespmem:v18+s31+$0x0] =	vst.idx.add.f32.msk $0xffff, v19;
	v19 =	vmax.f32 v21, $0.0e+00  }
0x101: {  	[tilespmem:v8+s31+$0x0] =	vst.idx.add.f32.msk $0xffff, v19  }
0x102: {  	v19 =	vld.idx.msk [tilespmem:v17+s22+$0x0], $0xffff  }
0x103: {  	v20 =	vld.idx.msk [tilespmem:v10+s22+$0x0], $0xffff  }
0x104: {  	v21 =	vld.idx.msk [tilespmem:v11+s22+$0x0], $0xffff  }
0x105: {  	v22 =	vld.idx.msk [tilespmem:v12+s22+$0x0], $0xffff  }
0x106: {  	v23 =	vld.idx.msk [tilespmem:v13+s22+$0x0], $0xffff  }
0x107: {  	v24 =	vld.idx.msk [tilespmem:v14+s22+$0x0], $0xffff  }
0x108: {  	v25 =	vld.idx.msk [tilespmem:v15+s22+$0x0], $0xffff  }
0x109: {  	v26 =	vld [tilespmem:s10+$0x0]  }
0x10a: {  	v27 =	vld [tilespmem:s10+$0x10]  }
0x10b: {  	v28 =	vld [tilespmem:s10+$0x20]  }
0x10c: {  	v29 =	vld [tilespmem:s10+$0x30]  }
0x10d: {  	v30 =	vld [tilespmem:s10+$0x40]  }
0x10e: {  	v19 =	vadd.f32 v19, v26;
	v26 =	vld [tilespmem:s10+$0x50]  }
0x10f: {  	v20 =	vadd.f32 v20, v27;
	v27 =	vld [tilespmem:s10+$0x60]  }
0x110: {  	v19 =	vmax.f32 v19, $0.0e+00;
	v21 =	vadd.f32 v21, v28;
	[tilespmem:v4+s1+$0x0] =	vst.idx.add.f32.msk $0xffff, v16;
	v4 =	vmov v18  }
0x111: {  	[tilespmem:v9+s0+$0x0] =	vst.idx.add.f32.msk $0xffff, v19;
	v16 =	vmax.f32 v20, $0.0e+00;
	v18 =	vadd.f32 v22, v29  }
0x112: {  	[tilespmem:v6+s0+$0x0] =	vst.idx.add.f32.msk $0xffff, v16;
	v16 =	vmax.f32 v21, $0.0e+00;
	v19 =	vadd.f32 v23, v30  }
0x113: {  	[tilespmem:v2+s0+$0x0] =	vst.idx.add.f32.msk $0xffff, v16;
	v16 =	vmax.f32 v18, $0.0e+00;
	v18 =	vadd.f32 v24, v26  }
0x114: {  	[tilespmem:v1+s0+$0x0] =	vst.idx.add.f32.msk $0xffff, v16;
	v16 =	vmax.f32 v19, $0.0e+00;
	v19 =	vadd.f32 v25, v27  }
0x115: {  	[tilespmem:v3+s0+$0x0] =	vst.idx.add.f32.msk $0xffff, v16;
	v16 =	vmax.f32 v18, $0.0e+00  }
0x116: {  	[tilespmem:v4+s0+$0x0] =	vst.idx.add.f32.msk $0xffff, v16;
	v16 =	vmax.f32 v19, $0.0e+00  }
0x117: {  	[tilespmem:v8+s0+$0x0] =	vst.idx.add.f32.msk $0xffff, v16  }
0x118: {  	v16 =	vld.idx.msk [tilespmem:v17+s23+$0x0], $0xffff  }
0x119: {  	v17 =	vld.idx.msk [tilespmem:v10+s23+$0x0], $0xffff  }
0x11a: {  	v18 =	vld.idx.msk [tilespmem:v11+s23+$0x0], $0xffff  }
0x11b: {  	v19 =	vld.idx.msk [tilespmem:v12+s23+$0x0], $0xffff  }
0x11c: {  	v13 =	vld.idx.msk [tilespmem:v13+s23+$0x0], $0xffff  }
0x11d: {  	v10 =	vld.idx.msk [tilespmem:v14+s23+$0x0], $0xffff  }
0x11e: {  	v11 =	vld.idx.msk [tilespmem:v15+s23+$0x0], $0xffff  }
0x11f: {  	v12 =	vld [tilespmem:s10+$0x80]  }
0x120: {  	v14 =	vld [tilespmem:s10+$0x90]  }
0x121: {  	v20 =	vld [tilespmem:s10+$0xA0]  }
0x122: {  	v21 =	vld [tilespmem:s10+$0xB0]  }
0x123: {  	v22 =	vld [tilespmem:s10+$0xC0]  }
.Ltmp5:
0x124: {  	v16 =	vadd.f32 v16, v12;
	v15 =	vld [tilespmem:s10+$0xD0];
	(pc) =	sbr.rel @p0 .LBB2_9-.Ltmp5, $4  }
0x125: {  	v14 =	vadd.f32 v17, v14;
	v12 =	vld [tilespmem:s10+$0xE0]  }
0x126: {  	v16 =	vmax.f32 v16, $0.0e+00;
	v17 =	vadd.f32 v18, v20;
	[tilespmem:v5+s1+$0x0] =	vst.idx.add.f32.msk $0xffff, v7;
	v5 =	vmov v8  }
0x127: {  	[tilespmem:v9+s1+$0x0] =	vst.idx.add.f32.msk $0xffff, v16;
	v8 =	vmax.f32 v14, $0.0e+00;
	v7 =	vadd.f32 v19, v21  }
0x128: {  	s13 =	sadd.s32 $0x100, s13;
	[tilespmem:v6+s1+$0x0] =	vst.idx.add.f32.msk $0xffff, v8;
	v8 =	vmax.f32 v17, $0.0e+00;
	v6 =	vadd.f32 v13, v22  }
0x129: {  	_ =	sdelay $0x2  }
0x12a: {  	p0 =	seq.s32 s9, $0x31  }
.Ltmp6:
0x12b: {  	v7 =	vmax.f32 v7, $0.0e+00;
	v9 =	vadd.f32 v10, v15;
	[tilespmem:v2+s1+$0x0] =	vst.idx.add.f32.msk $0xffff, v8;
	(pc) =	sbr.rel @p0 .LBB2_14-.Ltmp6, $4  }
0x12c: {  	v2 =	vmax.f32 v6, $0.0e+00;
	v63 =	vadd.f32 v11, v12;
	[tilespmem:v1+s1+$0x0] =	vst.idx.add.f32.msk $0xffff, v7  }
0x12d: {  	v1 =	vmax.f32 v9, $0.0e+00;
	[tilespmem:v3+s1+$0x0] =	vst.idx.add.f32.msk $0xffff, v2  }
0x12e: {  	v2 =	vmax.f32 v63, $0.0e+00;
	[tilespmem:v4+s1+$0x0] =	vst.idx.add.f32.msk $0xffff, v1  }
0x12f: {  	s10 =	sshll.u32 s9, $0x1;
	[tilespmem:v5+s1+$0x0] =	vst.idx.add.f32.msk $0xffff, v2  }
0x130: {  	s12 =	sadd.s32 $0x2, s10  }
0x131: {  	s13 =	smul.u32 $0x190, s12;
	_ =	sdelay $0x1  }
0x132: {  	s14 =	simm.s32 $0x13C00;
	s13 =	sadd.s32 s4, s13  }
0x133: {  	s15 =	simm.s32 $0x10;
	s16 =	simm.s32 $0x13D00;
	s17 =	sadd.s32 $0x0, s13  }
.LBB2_12:
0x134: {  	[tilespmem:s14], [sflag:$0x1] =	stream.linear.gather [hbm4b:s17+s2], $0x80, $0x38;
	[tilespmem:$0x1B900] =	vst v63  }
0x135: {  	s17 =	smov.u32 s15;
	s14 =	smov.u32 s16;
	p1 =	sne.s32 s15, $0x180  }
.Ltmp7:
0x136: {  	s15 =	sadd.s32 $0x10, s15;
	(pc) =	sbr.rel @p1 .LBB2_12-.Ltmp7, $2  }
0x137: {  	_ =	sdelay $0x2  }
0x138: {  	s16 =	sadd.s32 $0x100, s16;
	s17 =	sadd.s32 s17, s13  }
0x139: {  	s12 =	smul.u32 $0x6400, s12  }
0x13a: {  	[tilespmem:s14], [sflag:$0x1] =	stream.linear.gather [hbm4b:s17+s2], $0x80, $0x38;
	[tilespmem:$0x1B900] =	vst v63  }
0x13b: {  	s12 =	sadd.s32 s8, s12  }
0x13c: {  	s12 =	sshrl.u32 s12, $0x3  }
0x13d: {  	s12 =	sadd.s32 s3, s12  }
0x13e: {  	[tilespmem:s25], [sflag:$0x3] =	stream.strided.gather [hbm4b:s12+s24], $0x3200, s19, s24, $0x38;
	[tilespmem:$0x1B900] =	vst v63  }
.LBB2_14:
0x13f: {  	_ =	swait.ge [sflag:s5], $0xC80  }
0x140: {  	[sflag:s5] =	ssyncset.done $0x0  }
0x141: {  	[sflag:s5] =	ssyncadd.s32 $0xFFFFF380  }
0x142: {  	_ =	swait.ge [sflag:s6], $0x3200  }
0x143: {  	[sflag:s6] =	ssyncset.done $0x0  }
0x144: {  	s12 =	simm.s32 $0x13CF0;
	[sflag:s6] =	ssyncadd.s32 $0xFFFFCE00  }
0x145: {  	v1 =	vld [tilespmem:s12+$0x0];
	_ =	sdelay $0x1  }
0x146: {  	v2 =	vld [tilespmem:s12+$0xFFFFFFA0]  }
0x147: {  	v3 =	vld [tilespmem:s12+$0xFFFFFFB0]  }
0x148: {  	v4 =	vld [tilespmem:s12+$0xFFFFFFC0]  }
0x149: {  	v5 =	vld [tilespmem:s12+$0xFFFFFFD0];
	v15 =	vand.u32 $0xFFFF, v1  }
0x14a: {  	v16 =	vld [tilespmem:s12+$0xFFFFFFE0]  }
0x14b: {  	v13 =	vld [tilespmem:s12+$0xFFFFFF90]  }
0x14c: {  	v17 =	vld [tilespmem:s12+$0xFFFFFFF0];
	s12 =	simm.s32 $0x188F0  }
0x14d: {  	v18 =	vld [tilespmem:s12+$0xFFFFFE80]  }
0x14e: {  	v14 =	vld.idx.msk [tilespmem:v15+s2+$0x0], $0xffff  }
0x14f: {  	v26 =	vld [tilespmem:s12+$0xFFFFFE10]  }
0x150: {  	v27 =	vld [tilespmem:s12+$0xFFFFFE20]  }
0x151: {  	v28 =	vld [tilespmem:s12+$0xFFFFFE30];
	v22 =	vshrl.u32 v1, $0x10  }
0x152: {  	v29 =	vld [tilespmem:s12+$0xFFFFFE40]  }
0x153: {  	v30 =	vld [tilespmem:s12+$0xFFFFFE50];
	v1 =	vadd.f32 v14, v18  }
0x154: {  	v31 =	vld [tilespmem:s12+$0xFFFFFE60];
	v6 =	vand.u32 $0xFFFF, v2  }
0x155: {  	v32 =	vld [tilespmem:s12+$0xFFFFFE70];
	v7 =	vand.u32 $0xFFFF, v3;
	v1 =	vmax.f32 v1, $0.0e+00  }
0x156: {  	v12 =	vand.u32 $0xFFFF, v13;
	[tilespmem:v22+s30+$0x0] =	vst.idx.add.f32.msk $0xffff, v1  }
0x157: {  	v8 =	vand.u32 $0xFFFF, v4;
	v1 =	vld.idx.msk [tilespmem:v15+s21+$0x0], $0xffff  }
0x158: {  	v10 =	vand.u32 $0xFFFF, v5;
	v14 =	vld [tilespmem:s12+$0xFFFFFF00]  }
0x159: {  	v11 =	vand.u32 $0xFFFF, v16;
	v19 =	vld.idx.msk [tilespmem:v6+s2+$0x0], $0xffff  }
0x15a: {  	v9 =	vand.u32 $0xFFFF, v17;
	v20 =	vld.idx.msk [tilespmem:v7+s2+$0x0], $0xffff  }
0x15b: {  	v62 =	vld.idx.msk [tilespmem:v12+s2+$0x0], $0xffff  }
0x15c: {  	v21 =	vld.idx.msk [tilespmem:v8+s2+$0x0], $0xffff  }
0x15d: {  	v23 =	vld.idx.msk [tilespmem:v10+s2+$0x0], $0xffff;
	v1 =	vadd.f32 v1, v14  }
0x15e: {  	v24 =	vld.idx.msk [tilespmem:v11+s2+$0x0], $0xffff;
	v14 =	vshrl.u32 v13, $0x10  }
0x15f: {  	v25 =	vld.idx.msk [tilespmem:v9+s2+$0x0], $0xffff;
	v13 =	vshrl.u32 v2, $0x10;
	v1 =	vmax.f32 v1, $0.0e+00  }
0x160: {  	v18 =	vadd.f32 v62, v26;
	v2 =	vshrl.u32 v3, $0x10;
	[tilespmem:v22+s31+$0x0] =	vst.idx.add.f32.msk $0xffff, v1  }
0x161: {  	v19 =	vadd.f32 v19, v27;
	v63 =	vld.idx.msk [tilespmem:v15+s22+$0x0], $0xffff  }
0x162: {  	v27 =	vadd.f32 v20, v28;
	v3 =	vshrl.u32 v5, $0x10;
	v5 =	vmax.f32 v18, $0.0e+00;
	v28 =	vld [tilespmem:s12+$0xFFFFFF80]  }
0x163: {  	v1 =	vshrl.u32 v4, $0x10;
	v4 =	vshrl.u32 v16, $0x10;
	v16 =	vmax.f32 v19, $0.0e+00;
	[tilespmem:v14+s30+$0x0] =	vst.idx.add.f32.msk $0xffff, v5  }
0x164: {  	v5 =	vshrl.u32 v17, $0x10;
	v17 =	vmax.f32 v27, $0.0e+00;
	[tilespmem:v13+s30+$0x0] =	vst.idx.add.f32.msk $0xffff, v16  }
0x165: {  	v30 =	vadd.f32 v23, v30;
	[tilespmem:v2+s30+$0x0] =	vst.idx.add.f32.msk $0xffff, v17  }
0x166: {  	v39 =	vld [tilespmem:s12+$0xFFFFFE90]  }
0x167: {  	v17 =	vmax.f32 v30, $0.0e+00;
	v40 =	vld [tilespmem:s12+$0xFFFFFEA0]  }
0x168: {  	v29 =	vadd.f32 v21, v29;
	[tilespmem:v3+s30+$0x0] =	vst.idx.add.f32.msk $0xffff, v17  }
0x169: {  	v34 =	vld.idx.msk [tilespmem:v7+s21+$0x0], $0xffff  }
0x16a: {  	v16 =	vmax.f32 v29, $0.0e+00;
	v41 =	vld [tilespmem:s12+$0xFFFFFEB0]  }
0x16b: {  	v31 =	vadd.f32 v24, v31;
	[tilespmem:v1+s30+$0x0] =	vst.idx.add.f32.msk $0xffff, v16  }
0x16c: {  	v36 =	vld.idx.msk [tilespmem:v10+s21+$0x0], $0xffff  }
0x16d: {  	v16 =	vmax.f32 v31, $0.0e+00;
	v43 =	vld [tilespmem:s12+$0xFFFFFED0]  }
0x16e: {  	v33 =	vadd.f32 v25, v32;
	[tilespmem:v4+s30+$0x0] =	vst.idx.add.f32.msk $0xffff, v16  }
0x16f: {  	v17 =	vadd.f32 v63, v28;
	v35 =	vld.idx.msk [tilespmem:v8+s21+$0x0], $0xffff  }
0x170: {  	v18 =	vmax.f32 v33, $0.0e+00;
	v42 =	vld [tilespmem:s12+$0xFFFFFEC0]  }
0x171: {  	[tilespmem:v5+s30+$0x0] =	vst.idx.add.f32.msk $0xffff, v18;
	v16 =	vmax.f32 v17, $0.0e+00  }
0x172: {  	[tilespmem:v22+s0+$0x0] =	vst.idx.add.f32.msk $0xffff, v16  }
0x173: {  	v16 =	vld.idx.msk [tilespmem:v12+s21+$0x0], $0xffff  }
0x174: {  	v17 =	vld.idx.msk [tilespmem:v6+s21+$0x0], $0xffff  }
0x175: {  	v15 =	vld.idx.msk [tilespmem:v15+s23+$0x0], $0xffff  }
0x176: {  	v46 =	vld [tilespmem:s12+$0x0]  }
0x177: {  	v37 =	vld.idx.msk [tilespmem:v11+s21+$0x0], $0xffff  }
0x178: {  	v44 =	vld [tilespmem:s12+$0xFFFFFEE0];
	v16 =	vadd.f32 v16, v39  }
0x179: {  	v38 =	vld.idx.msk [tilespmem:v9+s21+$0x0], $0xffff;
	v17 =	vadd.f32 v17, v40  }
0x17a: {  	v45 =	vld [tilespmem:s12+$0xFFFFFEF0];
	v16 =	vmax.f32 v16, $0.0e+00  }
0x17b: {  	v15 =	vadd.f32 v15, v46;
	[tilespmem:v14+s31+$0x0] =	vst.idx.add.f32.msk $0xffff, v16;
	v16 =	vmax.f32 v17, $0.0e+00  }
0x17c: {  	v18 =	vadd.f32 v34, v41;
	[tilespmem:v13+s31+$0x0] =	vst.idx.add.f32.msk $0xffff, v16  }
0x17d: {  	v15 =	vmax.f32 v15, $0.0e+00;
	v54 =	vld [tilespmem:s12+$0xFFFFFF10]  }
0x17e: {  	v17 =	vadd.f32 v35, v42;
	v16 =	vmax.f32 v18, $0.0e+00;
	[tilespmem:v22+s1+$0x0] =	vst.idx.add.f32.msk $0xffff, v15  }
0x17f: {  	[tilespmem:v2+s31+$0x0] =	vst.idx.add.f32.msk $0xffff, v16  }
0x180: {  	v16 =	vmax.f32 v17, $0.0e+00;
	v55 =	vld [tilespmem:s12+$0xFFFFFF20]  }
0x181: {  	v47 =	vadd.f32 v36, v43;
	[tilespmem:v1+s31+$0x0] =	vst.idx.add.f32.msk $0xffff, v16  }
0x182: {  	v49 =	vld.idx.msk [tilespmem:v7+s22+$0x0], $0xffff  }
0x183: {  	v17 =	vadd.f32 v37, v44;
	v16 =	vmax.f32 v47, $0.0e+00;
	v56 =	vld [tilespmem:s12+$0xFFFFFF30]  }
0x184: {  	[tilespmem:v3+s31+$0x0] =	vst.idx.add.f32.msk $0xffff, v16  }
0x185: {  	v48 =	vadd.f32 v38, v45;
	v16 =	vmax.f32 v17, $0.0e+00;
	v17 =	vld.idx.msk [tilespmem:v6+s22+$0x0], $0xffff  }
0x186: {  	v50 =	vld.idx.msk [tilespmem:v8+s22+$0x0], $0xffff  }
0x187: {  	[tilespmem:v4+s31+$0x0] =	vst.idx.add.f32.msk $0xffff, v16;
	v16 =	vmax.f32 v48, $0.0e+00  }
0x188: {  	[tilespmem:v5+s31+$0x0] =	vst.idx.add.f32.msk $0xffff, v16  }
0x189: {  	v16 =	vld.idx.msk [tilespmem:v12+s22+$0x0], $0xffff  }
0x18a: {  	v57 =	vld [tilespmem:s12+$0xFFFFFF40]  }
0x18b: {  	v51 =	vld.idx.msk [tilespmem:v10+s22+$0x0], $0xffff  }
0x18c: {  	v58 =	vld [tilespmem:s12+$0xFFFFFF50]  }
0x18d: {  	v52 =	vld.idx.msk [tilespmem:v11+s22+$0x0], $0xffff  }
0x18e: {  	v59 =	vld [tilespmem:s12+$0xFFFFFF60];
	v16 =	vadd.f32 v16, v54  }
0x18f: {  	v53 =	vld.idx.msk [tilespmem:v9+s22+$0x0], $0xffff;
	v17 =	vadd.f32 v17, v55  }
0x190: {  	v60 =	vld [tilespmem:s12+$0xFFFFFF70];
	v15 =	vmax.f32 v16, $0.0e+00  }
0x191: {  	v16 =	vadd.f32 v49, v56;
	[tilespmem:v14+s0+$0x0] =	vst.idx.add.f32.msk $0xffff, v15;
	v15 =	vmax.f32 v17, $0.0e+00  }
0x192: {  	[tilespmem:v13+s0+$0x0] =	vst.idx.add.f32.msk $0xffff, v15  }
0x193: {  	v17 =	vadd.f32 v50, v57;
	v15 =	vmax.f32 v16, $0.0e+00;
	v12 =	vld.idx.msk [tilespmem:v12+s23+$0x0], $0xffff  }
0x194: {  	[tilespmem:v2+s0+$0x0] =	vst.idx.add.f32.msk $0xffff, v15  }
0x195: {  	v15 =	vmax.f32 v17, $0.0e+00;
	v6 =	vld.idx.msk [tilespmem:v6+s23+$0x0], $0xffff  }
0x196: {  	v16 =	vadd.f32 v51, v58;
	[tilespmem:v1+s0+$0x0] =	vst.idx.add.f32.msk $0xffff, v15  }
0x197: {  	v7 =	vld.idx.msk [tilespmem:v7+s23+$0x0], $0xffff  }
0x198: {  	v15 =	vmax.f32 v16, $0.0e+00;
	v61 =	vld [tilespmem:s12+$0xFFFFFFB0]  }
0x199: {  	v17 =	vadd.f32 v52, v59;
	[tilespmem:v3+s0+$0x0] =	vst.idx.add.f32.msk $0xffff, v15  }
0x19a: {  	v8 =	vld.idx.msk [tilespmem:v8+s23+$0x0], $0xffff  }
0x19b: {  	v16 =	vadd.f32 v53, v60;
	v15 =	vmax.f32 v17, $0.0e+00;
	v17 =	vld [tilespmem:s12+$0xFFFFFFA0]  }
0x19c: {  	v62 =	vld [tilespmem:s12+$0xFFFFFFC0]  }
0x19d: {  	[tilespmem:v4+s0+$0x0] =	vst.idx.add.f32.msk $0xffff, v15;
	v15 =	vmax.f32 v16, $0.0e+00  }
0x19e: {  	[tilespmem:v5+s0+$0x0] =	vst.idx.add.f32.msk $0xffff, v15  }
0x19f: {  	v15 =	vld [tilespmem:s12+$0xFFFFFF90]  }
0x1a0: {  	v16 =	vld.idx.msk [tilespmem:v10+s23+$0x0], $0xffff  }
0x1a1: {  	v63 =	vld [tilespmem:s12+$0xFFFFFFD0]  }
0x1a2: {  	v10 =	vld.idx.msk [tilespmem:v11+s23+$0x0], $0xffff  }
0x1a3: {  	v11 =	vld.idx.msk [tilespmem:v9+s23+$0x0], $0xffff  }
0x1a4: {  	v6 =	vadd.f32 v6, v17;
	v9 =	vadd.f32 v12, v15;
	v15 =	vld [tilespmem:s12+$0xFFFFFFE0]  }
0x1a5: {  	v12 =	vld [tilespmem:s12+$0xFFFFFFF0]  }
0x1a6: {  	v17 =	vadd.f32 v7, v61;
	v6 =	vmax.f32 v6, $0.0e+00  }
0x1a7: {  	v7 =	vadd.f32 v8, v62;
	[tilespmem:v13+s1+$0x0] =	vst.idx.add.f32.msk $0xffff, v6;
	v9 =	vmax.f32 v9, $0.0e+00  }
0x1a8: {  	s13 =	simm.s32 $0x0;
	s14 =	simm.s32 $0x13DF0;
	v8 =	vmax.f32 v17, $0.0e+00;
	v6 =	vadd.f32 v16, v63;
	[tilespmem:v14+s1+$0x0] =	vst.idx.add.f32.msk $0xffff, v9  }
.LBB2_15:
0x1a9: {  	v21 =	vld [tilespmem:s14+$0x0];
	s13 =	sadd.s32 $0x8, s13;
	v9 =	vmax.f32 v7, $0.0e+00;
	v7 =	vadd.f32 v10, v15  }
0x1aa: {  	v10 =	vld [tilespmem:s14+$0xFFFFFFA0];
	p1 =	slt.u32 s13, $0xC0;
	v19 =	vmax.f32 v6, $0.0e+00;
	v6 =	vadd.f32 v11, v12  }
0x1ab: {  	v11 =	vld [tilespmem:s14+$0xFFFFFFB0];
	v16 =	vmax.f32 v7, $0.0e+00  }
0x1ac: {  	v12 =	vld [tilespmem:s14+$0xFFFFFFC0];
	v7 =	vmax.f32 v6, $0.0e+00  }
0x1ad: {  	v13 =	vld [tilespmem:s14+$0xFFFFFFD0]  }
0x1ae: {  	v14 =	vld [tilespmem:s14+$0xFFFFFFE0];
	v22 =	vand.u32 $0xFFFF, v21  }
0x1af: {  	v6 =	vshrl.u32 v10, $0x10;
	v10 =	vand.u32 $0xFFFF, v10;
	v15 =	vld [tilespmem:s14+$0xFFFFFFF0]  }
0x1b0: {  	v17 =	vld [tilespmem:s14+$0xFFFFFF90];
	v18 =	vshrl.u32 v11, $0x10;
	v11 =	vand.u32 $0xFFFF, v11  }
0x1b1: {  	v23 =	vshrl.u32 v12, $0x10;
	v12 =	vand.u32 $0xFFFF, v12;
	[tilespmem:v2+s1+$0x0] =	vst.idx.add.f32.msk $0xffff, v8;
	v2 =	vmov v18  }
0x1b2: {  	v20 =	vshrl.u32 v13, $0x10;
	v13 =	vand.u32 $0xFFFF, v13;
	[tilespmem:v1+s1+$0x0] =	vst.idx.add.f32.msk $0xffff, v9;
	v1 =	vmov v23  }
0x1b3: {  	s12 =	sadd.s32 $0x200, s12;
	v18 =	vshrl.u32 v14, $0x10;
	v14 =	vand.u32 $0xFFFF, v14;
	v23 =	vld.idx.msk [tilespmem:v22+s2+$0x0], $0xffff  }
0x1b4: {  	v8 =	vshrl.u32 v15, $0x10;
	v15 =	vand.u32 $0xFFFF, v15;
	v24 =	vld [tilespmem:s12+$0xFFFFFE80]  }
0x1b5: {  	v9 =	vshrl.u32 v17, $0x10;
	v17 =	vand.u32 $0xFFFF, v17;
	v25 =	vld.idx.msk [tilespmem:v10+s2+$0x0], $0xffff  }
0x1b6: {  	v26 =	vld.idx.msk [tilespmem:v11+s2+$0x0], $0xffff  }
0x1b7: {  	v21 =	vshrl.u32 v21, $0x10;
	v27 =	vld.idx.msk [tilespmem:v12+s2+$0x0], $0xffff  }
0x1b8: {  	v28 =	vld.idx.msk [tilespmem:v13+s2+$0x0], $0xffff  }
0x1b9: {  	v29 =	vld.idx.msk [tilespmem:v14+s2+$0x0], $0xffff;
	v23 =	vadd.f32 v23, v24  }
0x1ba: {  	v24 =	vld.idx.msk [tilespmem:v17+s2+$0x0], $0xffff  }
0x1bb: {  	v30 =	vld.idx.msk [tilespmem:v15+s2+$0x0], $0xffff;
	v23 =	vmax.f32 v23, $0.0e+00  }
0x1bc: {  	[tilespmem:v21+s30+$0x0] =	vst.idx.add.f32.msk $0xffff, v23  }
0x1bd: {  	v23 =	vld.idx.msk [tilespmem:v22+s21+$0x0], $0xffff  }
0x1be: {  	v31 =	vld [tilespmem:s12+$0xFFFFFF00]  }
0x1bf: {  	v32 =	vld [tilespmem:s12+$0xFFFFFE10]  }
0x1c0: {  	v33 =	vld [tilespmem:s12+$0xFFFFFE20]  }
0x1c1: {  	v34 =	vld [tilespmem:s12+$0xFFFFFE30]  }
0x1c2: {  	v35 =	vld [tilespmem:s12+$0xFFFFFE40]  }
0x1c3: {  	v36 =	vld [tilespmem:s12+$0xFFFFFE50];
	v23 =	vadd.f32 v23, v31  }
0x1c4: {  	v24 =	vadd.f32 v24, v32;
	v31 =	vld [tilespmem:s12+$0xFFFFFE60]  }
0x1c5: {  	v25 =	vadd.f32 v25, v33;
	v32 =	vld [tilespmem:s12+$0xFFFFFE70];
	v23 =	vmax.f32 v23, $0.0e+00  }
0x1c6: {  	v24 =	vmax.f32 v24, $0.0e+00;
	v26 =	vadd.f32 v26, v34;
	[tilespmem:v21+s31+$0x0] =	vst.idx.add.f32.msk $0xffff, v23  }
0x1c7: {  	v23 =	vmax.f32 v25, $0.0e+00;
	v25 =	vadd.f32 v27, v35;
	v27 =	vld.idx.msk [tilespmem:v22+s22+$0x0], $0xffff  }
0x1c8: {  	v26 =	vmax.f32 v26, $0.0e+00;
	v28 =	vadd.f32 v28, v36;
	v33 =	vld [tilespmem:s12+$0xFFFFFF80]  }
0x1c9: {  	[tilespmem:v9+s30+$0x0] =	vst.idx.add.f32.msk $0xffff, v24;
	v24 =	vmax.f32 v25, $0.0e+00;
	v25 =	vadd.f32 v29, v31  }
0x1ca: {  	[tilespmem:v6+s30+$0x0] =	vst.idx.add.f32.msk $0xffff, v23;
	v23 =	vmax.f32 v28, $0.0e+00;
	v28 =	vadd.f32 v30, v32  }
0x1cb: {  	[tilespmem:v2+s30+$0x0] =	vst.idx.add.f32.msk $0xffff, v26;
	v25 =	vmax.f32 v25, $0.0e+00  }
0x1cc: {  	[tilespmem:v1+s30+$0x0] =	vst.idx.add.f32.msk $0xffff, v24;
	v24 =	vmax.f32 v28, $0.0e+00  }
0x1cd: {  	[tilespmem:v20+s30+$0x0] =	vst.idx.add.f32.msk $0xffff, v23;
	v23 =	vadd.f32 v27, v33  }
0x1ce: {  	[tilespmem:v18+s30+$0x0] =	vst.idx.add.f32.msk $0xffff, v25  }
0x1cf: {  	[tilespmem:v8+s30+$0x0] =	vst.idx.add.f32.msk $0xffff, v24;
	v23 =	vmax.f32 v23, $0.0e+00  }
0x1d0: {  	[tilespmem:v21+s0+$0x0] =	vst.idx.add.f32.msk $0xffff, v23  }
0x1d1: {  	v22 =	vld.idx.msk [tilespmem:v22+s23+$0x0], $0xffff  }
0x1d2: {  	v23 =	vld [tilespmem:s12+$0x0]  }
0x1d3: {  	v24 =	vld.idx.msk [tilespmem:v17+s21+$0x0], $0xffff  }
0x1d4: {  	v25 =	vld.idx.msk [tilespmem:v10+s21+$0x0], $0xffff  }
0x1d5: {  	v26 =	vld.idx.msk [tilespmem:v11+s21+$0x0], $0xffff  }
0x1d6: {  	v27 =	vld.idx.msk [tilespmem:v12+s21+$0x0], $0xffff  }
0x1d7: {  	v28 =	vld.idx.msk [tilespmem:v13+s21+$0x0], $0xffff;
	v22 =	vadd.f32 v22, v23  }
0x1d8: {  	v23 =	vld.idx.msk [tilespmem:v14+s21+$0x0], $0xffff  }
0x1d9: {  	v29 =	vld.idx.msk [tilespmem:v15+s21+$0x0], $0xffff;
	v22 =	vmax.f32 v22, $0.0e+00  }
0x1da: {  	[tilespmem:v21+s1+$0x0] =	vst.idx.add.f32.msk $0xffff, v22  }
0x1db: {  	v21 =	vld [tilespmem:s12+$0xFFFFFE90]  }
0x1dc: {  	v22 =	vld [tilespmem:s12+$0xFFFFFEA0]  }
0x1dd: {  	v30 =	vld [tilespmem:s12+$0xFFFFFEB0]  }
0x1de: {  	v31 =	vld [tilespmem:s12+$0xFFFFFEC0]  }
0x1df: {  	v32 =	vld [tilespmem:s12+$0xFFFFFED0]  }
0x1e0: {  	v21 =	vadd.f32 v24, v21;
	v24 =	vld [tilespmem:s12+$0xFFFFFEE0]  }
0x1e1: {  	v22 =	vadd.f32 v25, v22;
	v25 =	vld [tilespmem:s12+$0xFFFFFEF0]  }
0x1e2: {  	v21 =	vmax.f32 v21, $0.0e+00;
	v26 =	vadd.f32 v26, v30;
	[tilespmem:v3+s1+$0x0] =	vst.idx.add.f32.msk $0xffff, v19;
	v3 =	vmov v20  }
0x1e3: {  	[tilespmem:v9+s31+$0x0] =	vst.idx.add.f32.msk $0xffff, v21;
	v19 =	vmax.f32 v22, $0.0e+00;
	v20 =	vadd.f32 v27, v31  }
0x1e4: {  	[tilespmem:v6+s31+$0x0] =	vst.idx.add.f32.msk $0xffff, v19;
	v19 =	vmax.f32 v26, $0.0e+00;
	v21 =	vadd.f32 v28, v32  }
0x1e5: {  	[tilespmem:v2+s31+$0x0] =	vst.idx.add.f32.msk $0xffff, v19;
	v19 =	vmax.f32 v20, $0.0e+00;
	v20 =	vadd.f32 v23, v24  }
0x1e6: {  	[tilespmem:v1+s31+$0x0] =	vst.idx.add.f32.msk $0xffff, v19;
	v19 =	vmax.f32 v21, $0.0e+00;
	v21 =	vadd.f32 v29, v25  }
0x1e7: {  	[tilespmem:v3+s31+$0x0] =	vst.idx.add.f32.msk $0xffff, v19;
	v19 =	vmax.f32 v20, $0.0e+00  }
0x1e8: {  	[tilespmem:v18+s31+$0x0] =	vst.idx.add.f32.msk $0xffff, v19;
	v19 =	vmax.f32 v21, $0.0e+00  }
0x1e9: {  	[tilespmem:v8+s31+$0x0] =	vst.idx.add.f32.msk $0xffff, v19  }
0x1ea: {  	v19 =	vld.idx.msk [tilespmem:v17+s22+$0x0], $0xffff  }
0x1eb: {  	v20 =	vld.idx.msk [tilespmem:v10+s22+$0x0], $0xffff  }
0x1ec: {  	v21 =	vld.idx.msk [tilespmem:v11+s22+$0x0], $0xffff  }
0x1ed: {  	v22 =	vld.idx.msk [tilespmem:v12+s22+$0x0], $0xffff  }
0x1ee: {  	v23 =	vld.idx.msk [tilespmem:v13+s22+$0x0], $0xffff  }
0x1ef: {  	v24 =	vld.idx.msk [tilespmem:v14+s22+$0x0], $0xffff  }
0x1f0: {  	v25 =	vld.idx.msk [tilespmem:v15+s22+$0x0], $0xffff  }
0x1f1: {  	v26 =	vld [tilespmem:s12+$0xFFFFFF10]  }
0x1f2: {  	v27 =	vld [tilespmem:s12+$0xFFFFFF20]  }
0x1f3: {  	v28 =	vld [tilespmem:s12+$0xFFFFFF30]  }
0x1f4: {  	v29 =	vld [tilespmem:s12+$0xFFFFFF40]  }
0x1f5: {  	v30 =	vld [tilespmem:s12+$0xFFFFFF50]  }
0x1f6: {  	v19 =	vadd.f32 v19, v26;
	v26 =	vld [tilespmem:s12+$0xFFFFFF60]  }
0x1f7: {  	v20 =	vadd.f32 v20, v27;
	v27 =	vld [tilespmem:s12+$0xFFFFFF70]  }
0x1f8: {  	v19 =	vmax.f32 v19, $0.0e+00;
	v21 =	vadd.f32 v21, v28;
	[tilespmem:v4+s1+$0x0] =	vst.idx.add.f32.msk $0xffff, v16;
	v4 =	vmov v18  }
0x1f9: {  	[tilespmem:v9+s0+$0x0] =	vst.idx.add.f32.msk $0xffff, v19;
	v16 =	vmax.f32 v20, $0.0e+00;
	v18 =	vadd.f32 v22, v29  }
0x1fa: {  	[tilespmem:v6+s0+$0x0] =	vst.idx.add.f32.msk $0xffff, v16;
	v16 =	vmax.f32 v21, $0.0e+00;
	v19 =	vadd.f32 v23, v30  }
0x1fb: {  	[tilespmem:v2+s0+$0x0] =	vst.idx.add.f32.msk $0xffff, v16;
	v16 =	vmax.f32 v18, $0.0e+00;
	v18 =	vadd.f32 v24, v26  }
0x1fc: {  	[tilespmem:v1+s0+$0x0] =	vst.idx.add.f32.msk $0xffff, v16;
	v16 =	vmax.f32 v19, $0.0e+00;
	v19 =	vadd.f32 v25, v27  }
0x1fd: {  	[tilespmem:v3+s0+$0x0] =	vst.idx.add.f32.msk $0xffff, v16;
	v16 =	vmax.f32 v18, $0.0e+00  }
0x1fe: {  	[tilespmem:v4+s0+$0x0] =	vst.idx.add.f32.msk $0xffff, v16;
	v16 =	vmax.f32 v19, $0.0e+00  }
0x1ff: {  	[tilespmem:v8+s0+$0x0] =	vst.idx.add.f32.msk $0xffff, v16  }
0x200: {  	v16 =	vld.idx.msk [tilespmem:v17+s23+$0x0], $0xffff  }
0x201: {  	v17 =	vld.idx.msk [tilespmem:v10+s23+$0x0], $0xffff  }
0x202: {  	v18 =	vld.idx.msk [tilespmem:v11+s23+$0x0], $0xffff  }
0x203: {  	v19 =	vld.idx.msk [tilespmem:v12+s23+$0x0], $0xffff  }
0x204: {  	v13 =	vld.idx.msk [tilespmem:v13+s23+$0x0], $0xffff  }
0x205: {  	v10 =	vld.idx.msk [tilespmem:v14+s23+$0x0], $0xffff  }
0x206: {  	v11 =	vld.idx.msk [tilespmem:v15+s23+$0x0], $0xffff  }
0x207: {  	v12 =	vld [tilespmem:s12+$0xFFFFFF90]  }
0x208: {  	v14 =	vld [tilespmem:s12+$0xFFFFFFA0]  }
0x209: {  	v20 =	vld [tilespmem:s12+$0xFFFFFFB0]  }
0x20a: {  	v21 =	vld [tilespmem:s12+$0xFFFFFFC0]  }
0x20b: {  	v22 =	vld [tilespmem:s12+$0xFFFFFFD0]  }
.Ltmp8:
0x20c: {  	v16 =	vadd.f32 v16, v12;
	v15 =	vld [tilespmem:s12+$0xFFFFFFE0];
	(pc) =	sbr.rel @p1 .LBB2_15-.Ltmp8, $4  }
0x20d: {  	v14 =	vadd.f32 v17, v14;
	v12 =	vld [tilespmem:s12+$0xFFFFFFF0]  }
0x20e: {  	v16 =	vmax.f32 v16, $0.0e+00;
	v17 =	vadd.f32 v18, v20;
	[tilespmem:v5+s1+$0x0] =	vst.idx.add.f32.msk $0xffff, v7;
	v5 =	vmov v8  }
0x20f: {  	[tilespmem:v9+s1+$0x0] =	vst.idx.add.f32.msk $0xffff, v16;
	v8 =	vmax.f32 v14, $0.0e+00;
	v7 =	vadd.f32 v19, v21  }
0x210: {  	s14 =	sadd.s32 $0x100, s14;
	[tilespmem:v6+s1+$0x0] =	vst.idx.add.f32.msk $0xffff, v8;
	v8 =	vmax.f32 v17, $0.0e+00;
	v6 =	vadd.f32 v13, v22  }
0x211: {  	_ =	sdelay $0x3  }
.Ltmp9:
0x212: {  	v7 =	vmax.f32 v7, $0.0e+00;
	v9 =	vadd.f32 v10, v15;
	[tilespmem:v2+s1+$0x0] =	vst.idx.add.f32.msk $0xffff, v8;
	(pc) =	sbr.rel @p0 .LBB2_20-.Ltmp9, $4  }
0x213: {  	v2 =	vmax.f32 v6, $0.0e+00;
	v63 =	vadd.f32 v11, v12;
	[tilespmem:v1+s1+$0x0] =	vst.idx.add.f32.msk $0xffff, v7  }
0x214: {  	v1 =	vmax.f32 v9, $0.0e+00;
	[tilespmem:v3+s1+$0x0] =	vst.idx.add.f32.msk $0xffff, v2  }
0x215: {  	v2 =	vmax.f32 v63, $0.0e+00;
	[tilespmem:v4+s1+$0x0] =	vst.idx.add.f32.msk $0xffff, v1  }
0x216: {  	[tilespmem:v5+s1+$0x0] =	vst.idx.add.f32.msk $0xffff, v2  }
0x217: {  	s10 =	sadd.s32 $0x3, s10  }
0x218: {  	s12 =	smul.u32 $0x190, s10;
	_ =	sdelay $0x1  }
0x219: {  	s13 =	simm.s32 $0x13C80;
	s12 =	sadd.s32 s4, s12  }
0x21a: {  	s14 =	simm.s32 $0x10;
	s15 =	simm.s32 $0x13D80;
	s16 =	sadd.s32 $0x0, s12  }
.LBB2_18:
0x21b: {  	[tilespmem:s13], [sflag:$0x2] =	stream.linear.gather [hbm4b:s16+s2], $0x80, $0x38;
	[tilespmem:$0x1B900] =	vst v63  }
0x21c: {  	s16 =	smov.u32 s14;
	s13 =	smov.u32 s15;
	p0 =	sne.s32 s14, $0x180  }
.Ltmp10:
0x21d: {  	s14 =	sadd.s32 $0x10, s14;
	(pc) =	sbr.rel @p0 .LBB2_18-.Ltmp10, $2  }
0x21e: {  	_ =	sdelay $0x2  }
0x21f: {  	s15 =	sadd.s32 $0x100, s15;
	s16 =	sadd.s32 s16, s12  }
0x220: {  	s10 =	smul.u32 $0x6400, s10  }
0x221: {  	[tilespmem:s13], [sflag:$0x2] =	stream.linear.gather [hbm4b:s16+s2], $0x80, $0x38;
	[tilespmem:$0x1B900] =	vst v63  }
.Ltmp11:
0x222: {  	_ = 	snop;
	(pc) =	sbr.rel .LBB2_8-.Ltmp11, $4  }
0x223: {  	s10 =	sadd.s32 s8, s10  }
0x224: {  	s10 =	sshrl.u32 s10, $0x3  }
0x225: {  	s9 =	sadd.s32 $0x1, s9;
	s10 =	sadd.s32 s3, s10  }
0x226: {  	[tilespmem:s26], [sflag:$0x4] =	stream.strided.gather [hbm4b:s10+s24], $0x3200, s19, s24, $0x38;
	[tilespmem:$0x1B900] =	vst v63  }
.LBB2_21:
0x227: {  	_ =	sfence.sel $0x180000  }
0x228: {  	[bflag:$0x0] =	sbarrier.arrive $0xFFFF  }
0x229: {  	_ =	strace $0x9000004D  }
0x22a: {  	s0 =	stileid.u32;
	[bflag:$0x2] =	sbarrier.arrive $0xFFFF  }
0x22b: {  	p0 =	sne.s32 s0, $0x0;
	s0 =	rddreg [dreg:$0x1]  }
0x22c: {  	s0 =	sadd.s32 @!p0 $0x100000, s0  }
0x22d: {  	[sflag:s0] =	ssyncadd.tile.s32 @!p0 $0x1;
	_ =	shalt  }
.Lfunc_end2:
_tile_overlayer_lowered:
.L_overlay_start_2:
0x22e: {  	(tag) =	ssettag $0x2  }
0x22f: {  	s0 =	rddreg [dreg:$0x0];
	s2 =	stileid.u32  }
0x230: {  	s1 =	rddreg [dreg:$0x1];
	p0 =	sne.s32 s2, $0x0  }
0x231: {  	s3 =	rddreg [dreg:$0x2];
	[bflag:$0x3] =	sbarrier.arrive $0xFFFF;
	s2 =	simm.s32 @!p0 $0x1C05  }
0x232: {  	[timem:s3], [sflag:s2] =	dma.local @!p0 [hbm:s0], s1  }
0x233: {  	s0 =	simm.s32 @!p0 $0x5  }
0x234: {  	_ =	swait.ge @!p0 [sflag:s0], s1  }
0x235: {  	s1 =	ssub.s32 @!p0 $0x0, s1;
	[sflag:s0] =	ssyncset.done @!p0 $0x0  }
0x236: {  	[sflag:s0] =	ssyncadd.s32 @!p0 s1  }
0x237: {  	[bflag:$0x3] =	sbarrier.arrive $0xFFFF  }
0x238: {  	_ =	shalt  }

</sc_bundles>
